<compile_context>
chip_gen: v7x
topology: tpu7x:2x2x1
jax: 0.10.2.dev20260603
libtpu: 0.0.44.dev20260713+nightly
codegen_flags: <defaults>
</compile_context>

<pallas_src>
import functools

import jax
import jax.numpy as jnp
from jax import lax
from jax.experimental import pallas as pl
from jax.experimental.pallas import tpu as pltpu
from jax.experimental.pallas import tpu_sc as plsc

B = 16
L = 512
D = 384
T = 2048
NW = 32
B_SC = 2
FRAMES_PER_W = (B_SC * T) // NW
CHUNK = 64
NCH = FRAMES_PER_W // CHUNK
NBUF = 2
VL = 16


def _lr_body(xflat, dur, zrows, out, dur_v, counts_v, idx2d, buf0, buf1, zbuf,
             gsem0, gsem1, psem0, psem1):
    cid = lax.axis_index("c")
    sid = lax.axis_index("s")
    wid = sid * 2 + cid
    b = wid % B_SC
    seg = wid // B_SC

    dcp = pltpu.make_async_copy(dur.at[b], dur_v, gsem0)
    dcp.start()

    zeros16 = jnp.zeros((VL,), jnp.int32)
    for k in range(T // VL):
        counts_v[pl.ds(k * VL, VL)] = zeros16
    dcp.wait()

    ones16 = jnp.ones((VL,), jnp.int32)
    carry = jnp.int32(0)
    for k in range(L // VL):
        dch = dur_v[pl.ds(k * VL, VL)]
        r = jnp.maximum(dch, 1)
        cs = jnp.cumsum(r) + carry
        plsc.store_scatter(counts_v, [cs], ones16, mask=cs < T)
        carry = carry + jnp.sum(r)
    total = carry

    row0 = seg * NCH
    frame0 = seg * FRAMES_PER_W
    obase = b * T + frame0
    pl.when(total - (frame0 + (NCH - 1) * CHUNK) <= 0)(
        lambda: pltpu.sync_copy(zrows, zbuf))
    bufs = (buf0, buf1)
    gsems = (gsem0, gsem1)
    psems = (psem0, psem1)

    def gcopy(ci, p):
        return pltpu.make_async_copy(xflat.at[idx2d.at[row0 + ci]], bufs[p], gsems[p])

    def pvalid(ci, p):
        return pltpu.make_async_copy(
            bufs[p], out.at[pl.ds(obase + ci * CHUNK, CHUNK)], psems[p])

    def pzero(ci, p):
        return pltpu.make_async_copy(
            zbuf, out.at[pl.ds(obase + ci * CHUNK, CHUNK)], psems[p])

    def start_chunk(ci, p):
        v = total - (frame0 + ci * CHUNK)
        pl.when(v > 0)(lambda: gcopy(ci, p).start())

    def finish_chunk(ci, p):
        v = total - (frame0 + ci * CHUNK)

        def valid_case():
            gcopy(ci, p).wait()

            def zero_tail():
                def zero_row(rr, _):
                    for j in range(D // VL):
                        bufs[p][rr, pl.ds(j * VL, VL)] = jnp.zeros((VL,), jnp.float32)
                    return 0
                lax.fori_loop(v, CHUNK, zero_row, 0)
            pl.when(v < CHUNK)(zero_tail)
            pvalid(ci, p).start()

        def masked_case():
            pzero(ci, p).start()

        pl.when(v > 0)(valid_case)
        pl.when(v <= 0)(masked_case)

    base = b * L
    rpc = CHUNK // VL
    acc = jnp.int32(0)
    for k in range(T // VL):
        c = counts_v[pl.ds(k * VL, VL)]
        s = jnp.minimum(jnp.cumsum(c) + (acc + base), base + L - 1)
        idx2d[k // rpc, pl.ds((k % rpc) * VL, VL)] = s
        acc = acc + jnp.sum(c)

    for ci in range(NCH):
        p = ci % NBUF
        if ci >= NBUF:
            pvalid(ci - NBUF, p).wait()
        start_chunk(ci, p)
        if ci > 0:
            finish_chunk(ci - 1, (ci - 1) % NBUF)
    finish_chunk(NCH - 1, (NCH - 1) % NBUF)
    for ci in range(max(NCH - NBUF, 0), NCH):
        pvalid(ci, ci % NBUF).wait()


_lr_call = functools.partial(
    pl.kernel,
    out_type=jax.ShapeDtypeStruct((B_SC * T, D), jnp.float32),
    mesh=plsc.VectorSubcoreMesh(core_axis_name="c", subcore_axis_name="s"),
    compiler_params=pltpu.CompilerParams(needs_layout_passes=False),
    scratch_types=[
        pltpu.VMEM((L,), jnp.int32),
        pltpu.VMEM((T,), jnp.int32),
        pltpu.VMEM((T // CHUNK, CHUNK), jnp.int32),
        pltpu.VMEM((CHUNK, D), jnp.float32),
        pltpu.VMEM((CHUNK, D), jnp.float32),
        pltpu.VMEM((CHUNK, D), jnp.float32),
        pltpu.SemaphoreType.DMA,
        pltpu.SemaphoreType.DMA,
        pltpu.SemaphoreType.DMA,
        pltpu.SemaphoreType.DMA,
    ],
)(_lr_body)


TB = 512


def _tc_body(dur_ref, x_ref, out_ref):
    d = dur_ref[0]
    r = jnp.maximum(d, 1).astype(jnp.float32)
    ii = lax.broadcasted_iota(jnp.int32, (L, L), 0)
    jj = lax.broadcasted_iota(jnp.int32, (L, L), 1)
    ut = (ii <= jj).astype(jnp.float32)
    cs = jnp.dot(r, ut, preferred_element_type=jnp.float32)
    csp = cs - r
    x = x_ref[0].astype(jnp.bfloat16)
    for tb in range(T // TB):
        tt = (lax.broadcasted_iota(jnp.int32, (TB, 1), 0) + tb * TB).astype(jnp.float32)
        oh = ((tt < cs).astype(jnp.bfloat16) - (tt < csp).astype(jnp.bfloat16))
        out_ref[0, tb * TB:(tb + 1) * TB, :] = jnp.dot(
            oh, x, preferred_element_type=jnp.float32)


def _tc_call_full(x, dur):
    dur3 = dur.reshape(B, 1, L)
    return pl.pallas_call(
        _tc_body,
        grid=(B - B_SC,),
        in_specs=[
            pl.BlockSpec((1, 1, L), lambda b: (b + B_SC, 0, 0)),
            pl.BlockSpec((1, L, D), lambda b: (b + B_SC, 0, 0)),
        ],
        out_specs=pl.BlockSpec((1, T, D), lambda b: (b + B_SC, 0, 0)),
        out_shape=jax.ShapeDtypeStruct((B, T, D), jnp.float32),
    )(dur3, x)


def kernel(x, durations, target_len):
    dur = durations.astype(jnp.int32)
    xflat = x.reshape(B * L, D)
    zrows = jnp.zeros((CHUNK, D), jnp.float32)
    tc_full = _tc_call_full(x, dur)
    sc_out = _lr_call(xflat, dur, zrows)
    return tc_full.at[:B_SC].set(sc_out.reshape(B_SC, T, D))

# --- scband reference (transcript-rebuilt; emitter-appended) ---
"""Pipeline reference for scband-length-regulator-41111426957351 (READ-ONLY COPY).

The authoritative reference and input builder live on the scoring server;
editing this copy changes nothing except your own understanding.
"""

import jax, jax.numpy as jnp
import numpy as np


def setup_inputs(seed: int = 0) -> dict:
    key = jax.random.key(seed)
    k1, k2 = jax.random.split(key)
    x = jax.random.normal(k1, (16, 512, 384), dtype=jnp.float32)
    durations = jax.random.randint(k2, (16, 512), 0, 8)
    target_len = 2048
    return {"x": x, "durations": durations, "target_len": target_len}


def reference(x, durations, target_len):
    # repeat_count = max(1, durations) as in the torch loop
    r = jnp.maximum(durations.astype(jnp.int32), 1)  # [B, L]
    cs = jnp.cumsum(r, axis=1)                        # [B, L] exclusive upper bounds
    t = jnp.arange(2048) + jnp.asarray(target_len) * 0  # [T]
    # frame t belongs to phoneme i where cs[i-1] <= t < cs[i]
    idx = jax.vmap(lambda c: jnp.searchsorted(c, t, side='right'))(cs)  # [B, T]
    total = cs[:, -1:]                                 # [B, 1]
    mask = (t[None, :] < total)                        # [B, T]; frames beyond total are zero-padded
    idx_c = jnp.clip(idx, 0, x.shape[1] - 1)
    out = jnp.take_along_axis(x, idx_c[:, :, None], axis=1)  # gather [B, T, D]
    out = out * mask[:, :, None].astype(x.dtype)
    return out

if __name__ == "__main__":
    import jax
    _d = setup_inputs()
    print(jax.jit(kernel)(*tuple(_d.values())))

</pallas_src>

<mosaic_0001>
#map = affine_map<(d0, d1) -> (0, 0)>
module attributes {stable_mosaic.version = 14 : i64} {
  func.func @_lr_body(%arg0: i32, %arg1: i32, %arg2: memref<8192x384xf32, #tpu.memory_space<hbm>>, %arg3: memref<16x512xi32, #tpu.memory_space<hbm>>, %arg4: memref<64x384xf32, #tpu.memory_space<hbm>>, %arg5: memref<4096x384xf32, #tpu.memory_space<hbm>>, %arg6: memref<512xi32, #tpu.memory_space<vmem>>, %arg7: memref<2048xi32, #tpu.memory_space<vmem>>, %arg8: memref<32x64xi32, #tpu.memory_space<vmem>>, %arg9: memref<64x384xf32, #tpu.memory_space<vmem>>, %arg10: memref<64x384xf32, #tpu.memory_space<vmem>>, %arg11: memref<64x384xf32, #tpu.memory_space<vmem>>, %arg12: memref<!tpu.dma_semaphore, #tpu.memory_space<semaphore_mem>>, %arg13: memref<!tpu.dma_semaphore, #tpu.memory_space<semaphore_mem>>, %arg14: memref<!tpu.dma_semaphore, #tpu.memory_space<semaphore_mem>>, %arg15: memref<!tpu.dma_semaphore, #tpu.memory_space<semaphore_mem>>) attributes {dimension_semantics = [#tpu.dimension_semantics<core_parallel>, #tpu.dimension_semantics<subcore_parallel>], iteration_bounds = array<i64: 2, 16>, scalar_prefetch = 0 : i64, scratch_operands = 10 : i64, tpu.core_type = #tpu.core_type<sc_vector_subcore>, window_params = [{transform_indices = #map}, {transform_indices = #map}, {transform_indices = #map}, {transform_indices = #map}]} {
    %mul3A = arith.constant 2 : i32
    %mul3A_0 = arith.muli %arg1, %mul3A : i32
    %add3A = arith.addi %mul3A_0, %arg0 : i32
    %jit3A = arith.constant 2 : i32
    %eq3A = arith.constant 0 : i32
    %eq3A_1 = arith.cmpi eq, %jit3A, %eq3A : i32
    %jit3A_2 = arith.constant 1 : i32
    %select_n3A = arith.select %eq3A_1, %jit3A_2, %jit3A : i32
    %rem3A = arith.remsi %add3A, %select_n3A : i32
    %ne3A = arith.constant 0 : i32
    %ne3A_3 = arith.cmpi ne, %rem3A, %ne3A : i32
    %lt3A = arith.constant 0 : i32
    %lt3A_4 = arith.cmpi slt, %rem3A, %lt3A : i32
    %lt3A_5 = arith.constant 0 : i32
    %lt3A_6 = arith.cmpi slt, %select_n3A, %lt3A_5 : i32
    %ne3A_7 = arith.xori %lt3A_4, %lt3A_6 : i1
    %and3A = arith.andi %ne3A_7, %ne3A_3 : i1
    %add3A_8 = arith.addi %rem3A, %select_n3A : i32
    %select_n3A_9 = arith.select %and3A, %add3A_8, %rem3A : i32
    %jit3A_10 = arith.constant 2 : i32
    %div3A = arith.divsi %add3A, %jit3A_10 : i32
    %sign3A = arith.constant 0 : i32
    %sign3A_11 = arith.cmpi sgt, %add3A, %sign3A : i32
    %sign3A_12 = arith.extui %sign3A_11 : i1 to i32
    %sign3A_13 = arith.constant 0 : i32
    %sign3A_14 = arith.cmpi slt, %add3A, %sign3A_13 : i32
    %sign3A_15 = arith.extui %sign3A_14 : i1 to i32
    %sign3A_16 = arith.subi %sign3A_12, %sign3A_15 : i32
    %sign3A_17 = arith.constant 0 : i32
    %sign3A_18 = arith.cmpi sgt, %jit3A_10, %sign3A_17 : i32
    %sign3A_19 = arith.extui %sign3A_18 : i1 to i32
    %sign3A_20 = arith.constant 0 : i32
    %sign3A_21 = arith.cmpi slt, %jit3A_10, %sign3A_20 : i32
    %sign3A_22 = arith.extui %sign3A_21 : i1 to i32
    %sign3A_23 = arith.subi %sign3A_19, %sign3A_22 : i32
    %ne3A_24 = arith.cmpi ne, %sign3A_16, %sign3A_23 : i32
    %rem3A_25 = arith.remsi %add3A, %jit3A_10 : i32
    %ne3A_26 = arith.constant 0 : i32
    %ne3A_27 = arith.cmpi ne, %rem3A_25, %ne3A_26 : i32
    %and3A_28 = arith.andi %ne3A_24, %ne3A_27 : i1
    %sub3A = arith.constant 1 : i32
    %sub3A_29 = arith.subi %div3A, %sub3A : i32
    %select_n3A_30 = arith.select %and3A_28, %sub3A_29, %div3A : i32
    %dma_start3A = arith.constant 0 : i32
    %dma_start3A_31 = tpu.memref_slice %arg3[%select_n3A_9, %dma_start3A] : memref<16x512xi32, #tpu.memory_space<hbm>> -> memref<1x512xi32, #tpu.memory_space<hbm>>
    %dma_start3A_32 = tpu.memref_squeeze %dma_start3A_31 : memref<1x512xi32, #tpu.memory_space<hbm>> -> memref<512xi32, #tpu.memory_space<hbm>>
    %dma_start3A_33 = arith.constant 0 : i32
    %dma_start3A_34 = tpu.memref_slice %arg3[%select_n3A_9, %dma_start3A_33] : memref<16x512xi32, #tpu.memory_space<hbm>> -> memref<1x512xi32, #tpu.memory_space<hbm>>
    %dma_start3A_35 = tpu.memref_squeeze %dma_start3A_34 : memref<1x512xi32, #tpu.memory_space<hbm>> -> memref<512xi32, #tpu.memory_space<hbm>>
    tpu.enqueue_dma source(%dma_start3A_35 : memref<512xi32, #tpu.memory_space<hbm>>) target(%arg6 : memref<512xi32, #tpu.memory_space<vmem>>) target_semaphore(%arg12 : memref<!tpu.dma_semaphore, #tpu.memory_space<semaphore_mem>>)
    %broadcast_in_dim3A = arith.constant 0 : i32
    %broadcast_in_dim3A_36 = vector.broadcast %broadcast_in_dim3A : i32 to vector<16xi32>
    %swap3A = arith.constant 0 : index
    %swap3A_37 = tpu.vector_load %arg7[%swap3A] {strides = array<i32>} : memref<2048xi32, #tpu.memory_space<vmem>>, vector<16xi32>,
    tpu.vector_store %arg7[%swap3A], %broadcast_in_dim3A_36 {strides = array<i32>} : memref<2048xi32, #tpu.memory_space<vmem>>, vector<16xi32>,
    %swap3A_38 = arith.constant 16 : index
    %swap3A_39 = tpu.vector_load %arg7[%swap3A_38] {strides = array<i32>} : memref<2048xi32, #tpu.memory_space<vmem>>, vector<16xi32>,
    tpu.vector_store %arg7[%swap3A_38], %broadcast_in_dim3A_36 {strides = array<i32>} : memref<2048xi32, #tpu.memory_space<vmem>>, vector<16xi32>,
    %swap3A_40 = arith.constant 32 : index
    %swap3A_41 = tpu.vector_load %arg7[%swap3A_40] {strides = array<i32>} : memref<2048xi32, #tpu.memory_space<vmem>>, vector<16xi32>,
    tpu.vector_store %arg7[%swap3A_40], %broadcast_in_dim3A_36 {strides = array<i32>} : memref<2048xi32, #tpu.memory_space<vmem>>, vector<16xi32>,
    %swap3A_42 = arith.constant 48 : index
    %swap3A_43 = tpu.vector_load %arg7[%swap3A_42] {strides = array<i32>} : memref<2048xi32, #tpu.memory_space<vmem>>, vector<16xi32>,
    tpu.vector_store %arg7[%swap3A_42], %broadcast_in_dim3A_36 {strides = array<i32>} : memref<2048xi32, #tpu.memory_space<vmem>>, vector<16xi32>,
    %swap3A_44 = arith.constant 64 : index
    %swap3A_45 = tpu.vector_load %arg7[%swap3A_44] {strides = array<i32>} : memref<2048xi32, #tpu.memory_space<vmem>>, vector<16xi32>,
    tpu.vector_store %arg7[%swap3A_44], %broadcast_in_dim3A_36 {strides = array<i32>} : memref<2048xi32, #tpu.memory_space<vmem>>, vector<16xi32>,
    %swap3A_46 = arith.constant 80 : index
    %swap3A_47 = tpu.vector_load %arg7[%swap3A_46] {strides = array<i32>} : memref<2048xi32, #tpu.memory_space<vmem>>, vector<16xi32>,
    tpu.vector_store %arg7[%swap3A_46], %broadcast_in_dim3A_36 {strides = array<i32>} : memref<2048xi32, #tpu.memory_space<vmem>>, vector<16xi32>,
    %swap3A_48 = arith.constant 96 : index
    %swap3A_49 = tpu.vector_load %arg7[%swap3A_48] {strides = array<i32>} : memref<2048xi32, #tpu.memory_space<vmem>>, vector<16xi32>,
    tpu.vector_store %arg7[%swap3A_48], %broadcast_in_dim3A_36 {strides = array<i32>} : memref<2048xi32, #tpu.memory_space<vmem>>, vector<16xi32>,
    %swap3A_50 = arith.constant 112 : index
    %swap3A_51 = tpu.vector_load %arg7[%swap3A_50] {strides = array<i32>} : memref<2048xi32, #tpu.memory_space<vmem>>, vector<16xi32>,
    tpu.vector_store %arg7[%swap3A_50], %broadcast_in_dim3A_36 {strides = array<i32>} : memref<2048xi32, #tpu.memory_space<vmem>>, vector<16xi32>,
    %swap3A_52 = arith.constant 128 : index
    %swap3A_53 = tpu.vector_load %arg7[%swap3A_52] {strides = array<i32>} : memref<2048xi32, #tpu.memory_space<vmem>>, vector<16xi32>,
    tpu.vector_store %arg7[%swap3A_52], %broadcast_in_dim3A_36 {strides = array<i32>} : memref<2048xi32, #tpu.memory_space<vmem>>, vector<16xi32>,
    %swap3A_54 = arith.constant 144 : index
    %swap3A_55 = tpu.vector_load %arg7[%swap3A_54] {strides = array<i32>} : memref<2048xi32, #tpu.memory_space<vmem>>, vector<16xi32>,
    tpu.vector_store %arg7[%swap3A_54], %broadcast_in_dim3A_36 {strides = array<i32>} : memref<2048xi32, #tpu.memory_space<vmem>>, vector<16xi32>,
    %swap3A_56 = arith.constant 160 : index
    %swap3A_57 = tpu.vector_load %arg7[%swap3A_56] {strides = array<i32>} : memref<2048xi32, #tpu.memory_space<vmem>>, vector<16xi32>,
    tpu.vector_store %arg7[%swap3A_56], %broadcast_in_dim3A_36 {strides = array<i32>} : memref<2048xi32, #tpu.memory_space<vmem>>, vector<16xi32>,
    %swap3A_58 = arith.constant 176 : index
    %swap3A_59 = tpu.vector_load %arg7[%swap3A_58] {strides = array<i32>} : memref<2048xi32, #tpu.memory_space<vmem>>, vector<16xi32>,
    tpu.vector_store %arg7[%swap3A_58], %broadcast_in_dim3A_36 {strides = array<i32>} : memref<2048xi32, #tpu.memory_space<vmem>>, vector<16xi32>,
    %swap3A_60 = arith.constant 192 : index
    %swap3A_61 = tpu.vector_load %arg7[%swap3A_60] {strides = array<i32>} : memref<2048xi32, #tpu.memory_space<vmem>>, vector<16xi32>,
    tpu.vector_store %arg7[%swap3A_60], %broadcast_in_dim3A_36 {strides = array<i32>} : memref<2048xi32, #tpu.memory_space<vmem>>, vector<16xi32>,
    %swap3A_62 = arith.constant 208 : index
    %swap3A_63 = tpu.vector_load %arg7[%swap3A_62] {strides = array<i32>} : memref<2048xi32, #tpu.memory_space<vmem>>, vector<16xi32>,
    tpu.vector_store %arg7[%swap3A_62], %broadcast_in_dim3A_36 {strides = array<i32>} : memref<2048xi32, #tpu.memory_space<vmem>>, vector<16xi32>,
    %swap3A_64 = arith.constant 224 : index
    %swap3A_65 = tpu.vector_load %arg7[%swap3A_64] {strides = array<i32>} : memref<2048xi32, #tpu.memory_space<vmem>>, vector<16xi32>,
    tpu.vector_store %arg7[%swap3A_64], %broadcast_in_dim3A_36 {strides = array<i32>} : memref<2048xi32, #tpu.memory_space<vmem>>, vector<16xi32>,
    %swap3A_66 = arith.constant 240 : index
    %swap3A_67 = tpu.vector_load %arg7[%swap3A_66] {strides = array<i32>} : memref<2048xi32, #tpu.memory_space<vmem>>, vector<16xi32>,
    tpu.vector_store %arg7[%swap3A_66], %broadcast_in_dim3A_36 {strides = array<i32>} : memref<2048xi32, #tpu.memory_space<vmem>>, vector<16xi32>,
    %swap3A_68 = arith.constant 256 : index
    %swap3A_69 = tpu.vector_load %arg7[%swap3A_68] {strides = array<i32>} : memref<2048xi32, #tpu.memory_space<vmem>>, vector<16xi32>,
    tpu.vector_store %arg7[%swap3A_68], %broadcast_in_dim3A_36 {strides = array<i32>} : memref<2048xi32, #tpu.memory_space<vmem>>, vector<16xi32>,
    %swap3A_70 = arith.constant 272 : index
    %swap3A_71 = tpu.vector_load %arg7[%swap3A_70] {strides = array<i32>} : memref<2048xi32, #tpu.memory_space<vmem>>, vector<16xi32>,
    tpu.vector_store %arg7[%swap3A_70], %broadcast_in_dim3A_36 {strides = array<i32>} : memref<2048xi32, #tpu.memory_space<vmem>>, vector<16xi32>,
    %swap3A_72 = arith.constant 288 : index
    %swap3A_73 = tpu.vector_load %arg7[%swap3A_72] {strides = array<i32>} : memref<2048xi32, #tpu.memory_space<vmem>>, vector<16xi32>,
    tpu.vector_store %arg7[%swap3A_72], %broadcast_in_dim3A_36 {strides = array<i32>} : memref<2048xi32, #tpu.memory_space<vmem>>, vector<16xi32>,
    %swap3A_74 = arith.constant 304 : index
    %swap3A_75 = tpu.vector_load %arg7[%swap3A_74] {strides = array<i32>} : memref<2048xi32, #tpu.memory_space<vmem>>, vector<16xi32>,
    tpu.vector_store %arg7[%swap3A_74], %broadcast_in_dim3A_36 {strides = array<i32>} : memref<2048xi32, #tpu.memory_space<vmem>>, vector<16xi32>,
    %swap3A_76 = arith.constant 320 : index
    %swap3A_77 = tpu.vector_load %arg7[%swap3A_76] {strides = array<i32>} : memref<2048xi32, #tpu.memory_space<vmem>>, vector<16xi32>,
    tpu.vector_store %arg7[%swap3A_76], %broadcast_in_dim3A_36 {strides = array<i32>} : memref<2048xi32, #tpu.memory_space<vmem>>, vector<16xi32>,
    %swap3A_78 = arith.constant 336 : index
    %swap3A_79 = tpu.vector_load %arg7[%swap3A_78] {strides = array<i32>} : memref<2048xi32, #tpu.memory_space<vmem>>, vector<16xi32>,
    tpu.vector_store %arg7[%swap3A_78], %broadcast_in_dim3A_36 {strides = array<i32>} : memref<2048xi32, #tpu.memory_space<vmem>>, vector<16xi32>,
    %swap3A_80 = arith.constant 352 : index
    %swap3A_81 = tpu.vector_load %arg7[%swap3A_80] {strides = array<i32>} : memref<2048xi32, #tpu.memory_space<vmem>>, vector<16xi32>,
    tpu.vector_store %arg7[%swap3A_80], %broadcast_in_dim3A_36 {strides = array<i32>} : memref<2048xi32, #tpu.memory_space<vmem>>, vector<16xi32>,
    %swap3A_82 = arith.constant 368 : index
    %swap3A_83 = tpu.vector_load %arg7[%swap3A_82] {strides = array<i32>} : memref<2048xi32, #tpu.memory_space<vmem>>, vector<16xi32>,
    tpu.vector_store %arg7[%swap3A_82], %broadcast_in_dim3A_36 {strides = array<i32>} : memref<2048xi32, #tpu.memory_space<vmem>>, vector<16xi32>,
    %swap3A_84 = arith.constant 384 : index
    %swap3A_85 = tpu.vector_load %arg7[%swap3A_84] {strides = array<i32>} : memref<2048xi32, #tpu.memory_space<vmem>>, vector<16xi32>,
    tpu.vector_store %arg7[%swap3A_84], %broadcast_in_dim3A_36 {strides = array<i32>} : memref<2048xi32, #tpu.memory_space<vmem>>, vector<16xi32>,
    %swap3A_86 = arith.constant 400 : index
    %swap3A_87 = tpu.vector_load %arg7[%swap3A_86] {strides = array<i32>} : memref<2048xi32, #tpu.memory_space<vmem>>, vector<16xi32>,
    tpu.vector_store %arg7[%swap3A_86], %broadcast_in_dim3A_36 {strides = array<i32>} : memref<2048xi32, #tpu.memory_space<vmem>>, vector<16xi32>,
    %swap3A_88 = arith.constant 416 : index
    %swap3A_89 = tpu.vector_load %arg7[%swap3A_88] {strides = array<i32>} : memref<2048xi32, #tpu.memory_space<vmem>>, vector<16xi32>,
    tpu.vector_store %arg7[%swap3A_88], %broadcast_in_dim3A_36 {strides = array<i32>} : memref<2048xi32, #tpu.memory_space<vmem>>, vector<16xi32>,
    %swap3A_90 = arith.constant 432 : index
    %swap3A_91 = tpu.vector_load %arg7[%swap3A_90] {strides = array<i32>} : memref<2048xi32, #tpu.memory_space<vmem>>, vector<16xi32>,
    tpu.vector_store %arg7[%swap3A_90], %broadcast_in_dim3A_36 {strides = array<i32>} : memref<2048xi32, #tpu.memory_space<vmem>>, vector<16xi32>,
    %swap3A_92 = arith.constant 448 : index
    %swap3A_93 = tpu.vector_load %arg7[%swap3A_92] {strides = array<i32>} : memref<2048xi32, #tpu.memory_space<vmem>>, vector<16xi32>,
    tpu.vector_store %arg7[%swap3A_92], %broadcast_in_dim3A_36 {strides = array<i32>} : memref<2048xi32, #tpu.memory_space<vmem>>, vector<16xi32>,
    %swap3A_94 = arith.constant 464 : index
    %swap3A_95 = tpu.vector_load %arg7[%swap3A_94] {strides = array<i32>} : memref<2048xi32, #tpu.memory_space<vmem>>, vector<16xi32>,
    tpu.vector_store %arg7[%swap3A_94], %broadcast_in_dim3A_36 {strides = array<i32>} : memref<2048xi32, #tpu.memory_space<vmem>>, vector<16xi32>,
    %swap3A_96 = arith.constant 480 : index
    %swap3A_97 = tpu.vector_load %arg7[%swap3A_96] {strides = array<i32>} : memref<2048xi32, #tpu.memory_space<vmem>>, vector<16xi32>,
    tpu.vector_store %arg7[%swap3A_96], %broadcast_in_dim3A_36 {strides = array<i32>} : memref<2048xi32, #tpu.memory_space<vmem>>, vector<16xi32>,
    %swap3A_98 = arith.constant 496 : index
    %swap3A_99 = tpu.vector_load %arg7[%swap3A_98] {strides = array<i32>} : memref<2048xi32, #tpu.memory_space<vmem>>, vector<16xi32>,
    tpu.vector_store %arg7[%swap3A_98], %broadcast_in_dim3A_36 {strides = array<i32>} : memref<2048xi32, #tpu.memory_space<vmem>>, vector<16xi32>,
    %swap3A_100 = arith.constant 512 : index
    %swap3A_101 = tpu.vector_load %arg7[%swap3A_100] {strides = array<i32>} : memref<2048xi32, #tpu.memory_space<vmem>>, vector<16xi32>,
    tpu.vector_store %arg7[%swap3A_100], %broadcast_in_dim3A_36 {strides = array<i32>} : memref<2048xi32, #tpu.memory_space<vmem>>, vector<16xi32>,
    %swap3A_102 = arith.constant 528 : index
    %swap3A_103 = tpu.vector_load %arg7[%swap3A_102] {strides = array<i32>} : memref<2048xi32, #tpu.memory_space<vmem>>, vector<16xi32>,
    tpu.vector_store %arg7[%swap3A_102], %broadcast_in_dim3A_36 {strides = array<i32>} : memref<2048xi32, #tpu.memory_space<vmem>>, vector<16xi32>,
    %swap3A_104 = arith.constant 544 : index
    %swap3A_105 = tpu.vector_load %arg7[%swap3A_104] {strides = array<i32>} : memref<2048xi32, #tpu.memory_space<vmem>>, vector<16xi32>,
    tpu.vector_store %arg7[%swap3A_104], %broadcast_in_dim3A_36 {strides = array<i32>} : memref<2048xi32, #tpu.memory_space<vmem>>, vector<16xi32>,
    %swap3A_106 = arith.constant 560 : index
    %swap3A_107 = tpu.vector_load %arg7[%swap3A_106] {strides = array<i32>} : memref<2048xi32, #tpu.memory_space<vmem>>, vector<16xi32>,
    tpu.vector_store %arg7[%swap3A_106], %broadcast_in_dim3A_36 {strides = array<i32>} : memref<2048xi32, #tpu.memory_space<vmem>>, vector<16xi32>,
    %swap3A_108 = arith.constant 576 : index
    %swap3A_109 = tpu.vector_load %arg7[%swap3A_108] {strides = array<i32>} : memref<2048xi32, #tpu.memory_space<vmem>>, vector<16xi32>,
    tpu.vector_store %arg7[%swap3A_108], %broadcast_in_dim3A_36 {strides = array<i32>} : memref<2048xi32, #tpu.memory_space<vmem>>, vector<16xi32>,
    %swap3A_110 = arith.constant 592 : index
    %swap3A_111 = tpu.vector_load %arg7[%swap3A_110] {strides = array<i32>} : memref<2048xi32, #tpu.memory_space<vmem>>, vector<16xi32>,
    tpu.vector_store %arg7[%swap3A_110], %broadcast_in_dim3A_36 {strides = array<i32>} : memref<2048xi32, #tpu.memory_space<vmem>>, vector<16xi32>,
    %swap3A_112 = arith.constant 608 : index
    %swap3A_113 = tpu.vector_load %arg7[%swap3A_112] {strides = array<i32>} : memref<2048xi32, #tpu.memory_space<vmem>>, vector<16xi32>,
    tpu.vector_store %arg7[%swap3A_112], %broadcast_in_dim3A_36 {strides = array<i32>} : memref<2048xi32, #tpu.memory_space<vmem>>, vector<16xi32>,
    %swap3A_114 = arith.constant 624 : index
    %swap3A_115 = tpu.vector_load %arg7[%swap3A_114] {strides = array<i32>} : memref<2048xi32, #tpu.memory_space<vmem>>, vector<16xi32>,
    tpu.vector_store %arg7[%swap3A_114], %broadcast_in_dim3A_36 {strides = array<i32>} : memref<2048xi32, #tpu.memory_space<vmem>>, vector<16xi32>,
    %swap3A_116 = arith.constant 640 : index
    %swap3A_117 = tpu.vector_load %arg7[%swap3A_116] {strides = array<i32>} : memref<2048xi32, #tpu.memory_space<vmem>>, vector<16xi32>,
    tpu.vector_store %arg7[%swap3A_116], %broadcast_in_dim3A_36 {strides = array<i32>} : memref<2048xi32, #tpu.memory_space<vmem>>, vector<16xi32>,
    %swap3A_118 = arith.constant 656 : index
    %swap3A_119 = tpu.vector_load %arg7[%swap3A_118] {strides = array<i32>} : memref<2048xi32, #tpu.memory_space<vmem>>, vector<16xi32>,
    tpu.vector_store %arg7[%swap3A_118], %broadcast_in_dim3A_36 {strides = array<i32>} : memref<2048xi32, #tpu.memory_space<vmem>>, vector<16xi32>,
    %swap3A_120 = arith.constant 672 : index
    %swap3A_121 = tpu.vector_load %arg7[%swap3A_120] {strides = array<i32>} : memref<2048xi32, #tpu.memory_space<vmem>>, vector<16xi32>,
    tpu.vector_store %arg7[%swap3A_120], %broadcast_in_dim3A_36 {strides = array<i32>} : memref<2048xi32, #tpu.memory_space<vmem>>, vector<16xi32>,
    %swap3A_122 = arith.constant 688 : index
    %swap3A_123 = tpu.vector_load %arg7[%swap3A_122] {strides = array<i32>} : memref<2048xi32, #tpu.memory_space<vmem>>, vector<16xi32>,
    tpu.vector_store %arg7[%swap3A_122], %broadcast_in_dim3A_36 {strides = array<i32>} : memref<2048xi32, #tpu.memory_space<vmem>>, vector<16xi32>,
    %swap3A_124 = arith.constant 704 : index
    %swap3A_125 = tpu.vector_load %arg7[%swap3A_124] {strides = array<i32>} : memref<2048xi32, #tpu.memory_space<vmem>>, vector<16xi32>,
    tpu.vector_store %arg7[%swap3A_124], %broadcast_in_dim3A_36 {strides = array<i32>} : memref<2048xi32, #tpu.memory_space<vmem>>, vector<16xi32>,
    %swap3A_126 = arith.constant 720 : index
    %swap3A_127 = tpu.vector_load %arg7[%swap3A_126] {strides = array<i32>} : memref<2048xi32, #tpu.memory_space<vmem>>, vector<16xi32>,
    tpu.vector_store %arg7[%swap3A_126], %broadcast_in_dim3A_36 {strides = array<i32>} : memref<2048xi32, #tpu.memory_space<vmem>>, vector<16xi32>,
    %swap3A_128 = arith.constant 736 : index
    %swap3A_129 = tpu.vector_load %arg7[%swap3A_128] {strides = array<i32>} : memref<2048xi32, #tpu.memory_space<vmem>>, vector<16xi32>,
    tpu.vector_store %arg7[%swap3A_128], %broadcast_in_dim3A_36 {strides = array<i32>} : memref<2048xi32, #tpu.memory_space<vmem>>, vector<16xi32>,
    %swap3A_130 = arith.constant 752 : index
    %swap3A_131 = tpu.vector_load %arg7[%swap3A_130] {strides = array<i32>} : memref<2048xi32, #tpu.memory_space<vmem>>, vector<16xi32>,
    tpu.vector_store %arg7[%swap3A_130], %broadcast_in_dim3A_36 {strides = array<i32>} : memref<2048xi32, #tpu.memory_space<vmem>>, vector<16xi32>,
    %swap3A_132 = arith.constant 768 : index
    %swap3A_133 = tpu.vector_load %arg7[%swap3A_132] {strides = array<i32>} : memref<2048xi32, #tpu.memory_space<vmem>>, vector<16xi32>,
    tpu.vector_store %arg7[%swap3A_132], %broadcast_in_dim3A_36 {strides = array<i32>} : memref<2048xi32, #tpu.memory_space<vmem>>, vector<16xi32>,
    %swap3A_134 = arith.constant 784 : index
    %swap3A_135 = tpu.vector_load %arg7[%swap3A_134] {strides = array<i32>} : memref<2048xi32, #tpu.memory_space<vmem>>, vector<16xi32>,
    tpu.vector_store %arg7[%swap3A_134], %broadcast_in_dim3A_36 {strides = array<i32>} : memref<2048xi32, #tpu.memory_space<vmem>>, vector<16xi32>,
    %swap3A_136 = arith.constant 800 : index
    %swap3A_137 = tpu.vector_load %arg7[%swap3A_136] {strides = array<i32>} : memref<2048xi32, #tpu.memory_space<vmem>>, vector<16xi32>,
    tpu.vector_store %arg7[%swap3A_136], %broadcast_in_dim3A_36 {strides = array<i32>} : memref<2048xi32, #tpu.memory_space<vmem>>, vector<16xi32>,
    %swap3A_138 = arith.constant 816 : index
    %swap3A_139 = tpu.vector_load %arg7[%swap3A_138] {strides = array<i32>} : memref<2048xi32, #tpu.memory_space<vmem>>, vector<16xi32>,
    tpu.vector_store %arg7[%swap3A_138], %broadcast_in_dim3A_36 {strides = array<i32>} : memref<2048xi32, #tpu.memory_space<vmem>>, vector<16xi32>,
    %swap3A_140 = arith.constant 832 : index
    %swap3A_141 = tpu.vector_load %arg7[%swap3A_140] {strides = array<i32>} : memref<2048xi32, #tpu.memory_space<vmem>>, vector<16xi32>,
    tpu.vector_store %arg7[%swap3A_140], %broadcast_in_dim3A_36 {strides = array<i32>} : memref<2048xi32, #tpu.memory_space<vmem>>, vector<16xi32>,
    %swap3A_142 = arith.constant 848 : index
    %swap3A_143 = tpu.vector_load %arg7[%swap3A_142] {strides = array<i32>} : memref<2048xi32, #tpu.memory_space<vmem>>, vector<16xi32>,
    tpu.vector_store %arg7[%swap3A_142], %broadcast_in_dim3A_36 {strides = array<i32>} : memref<2048xi32, #tpu.memory_space<vmem>>, vector<16xi32>,
    %swap3A_144 = arith.constant 864 : index
    %swap3A_145 = tpu.vector_load %arg7[%swap3A_144] {strides = array<i32>} : memref<2048xi32, #tpu.memory_space<vmem>>, vector<16xi32>,
    tpu.vector_store %arg7[%swap3A_144], %broadcast_in_dim3A_36 {strides = array<i32>} : memref<2048xi32, #tpu.memory_space<vmem>>, vector<16xi32>,
    %swap3A_146 = arith.constant 880 : index
    %swap3A_147 = tpu.vector_load %arg7[%swap3A_146] {strides = array<i32>} : memref<2048xi32, #tpu.memory_space<vmem>>, vector<16xi32>,
    tpu.vector_store %arg7[%swap3A_146], %broadcast_in_dim3A_36 {strides = array<i32>} : memref<2048xi32, #tpu.memory_space<vmem>>, vector<16xi32>,
    %swap3A_148 = arith.constant 896 : index
    %swap3A_149 = tpu.vector_load %arg7[%swap3A_148] {strides = array<i32>} : memref<2048xi32, #tpu.memory_space<vmem>>, vector<16xi32>,
    tpu.vector_store %arg7[%swap3A_148], %broadcast_in_dim3A_36 {strides = array<i32>} : memref<2048xi32, #tpu.memory_space<vmem>>, vector<16xi32>,
    %swap3A_150 = arith.constant 912 : index
    %swap3A_151 = tpu.vector_load %arg7[%swap3A_150] {strides = array<i32>} : memref<2048xi32, #tpu.memory_space<vmem>>, vector<16xi32>,
    tpu.vector_store %arg7[%swap3A_150], %broadcast_in_dim3A_36 {strides = array<i32>} : memref<2048xi32, #tpu.memory_space<vmem>>, vector<16xi32>,
    %swap3A_152 = arith.constant 928 : index
    %swap3A_153 = tpu.vector_load %arg7[%swap3A_152] {strides = array<i32>} : memref<2048xi32, #tpu.memory_space<vmem>>, vector<16xi32>,
    tpu.vector_store %arg7[%swap3A_152], %broadcast_in_dim3A_36 {strides = array<i32>} : memref<2048xi32, #tpu.memory_space<vmem>>, vector<16xi32>,
    %swap3A_154 = arith.constant 944 : index
    %swap3A_155 = tpu.vector_load %arg7[%swap3A_154] {strides = array<i32>} : memref<2048xi32, #tpu.memory_space<vmem>>, vector<16xi32>,
    tpu.vector_store %arg7[%swap3A_154], %broadcast_in_dim3A_36 {strides = array<i32>} : memref<2048xi32, #tpu.memory_space<vmem>>, vector<16xi32>,
    %swap3A_156 = arith.constant 960 : index
    %swap3A_157 = tpu.vector_load %arg7[%swap3A_156] {strides = array<i32>} : memref<2048xi32, #tpu.memory_space<vmem>>, vector<16xi32>,
    tpu.vector_store %arg7[%swap3A_156], %broadcast_in_dim3A_36 {strides = array<i32>} : memref<2048xi32, #tpu.memory_space<vmem>>, vector<16xi32>,
    %swap3A_158 = arith.constant 976 : index
    %swap3A_159 = tpu.vector_load %arg7[%swap3A_158] {strides = array<i32>} : memref<2048xi32, #tpu.memory_space<vmem>>, vector<16xi32>,
    tpu.vector_store %arg7[%swap3A_158], %broadcast_in_dim3A_36 {strides = array<i32>} : memref<2048xi32, #tpu.memory_space<vmem>>, vector<16xi32>,
    %swap3A_160 = arith.constant 992 : index
    %swap3A_161 = tpu.vector_load %arg7[%swap3A_160] {strides = array<i32>} : memref<2048xi32, #tpu.memory_space<vmem>>, vector<16xi32>,
    tpu.vector_store %arg7[%swap3A_160], %broadcast_in_dim3A_36 {strides = array<i32>} : memref<2048xi32, #tpu.memory_space<vmem>>, vector<16xi32>,
    %swap3A_162 = arith.constant 1008 : index
    %swap3A_163 = tpu.vector_load %arg7[%swap3A_162] {strides = array<i32>} : memref<2048xi32, #tpu.memory_space<vmem>>, vector<16xi32>,
    tpu.vector_store %arg7[%swap3A_162], %broadcast_in_dim3A_36 {strides = array<i32>} : memref<2048xi32, #tpu.memory_space<vmem>>, vector<16xi32>,
    %swap3A_164 = arith.constant 1024 : index
    %swap3A_165 = tpu.vector_load %arg7[%swap3A_164] {strides = array<i32>} : memref<2048xi32, #tpu.memory_space<vmem>>, vector<16xi32>,
    tpu.vector_store %arg7[%swap3A_164], %broadcast_in_dim3A_36 {strides = array<i32>} : memref<2048xi32, #tpu.memory_space<vmem>>, vector<16xi32>,
    %swap3A_166 = arith.constant 1040 : index
    %swap3A_167 = tpu.vector_load %arg7[%swap3A_166] {strides = array<i32>} : memref<2048xi32, #tpu.memory_space<vmem>>, vector<16xi32>,
    tpu.vector_store %arg7[%swap3A_166], %broadcast_in_dim3A_36 {strides = array<i32>} : memref<2048xi32, #tpu.memory_space<vmem>>, vector<16xi32>,
    %swap3A_168 = arith.constant 1056 : index
    %swap3A_169 = tpu.vector_load %arg7[%swap3A_168] {strides = array<i32>} : memref<2048xi32, #tpu.memory_space<vmem>>, vector<16xi32>,
    tpu.vector_store %arg7[%swap3A_168], %broadcast_in_dim3A_36 {strides = array<i32>} : memref<2048xi32, #tpu.memory_space<vmem>>, vector<16xi32>,
    %swap3A_170 = arith.constant 1072 : index
    %swap3A_171 = tpu.vector_load %arg7[%swap3A_170] {strides = array<i32>} : memref<2048xi32, #tpu.memory_space<vmem>>, vector<16xi32>,
    tpu.vector_store %arg7[%swap3A_170], %broadcast_in_dim3A_36 {strides = array<i32>} : memref<2048xi32, #tpu.memory_space<vmem>>, vector<16xi32>,
    %swap3A_172 = arith.constant 1088 : index
    %swap3A_173 = tpu.vector_load %arg7[%swap3A_172] {strides = array<i32>} : memref<2048xi32, #tpu.memory_space<vmem>>, vector<16xi32>,
    tpu.vector_store %arg7[%swap3A_172], %broadcast_in_dim3A_36 {strides = array<i32>} : memref<2048xi32, #tpu.memory_space<vmem>>, vector<16xi32>,
    %swap3A_174 = arith.constant 1104 : index
    %swap3A_175 = tpu.vector_load %arg7[%swap3A_174] {strides = array<i32>} : memref<2048xi32, #tpu.memory_space<vmem>>, vector<16xi32>,
    tpu.vector_store %arg7[%swap3A_174], %broadcast_in_dim3A_36 {strides = array<i32>} : memref<2048xi32, #tpu.memory_space<vmem>>, vector<16xi32>,
    %swap3A_176 = arith.constant 1120 : index
    %swap3A_177 = tpu.vector_load %arg7[%swap3A_176] {strides = array<i32>} : memref<2048xi32, #tpu.memory_space<vmem>>, vector<16xi32>,
    tpu.vector_store %arg7[%swap3A_176], %broadcast_in_dim3A_36 {strides = array<i32>} : memref<2048xi32, #tpu.memory_space<vmem>>, vector<16xi32>,
    %swap3A_178 = arith.constant 1136 : index
    %swap3A_179 = tpu.vector_load %arg7[%swap3A_178] {strides = array<i32>} : memref<2048xi32, #tpu.memory_space<vmem>>, vector<16xi32>,
    tpu.vector_store %arg7[%swap3A_178], %broadcast_in_dim3A_36 {strides = array<i32>} : memref<2048xi32, #tpu.memory_space<vmem>>, vector<16xi32>,
    %swap3A_180 = arith.constant 1152 : index
    %swap3A_181 = tpu.vector_load %arg7[%swap3A_180] {strides = array<i32>} : memref<2048xi32, #tpu.memory_space<vmem>>, vector<16xi32>,
    tpu.vector_store %arg7[%swap3A_180], %broadcast_in_dim3A_36 {strides = array<i32>} : memref<2048xi32, #tpu.memory_space<vmem>>, vector<16xi32>,
    %swap3A_182 = arith.constant 1168 : index
    %swap3A_183 = tpu.vector_load %arg7[%swap3A_182] {strides = array<i32>} : memref<2048xi32, #tpu.memory_space<vmem>>, vector<16xi32>,
    tpu.vector_store %arg7[%swap3A_182], %broadcast_in_dim3A_36 {strides = array<i32>} : memref<2048xi32, #tpu.memory_space<vmem>>, vector<16xi32>,
    %swap3A_184 = arith.constant 1184 : index
    %swap3A_185 = tpu.vector_load %arg7[%swap3A_184] {strides = array<i32>} : memref<2048xi32, #tpu.memory_space<vmem>>, vector<16xi32>,
    tpu.vector_store %arg7[%swap3A_184], %broadcast_in_dim3A_36 {strides = array<i32>} : memref<2048xi32, #tpu.memory_space<vmem>>, vector<16xi32>,
    %swap3A_186 = arith.constant 1200 : index
    %swap3A_187 = tpu.vector_load %arg7[%swap3A_186] {strides = array<i32>} : memref<2048xi32, #tpu.memory_space<vmem>>, vector<16xi32>,
    tpu.vector_store %arg7[%swap3A_186], %broadcast_in_dim3A_36 {strides = array<i32>} : memref<2048xi32, #tpu.memory_space<vmem>>, vector<16xi32>,
    %swap3A_188 = arith.constant 1216 : index
    %swap3A_189 = tpu.vector_load %arg7[%swap3A_188] {strides = array<i32>} : memref<2048xi32, #tpu.memory_space<vmem>>, vector<16xi32>,
    tpu.vector_store %arg7[%swap3A_188], %broadcast_in_dim3A_36 {strides = array<i32>} : memref<2048xi32, #tpu.memory_space<vmem>>, vector<16xi32>,
    %swap3A_190 = arith.constant 1232 : index
    %swap3A_191 = tpu.vector_load %arg7[%swap3A_190] {strides = array<i32>} : memref<2048xi32, #tpu.memory_space<vmem>>, vector<16xi32>,
    tpu.vector_store %arg7[%swap3A_190], %broadcast_in_dim3A_36 {strides = array<i32>} : memref<2048xi32, #tpu.memory_space<vmem>>, vector<16xi32>,
    %swap3A_192 = arith.constant 1248 : index
    %swap3A_193 = tpu.vector_load %arg7[%swap3A_192] {strides = array<i32>} : memref<2048xi32, #tpu.memory_space<vmem>>, vector<16xi32>,
    tpu.vector_store %arg7[%swap3A_192], %broadcast_in_dim3A_36 {strides = array<i32>} : memref<2048xi32, #tpu.memory_space<vmem>>, vector<16xi32>,
    %swap3A_194 = arith.constant 1264 : index
    %swap3A_195 = tpu.vector_load %arg7[%swap3A_194] {strides = array<i32>} : memref<2048xi32, #tpu.memory_space<vmem>>, vector<16xi32>,
    tpu.vector_store %arg7[%swap3A_194], %broadcast_in_dim3A_36 {strides = array<i32>} : memref<2048xi32, #tpu.memory_space<vmem>>, vector<16xi32>,
    %swap3A_196 = arith.constant 1280 : index
    %swap3A_197 = tpu.vector_load %arg7[%swap3A_196] {strides = array<i32>} : memref<2048xi32, #tpu.memory_space<vmem>>, vector<16xi32>,
    tpu.vector_store %arg7[%swap3A_196], %broadcast_in_dim3A_36 {strides = array<i32>} : memref<2048xi32, #tpu.memory_space<vmem>>, vector<16xi32>,
    %swap3A_198 = arith.constant 1296 : index
    %swap3A_199 = tpu.vector_load %arg7[%swap3A_198] {strides = array<i32>} : memref<2048xi32, #tpu.memory_space<vmem>>, vector<16xi32>,
    tpu.vector_store %arg7[%swap3A_198], %broadcast_in_dim3A_36 {strides = array<i32>} : memref<2048xi32, #tpu.memory_space<vmem>>, vector<16xi32>,
    %swap3A_200 = arith.constant 1312 : index
    %swap3A_201 = tpu.vector_load %arg7[%swap3A_200] {strides = array<i32>} : memref<2048xi32, #tpu.memory_space<vmem>>, vector<16xi32>,
    tpu.vector_store %arg7[%swap3A_200], %broadcast_in_dim3A_36 {strides = array<i32>} : memref<2048xi32, #tpu.memory_space<vmem>>, vector<16xi32>,
    %swap3A_202 = arith.constant 1328 : index
    %swap3A_203 = tpu.vector_load %arg7[%swap3A_202] {strides = array<i32>} : memref<2048xi32, #tpu.memory_space<vmem>>, vector<16xi32>,
    tpu.vector_store %arg7[%swap3A_202], %broadcast_in_dim3A_36 {strides = array<i32>} : memref<2048xi32, #tpu.memory_space<vmem>>, vector<16xi32>,
    %swap3A_204 = arith.constant 1344 : index
    %swap3A_205 = tpu.vector_load %arg7[%swap3A_204] {strides = array<i32>} : memref<2048xi32, #tpu.memory_space<vmem>>, vector<16xi32>,
    tpu.vector_store %arg7[%swap3A_204], %broadcast_in_dim3A_36 {strides = array<i32>} : memref<2048xi32, #tpu.memory_space<vmem>>, vector<16xi32>,
    %swap3A_206 = arith.constant 1360 : index
    %swap3A_207 = tpu.vector_load %arg7[%swap3A_206] {strides = array<i32>} : memref<2048xi32, #tpu.memory_space<vmem>>, vector<16xi32>,
    tpu.vector_store %arg7[%swap3A_206], %broadcast_in_dim3A_36 {strides = array<i32>} : memref<2048xi32, #tpu.memory_space<vmem>>, vector<16xi32>,
    %swap3A_208 = arith.constant 1376 : index
    %swap3A_209 = tpu.vector_load %arg7[%swap3A_208] {strides = array<i32>} : memref<2048xi32, #tpu.memory_space<vmem>>, vector<16xi32>,
    tpu.vector_store %arg7[%swap3A_208], %broadcast_in_dim3A_36 {strides = array<i32>} : memref<2048xi32, #tpu.memory_space<vmem>>, vector<16xi32>,
    %swap3A_210 = arith.constant 1392 : index
    %swap3A_211 = tpu.vector_load %arg7[%swap3A_210] {strides = array<i32>} : memref<2048xi32, #tpu.memory_space<vmem>>, vector<16xi32>,
    tpu.vector_store %arg7[%swap3A_210], %broadcast_in_dim3A_36 {strides = array<i32>} : memref<2048xi32, #tpu.memory_space<vmem>>, vector<16xi32>,
    %swap3A_212 = arith.constant 1408 : index
    %swap3A_213 = tpu.vector_load %arg7[%swap3A_212] {strides = array<i32>} : memref<2048xi32, #tpu.memory_space<vmem>>, vector<16xi32>,
    tpu.vector_store %arg7[%swap3A_212], %broadcast_in_dim3A_36 {strides = array<i32>} : memref<2048xi32, #tpu.memory_space<vmem>>, vector<16xi32>,
    %swap3A_214 = arith.constant 1424 : index
    %swap3A_215 = tpu.vector_load %arg7[%swap3A_214] {strides = array<i32>} : memref<2048xi32, #tpu.memory_space<vmem>>, vector<16xi32>,
    tpu.vector_store %arg7[%swap3A_214], %broadcast_in_dim3A_36 {strides = array<i32>} : memref<2048xi32, #tpu.memory_space<vmem>>, vector<16xi32>,
    %swap3A_216 = arith.constant 1440 : index
    %swap3A_217 = tpu.vector_load %arg7[%swap3A_216] {strides = array<i32>} : memref<2048xi32, #tpu.memory_space<vmem>>, vector<16xi32>,
    tpu.vector_store %arg7[%swap3A_216], %broadcast_in_dim3A_36 {strides = array<i32>} : memref<2048xi32, #tpu.memory_space<vmem>>, vector<16xi32>,
    %swap3A_218 = arith.constant 1456 : index
    %swap3A_219 = tpu.vector_load %arg7[%swap3A_218] {strides = array<i32>} : memref<2048xi32, #tpu.memory_space<vmem>>, vector<16xi32>,
    tpu.vector_store %arg7[%swap3A_218], %broadcast_in_dim3A_36 {strides = array<i32>} : memref<2048xi32, #tpu.memory_space<vmem>>, vector<16xi32>,
    %swap3A_220 = arith.constant 1472 : index
    %swap3A_221 = tpu.vector_load %arg7[%swap3A_220] {strides = array<i32>} : memref<2048xi32, #tpu.memory_space<vmem>>, vector<16xi32>,
    tpu.vector_store %arg7[%swap3A_220], %broadcast_in_dim3A_36 {strides = array<i32>} : memref<2048xi32, #tpu.memory_space<vmem>>, vector<16xi32>,
    %swap3A_222 = arith.constant 1488 : index
    %swap3A_223 = tpu.vector_load %arg7[%swap3A_222] {strides = array<i32>} : memref<2048xi32, #tpu.memory_space<vmem>>, vector<16xi32>,
    tpu.vector_store %arg7[%swap3A_222], %broadcast_in_dim3A_36 {strides = array<i32>} : memref<2048xi32, #tpu.memory_space<vmem>>, vector<16xi32>,
    %swap3A_224 = arith.constant 1504 : index
    %swap3A_225 = tpu.vector_load %arg7[%swap3A_224] {strides = array<i32>} : memref<2048xi32, #tpu.memory_space<vmem>>, vector<16xi32>,
    tpu.vector_store %arg7[%swap3A_224], %broadcast_in_dim3A_36 {strides = array<i32>} : memref<2048xi32, #tpu.memory_space<vmem>>, vector<16xi32>,
    %swap3A_226 = arith.constant 1520 : index
    %swap3A_227 = tpu.vector_load %arg7[%swap3A_226] {strides = array<i32>} : memref<2048xi32, #tpu.memory_space<vmem>>, vector<16xi32>,
    tpu.vector_store %arg7[%swap3A_226], %broadcast_in_dim3A_36 {strides = array<i32>} : memref<2048xi32, #tpu.memory_space<vmem>>, vector<16xi32>,
    %swap3A_228 = arith.constant 1536 : index
    %swap3A_229 = tpu.vector_load %arg7[%swap3A_228] {strides = array<i32>} : memref<2048xi32, #tpu.memory_space<vmem>>, vector<16xi32>,
    tpu.vector_store %arg7[%swap3A_228], %broadcast_in_dim3A_36 {strides = array<i32>} : memref<2048xi32, #tpu.memory_space<vmem>>, vector<16xi32>,
    %swap3A_230 = arith.constant 1552 : index
    %swap3A_231 = tpu.vector_load %arg7[%swap3A_230] {strides = array<i32>} : memref<2048xi32, #tpu.memory_space<vmem>>, vector<16xi32>,
    tpu.vector_store %arg7[%swap3A_230], %broadcast_in_dim3A_36 {strides = array<i32>} : memref<2048xi32, #tpu.memory_space<vmem>>, vector<16xi32>,
    %swap3A_232 = arith.constant 1568 : index
    %swap3A_233 = tpu.vector_load %arg7[%swap3A_232] {strides = array<i32>} : memref<2048xi32, #tpu.memory_space<vmem>>, vector<16xi32>,
    tpu.vector_store %arg7[%swap3A_232], %broadcast_in_dim3A_36 {strides = array<i32>} : memref<2048xi32, #tpu.memory_space<vmem>>, vector<16xi32>,
    %swap3A_234 = arith.constant 1584 : index
    %swap3A_235 = tpu.vector_load %arg7[%swap3A_234] {strides = array<i32>} : memref<2048xi32, #tpu.memory_space<vmem>>, vector<16xi32>,
    tpu.vector_store %arg7[%swap3A_234], %broadcast_in_dim3A_36 {strides = array<i32>} : memref<2048xi32, #tpu.memory_space<vmem>>, vector<16xi32>,
    %swap3A_236 = arith.constant 1600 : index
    %swap3A_237 = tpu.vector_load %arg7[%swap3A_236] {strides = array<i32>} : memref<2048xi32, #tpu.memory_space<vmem>>, vector<16xi32>,
    tpu.vector_store %arg7[%swap3A_236], %broadcast_in_dim3A_36 {strides = array<i32>} : memref<2048xi32, #tpu.memory_space<vmem>>, vector<16xi32>,
    %swap3A_238 = arith.constant 1616 : index
    %swap3A_239 = tpu.vector_load %arg7[%swap3A_238] {strides = array<i32>} : memref<2048xi32, #tpu.memory_space<vmem>>, vector<16xi32>,
    tpu.vector_store %arg7[%swap3A_238], %broadcast_in_dim3A_36 {strides = array<i32>} : memref<2048xi32, #tpu.memory_space<vmem>>, vector<16xi32>,
    %swap3A_240 = arith.constant 1632 : index
    %swap3A_241 = tpu.vector_load %arg7[%swap3A_240] {strides = array<i32>} : memref<2048xi32, #tpu.memory_space<vmem>>, vector<16xi32>,
    tpu.vector_store %arg7[%swap3A_240], %broadcast_in_dim3A_36 {strides = array<i32>} : memref<2048xi32, #tpu.memory_space<vmem>>, vector<16xi32>,
    %swap3A_242 = arith.constant 1648 : index
    %swap3A_243 = tpu.vector_load %arg7[%swap3A_242] {strides = array<i32>} : memref<2048xi32, #tpu.memory_space<vmem>>, vector<16xi32>,
    tpu.vector_store %arg7[%swap3A_242], %broadcast_in_dim3A_36 {strides = array<i32>} : memref<2048xi32, #tpu.memory_space<vmem>>, vector<16xi32>,
    %swap3A_244 = arith.constant 1664 : index
    %swap3A_245 = tpu.vector_load %arg7[%swap3A_244] {strides = array<i32>} : memref<2048xi32, #tpu.memory_space<vmem>>, vector<16xi32>,
    tpu.vector_store %arg7[%swap3A_244], %broadcast_in_dim3A_36 {strides = array<i32>} : memref<2048xi32, #tpu.memory_space<vmem>>, vector<16xi32>,
    %swap3A_246 = arith.constant 1680 : index
    %swap3A_247 = tpu.vector_load %arg7[%swap3A_246] {strides = array<i32>} : memref<2048xi32, #tpu.memory_space<vmem>>, vector<16xi32>,
    tpu.vector_store %arg7[%swap3A_246], %broadcast_in_dim3A_36 {strides = array<i32>} : memref<2048xi32, #tpu.memory_space<vmem>>, vector<16xi32>,
    %swap3A_248 = arith.constant 1696 : index
    %swap3A_249 = tpu.vector_load %arg7[%swap3A_248] {strides = array<i32>} : memref<2048xi32, #tpu.memory_space<vmem>>, vector<16xi32>,
    tpu.vector_store %arg7[%swap3A_248], %broadcast_in_dim3A_36 {strides = array<i32>} : memref<2048xi32, #tpu.memory_space<vmem>>, vector<16xi32>,
    %swap3A_250 = arith.constant 1712 : index
    %swap3A_251 = tpu.vector_load %arg7[%swap3A_250] {strides = array<i32>} : memref<2048xi32, #tpu.memory_space<vmem>>, vector<16xi32>,
    tpu.vector_store %arg7[%swap3A_250], %broadcast_in_dim3A_36 {strides = array<i32>} : memref<2048xi32, #tpu.memory_space<vmem>>, vector<16xi32>,
    %swap3A_252 = arith.constant 1728 : index
    %swap3A_253 = tpu.vector_load %arg7[%swap3A_252] {strides = array<i32>} : memref<2048xi32, #tpu.memory_space<vmem>>, vector<16xi32>,
    tpu.vector_store %arg7[%swap3A_252], %broadcast_in_dim3A_36 {strides = array<i32>} : memref<2048xi32, #tpu.memory_space<vmem>>, vector<16xi32>,
    %swap3A_254 = arith.constant 1744 : index
    %swap3A_255 = tpu.vector_load %arg7[%swap3A_254] {strides = array<i32>} : memref<2048xi32, #tpu.memory_space<vmem>>, vector<16xi32>,
    tpu.vector_store %arg7[%swap3A_254], %broadcast_in_dim3A_36 {strides = array<i32>} : memref<2048xi32, #tpu.memory_space<vmem>>, vector<16xi32>,
    %swap3A_256 = arith.constant 1760 : index
    %swap3A_257 = tpu.vector_load %arg7[%swap3A_256] {strides = array<i32>} : memref<2048xi32, #tpu.memory_space<vmem>>, vector<16xi32>,
    tpu.vector_store %arg7[%swap3A_256], %broadcast_in_dim3A_36 {strides = array<i32>} : memref<2048xi32, #tpu.memory_space<vmem>>, vector<16xi32>,
    %swap3A_258 = arith.constant 1776 : index
    %swap3A_259 = tpu.vector_load %arg7[%swap3A_258] {strides = array<i32>} : memref<2048xi32, #tpu.memory_space<vmem>>, vector<16xi32>,
    tpu.vector_store %arg7[%swap3A_258], %broadcast_in_dim3A_36 {strides = array<i32>} : memref<2048xi32, #tpu.memory_space<vmem>>, vector<16xi32>,
    %swap3A_260 = arith.constant 1792 : index
    %swap3A_261 = tpu.vector_load %arg7[%swap3A_260] {strides = array<i32>} : memref<2048xi32, #tpu.memory_space<vmem>>, vector<16xi32>,
    tpu.vector_store %arg7[%swap3A_260], %broadcast_in_dim3A_36 {strides = array<i32>} : memref<2048xi32, #tpu.memory_space<vmem>>, vector<16xi32>,
    %swap3A_262 = arith.constant 1808 : index
    %swap3A_263 = tpu.vector_load %arg7[%swap3A_262] {strides = array<i32>} : memref<2048xi32, #tpu.memory_space<vmem>>, vector<16xi32>,
    tpu.vector_store %arg7[%swap3A_262], %broadcast_in_dim3A_36 {strides = array<i32>} : memref<2048xi32, #tpu.memory_space<vmem>>, vector<16xi32>,
    %swap3A_264 = arith.constant 1824 : index
    %swap3A_265 = tpu.vector_load %arg7[%swap3A_264] {strides = array<i32>} : memref<2048xi32, #tpu.memory_space<vmem>>, vector<16xi32>,
    tpu.vector_store %arg7[%swap3A_264], %broadcast_in_dim3A_36 {strides = array<i32>} : memref<2048xi32, #tpu.memory_space<vmem>>, vector<16xi32>,
    %swap3A_266 = arith.constant 1840 : index
    %swap3A_267 = tpu.vector_load %arg7[%swap3A_266] {strides = array<i32>} : memref<2048xi32, #tpu.memory_space<vmem>>, vector<16xi32>,
    tpu.vector_store %arg7[%swap3A_266], %broadcast_in_dim3A_36 {strides = array<i32>} : memref<2048xi32, #tpu.memory_space<vmem>>, vector<16xi32>,
    %swap3A_268 = arith.constant 1856 : index
    %swap3A_269 = tpu.vector_load %arg7[%swap3A_268] {strides = array<i32>} : memref<2048xi32, #tpu.memory_space<vmem>>, vector<16xi32>,
    tpu.vector_store %arg7[%swap3A_268], %broadcast_in_dim3A_36 {strides = array<i32>} : memref<2048xi32, #tpu.memory_space<vmem>>, vector<16xi32>,
    %swap3A_270 = arith.constant 1872 : index
    %swap3A_271 = tpu.vector_load %arg7[%swap3A_270] {strides = array<i32>} : memref<2048xi32, #tpu.memory_space<vmem>>, vector<16xi32>,
    tpu.vector_store %arg7[%swap3A_270], %broadcast_in_dim3A_36 {strides = array<i32>} : memref<2048xi32, #tpu.memory_space<vmem>>, vector<16xi32>,
    %swap3A_272 = arith.constant 1888 : index
    %swap3A_273 = tpu.vector_load %arg7[%swap3A_272] {strides = array<i32>} : memref<2048xi32, #tpu.memory_space<vmem>>, vector<16xi32>,
    tpu.vector_store %arg7[%swap3A_272], %broadcast_in_dim3A_36 {strides = array<i32>} : memref<2048xi32, #tpu.memory_space<vmem>>, vector<16xi32>,
    %swap3A_274 = arith.constant 1904 : index
    %swap3A_275 = tpu.vector_load %arg7[%swap3A_274] {strides = array<i32>} : memref<2048xi32, #tpu.memory_space<vmem>>, vector<16xi32>,
    tpu.vector_store %arg7[%swap3A_274], %broadcast_in_dim3A_36 {strides = array<i32>} : memref<2048xi32, #tpu.memory_space<vmem>>, vector<16xi32>,
    %swap3A_276 = arith.constant 1920 : index
    %swap3A_277 = tpu.vector_load %arg7[%swap3A_276] {strides = array<i32>} : memref<2048xi32, #tpu.memory_space<vmem>>, vector<16xi32>,
    tpu.vector_store %arg7[%swap3A_276], %broadcast_in_dim3A_36 {strides = array<i32>} : memref<2048xi32, #tpu.memory_space<vmem>>, vector<16xi32>,
    %swap3A_278 = arith.constant 1936 : index
    %swap3A_279 = tpu.vector_load %arg7[%swap3A_278] {strides = array<i32>} : memref<2048xi32, #tpu.memory_space<vmem>>, vector<16xi32>,
    tpu.vector_store %arg7[%swap3A_278], %broadcast_in_dim3A_36 {strides = array<i32>} : memref<2048xi32, #tpu.memory_space<vmem>>, vector<16xi32>,
    %swap3A_280 = arith.constant 1952 : index
    %swap3A_281 = tpu.vector_load %arg7[%swap3A_280] {strides = array<i32>} : memref<2048xi32, #tpu.memory_space<vmem>>, vector<16xi32>,
    tpu.vector_store %arg7[%swap3A_280], %broadcast_in_dim3A_36 {strides = array<i32>} : memref<2048xi32, #tpu.memory_space<vmem>>, vector<16xi32>,
    %swap3A_282 = arith.constant 1968 : index
    %swap3A_283 = tpu.vector_load %arg7[%swap3A_282] {strides = array<i32>} : memref<2048xi32, #tpu.memory_space<vmem>>, vector<16xi32>,
    tpu.vector_store %arg7[%swap3A_282], %broadcast_in_dim3A_36 {strides = array<i32>} : memref<2048xi32, #tpu.memory_space<vmem>>, vector<16xi32>,
    %swap3A_284 = arith.constant 1984 : index
    %swap3A_285 = tpu.vector_load %arg7[%swap3A_284] {strides = array<i32>} : memref<2048xi32, #tpu.memory_space<vmem>>, vector<16xi32>,
    tpu.vector_store %arg7[%swap3A_284], %broadcast_in_dim3A_36 {strides = array<i32>} : memref<2048xi32, #tpu.memory_space<vmem>>, vector<16xi32>,
    %swap3A_286 = arith.constant 2000 : index
    %swap3A_287 = tpu.vector_load %arg7[%swap3A_286] {strides = array<i32>} : memref<2048xi32, #tpu.memory_space<vmem>>, vector<16xi32>,
    tpu.vector_store %arg7[%swap3A_286], %broadcast_in_dim3A_36 {strides = array<i32>} : memref<2048xi32, #tpu.memory_space<vmem>>, vector<16xi32>,
    %swap3A_288 = arith.constant 2016 : index
    %swap3A_289 = tpu.vector_load %arg7[%swap3A_288] {strides = array<i32>} : memref<2048xi32, #tpu.memory_space<vmem>>, vector<16xi32>,
    tpu.vector_store %arg7[%swap3A_288], %broadcast_in_dim3A_36 {strides = array<i32>} : memref<2048xi32, #tpu.memory_space<vmem>>, vector<16xi32>,
    %swap3A_290 = arith.constant 2032 : index
    %swap3A_291 = tpu.vector_load %arg7[%swap3A_290] {strides = array<i32>} : memref<2048xi32, #tpu.memory_space<vmem>>, vector<16xi32>,
    tpu.vector_store %arg7[%swap3A_290], %broadcast_in_dim3A_36 {strides = array<i32>} : memref<2048xi32, #tpu.memory_space<vmem>>, vector<16xi32>,
    %dma_wait3A = arith.constant 0 : i32
    %dma_wait3A_292 = tpu.memref_slice %arg3[%select_n3A_9, %dma_wait3A] : memref<16x512xi32, #tpu.memory_space<hbm>> -> memref<1x512xi32, #tpu.memory_space<hbm>>
    %dma_wait3A_293 = tpu.memref_squeeze %dma_wait3A_292 : memref<1x512xi32, #tpu.memory_space<hbm>> -> memref<512xi32, #tpu.memory_space<hbm>>
    %dma_wait3A_294 = arith.constant 0 : i32
    %dma_wait3A_295 = tpu.memref_slice %arg3[%select_n3A_9, %dma_wait3A_294] : memref<16x512xi32, #tpu.memory_space<hbm>> -> memref<1x512xi32, #tpu.memory_space<hbm>>
    %dma_wait3A_296 = tpu.memref_squeeze %dma_wait3A_295 : memref<1x512xi32, #tpu.memory_space<hbm>> -> memref<512xi32, #tpu.memory_space<hbm>>
    tpu.wait_dma2 semaphore(%arg12 : memref<!tpu.dma_semaphore, #tpu.memory_space<semaphore_mem>>) src(%dma_wait3A_296 : memref<512xi32, #tpu.memory_space<hbm>>) dst(%arg6 : memref<512xi32, #tpu.memory_space<vmem>>)
    %broadcast_in_dim3A_297 = arith.constant 1 : i32
    %broadcast_in_dim3A_298 = vector.broadcast %broadcast_in_dim3A_297 : i32 to vector<16xi32>
    %get3A = arith.constant 0 : index
    %get3A_299 = tpu.vector_load %arg6[%get3A] {strides = array<i32>} : memref<512xi32, #tpu.memory_space<vmem>>, vector<16xi32>,
    %max3A = arith.constant 1 : i32
    %max3A_300 = vector.broadcast %max3A : i32 to vector<16xi32>
    %max3A_301 = arith.maxsi %get3A_299, %max3A_300 : vector<16xi32>
    %cumsum3A = arith.constant true
    %cumsum3A_302 = vector.broadcast %cumsum3A : i1 to vector<16xi1>
    %cumsum3A_303 = tpu.scan <sum>, %max3A_301 masked %cumsum3A_302 : vector<16xi32>, vector<16xi1> -> vector<16xi32>
    %add3A_304 = arith.constant 0 : i32
    %add3A_305 = vector.broadcast %add3A_304 : i32 to vector<16xi32>
    %add3A_306 = arith.addi %cumsum3A_303, %add3A_305 : vector<16xi32>
    %lt3A_307 = arith.constant 2048 : i32
    %lt3A_308 = vector.broadcast %lt3A_307 : i32 to vector<16xi32>
    %lt3A_309 = arith.cmpi slt, %add3A_306, %lt3A_308 : vector<16xi32>
    tpu.vector_store_idx %arg7[%add3A_306], %broadcast_in_dim3A_298 masked %lt3A_309 : memref<2048xi32, #tpu.memory_space<vmem>>[vector<16xi32>], vector<16xi32>, vector<16xi1>
    %reduce_sum3A = arith.constant true
    %reduce_sum3A_310 = vector.broadcast %reduce_sum3A : i1 to vector<16xi1>
    %reduce_sum3A_311 = tpu.scan <sum>, %max3A_301 masked %reduce_sum3A_310 : vector<16xi32>, vector<16xi1> -> vector<16xi32>
    %reduce_sum3A_312 = vector.extract %reduce_sum3A_311[15] : i32 from vector<16xi32>
    %add3A_313 = arith.constant 0 : i32
    %add3A_314 = arith.addi %add3A_313, %reduce_sum3A_312 : i32
    %get3A_315 = arith.constant 16 : index
    %get3A_316 = tpu.vector_load %arg6[%get3A_315] {strides = array<i32>} : memref<512xi32, #tpu.memory_space<vmem>>, vector<16xi32>,
    %max3A_317 = arith.constant 1 : i32
    %max3A_318 = vector.broadcast %max3A_317 : i32 to vector<16xi32>
    %max3A_319 = arith.maxsi %get3A_316, %max3A_318 : vector<16xi32>
    %cumsum3A_320 = arith.constant true
    %cumsum3A_321 = vector.broadcast %cumsum3A_320 : i1 to vector<16xi1>
    %cumsum3A_322 = tpu.scan <sum>, %max3A_319 masked %cumsum3A_321 : vector<16xi32>, vector<16xi1> -> vector<16xi32>
    %add3A_323 = vector.broadcast %add3A_314 : i32 to vector<16xi32>
    %add3A_324 = arith.addi %cumsum3A_322, %add3A_323 : vector<16xi32>
    %lt3A_325 = arith.constant 2048 : i32
    %lt3A_326 = vector.broadcast %lt3A_325 : i32 to vector<16xi32>
    %lt3A_327 = arith.cmpi slt, %add3A_324, %lt3A_326 : vector<16xi32>
    tpu.vector_store_idx %arg7[%add3A_324], %broadcast_in_dim3A_298 masked %lt3A_327 : memref<2048xi32, #tpu.memory_space<vmem>>[vector<16xi32>], vector<16xi32>, vector<16xi1>
    %reduce_sum3A_328 = arith.constant true
    %reduce_sum3A_329 = vector.broadcast %reduce_sum3A_328 : i1 to vector<16xi1>
    %reduce_sum3A_330 = tpu.scan <sum>, %max3A_319 masked %reduce_sum3A_329 : vector<16xi32>, vector<16xi1> -> vector<16xi32>
    %reduce_sum3A_331 = vector.extract %reduce_sum3A_330[15] : i32 from vector<16xi32>
    %add3A_332 = arith.addi %add3A_314, %reduce_sum3A_331 : i32
    %get3A_333 = arith.constant 32 : index
    %get3A_334 = tpu.vector_load %arg6[%get3A_333] {strides = array<i32>} : memref<512xi32, #tpu.memory_space<vmem>>, vector<16xi32>,
    %max3A_335 = arith.constant 1 : i32
    %max3A_336 = vector.broadcast %max3A_335 : i32 to vector<16xi32>
    %max3A_337 = arith.maxsi %get3A_334, %max3A_336 : vector<16xi32>
    %cumsum3A_338 = arith.constant true
    %cumsum3A_339 = vector.broadcast %cumsum3A_338 : i1 to vector<16xi1>
    %cumsum3A_340 = tpu.scan <sum>, %max3A_337 masked %cumsum3A_339 : vector<16xi32>, vector<16xi1> -> vector<16xi32>
    %add3A_341 = vector.broadcast %add3A_332 : i32 to vector<16xi32>
    %add3A_342 = arith.addi %cumsum3A_340, %add3A_341 : vector<16xi32>
    %lt3A_343 = arith.constant 2048 : i32
    %lt3A_344 = vector.broadcast %lt3A_343 : i32 to vector<16xi32>
    %lt3A_345 = arith.cmpi slt, %add3A_342, %lt3A_344 : vector<16xi32>
    tpu.vector_store_idx %arg7[%add3A_342], %broadcast_in_dim3A_298 masked %lt3A_345 : memref<2048xi32, #tpu.memory_space<vmem>>[vector<16xi32>], vector<16xi32>, vector<16xi1>
    %reduce_sum3A_346 = arith.constant true
    %reduce_sum3A_347 = vector.broadcast %reduce_sum3A_346 : i1 to vector<16xi1>
    %reduce_sum3A_348 = tpu.scan <sum>, %max3A_337 masked %reduce_sum3A_347 : vector<16xi32>, vector<16xi1> -> vector<16xi32>
    %reduce_sum3A_349 = vector.extract %reduce_sum3A_348[15] : i32 from vector<16xi32>
    %add3A_350 = arith.addi %add3A_332, %reduce_sum3A_349 : i32
    %get3A_351 = arith.constant 48 : index
    %get3A_352 = tpu.vector_load %arg6[%get3A_351] {strides = array<i32>} : memref<512xi32, #tpu.memory_space<vmem>>, vector<16xi32>,
    %max3A_353 = arith.constant 1 : i32
    %max3A_354 = vector.broadcast %max3A_353 : i32 to vector<16xi32>
    %max3A_355 = arith.maxsi %get3A_352, %max3A_354 : vector<16xi32>
    %cumsum3A_356 = arith.constant true
    %cumsum3A_357 = vector.broadcast %cumsum3A_356 : i1 to vector<16xi1>
    %cumsum3A_358 = tpu.scan <sum>, %max3A_355 masked %cumsum3A_357 : vector<16xi32>, vector<16xi1> -> vector<16xi32>
    %add3A_359 = vector.broadcast %add3A_350 : i32 to vector<16xi32>
    %add3A_360 = arith.addi %cumsum3A_358, %add3A_359 : vector<16xi32>
    %lt3A_361 = arith.constant 2048 : i32
    %lt3A_362 = vector.broadcast %lt3A_361 : i32 to vector<16xi32>
    %lt3A_363 = arith.cmpi slt, %add3A_360, %lt3A_362 : vector<16xi32>
    tpu.vector_store_idx %arg7[%add3A_360], %broadcast_in_dim3A_298 masked %lt3A_363 : memref<2048xi32, #tpu.memory_space<vmem>>[vector<16xi32>], vector<16xi32>, vector<16xi1>
    %reduce_sum3A_364 = arith.constant true
    %reduce_sum3A_365 = vector.broadcast %reduce_sum3A_364 : i1 to vector<16xi1>
    %reduce_sum3A_366 = tpu.scan <sum>, %max3A_355 masked %reduce_sum3A_365 : vector<16xi32>, vector<16xi1> -> vector<16xi32>
    %reduce_sum3A_367 = vector.extract %reduce_sum3A_366[15] : i32 from vector<16xi32>
    %add3A_368 = arith.addi %add3A_350, %reduce_sum3A_367 : i32
    %get3A_369 = arith.constant 64 : index
    %get3A_370 = tpu.vector_load %arg6[%get3A_369] {strides = array<i32>} : memref<512xi32, #tpu.memory_space<vmem>>, vector<16xi32>,
    %max3A_371 = arith.constant 1 : i32
    %max3A_372 = vector.broadcast %max3A_371 : i32 to vector<16xi32>
    %max3A_373 = arith.maxsi %get3A_370, %max3A_372 : vector<16xi32>
    %cumsum3A_374 = arith.constant true
    %cumsum3A_375 = vector.broadcast %cumsum3A_374 : i1 to vector<16xi1>
    %cumsum3A_376 = tpu.scan <sum>, %max3A_373 masked %cumsum3A_375 : vector<16xi32>, vector<16xi1> -> vector<16xi32>
    %add3A_377 = vector.broadcast %add3A_368 : i32 to vector<16xi32>
    %add3A_378 = arith.addi %cumsum3A_376, %add3A_377 : vector<16xi32>
    %lt3A_379 = arith.constant 2048 : i32
    %lt3A_380 = vector.broadcast %lt3A_379 : i32 to vector<16xi32>
    %lt3A_381 = arith.cmpi slt, %add3A_378, %lt3A_380 : vector<16xi32>
    tpu.vector_store_idx %arg7[%add3A_378], %broadcast_in_dim3A_298 masked %lt3A_381 : memref<2048xi32, #tpu.memory_space<vmem>>[vector<16xi32>], vector<16xi32>, vector<16xi1>
    %reduce_sum3A_382 = arith.constant true
    %reduce_sum3A_383 = vector.broadcast %reduce_sum3A_382 : i1 to vector<16xi1>
    %reduce_sum3A_384 = tpu.scan <sum>, %max3A_373 masked %reduce_sum3A_383 : vector<16xi32>, vector<16xi1> -> vector<16xi32>
    %reduce_sum3A_385 = vector.extract %reduce_sum3A_384[15] : i32 from vector<16xi32>
    %add3A_386 = arith.addi %add3A_368, %reduce_sum3A_385 : i32
    %get3A_387 = arith.constant 80 : index
    %get3A_388 = tpu.vector_load %arg6[%get3A_387] {strides = array<i32>} : memref<512xi32, #tpu.memory_space<vmem>>, vector<16xi32>,
    %max3A_389 = arith.constant 1 : i32
    %max3A_390 = vector.broadcast %max3A_389 : i32 to vector<16xi32>
    %max3A_391 = arith.maxsi %get3A_388, %max3A_390 : vector<16xi32>
    %cumsum3A_392 = arith.constant true
    %cumsum3A_393 = vector.broadcast %cumsum3A_392 : i1 to vector<16xi1>
    %cumsum3A_394 = tpu.scan <sum>, %max3A_391 masked %cumsum3A_393 : vector<16xi32>, vector<16xi1> -> vector<16xi32>
    %add3A_395 = vector.broadcast %add3A_386 : i32 to vector<16xi32>
    %add3A_396 = arith.addi %cumsum3A_394, %add3A_395 : vector<16xi32>
    %lt3A_397 = arith.constant 2048 : i32
    %lt3A_398 = vector.broadcast %lt3A_397 : i32 to vector<16xi32>
    %lt3A_399 = arith.cmpi slt, %add3A_396, %lt3A_398 : vector<16xi32>
    tpu.vector_store_idx %arg7[%add3A_396], %broadcast_in_dim3A_298 masked %lt3A_399 : memref<2048xi32, #tpu.memory_space<vmem>>[vector<16xi32>], vector<16xi32>, vector<16xi1>
    %reduce_sum3A_400 = arith.constant true
    %reduce_sum3A_401 = vector.broadcast %reduce_sum3A_400 : i1 to vector<16xi1>
    %reduce_sum3A_402 = tpu.scan <sum>, %max3A_391 masked %reduce_sum3A_401 : vector<16xi32>, vector<16xi1> -> vector<16xi32>
    %reduce_sum3A_403 = vector.extract %reduce_sum3A_402[15] : i32 from vector<16xi32>
    %add3A_404 = arith.addi %add3A_386, %reduce_sum3A_403 : i32
    %get3A_405 = arith.constant 96 : index
    %get3A_406 = tpu.vector_load %arg6[%get3A_405] {strides = array<i32>} : memref<512xi32, #tpu.memory_space<vmem>>, vector<16xi32>,
    %max3A_407 = arith.constant 1 : i32
    %max3A_408 = vector.broadcast %max3A_407 : i32 to vector<16xi32>
    %max3A_409 = arith.maxsi %get3A_406, %max3A_408 : vector<16xi32>
    %cumsum3A_410 = arith.constant true
    %cumsum3A_411 = vector.broadcast %cumsum3A_410 : i1 to vector<16xi1>
    %cumsum3A_412 = tpu.scan <sum>, %max3A_409 masked %cumsum3A_411 : vector<16xi32>, vector<16xi1> -> vector<16xi32>
    %add3A_413 = vector.broadcast %add3A_404 : i32 to vector<16xi32>
    %add3A_414 = arith.addi %cumsum3A_412, %add3A_413 : vector<16xi32>
    %lt3A_415 = arith.constant 2048 : i32
    %lt3A_416 = vector.broadcast %lt3A_415 : i32 to vector<16xi32>
    %lt3A_417 = arith.cmpi slt, %add3A_414, %lt3A_416 : vector<16xi32>
    tpu.vector_store_idx %arg7[%add3A_414], %broadcast_in_dim3A_298 masked %lt3A_417 : memref<2048xi32, #tpu.memory_space<vmem>>[vector<16xi32>], vector<16xi32>, vector<16xi1>
    %reduce_sum3A_418 = arith.constant true
    %reduce_sum3A_419 = vector.broadcast %reduce_sum3A_418 : i1 to vector<16xi1>
    %reduce_sum3A_420 = tpu.scan <sum>, %max3A_409 masked %reduce_sum3A_419 : vector<16xi32>, vector<16xi1> -> vector<16xi32>
    %reduce_sum3A_421 = vector.extract %reduce_sum3A_420[15] : i32 from vector<16xi32>
    %add3A_422 = arith.addi %add3A_404, %reduce_sum3A_421 : i32
    %get3A_423 = arith.constant 112 : index
    %get3A_424 = tpu.vector_load %arg6[%get3A_423] {strides = array<i32>} : memref<512xi32, #tpu.memory_space<vmem>>, vector<16xi32>,
    %max3A_425 = arith.constant 1 : i32
    %max3A_426 = vector.broadcast %max3A_425 : i32 to vector<16xi32>
    %max3A_427 = arith.maxsi %get3A_424, %max3A_426 : vector<16xi32>
    %cumsum3A_428 = arith.constant true
    %cumsum3A_429 = vector.broadcast %cumsum3A_428 : i1 to vector<16xi1>
    %cumsum3A_430 = tpu.scan <sum>, %max3A_427 masked %cumsum3A_429 : vector<16xi32>, vector<16xi1> -> vector<16xi32>
    %add3A_431 = vector.broadcast %add3A_422 : i32 to vector<16xi32>
    %add3A_432 = arith.addi %cumsum3A_430, %add3A_431 : vector<16xi32>
    %lt3A_433 = arith.constant 2048 : i32
    %lt3A_434 = vector.broadcast %lt3A_433 : i32 to vector<16xi32>
    %lt3A_435 = arith.cmpi slt, %add3A_432, %lt3A_434 : vector<16xi32>
    tpu.vector_store_idx %arg7[%add3A_432], %broadcast_in_dim3A_298 masked %lt3A_435 : memref<2048xi32, #tpu.memory_space<vmem>>[vector<16xi32>], vector<16xi32>, vector<16xi1>
    %reduce_sum3A_436 = arith.constant true
    %reduce_sum3A_437 = vector.broadcast %reduce_sum3A_436 : i1 to vector<16xi1>
    %reduce_sum3A_438 = tpu.scan <sum>, %max3A_427 masked %reduce_sum3A_437 : vector<16xi32>, vector<16xi1> -> vector<16xi32>
    %reduce_sum3A_439 = vector.extract %reduce_sum3A_438[15] : i32 from vector<16xi32>
    %add3A_440 = arith.addi %add3A_422, %reduce_sum3A_439 : i32
    %get3A_441 = arith.constant 128 : index
    %get3A_442 = tpu.vector_load %arg6[%get3A_441] {strides = array<i32>} : memref<512xi32, #tpu.memory_space<vmem>>, vector<16xi32>,
    %max3A_443 = arith.constant 1 : i32
    %max3A_444 = vector.broadcast %max3A_443 : i32 to vector<16xi32>
    %max3A_445 = arith.maxsi %get3A_442, %max3A_444 : vector<16xi32>
    %cumsum3A_446 = arith.constant true
    %cumsum3A_447 = vector.broadcast %cumsum3A_446 : i1 to vector<16xi1>
    %cumsum3A_448 = tpu.scan <sum>, %max3A_445 masked %cumsum3A_447 : vector<16xi32>, vector<16xi1> -> vector<16xi32>
    %add3A_449 = vector.broadcast %add3A_440 : i32 to vector<16xi32>
    %add3A_450 = arith.addi %cumsum3A_448, %add3A_449 : vector<16xi32>
    %lt3A_451 = arith.constant 2048 : i32
    %lt3A_452 = vector.broadcast %lt3A_451 : i32 to vector<16xi32>
    %lt3A_453 = arith.cmpi slt, %add3A_450, %lt3A_452 : vector<16xi32>
    tpu.vector_store_idx %arg7[%add3A_450], %broadcast_in_dim3A_298 masked %lt3A_453 : memref<2048xi32, #tpu.memory_space<vmem>>[vector<16xi32>], vector<16xi32>, vector<16xi1>
    %reduce_sum3A_454 = arith.constant true
    %reduce_sum3A_455 = vector.broadcast %reduce_sum3A_454 : i1 to vector<16xi1>
    %reduce_sum3A_456 = tpu.scan <sum>, %max3A_445 masked %reduce_sum3A_455 : vector<16xi32>, vector<16xi1> -> vector<16xi32>
    %reduce_sum3A_457 = vector.extract %reduce_sum3A_456[15] : i32 from vector<16xi32>
    %add3A_458 = arith.addi %add3A_440, %reduce_sum3A_457 : i32
    %get3A_459 = arith.constant 144 : index
    %get3A_460 = tpu.vector_load %arg6[%get3A_459] {strides = array<i32>} : memref<512xi32, #tpu.memory_space<vmem>>, vector<16xi32>,
    %max3A_461 = arith.constant 1 : i32
    %max3A_462 = vector.broadcast %max3A_461 : i32 to vector<16xi32>
    %max3A_463 = arith.maxsi %get3A_460, %max3A_462 : vector<16xi32>
    %cumsum3A_464 = arith.constant true
    %cumsum3A_465 = vector.broadcast %cumsum3A_464 : i1 to vector<16xi1>
    %cumsum3A_466 = tpu.scan <sum>, %max3A_463 masked %cumsum3A_465 : vector<16xi32>, vector<16xi1> -> vector<16xi32>
    %add3A_467 = vector.broadcast %add3A_458 : i32 to vector<16xi32>
    %add3A_468 = arith.addi %cumsum3A_466, %add3A_467 : vector<16xi32>
    %lt3A_469 = arith.constant 2048 : i32
    %lt3A_470 = vector.broadcast %lt3A_469 : i32 to vector<16xi32>
    %lt3A_471 = arith.cmpi slt, %add3A_468, %lt3A_470 : vector<16xi32>
    tpu.vector_store_idx %arg7[%add3A_468], %broadcast_in_dim3A_298 masked %lt3A_471 : memref<2048xi32, #tpu.memory_space<vmem>>[vector<16xi32>], vector<16xi32>, vector<16xi1>
    %reduce_sum3A_472 = arith.constant true
    %reduce_sum3A_473 = vector.broadcast %reduce_sum3A_472 : i1 to vector<16xi1>
    %reduce_sum3A_474 = tpu.scan <sum>, %max3A_463 masked %reduce_sum3A_473 : vector<16xi32>, vector<16xi1> -> vector<16xi32>
    %reduce_sum3A_475 = vector.extract %reduce_sum3A_474[15] : i32 from vector<16xi32>
    %add3A_476 = arith.addi %add3A_458, %reduce_sum3A_475 : i32
    %get3A_477 = arith.constant 160 : index
    %get3A_478 = tpu.vector_load %arg6[%get3A_477] {strides = array<i32>} : memref<512xi32, #tpu.memory_space<vmem>>, vector<16xi32>,
    %max3A_479 = arith.constant 1 : i32
    %max3A_480 = vector.broadcast %max3A_479 : i32 to vector<16xi32>
    %max3A_481 = arith.maxsi %get3A_478, %max3A_480 : vector<16xi32>
    %cumsum3A_482 = arith.constant true
    %cumsum3A_483 = vector.broadcast %cumsum3A_482 : i1 to vector<16xi1>
    %cumsum3A_484 = tpu.scan <sum>, %max3A_481 masked %cumsum3A_483 : vector<16xi32>, vector<16xi1> -> vector<16xi32>
    %add3A_485 = vector.broadcast %add3A_476 : i32 to vector<16xi32>
    %add3A_486 = arith.addi %cumsum3A_484, %add3A_485 : vector<16xi32>
    %lt3A_487 = arith.constant 2048 : i32
    %lt3A_488 = vector.broadcast %lt3A_487 : i32 to vector<16xi32>
    %lt3A_489 = arith.cmpi slt, %add3A_486, %lt3A_488 : vector<16xi32>
    tpu.vector_store_idx %arg7[%add3A_486], %broadcast_in_dim3A_298 masked %lt3A_489 : memref<2048xi32, #tpu.memory_space<vmem>>[vector<16xi32>], vector<16xi32>, vector<16xi1>
    %reduce_sum3A_490 = arith.constant true
    %reduce_sum3A_491 = vector.broadcast %reduce_sum3A_490 : i1 to vector<16xi1>
    %reduce_sum3A_492 = tpu.scan <sum>, %max3A_481 masked %reduce_sum3A_491 : vector<16xi32>, vector<16xi1> -> vector<16xi32>
    %reduce_sum3A_493 = vector.extract %reduce_sum3A_492[15] : i32 from vector<16xi32>
    %add3A_494 = arith.addi %add3A_476, %reduce_sum3A_493 : i32
    %get3A_495 = arith.constant 176 : index
    %get3A_496 = tpu.vector_load %arg6[%get3A_495] {strides = array<i32>} : memref<512xi32, #tpu.memory_space<vmem>>, vector<16xi32>,
    %max3A_497 = arith.constant 1 : i32
    %max3A_498 = vector.broadcast %max3A_497 : i32 to vector<16xi32>
    %max3A_499 = arith.maxsi %get3A_496, %max3A_498 : vector<16xi32>
    %cumsum3A_500 = arith.constant true
    %cumsum3A_501 = vector.broadcast %cumsum3A_500 : i1 to vector<16xi1>
    %cumsum3A_502 = tpu.scan <sum>, %max3A_499 masked %cumsum3A_501 : vector<16xi32>, vector<16xi1> -> vector<16xi32>
    %add3A_503 = vector.broadcast %add3A_494 : i32 to vector<16xi32>
    %add3A_504 = arith.addi %cumsum3A_502, %add3A_503 : vector<16xi32>
    %lt3A_505 = arith.constant 2048 : i32
    %lt3A_506 = vector.broadcast %lt3A_505 : i32 to vector<16xi32>
    %lt3A_507 = arith.cmpi slt, %add3A_504, %lt3A_506 : vector<16xi32>
    tpu.vector_store_idx %arg7[%add3A_504], %broadcast_in_dim3A_298 masked %lt3A_507 : memref<2048xi32, #tpu.memory_space<vmem>>[vector<16xi32>], vector<16xi32>, vector<16xi1>
    %reduce_sum3A_508 = arith.constant true
    %reduce_sum3A_509 = vector.broadcast %reduce_sum3A_508 : i1 to vector<16xi1>
    %reduce_sum3A_510 = tpu.scan <sum>, %max3A_499 masked %reduce_sum3A_509 : vector<16xi32>, vector<16xi1> -> vector<16xi32>
    %reduce_sum3A_511 = vector.extract %reduce_sum3A_510[15] : i32 from vector<16xi32>
    %add3A_512 = arith.addi %add3A_494, %reduce_sum3A_511 : i32
    %get3A_513 = arith.constant 192 : index
    %get3A_514 = tpu.vector_load %arg6[%get3A_513] {strides = array<i32>} : memref<512xi32, #tpu.memory_space<vmem>>, vector<16xi32>,
    %max3A_515 = arith.constant 1 : i32
    %max3A_516 = vector.broadcast %max3A_515 : i32 to vector<16xi32>
    %max3A_517 = arith.maxsi %get3A_514, %max3A_516 : vector<16xi32>
    %cumsum3A_518 = arith.constant true
    %cumsum3A_519 = vector.broadcast %cumsum3A_518 : i1 to vector<16xi1>
    %cumsum3A_520 = tpu.scan <sum>, %max3A_517 masked %cumsum3A_519 : vector<16xi32>, vector<16xi1> -> vector<16xi32>
    %add3A_521 = vector.broadcast %add3A_512 : i32 to vector<16xi32>
    %add3A_522 = arith.addi %cumsum3A_520, %add3A_521 : vector<16xi32>
    %lt3A_523 = arith.constant 2048 : i32
    %lt3A_524 = vector.broadcast %lt3A_523 : i32 to vector<16xi32>
    %lt3A_525 = arith.cmpi slt, %add3A_522, %lt3A_524 : vector<16xi32>
    tpu.vector_store_idx %arg7[%add3A_522], %broadcast_in_dim3A_298 masked %lt3A_525 : memref<2048xi32, #tpu.memory_space<vmem>>[vector<16xi32>], vector<16xi32>, vector<16xi1>
    %reduce_sum3A_526 = arith.constant true
    %reduce_sum3A_527 = vector.broadcast %reduce_sum3A_526 : i1 to vector<16xi1>
    %reduce_sum3A_528 = tpu.scan <sum>, %max3A_517 masked %reduce_sum3A_527 : vector<16xi32>, vector<16xi1> -> vector<16xi32>
    %reduce_sum3A_529 = vector.extract %reduce_sum3A_528[15] : i32 from vector<16xi32>
    %add3A_530 = arith.addi %add3A_512, %reduce_sum3A_529 : i32
    %get3A_531 = arith.constant 208 : index
    %get3A_532 = tpu.vector_load %arg6[%get3A_531] {strides = array<i32>} : memref<512xi32, #tpu.memory_space<vmem>>, vector<16xi32>,
    %max3A_533 = arith.constant 1 : i32
    %max3A_534 = vector.broadcast %max3A_533 : i32 to vector<16xi32>
    %max3A_535 = arith.maxsi %get3A_532, %max3A_534 : vector<16xi32>
    %cumsum3A_536 = arith.constant true
    %cumsum3A_537 = vector.broadcast %cumsum3A_536 : i1 to vector<16xi1>
    %cumsum3A_538 = tpu.scan <sum>, %max3A_535 masked %cumsum3A_537 : vector<16xi32>, vector<16xi1> -> vector<16xi32>
    %add3A_539 = vector.broadcast %add3A_530 : i32 to vector<16xi32>
    %add3A_540 = arith.addi %cumsum3A_538, %add3A_539 : vector<16xi32>
    %lt3A_541 = arith.constant 2048 : i32
    %lt3A_542 = vector.broadcast %lt3A_541 : i32 to vector<16xi32>
    %lt3A_543 = arith.cmpi slt, %add3A_540, %lt3A_542 : vector<16xi32>
    tpu.vector_store_idx %arg7[%add3A_540], %broadcast_in_dim3A_298 masked %lt3A_543 : memref<2048xi32, #tpu.memory_space<vmem>>[vector<16xi32>], vector<16xi32>, vector<16xi1>
    %reduce_sum3A_544 = arith.constant true
    %reduce_sum3A_545 = vector.broadcast %reduce_sum3A_544 : i1 to vector<16xi1>
    %reduce_sum3A_546 = tpu.scan <sum>, %max3A_535 masked %reduce_sum3A_545 : vector<16xi32>, vector<16xi1> -> vector<16xi32>
    %reduce_sum3A_547 = vector.extract %reduce_sum3A_546[15] : i32 from vector<16xi32>
    %add3A_548 = arith.addi %add3A_530, %reduce_sum3A_547 : i32
    %get3A_549 = arith.constant 224 : index
    %get3A_550 = tpu.vector_load %arg6[%get3A_549] {strides = array<i32>} : memref<512xi32, #tpu.memory_space<vmem>>, vector<16xi32>,
    %max3A_551 = arith.constant 1 : i32
    %max3A_552 = vector.broadcast %max3A_551 : i32 to vector<16xi32>
    %max3A_553 = arith.maxsi %get3A_550, %max3A_552 : vector<16xi32>
    %cumsum3A_554 = arith.constant true
    %cumsum3A_555 = vector.broadcast %cumsum3A_554 : i1 to vector<16xi1>
    %cumsum3A_556 = tpu.scan <sum>, %max3A_553 masked %cumsum3A_555 : vector<16xi32>, vector<16xi1> -> vector<16xi32>
    %add3A_557 = vector.broadcast %add3A_548 : i32 to vector<16xi32>
    %add3A_558 = arith.addi %cumsum3A_556, %add3A_557 : vector<16xi32>
    %lt3A_559 = arith.constant 2048 : i32
    %lt3A_560 = vector.broadcast %lt3A_559 : i32 to vector<16xi32>
    %lt3A_561 = arith.cmpi slt, %add3A_558, %lt3A_560 : vector<16xi32>
    tpu.vector_store_idx %arg7[%add3A_558], %broadcast_in_dim3A_298 masked %lt3A_561 : memref<2048xi32, #tpu.memory_space<vmem>>[vector<16xi32>], vector<16xi32>, vector<16xi1>
    %reduce_sum3A_562 = arith.constant true
    %reduce_sum3A_563 = vector.broadcast %reduce_sum3A_562 : i1 to vector<16xi1>
    %reduce_sum3A_564 = tpu.scan <sum>, %max3A_553 masked %reduce_sum3A_563 : vector<16xi32>, vector<16xi1> -> vector<16xi32>
    %reduce_sum3A_565 = vector.extract %reduce_sum3A_564[15] : i32 from vector<16xi32>
    %add3A_566 = arith.addi %add3A_548, %reduce_sum3A_565 : i32
    %get3A_567 = arith.constant 240 : index
    %get3A_568 = tpu.vector_load %arg6[%get3A_567] {strides = array<i32>} : memref<512xi32, #tpu.memory_space<vmem>>, vector<16xi32>,
    %max3A_569 = arith.constant 1 : i32
    %max3A_570 = vector.broadcast %max3A_569 : i32 to vector<16xi32>
    %max3A_571 = arith.maxsi %get3A_568, %max3A_570 : vector<16xi32>
    %cumsum3A_572 = arith.constant true
    %cumsum3A_573 = vector.broadcast %cumsum3A_572 : i1 to vector<16xi1>
    %cumsum3A_574 = tpu.scan <sum>, %max3A_571 masked %cumsum3A_573 : vector<16xi32>, vector<16xi1> -> vector<16xi32>
    %add3A_575 = vector.broadcast %add3A_566 : i32 to vector<16xi32>
    %add3A_576 = arith.addi %cumsum3A_574, %add3A_575 : vector<16xi32>
    %lt3A_577 = arith.constant 2048 : i32
    %lt3A_578 = vector.broadcast %lt3A_577 : i32 to vector<16xi32>
    %lt3A_579 = arith.cmpi slt, %add3A_576, %lt3A_578 : vector<16xi32>
    tpu.vector_store_idx %arg7[%add3A_576], %broadcast_in_dim3A_298 masked %lt3A_579 : memref<2048xi32, #tpu.memory_space<vmem>>[vector<16xi32>], vector<16xi32>, vector<16xi1>
    %reduce_sum3A_580 = arith.constant true
    %reduce_sum3A_581 = vector.broadcast %reduce_sum3A_580 : i1 to vector<16xi1>
    %reduce_sum3A_582 = tpu.scan <sum>, %max3A_571 masked %reduce_sum3A_581 : vector<16xi32>, vector<16xi1> -> vector<16xi32>
    %reduce_sum3A_583 = vector.extract %reduce_sum3A_582[15] : i32 from vector<16xi32>
    %add3A_584 = arith.addi %add3A_566, %reduce_sum3A_583 : i32
    %get3A_585 = arith.constant 256 : index
    %get3A_586 = tpu.vector_load %arg6[%get3A_585] {strides = array<i32>} : memref<512xi32, #tpu.memory_space<vmem>>, vector<16xi32>,
    %max3A_587 = arith.constant 1 : i32
    %max3A_588 = vector.broadcast %max3A_587 : i32 to vector<16xi32>
    %max3A_589 = arith.maxsi %get3A_586, %max3A_588 : vector<16xi32>
    %cumsum3A_590 = arith.constant true
    %cumsum3A_591 = vector.broadcast %cumsum3A_590 : i1 to vector<16xi1>
    %cumsum3A_592 = tpu.scan <sum>, %max3A_589 masked %cumsum3A_591 : vector<16xi32>, vector<16xi1> -> vector<16xi32>
    %add3A_593 = vector.broadcast %add3A_584 : i32 to vector<16xi32>
    %add3A_594 = arith.addi %cumsum3A_592, %add3A_593 : vector<16xi32>
    %lt3A_595 = arith.constant 2048 : i32
    %lt3A_596 = vector.broadcast %lt3A_595 : i32 to vector<16xi32>
    %lt3A_597 = arith.cmpi slt, %add3A_594, %lt3A_596 : vector<16xi32>
    tpu.vector_store_idx %arg7[%add3A_594], %broadcast_in_dim3A_298 masked %lt3A_597 : memref<2048xi32, #tpu.memory_space<vmem>>[vector<16xi32>], vector<16xi32>, vector<16xi1>
    %reduce_sum3A_598 = arith.constant true
    %reduce_sum3A_599 = vector.broadcast %reduce_sum3A_598 : i1 to vector<16xi1>
    %reduce_sum3A_600 = tpu.scan <sum>, %max3A_589 masked %reduce_sum3A_599 : vector<16xi32>, vector<16xi1> -> vector<16xi32>
    %reduce_sum3A_601 = vector.extract %reduce_sum3A_600[15] : i32 from vector<16xi32>
    %add3A_602 = arith.addi %add3A_584, %reduce_sum3A_601 : i32
    %get3A_603 = arith.constant 272 : index
    %get3A_604 = tpu.vector_load %arg6[%get3A_603] {strides = array<i32>} : memref<512xi32, #tpu.memory_space<vmem>>, vector<16xi32>,
    %max3A_605 = arith.constant 1 : i32
    %max3A_606 = vector.broadcast %max3A_605 : i32 to vector<16xi32>
    %max3A_607 = arith.maxsi %get3A_604, %max3A_606 : vector<16xi32>
    %cumsum3A_608 = arith.constant true
    %cumsum3A_609 = vector.broadcast %cumsum3A_608 : i1 to vector<16xi1>
    %cumsum3A_610 = tpu.scan <sum>, %max3A_607 masked %cumsum3A_609 : vector<16xi32>, vector<16xi1> -> vector<16xi32>
    %add3A_611 = vector.broadcast %add3A_602 : i32 to vector<16xi32>
    %add3A_612 = arith.addi %cumsum3A_610, %add3A_611 : vector<16xi32>
    %lt3A_613 = arith.constant 2048 : i32
    %lt3A_614 = vector.broadcast %lt3A_613 : i32 to vector<16xi32>
    %lt3A_615 = arith.cmpi slt, %add3A_612, %lt3A_614 : vector<16xi32>
    tpu.vector_store_idx %arg7[%add3A_612], %broadcast_in_dim3A_298 masked %lt3A_615 : memref<2048xi32, #tpu.memory_space<vmem>>[vector<16xi32>], vector<16xi32>, vector<16xi1>
    %reduce_sum3A_616 = arith.constant true
    %reduce_sum3A_617 = vector.broadcast %reduce_sum3A_616 : i1 to vector<16xi1>
    %reduce_sum3A_618 = tpu.scan <sum>, %max3A_607 masked %reduce_sum3A_617 : vector<16xi32>, vector<16xi1> -> vector<16xi32>
    %reduce_sum3A_619 = vector.extract %reduce_sum3A_618[15] : i32 from vector<16xi32>
    %add3A_620 = arith.addi %add3A_602, %reduce_sum3A_619 : i32
    %get3A_621 = arith.constant 288 : index
    %get3A_622 = tpu.vector_load %arg6[%get3A_621] {strides = array<i32>} : memref<512xi32, #tpu.memory_space<vmem>>, vector<16xi32>,
    %max3A_623 = arith.constant 1 : i32
    %max3A_624 = vector.broadcast %max3A_623 : i32 to vector<16xi32>
    %max3A_625 = arith.maxsi %get3A_622, %max3A_624 : vector<16xi32>
    %cumsum3A_626 = arith.constant true
    %cumsum3A_627 = vector.broadcast %cumsum3A_626 : i1 to vector<16xi1>
    %cumsum3A_628 = tpu.scan <sum>, %max3A_625 masked %cumsum3A_627 : vector<16xi32>, vector<16xi1> -> vector<16xi32>
    %add3A_629 = vector.broadcast %add3A_620 : i32 to vector<16xi32>
    %add3A_630 = arith.addi %cumsum3A_628, %add3A_629 : vector<16xi32>
    %lt3A_631 = arith.constant 2048 : i32
    %lt3A_632 = vector.broadcast %lt3A_631 : i32 to vector<16xi32>
    %lt3A_633 = arith.cmpi slt, %add3A_630, %lt3A_632 : vector<16xi32>
    tpu.vector_store_idx %arg7[%add3A_630], %broadcast_in_dim3A_298 masked %lt3A_633 : memref<2048xi32, #tpu.memory_space<vmem>>[vector<16xi32>], vector<16xi32>, vector<16xi1>
    %reduce_sum3A_634 = arith.constant true
    %reduce_sum3A_635 = vector.broadcast %reduce_sum3A_634 : i1 to vector<16xi1>
    %reduce_sum3A_636 = tpu.scan <sum>, %max3A_625 masked %reduce_sum3A_635 : vector<16xi32>, vector<16xi1> -> vector<16xi32>
    %reduce_sum3A_637 = vector.extract %reduce_sum3A_636[15] : i32 from vector<16xi32>
    %add3A_638 = arith.addi %add3A_620, %reduce_sum3A_637 : i32
    %get3A_639 = arith.constant 304 : index
    %get3A_640 = tpu.vector_load %arg6[%get3A_639] {strides = array<i32>} : memref<512xi32, #tpu.memory_space<vmem>>, vector<16xi32>,
    %max3A_641 = arith.constant 1 : i32
    %max3A_642 = vector.broadcast %max3A_641 : i32 to vector<16xi32>
    %max3A_643 = arith.maxsi %get3A_640, %max3A_642 : vector<16xi32>
    %cumsum3A_644 = arith.constant true
    %cumsum3A_645 = vector.broadcast %cumsum3A_644 : i1 to vector<16xi1>
    %cumsum3A_646 = tpu.scan <sum>, %max3A_643 masked %cumsum3A_645 : vector<16xi32>, vector<16xi1> -> vector<16xi32>
    %add3A_647 = vector.broadcast %add3A_638 : i32 to vector<16xi32>
    %add3A_648 = arith.addi %cumsum3A_646, %add3A_647 : vector<16xi32>
    %lt3A_649 = arith.constant 2048 : i32
    %lt3A_650 = vector.broadcast %lt3A_649 : i32 to vector<16xi32>
    %lt3A_651 = arith.cmpi slt, %add3A_648, %lt3A_650 : vector<16xi32>
    tpu.vector_store_idx %arg7[%add3A_648], %broadcast_in_dim3A_298 masked %lt3A_651 : memref<2048xi32, #tpu.memory_space<vmem>>[vector<16xi32>], vector<16xi32>, vector<16xi1>
    %reduce_sum3A_652 = arith.constant true
    %reduce_sum3A_653 = vector.broadcast %reduce_sum3A_652 : i1 to vector<16xi1>
    %reduce_sum3A_654 = tpu.scan <sum>, %max3A_643 masked %reduce_sum3A_653 : vector<16xi32>, vector<16xi1> -> vector<16xi32>
    %reduce_sum3A_655 = vector.extract %reduce_sum3A_654[15] : i32 from vector<16xi32>
    %add3A_656 = arith.addi %add3A_638, %reduce_sum3A_655 : i32
    %get3A_657 = arith.constant 320 : index
    %get3A_658 = tpu.vector_load %arg6[%get3A_657] {strides = array<i32>} : memref<512xi32, #tpu.memory_space<vmem>>, vector<16xi32>,
    %max3A_659 = arith.constant 1 : i32
    %max3A_660 = vector.broadcast %max3A_659 : i32 to vector<16xi32>
    %max3A_661 = arith.maxsi %get3A_658, %max3A_660 : vector<16xi32>
    %cumsum3A_662 = arith.constant true
    %cumsum3A_663 = vector.broadcast %cumsum3A_662 : i1 to vector<16xi1>
    %cumsum3A_664 = tpu.scan <sum>, %max3A_661 masked %cumsum3A_663 : vector<16xi32>, vector<16xi1> -> vector<16xi32>
    %add3A_665 = vector.broadcast %add3A_656 : i32 to vector<16xi32>
    %add3A_666 = arith.addi %cumsum3A_664, %add3A_665 : vector<16xi32>
    %lt3A_667 = arith.constant 2048 : i32
    %lt3A_668 = vector.broadcast %lt3A_667 : i32 to vector<16xi32>
    %lt3A_669 = arith.cmpi slt, %add3A_666, %lt3A_668 : vector<16xi32>
    tpu.vector_store_idx %arg7[%add3A_666], %broadcast_in_dim3A_298 masked %lt3A_669 : memref<2048xi32, #tpu.memory_space<vmem>>[vector<16xi32>], vector<16xi32>, vector<16xi1>
    %reduce_sum3A_670 = arith.constant true
    %reduce_sum3A_671 = vector.broadcast %reduce_sum3A_670 : i1 to vector<16xi1>
    %reduce_sum3A_672 = tpu.scan <sum>, %max3A_661 masked %reduce_sum3A_671 : vector<16xi32>, vector<16xi1> -> vector<16xi32>
    %reduce_sum3A_673 = vector.extract %reduce_sum3A_672[15] : i32 from vector<16xi32>
    %add3A_674 = arith.addi %add3A_656, %reduce_sum3A_673 : i32
    %get3A_675 = arith.constant 336 : index
    %get3A_676 = tpu.vector_load %arg6[%get3A_675] {strides = array<i32>} : memref<512xi32, #tpu.memory_space<vmem>>, vector<16xi32>,
    %max3A_677 = arith.constant 1 : i32
    %max3A_678 = vector.broadcast %max3A_677 : i32 to vector<16xi32>
    %max3A_679 = arith.maxsi %get3A_676, %max3A_678 : vector<16xi32>
    %cumsum3A_680 = arith.constant true
    %cumsum3A_681 = vector.broadcast %cumsum3A_680 : i1 to vector<16xi1>
    %cumsum3A_682 = tpu.scan <sum>, %max3A_679 masked %cumsum3A_681 : vector<16xi32>, vector<16xi1> -> vector<16xi32>
    %add3A_683 = vector.broadcast %add3A_674 : i32 to vector<16xi32>
    %add3A_684 = arith.addi %cumsum3A_682, %add3A_683 : vector<16xi32>
    %lt3A_685 = arith.constant 2048 : i32
    %lt3A_686 = vector.broadcast %lt3A_685 : i32 to vector<16xi32>
    %lt3A_687 = arith.cmpi slt, %add3A_684, %lt3A_686 : vector<16xi32>
    tpu.vector_store_idx %arg7[%add3A_684], %broadcast_in_dim3A_298 masked %lt3A_687 : memref<2048xi32, #tpu.memory_space<vmem>>[vector<16xi32>], vector<16xi32>, vector<16xi1>
    %reduce_sum3A_688 = arith.constant true
    %reduce_sum3A_689 = vector.broadcast %reduce_sum3A_688 : i1 to vector<16xi1>
    %reduce_sum3A_690 = tpu.scan <sum>, %max3A_679 masked %reduce_sum3A_689 : vector<16xi32>, vector<16xi1> -> vector<16xi32>
    %reduce_sum3A_691 = vector.extract %reduce_sum3A_690[15] : i32 from vector<16xi32>
    %add3A_692 = arith.addi %add3A_674, %reduce_sum3A_691 : i32
    %get3A_693 = arith.constant 352 : index
    %get3A_694 = tpu.vector_load %arg6[%get3A_693] {strides = array<i32>} : memref<512xi32, #tpu.memory_space<vmem>>, vector<16xi32>,
    %max3A_695 = arith.constant 1 : i32
    %max3A_696 = vector.broadcast %max3A_695 : i32 to vector<16xi32>
    %max3A_697 = arith.maxsi %get3A_694, %max3A_696 : vector<16xi32>
    %cumsum3A_698 = arith.constant true
    %cumsum3A_699 = vector.broadcast %cumsum3A_698 : i1 to vector<16xi1>
    %cumsum3A_700 = tpu.scan <sum>, %max3A_697 masked %cumsum3A_699 : vector<16xi32>, vector<16xi1> -> vector<16xi32>
    %add3A_701 = vector.broadcast %add3A_692 : i32 to vector<16xi32>
    %add3A_702 = arith.addi %cumsum3A_700, %add3A_701 : vector<16xi32>
    %lt3A_703 = arith.constant 2048 : i32
    %lt3A_704 = vector.broadcast %lt3A_703 : i32 to vector<16xi32>
    %lt3A_705 = arith.cmpi slt, %add3A_702, %lt3A_704 : vector<16xi32>
    tpu.vector_store_idx %arg7[%add3A_702], %broadcast_in_dim3A_298 masked %lt3A_705 : memref<2048xi32, #tpu.memory_space<vmem>>[vector<16xi32>], vector<16xi32>, vector<16xi1>
    %reduce_sum3A_706 = arith.constant true
    %reduce_sum3A_707 = vector.broadcast %reduce_sum3A_706 : i1 to vector<16xi1>
    %reduce_sum3A_708 = tpu.scan <sum>, %max3A_697 masked %reduce_sum3A_707 : vector<16xi32>, vector<16xi1> -> vector<16xi32>
    %reduce_sum3A_709 = vector.extract %reduce_sum3A_708[15] : i32 from vector<16xi32>
    %add3A_710 = arith.addi %add3A_692, %reduce_sum3A_709 : i32
    %get3A_711 = arith.constant 368 : index
    %get3A_712 = tpu.vector_load %arg6[%get3A_711] {strides = array<i32>} : memref<512xi32, #tpu.memory_space<vmem>>, vector<16xi32>,
    %max3A_713 = arith.constant 1 : i32
    %max3A_714 = vector.broadcast %max3A_713 : i32 to vector<16xi32>
    %max3A_715 = arith.maxsi %get3A_712, %max3A_714 : vector<16xi32>
    %cumsum3A_716 = arith.constant true
    %cumsum3A_717 = vector.broadcast %cumsum3A_716 : i1 to vector<16xi1>
    %cumsum3A_718 = tpu.scan <sum>, %max3A_715 masked %cumsum3A_717 : vector<16xi32>, vector<16xi1> -> vector<16xi32>
    %add3A_719 = vector.broadcast %add3A_710 : i32 to vector<16xi32>
    %add3A_720 = arith.addi %cumsum3A_718, %add3A_719 : vector<16xi32>
    %lt3A_721 = arith.constant 2048 : i32
    %lt3A_722 = vector.broadcast %lt3A_721 : i32 to vector<16xi32>
    %lt3A_723 = arith.cmpi slt, %add3A_720, %lt3A_722 : vector<16xi32>
    tpu.vector_store_idx %arg7[%add3A_720], %broadcast_in_dim3A_298 masked %lt3A_723 : memref<2048xi32, #tpu.memory_space<vmem>>[vector<16xi32>], vector<16xi32>, vector<16xi1>
    %reduce_sum3A_724 = arith.constant true
    %reduce_sum3A_725 = vector.broadcast %reduce_sum3A_724 : i1 to vector<16xi1>
    %reduce_sum3A_726 = tpu.scan <sum>, %max3A_715 masked %reduce_sum3A_725 : vector<16xi32>, vector<16xi1> -> vector<16xi32>
    %reduce_sum3A_727 = vector.extract %reduce_sum3A_726[15] : i32 from vector<16xi32>
    %add3A_728 = arith.addi %add3A_710, %reduce_sum3A_727 : i32
    %get3A_729 = arith.constant 384 : index
    %get3A_730 = tpu.vector_load %arg6[%get3A_729] {strides = array<i32>} : memref<512xi32, #tpu.memory_space<vmem>>, vector<16xi32>,
    %max3A_731 = arith.constant 1 : i32
    %max3A_732 = vector.broadcast %max3A_731 : i32 to vector<16xi32>
    %max3A_733 = arith.maxsi %get3A_730, %max3A_732 : vector<16xi32>
    %cumsum3A_734 = arith.constant true
    %cumsum3A_735 = vector.broadcast %cumsum3A_734 : i1 to vector<16xi1>
    %cumsum3A_736 = tpu.scan <sum>, %max3A_733 masked %cumsum3A_735 : vector<16xi32>, vector<16xi1> -> vector<16xi32>
    %add3A_737 = vector.broadcast %add3A_728 : i32 to vector<16xi32>
    %add3A_738 = arith.addi %cumsum3A_736, %add3A_737 : vector<16xi32>
    %lt3A_739 = arith.constant 2048 : i32
    %lt3A_740 = vector.broadcast %lt3A_739 : i32 to vector<16xi32>
    %lt3A_741 = arith.cmpi slt, %add3A_738, %lt3A_740 : vector<16xi32>
    tpu.vector_store_idx %arg7[%add3A_738], %broadcast_in_dim3A_298 masked %lt3A_741 : memref<2048xi32, #tpu.memory_space<vmem>>[vector<16xi32>], vector<16xi32>, vector<16xi1>
    %reduce_sum3A_742 = arith.constant true
    %reduce_sum3A_743 = vector.broadcast %reduce_sum3A_742 : i1 to vector<16xi1>
    %reduce_sum3A_744 = tpu.scan <sum>, %max3A_733 masked %reduce_sum3A_743 : vector<16xi32>, vector<16xi1> -> vector<16xi32>
    %reduce_sum3A_745 = vector.extract %reduce_sum3A_744[15] : i32 from vector<16xi32>
    %add3A_746 = arith.addi %add3A_728, %reduce_sum3A_745 : i32
    %get3A_747 = arith.constant 400 : index
    %get3A_748 = tpu.vector_load %arg6[%get3A_747] {strides = array<i32>} : memref<512xi32, #tpu.memory_space<vmem>>, vector<16xi32>,
    %max3A_749 = arith.constant 1 : i32
    %max3A_750 = vector.broadcast %max3A_749 : i32 to vector<16xi32>
    %max3A_751 = arith.maxsi %get3A_748, %max3A_750 : vector<16xi32>
    %cumsum3A_752 = arith.constant true
    %cumsum3A_753 = vector.broadcast %cumsum3A_752 : i1 to vector<16xi1>
    %cumsum3A_754 = tpu.scan <sum>, %max3A_751 masked %cumsum3A_753 : vector<16xi32>, vector<16xi1> -> vector<16xi32>
    %add3A_755 = vector.broadcast %add3A_746 : i32 to vector<16xi32>
    %add3A_756 = arith.addi %cumsum3A_754, %add3A_755 : vector<16xi32>
    %lt3A_757 = arith.constant 2048 : i32
    %lt3A_758 = vector.broadcast %lt3A_757 : i32 to vector<16xi32>
    %lt3A_759 = arith.cmpi slt, %add3A_756, %lt3A_758 : vector<16xi32>
    tpu.vector_store_idx %arg7[%add3A_756], %broadcast_in_dim3A_298 masked %lt3A_759 : memref<2048xi32, #tpu.memory_space<vmem>>[vector<16xi32>], vector<16xi32>, vector<16xi1>
    %reduce_sum3A_760 = arith.constant true
    %reduce_sum3A_761 = vector.broadcast %reduce_sum3A_760 : i1 to vector<16xi1>
    %reduce_sum3A_762 = tpu.scan <sum>, %max3A_751 masked %reduce_sum3A_761 : vector<16xi32>, vector<16xi1> -> vector<16xi32>
    %reduce_sum3A_763 = vector.extract %reduce_sum3A_762[15] : i32 from vector<16xi32>
    %add3A_764 = arith.addi %add3A_746, %reduce_sum3A_763 : i32
    %get3A_765 = arith.constant 416 : index
    %get3A_766 = tpu.vector_load %arg6[%get3A_765] {strides = array<i32>} : memref<512xi32, #tpu.memory_space<vmem>>, vector<16xi32>,
    %max3A_767 = arith.constant 1 : i32
    %max3A_768 = vector.broadcast %max3A_767 : i32 to vector<16xi32>
    %max3A_769 = arith.maxsi %get3A_766, %max3A_768 : vector<16xi32>
    %cumsum3A_770 = arith.constant true
    %cumsum3A_771 = vector.broadcast %cumsum3A_770 : i1 to vector<16xi1>
    %cumsum3A_772 = tpu.scan <sum>, %max3A_769 masked %cumsum3A_771 : vector<16xi32>, vector<16xi1> -> vector<16xi32>
    %add3A_773 = vector.broadcast %add3A_764 : i32 to vector<16xi32>
    %add3A_774 = arith.addi %cumsum3A_772, %add3A_773 : vector<16xi32>
    %lt3A_775 = arith.constant 2048 : i32
    %lt3A_776 = vector.broadcast %lt3A_775 : i32 to vector<16xi32>
    %lt3A_777 = arith.cmpi slt, %add3A_774, %lt3A_776 : vector<16xi32>
    tpu.vector_store_idx %arg7[%add3A_774], %broadcast_in_dim3A_298 masked %lt3A_777 : memref<2048xi32, #tpu.memory_space<vmem>>[vector<16xi32>], vector<16xi32>, vector<16xi1>
    %reduce_sum3A_778 = arith.constant true
    %reduce_sum3A_779 = vector.broadcast %reduce_sum3A_778 : i1 to vector<16xi1>
    %reduce_sum3A_780 = tpu.scan <sum>, %max3A_769 masked %reduce_sum3A_779 : vector<16xi32>, vector<16xi1> -> vector<16xi32>
    %reduce_sum3A_781 = vector.extract %reduce_sum3A_780[15] : i32 from vector<16xi32>
    %add3A_782 = arith.addi %add3A_764, %reduce_sum3A_781 : i32
    %get3A_783 = arith.constant 432 : index
    %get3A_784 = tpu.vector_load %arg6[%get3A_783] {strides = array<i32>} : memref<512xi32, #tpu.memory_space<vmem>>, vector<16xi32>,
    %max3A_785 = arith.constant 1 : i32
    %max3A_786 = vector.broadcast %max3A_785 : i32 to vector<16xi32>
    %max3A_787 = arith.maxsi %get3A_784, %max3A_786 : vector<16xi32>
    %cumsum3A_788 = arith.constant true
    %cumsum3A_789 = vector.broadcast %cumsum3A_788 : i1 to vector<16xi1>
    %cumsum3A_790 = tpu.scan <sum>, %max3A_787 masked %cumsum3A_789 : vector<16xi32>, vector<16xi1> -> vector<16xi32>
    %add3A_791 = vector.broadcast %add3A_782 : i32 to vector<16xi32>
    %add3A_792 = arith.addi %cumsum3A_790, %add3A_791 : vector<16xi32>
    %lt3A_793 = arith.constant 2048 : i32
    %lt3A_794 = vector.broadcast %lt3A_793 : i32 to vector<16xi32>
    %lt3A_795 = arith.cmpi slt, %add3A_792, %lt3A_794 : vector<16xi32>
    tpu.vector_store_idx %arg7[%add3A_792], %broadcast_in_dim3A_298 masked %lt3A_795 : memref<2048xi32, #tpu.memory_space<vmem>>[vector<16xi32>], vector<16xi32>, vector<16xi1>
    %reduce_sum3A_796 = arith.constant true
    %reduce_sum3A_797 = vector.broadcast %reduce_sum3A_796 : i1 to vector<16xi1>
    %reduce_sum3A_798 = tpu.scan <sum>, %max3A_787 masked %reduce_sum3A_797 : vector<16xi32>, vector<16xi1> -> vector<16xi32>
    %reduce_sum3A_799 = vector.extract %reduce_sum3A_798[15] : i32 from vector<16xi32>
    %add3A_800 = arith.addi %add3A_782, %reduce_sum3A_799 : i32
    %get3A_801 = arith.constant 448 : index
    %get3A_802 = tpu.vector_load %arg6[%get3A_801] {strides = array<i32>} : memref<512xi32, #tpu.memory_space<vmem>>, vector<16xi32>,
    %max3A_803 = arith.constant 1 : i32
    %max3A_804 = vector.broadcast %max3A_803 : i32 to vector<16xi32>
    %max3A_805 = arith.maxsi %get3A_802, %max3A_804 : vector<16xi32>
    %cumsum3A_806 = arith.constant true
    %cumsum3A_807 = vector.broadcast %cumsum3A_806 : i1 to vector<16xi1>
    %cumsum3A_808 = tpu.scan <sum>, %max3A_805 masked %cumsum3A_807 : vector<16xi32>, vector<16xi1> -> vector<16xi32>
    %add3A_809 = vector.broadcast %add3A_800 : i32 to vector<16xi32>
    %add3A_810 = arith.addi %cumsum3A_808, %add3A_809 : vector<16xi32>
    %lt3A_811 = arith.constant 2048 : i32
    %lt3A_812 = vector.broadcast %lt3A_811 : i32 to vector<16xi32>
    %lt3A_813 = arith.cmpi slt, %add3A_810, %lt3A_812 : vector<16xi32>
    tpu.vector_store_idx %arg7[%add3A_810], %broadcast_in_dim3A_298 masked %lt3A_813 : memref<2048xi32, #tpu.memory_space<vmem>>[vector<16xi32>], vector<16xi32>, vector<16xi1>
    %reduce_sum3A_814 = arith.constant true
    %reduce_sum3A_815 = vector.broadcast %reduce_sum3A_814 : i1 to vector<16xi1>
    %reduce_sum3A_816 = tpu.scan <sum>, %max3A_805 masked %reduce_sum3A_815 : vector<16xi32>, vector<16xi1> -> vector<16xi32>
    %reduce_sum3A_817 = vector.extract %reduce_sum3A_816[15] : i32 from vector<16xi32>
    %add3A_818 = arith.addi %add3A_800, %reduce_sum3A_817 : i32
    %get3A_819 = arith.constant 464 : index
    %get3A_820 = tpu.vector_load %arg6[%get3A_819] {strides = array<i32>} : memref<512xi32, #tpu.memory_space<vmem>>, vector<16xi32>,
    %max3A_821 = arith.constant 1 : i32
    %max3A_822 = vector.broadcast %max3A_821 : i32 to vector<16xi32>
    %max3A_823 = arith.maxsi %get3A_820, %max3A_822 : vector<16xi32>
    %cumsum3A_824 = arith.constant true
    %cumsum3A_825 = vector.broadcast %cumsum3A_824 : i1 to vector<16xi1>
    %cumsum3A_826 = tpu.scan <sum>, %max3A_823 masked %cumsum3A_825 : vector<16xi32>, vector<16xi1> -> vector<16xi32>
    %add3A_827 = vector.broadcast %add3A_818 : i32 to vector<16xi32>
    %add3A_828 = arith.addi %cumsum3A_826, %add3A_827 : vector<16xi32>
    %lt3A_829 = arith.constant 2048 : i32
    %lt3A_830 = vector.broadcast %lt3A_829 : i32 to vector<16xi32>
    %lt3A_831 = arith.cmpi slt, %add3A_828, %lt3A_830 : vector<16xi32>
    tpu.vector_store_idx %arg7[%add3A_828], %broadcast_in_dim3A_298 masked %lt3A_831 : memref<2048xi32, #tpu.memory_space<vmem>>[vector<16xi32>], vector<16xi32>, vector<16xi1>
    %reduce_sum3A_832 = arith.constant true
    %reduce_sum3A_833 = vector.broadcast %reduce_sum3A_832 : i1 to vector<16xi1>
    %reduce_sum3A_834 = tpu.scan <sum>, %max3A_823 masked %reduce_sum3A_833 : vector<16xi32>, vector<16xi1> -> vector<16xi32>
    %reduce_sum3A_835 = vector.extract %reduce_sum3A_834[15] : i32 from vector<16xi32>
    %add3A_836 = arith.addi %add3A_818, %reduce_sum3A_835 : i32
    %get3A_837 = arith.constant 480 : index
    %get3A_838 = tpu.vector_load %arg6[%get3A_837] {strides = array<i32>} : memref<512xi32, #tpu.memory_space<vmem>>, vector<16xi32>,
    %max3A_839 = arith.constant 1 : i32
    %max3A_840 = vector.broadcast %max3A_839 : i32 to vector<16xi32>
    %max3A_841 = arith.maxsi %get3A_838, %max3A_840 : vector<16xi32>
    %cumsum3A_842 = arith.constant true
    %cumsum3A_843 = vector.broadcast %cumsum3A_842 : i1 to vector<16xi1>
    %cumsum3A_844 = tpu.scan <sum>, %max3A_841 masked %cumsum3A_843 : vector<16xi32>, vector<16xi1> -> vector<16xi32>
    %add3A_845 = vector.broadcast %add3A_836 : i32 to vector<16xi32>
    %add3A_846 = arith.addi %cumsum3A_844, %add3A_845 : vector<16xi32>
    %lt3A_847 = arith.constant 2048 : i32
    %lt3A_848 = vector.broadcast %lt3A_847 : i32 to vector<16xi32>
    %lt3A_849 = arith.cmpi slt, %add3A_846, %lt3A_848 : vector<16xi32>
    tpu.vector_store_idx %arg7[%add3A_846], %broadcast_in_dim3A_298 masked %lt3A_849 : memref<2048xi32, #tpu.memory_space<vmem>>[vector<16xi32>], vector<16xi32>, vector<16xi1>
    %reduce_sum3A_850 = arith.constant true
    %reduce_sum3A_851 = vector.broadcast %reduce_sum3A_850 : i1 to vector<16xi1>
    %reduce_sum3A_852 = tpu.scan <sum>, %max3A_841 masked %reduce_sum3A_851 : vector<16xi32>, vector<16xi1> -> vector<16xi32>
    %reduce_sum3A_853 = vector.extract %reduce_sum3A_852[15] : i32 from vector<16xi32>
    %add3A_854 = arith.addi %add3A_836, %reduce_sum3A_853 : i32
    %get3A_855 = arith.constant 496 : index
    %get3A_856 = tpu.vector_load %arg6[%get3A_855] {strides = array<i32>} : memref<512xi32, #tpu.memory_space<vmem>>, vector<16xi32>,
    %max3A_857 = arith.constant 1 : i32
    %max3A_858 = vector.broadcast %max3A_857 : i32 to vector<16xi32>
    %max3A_859 = arith.maxsi %get3A_856, %max3A_858 : vector<16xi32>
    %cumsum3A_860 = arith.constant true
    %cumsum3A_861 = vector.broadcast %cumsum3A_860 : i1 to vector<16xi1>
    %cumsum3A_862 = tpu.scan <sum>, %max3A_859 masked %cumsum3A_861 : vector<16xi32>, vector<16xi1> -> vector<16xi32>
    %add3A_863 = vector.broadcast %add3A_854 : i32 to vector<16xi32>
    %add3A_864 = arith.addi %cumsum3A_862, %add3A_863 : vector<16xi32>
    %lt3A_865 = arith.constant 2048 : i32
    %lt3A_866 = vector.broadcast %lt3A_865 : i32 to vector<16xi32>
    %lt3A_867 = arith.cmpi slt, %add3A_864, %lt3A_866 : vector<16xi32>
    tpu.vector_store_idx %arg7[%add3A_864], %broadcast_in_dim3A_298 masked %lt3A_867 : memref<2048xi32, #tpu.memory_space<vmem>>[vector<16xi32>], vector<16xi32>, vector<16xi1>
    %reduce_sum3A_868 = arith.constant true
    %reduce_sum3A_869 = vector.broadcast %reduce_sum3A_868 : i1 to vector<16xi1>
    %reduce_sum3A_870 = tpu.scan <sum>, %max3A_859 masked %reduce_sum3A_869 : vector<16xi32>, vector<16xi1> -> vector<16xi32>
    %reduce_sum3A_871 = vector.extract %reduce_sum3A_870[15] : i32 from vector<16xi32>
    %add3A_872 = arith.addi %add3A_854, %reduce_sum3A_871 : i32
    %mul3A_873 = arith.constant 2 : i32
    %mul3A_874 = arith.muli %select_n3A_30, %mul3A_873 : i32
    %mul3A_875 = arith.constant 128 : i32
    %mul3A_876 = arith.muli %select_n3A_30, %mul3A_875 : i32
    %mul3A_877 = arith.constant 2048 : i32
    %mul3A_878 = arith.muli %select_n3A_9, %mul3A_877 : i32
    %add3A_879 = arith.addi %mul3A_878, %mul3A_876 : i32
    %add3A_880 = arith.constant 64 : i32
    %add3A_881 = arith.addi %mul3A_876, %add3A_880 : i32
    %sub3A_882 = arith.subi %add3A_872, %add3A_881 : i32
    %le3A = arith.constant 0 : i32
    %le3A_883 = arith.cmpi sle, %sub3A_882, %le3A : i32
    %convert_element_type3A = arith.extui %le3A_883 : i1 to i32
    %cond3A = arith.constant 0 : i32
    %cond3A_884 = arith.cmpi ne, %convert_element_type3A, %cond3A : i32
    scf.if %cond3A_884 {
      "tpu.region"() ({
        %run_scoped3A = tpu.sem_alloc : memref<!tpu.dma_semaphore, #tpu.memory_space<semaphore_mem>>
        tpu.enqueue_dma source(%arg4 : memref<64x384xf32, #tpu.memory_space<hbm>>) target(%arg11 : memref<64x384xf32, #tpu.memory_space<vmem>>) target_semaphore(%run_scoped3A : memref<!tpu.dma_semaphore, #tpu.memory_space<semaphore_mem>>)
        tpu.wait_dma2 semaphore(%run_scoped3A : memref<!tpu.dma_semaphore, #tpu.memory_space<semaphore_mem>>) src(%arg4 : memref<64x384xf32, #tpu.memory_space<hbm>>) dst(%arg11 : memref<64x384xf32, #tpu.memory_space<vmem>>)
        tpu.yield
      }) : () -> ()
    } else {
    }
    %mul3A_885 = arith.constant 512 : i32
    %mul3A_886 = arith.muli %select_n3A_9, %mul3A_885 : i32
    %get3A_887 = arith.constant 0 : index
    %get3A_888 = tpu.vector_load %arg7[%get3A_887] {strides = array<i32>} : memref<2048xi32, #tpu.memory_space<vmem>>, vector<16xi32>,
    %cumsum3A_889 = arith.constant true
    %cumsum3A_890 = vector.broadcast %cumsum3A_889 : i1 to vector<16xi1>
    %cumsum3A_891 = tpu.scan <sum>, %get3A_888 masked %cumsum3A_890 : vector<16xi32>, vector<16xi1> -> vector<16xi32>
    %add3A_892 = arith.constant 0 : i32
    %add3A_893 = arith.addi %add3A_892, %mul3A_886 : i32
    %add3A_894 = vector.broadcast %add3A_893 : i32 to vector<16xi32>
    %add3A_895 = arith.addi %cumsum3A_891, %add3A_894 : vector<16xi32>
    %add3A_896 = arith.constant 512 : i32
    %add3A_897 = arith.addi %mul3A_886, %add3A_896 : i32
    %sub3A_898 = arith.constant 1 : i32
    %sub3A_899 = arith.subi %add3A_897, %sub3A_898 : i32
    %min3A = vector.broadcast %sub3A_899 : i32 to vector<16xi32>
    %min3A_900 = arith.minsi %add3A_895, %min3A : vector<16xi32>
    %swap3A_901 = arith.constant 0 : i32
    %swap3A_902 = arith.index_cast %swap3A_901 : i32 to index
    %swap3A_903 = arith.constant 0 : index
    %swap3A_904 = tpu.vector_load %arg8[%swap3A_902, %swap3A_903] {strides = array<i32>} : memref<32x64xi32, #tpu.memory_space<vmem>>, vector<16xi32>,
    tpu.vector_store %arg8[%swap3A_902, %swap3A_903], %min3A_900 {strides = array<i32>} : memref<32x64xi32, #tpu.memory_space<vmem>>, vector<16xi32>,
    %reduce_sum3A_905 = arith.constant true
    %reduce_sum3A_906 = vector.broadcast %reduce_sum3A_905 : i1 to vector<16xi1>
    %reduce_sum3A_907 = tpu.scan <sum>, %get3A_888 masked %reduce_sum3A_906 : vector<16xi32>, vector<16xi1> -> vector<16xi32>
    %reduce_sum3A_908 = vector.extract %reduce_sum3A_907[15] : i32 from vector<16xi32>
    %add3A_909 = arith.constant 0 : i32
    %add3A_910 = arith.addi %add3A_909, %reduce_sum3A_908 : i32
    %get3A_911 = arith.constant 16 : index
    %get3A_912 = tpu.vector_load %arg7[%get3A_911] {strides = array<i32>} : memref<2048xi32, #tpu.memory_space<vmem>>, vector<16xi32>,
    %cumsum3A_913 = arith.constant true
    %cumsum3A_914 = vector.broadcast %cumsum3A_913 : i1 to vector<16xi1>
    %cumsum3A_915 = tpu.scan <sum>, %get3A_912 masked %cumsum3A_914 : vector<16xi32>, vector<16xi1> -> vector<16xi32>
    %add3A_916 = arith.addi %add3A_910, %mul3A_886 : i32
    %add3A_917 = vector.broadcast %add3A_916 : i32 to vector<16xi32>
    %add3A_918 = arith.addi %cumsum3A_915, %add3A_917 : vector<16xi32>
    %add3A_919 = arith.constant 512 : i32
    %add3A_920 = arith.addi %mul3A_886, %add3A_919 : i32
    %sub3A_921 = arith.constant 1 : i32
    %sub3A_922 = arith.subi %add3A_920, %sub3A_921 : i32
    %min3A_923 = vector.broadcast %sub3A_922 : i32 to vector<16xi32>
    %min3A_924 = arith.minsi %add3A_918, %min3A_923 : vector<16xi32>
    %swap3A_925 = arith.constant 0 : i32
    %swap3A_926 = arith.index_cast %swap3A_925 : i32 to index
    %swap3A_927 = arith.constant 16 : index
    %swap3A_928 = tpu.vector_load %arg8[%swap3A_926, %swap3A_927] {strides = array<i32>} : memref<32x64xi32, #tpu.memory_space<vmem>>, vector<16xi32>,
    tpu.vector_store %arg8[%swap3A_926, %swap3A_927], %min3A_924 {strides = array<i32>} : memref<32x64xi32, #tpu.memory_space<vmem>>, vector<16xi32>,
    %reduce_sum3A_929 = arith.constant true
    %reduce_sum3A_930 = vector.broadcast %reduce_sum3A_929 : i1 to vector<16xi1>
    %reduce_sum3A_931 = tpu.scan <sum>, %get3A_912 masked %reduce_sum3A_930 : vector<16xi32>, vector<16xi1> -> vector<16xi32>
    %reduce_sum3A_932 = vector.extract %reduce_sum3A_931[15] : i32 from vector<16xi32>
    %add3A_933 = arith.addi %add3A_910, %reduce_sum3A_932 : i32
    %get3A_934 = arith.constant 32 : index
    %get3A_935 = tpu.vector_load %arg7[%get3A_934] {strides = array<i32>} : memref<2048xi32, #tpu.memory_space<vmem>>, vector<16xi32>,
    %cumsum3A_936 = arith.constant true
    %cumsum3A_937 = vector.broadcast %cumsum3A_936 : i1 to vector<16xi1>
    %cumsum3A_938 = tpu.scan <sum>, %get3A_935 masked %cumsum3A_937 : vector<16xi32>, vector<16xi1> -> vector<16xi32>
    %add3A_939 = arith.addi %add3A_933, %mul3A_886 : i32
    %add3A_940 = vector.broadcast %add3A_939 : i32 to vector<16xi32>
    %add3A_941 = arith.addi %cumsum3A_938, %add3A_940 : vector<16xi32>
    %add3A_942 = arith.constant 512 : i32
    %add3A_943 = arith.addi %mul3A_886, %add3A_942 : i32
    %sub3A_944 = arith.constant 1 : i32
    %sub3A_945 = arith.subi %add3A_943, %sub3A_944 : i32
    %min3A_946 = vector.broadcast %sub3A_945 : i32 to vector<16xi32>
    %min3A_947 = arith.minsi %add3A_941, %min3A_946 : vector<16xi32>
    %swap3A_948 = arith.constant 0 : i32
    %swap3A_949 = arith.index_cast %swap3A_948 : i32 to index
    %swap3A_950 = arith.constant 32 : index
    %swap3A_951 = tpu.vector_load %arg8[%swap3A_949, %swap3A_950] {strides = array<i32>} : memref<32x64xi32, #tpu.memory_space<vmem>>, vector<16xi32>,
    tpu.vector_store %arg8[%swap3A_949, %swap3A_950], %min3A_947 {strides = array<i32>} : memref<32x64xi32, #tpu.memory_space<vmem>>, vector<16xi32>,
    %reduce_sum3A_952 = arith.constant true
    %reduce_sum3A_953 = vector.broadcast %reduce_sum3A_952 : i1 to vector<16xi1>
    %reduce_sum3A_954 = tpu.scan <sum>, %get3A_935 masked %reduce_sum3A_953 : vector<16xi32>, vector<16xi1> -> vector<16xi32>
    %reduce_sum3A_955 = vector.extract %reduce_sum3A_954[15] : i32 from vector<16xi32>
    %add3A_956 = arith.addi %add3A_933, %reduce_sum3A_955 : i32
    %get3A_957 = arith.constant 48 : index
    %get3A_958 = tpu.vector_load %arg7[%get3A_957] {strides = array<i32>} : memref<2048xi32, #tpu.memory_space<vmem>>, vector<16xi32>,
    %cumsum3A_959 = arith.constant true
    %cumsum3A_960 = vector.broadcast %cumsum3A_959 : i1 to vector<16xi1>
    %cumsum3A_961 = tpu.scan <sum>, %get3A_958 masked %cumsum3A_960 : vector<16xi32>, vector<16xi1> -> vector<16xi32>
    %add3A_962 = arith.addi %add3A_956, %mul3A_886 : i32
    %add3A_963 = vector.broadcast %add3A_962 : i32 to vector<16xi32>
    %add3A_964 = arith.addi %cumsum3A_961, %add3A_963 : vector<16xi32>
    %add3A_965 = arith.constant 512 : i32
    %add3A_966 = arith.addi %mul3A_886, %add3A_965 : i32
    %sub3A_967 = arith.constant 1 : i32
    %sub3A_968 = arith.subi %add3A_966, %sub3A_967 : i32
    %min3A_969 = vector.broadcast %sub3A_968 : i32 to vector<16xi32>
    %min3A_970 = arith.minsi %add3A_964, %min3A_969 : vector<16xi32>
    %swap3A_971 = arith.constant 0 : i32
    %swap3A_972 = arith.index_cast %swap3A_971 : i32 to index
    %swap3A_973 = arith.constant 48 : index
    %swap3A_974 = tpu.vector_load %arg8[%swap3A_972, %swap3A_973] {strides = array<i32>} : memref<32x64xi32, #tpu.memory_space<vmem>>, vector<16xi32>,
    tpu.vector_store %arg8[%swap3A_972, %swap3A_973], %min3A_970 {strides = array<i32>} : memref<32x64xi32, #tpu.memory_space<vmem>>, vector<16xi32>,
    %reduce_sum3A_975 = arith.constant true
    %reduce_sum3A_976 = vector.broadcast %reduce_sum3A_975 : i1 to vector<16xi1>
    %reduce_sum3A_977 = tpu.scan <sum>, %get3A_958 masked %reduce_sum3A_976 : vector<16xi32>, vector<16xi1> -> vector<16xi32>
    %reduce_sum3A_978 = vector.extract %reduce_sum3A_977[15] : i32 from vector<16xi32>
    %add3A_979 = arith.addi %add3A_956, %reduce_sum3A_978 : i32
    %get3A_980 = arith.constant 64 : index
    %get3A_981 = tpu.vector_load %arg7[%get3A_980] {strides = array<i32>} : memref<2048xi32, #tpu.memory_space<vmem>>, vector<16xi32>,
    %cumsum3A_982 = arith.constant true
    %cumsum3A_983 = vector.broadcast %cumsum3A_982 : i1 to vector<16xi1>
    %cumsum3A_984 = tpu.scan <sum>, %get3A_981 masked %cumsum3A_983 : vector<16xi32>, vector<16xi1> -> vector<16xi32>
    %add3A_985 = arith.addi %add3A_979, %mul3A_886 : i32
    %add3A_986 = vector.broadcast %add3A_985 : i32 to vector<16xi32>
    %add3A_987 = arith.addi %cumsum3A_984, %add3A_986 : vector<16xi32>
    %add3A_988 = arith.constant 512 : i32
    %add3A_989 = arith.addi %mul3A_886, %add3A_988 : i32
    %sub3A_990 = arith.constant 1 : i32
    %sub3A_991 = arith.subi %add3A_989, %sub3A_990 : i32
    %min3A_992 = vector.broadcast %sub3A_991 : i32 to vector<16xi32>
    %min3A_993 = arith.minsi %add3A_987, %min3A_992 : vector<16xi32>
    %swap3A_994 = arith.constant 1 : i32
    %swap3A_995 = arith.index_cast %swap3A_994 : i32 to index
    %swap3A_996 = arith.constant 0 : index
    %swap3A_997 = tpu.vector_load %arg8[%swap3A_995, %swap3A_996] {strides = array<i32>} : memref<32x64xi32, #tpu.memory_space<vmem>>, vector<16xi32>,
    tpu.vector_store %arg8[%swap3A_995, %swap3A_996], %min3A_993 {strides = array<i32>} : memref<32x64xi32, #tpu.memory_space<vmem>>, vector<16xi32>,
    %reduce_sum3A_998 = arith.constant true
    %reduce_sum3A_999 = vector.broadcast %reduce_sum3A_998 : i1 to vector<16xi1>
    %reduce_sum3A_1000 = tpu.scan <sum>, %get3A_981 masked %reduce_sum3A_999 : vector<16xi32>, vector<16xi1> -> vector<16xi32>
    %reduce_sum3A_1001 = vector.extract %reduce_sum3A_1000[15] : i32 from vector<16xi32>
    %add3A_1002 = arith.addi %add3A_979, %reduce_sum3A_1001 : i32
    %get3A_1003 = arith.constant 80 : index
    %get3A_1004 = tpu.vector_load %arg7[%get3A_1003] {strides = array<i32>} : memref<2048xi32, #tpu.memory_space<vmem>>, vector<16xi32>,
    %cumsum3A_1005 = arith.constant true
    %cumsum3A_1006 = vector.broadcast %cumsum3A_1005 : i1 to vector<16xi1>
    %cumsum3A_1007 = tpu.scan <sum>, %get3A_1004 masked %cumsum3A_1006 : vector<16xi32>, vector<16xi1> -> vector<16xi32>
    %add3A_1008 = arith.addi %add3A_1002, %mul3A_886 : i32
    %add3A_1009 = vector.broadcast %add3A_1008 : i32 to vector<16xi32>
    %add3A_1010 = arith.addi %cumsum3A_1007, %add3A_1009 : vector<16xi32>
    %add3A_1011 = arith.constant 512 : i32
    %add3A_1012 = arith.addi %mul3A_886, %add3A_1011 : i32
    %sub3A_1013 = arith.constant 1 : i32
    %sub3A_1014 = arith.subi %add3A_1012, %sub3A_1013 : i32
    %min3A_1015 = vector.broadcast %sub3A_1014 : i32 to vector<16xi32>
    %min3A_1016 = arith.minsi %add3A_1010, %min3A_1015 : vector<16xi32>
    %swap3A_1017 = arith.constant 1 : i32
    %swap3A_1018 = arith.index_cast %swap3A_1017 : i32 to index
    %swap3A_1019 = arith.constant 16 : index
    %swap3A_1020 = tpu.vector_load %arg8[%swap3A_1018, %swap3A_1019] {strides = array<i32>} : memref<32x64xi32, #tpu.memory_space<vmem>>, vector<16xi32>,
    tpu.vector_store %arg8[%swap3A_1018, %swap3A_1019], %min3A_1016 {strides = array<i32>} : memref<32x64xi32, #tpu.memory_space<vmem>>, vector<16xi32>,
    %reduce_sum3A_1021 = arith.constant true
    %reduce_sum3A_1022 = vector.broadcast %reduce_sum3A_1021 : i1 to vector<16xi1>
    %reduce_sum3A_1023 = tpu.scan <sum>, %get3A_1004 masked %reduce_sum3A_1022 : vector<16xi32>, vector<16xi1> -> vector<16xi32>
    %reduce_sum3A_1024 = vector.extract %reduce_sum3A_1023[15] : i32 from vector<16xi32>
    %add3A_1025 = arith.addi %add3A_1002, %reduce_sum3A_1024 : i32
    %get3A_1026 = arith.constant 96 : index
    %get3A_1027 = tpu.vector_load %arg7[%get3A_1026] {strides = array<i32>} : memref<2048xi32, #tpu.memory_space<vmem>>, vector<16xi32>,
    %cumsum3A_1028 = arith.constant true
    %cumsum3A_1029 = vector.broadcast %cumsum3A_1028 : i1 to vector<16xi1>
    %cumsum3A_1030 = tpu.scan <sum>, %get3A_1027 masked %cumsum3A_1029 : vector<16xi32>, vector<16xi1> -> vector<16xi32>
    %add3A_1031 = arith.addi %add3A_1025, %mul3A_886 : i32
    %add3A_1032 = vector.broadcast %add3A_1031 : i32 to vector<16xi32>
    %add3A_1033 = arith.addi %cumsum3A_1030, %add3A_1032 : vector<16xi32>
    %add3A_1034 = arith.constant 512 : i32
    %add3A_1035 = arith.addi %mul3A_886, %add3A_1034 : i32
    %sub3A_1036 = arith.constant 1 : i32
    %sub3A_1037 = arith.subi %add3A_1035, %sub3A_1036 : i32
    %min3A_1038 = vector.broadcast %sub3A_1037 : i32 to vector<16xi32>
    %min3A_1039 = arith.minsi %add3A_1033, %min3A_1038 : vector<16xi32>
    %swap3A_1040 = arith.constant 1 : i32
    %swap3A_1041 = arith.index_cast %swap3A_1040 : i32 to index
    %swap3A_1042 = arith.constant 32 : index
    %swap3A_1043 = tpu.vector_load %arg8[%swap3A_1041, %swap3A_1042] {strides = array<i32>} : memref<32x64xi32, #tpu.memory_space<vmem>>, vector<16xi32>,
    tpu.vector_store %arg8[%swap3A_1041, %swap3A_1042], %min3A_1039 {strides = array<i32>} : memref<32x64xi32, #tpu.memory_space<vmem>>, vector<16xi32>,
    %reduce_sum3A_1044 = arith.constant true
    %reduce_sum3A_1045 = vector.broadcast %reduce_sum3A_1044 : i1 to vector<16xi1>
    %reduce_sum3A_1046 = tpu.scan <sum>, %get3A_1027 masked %reduce_sum3A_1045 : vector<16xi32>, vector<16xi1> -> vector<16xi32>
    %reduce_sum3A_1047 = vector.extract %reduce_sum3A_1046[15] : i32 from vector<16xi32>
    %add3A_1048 = arith.addi %add3A_1025, %reduce_sum3A_1047 : i32
    %get3A_1049 = arith.constant 112 : index
    %get3A_1050 = tpu.vector_load %arg7[%get3A_1049] {strides = array<i32>} : memref<2048xi32, #tpu.memory_space<vmem>>, vector<16xi32>,
    %cumsum3A_1051 = arith.constant true
    %cumsum3A_1052 = vector.broadcast %cumsum3A_1051 : i1 to vector<16xi1>
    %cumsum3A_1053 = tpu.scan <sum>, %get3A_1050 masked %cumsum3A_1052 : vector<16xi32>, vector<16xi1> -> vector<16xi32>
    %add3A_1054 = arith.addi %add3A_1048, %mul3A_886 : i32
    %add3A_1055 = vector.broadcast %add3A_1054 : i32 to vector<16xi32>
    %add3A_1056 = arith.addi %cumsum3A_1053, %add3A_1055 : vector<16xi32>
    %add3A_1057 = arith.constant 512 : i32
    %add3A_1058 = arith.addi %mul3A_886, %add3A_1057 : i32
    %sub3A_1059 = arith.constant 1 : i32
    %sub3A_1060 = arith.subi %add3A_1058, %sub3A_1059 : i32
    %min3A_1061 = vector.broadcast %sub3A_1060 : i32 to vector<16xi32>
    %min3A_1062 = arith.minsi %add3A_1056, %min3A_1061 : vector<16xi32>
    %swap3A_1063 = arith.constant 1 : i32
    %swap3A_1064 = arith.index_cast %swap3A_1063 : i32 to index
    %swap3A_1065 = arith.constant 48 : index
    %swap3A_1066 = tpu.vector_load %arg8[%swap3A_1064, %swap3A_1065] {strides = array<i32>} : memref<32x64xi32, #tpu.memory_space<vmem>>, vector<16xi32>,
    tpu.vector_store %arg8[%swap3A_1064, %swap3A_1065], %min3A_1062 {strides = array<i32>} : memref<32x64xi32, #tpu.memory_space<vmem>>, vector<16xi32>,
    %reduce_sum3A_1067 = arith.constant true
    %reduce_sum3A_1068 = vector.broadcast %reduce_sum3A_1067 : i1 to vector<16xi1>
    %reduce_sum3A_1069 = tpu.scan <sum>, %get3A_1050 masked %reduce_sum3A_1068 : vector<16xi32>, vector<16xi1> -> vector<16xi32>
    %reduce_sum3A_1070 = vector.extract %reduce_sum3A_1069[15] : i32 from vector<16xi32>
    %add3A_1071 = arith.addi %add3A_1048, %reduce_sum3A_1070 : i32
    %get3A_1072 = arith.constant 128 : index
    %get3A_1073 = tpu.vector_load %arg7[%get3A_1072] {strides = array<i32>} : memref<2048xi32, #tpu.memory_space<vmem>>, vector<16xi32>,
    %cumsum3A_1074 = arith.constant true
    %cumsum3A_1075 = vector.broadcast %cumsum3A_1074 : i1 to vector<16xi1>
    %cumsum3A_1076 = tpu.scan <sum>, %get3A_1073 masked %cumsum3A_1075 : vector<16xi32>, vector<16xi1> -> vector<16xi32>
    %add3A_1077 = arith.addi %add3A_1071, %mul3A_886 : i32
    %add3A_1078 = vector.broadcast %add3A_1077 : i32 to vector<16xi32>
    %add3A_1079 = arith.addi %cumsum3A_1076, %add3A_1078 : vector<16xi32>
    %add3A_1080 = arith.constant 512 : i32
    %add3A_1081 = arith.addi %mul3A_886, %add3A_1080 : i32
    %sub3A_1082 = arith.constant 1 : i32
    %sub3A_1083 = arith.subi %add3A_1081, %sub3A_1082 : i32
    %min3A_1084 = vector.broadcast %sub3A_1083 : i32 to vector<16xi32>
    %min3A_1085 = arith.minsi %add3A_1079, %min3A_1084 : vector<16xi32>
    %swap3A_1086 = arith.constant 2 : i32
    %swap3A_1087 = arith.index_cast %swap3A_1086 : i32 to index
    %swap3A_1088 = arith.constant 0 : index
    %swap3A_1089 = tpu.vector_load %arg8[%swap3A_1087, %swap3A_1088] {strides = array<i32>} : memref<32x64xi32, #tpu.memory_space<vmem>>, vector<16xi32>,
    tpu.vector_store %arg8[%swap3A_1087, %swap3A_1088], %min3A_1085 {strides = array<i32>} : memref<32x64xi32, #tpu.memory_space<vmem>>, vector<16xi32>,
    %reduce_sum3A_1090 = arith.constant true
    %reduce_sum3A_1091 = vector.broadcast %reduce_sum3A_1090 : i1 to vector<16xi1>
    %reduce_sum3A_1092 = tpu.scan <sum>, %get3A_1073 masked %reduce_sum3A_1091 : vector<16xi32>, vector<16xi1> -> vector<16xi32>
    %reduce_sum3A_1093 = vector.extract %reduce_sum3A_1092[15] : i32 from vector<16xi32>
    %add3A_1094 = arith.addi %add3A_1071, %reduce_sum3A_1093 : i32
    %get3A_1095 = arith.constant 144 : index
    %get3A_1096 = tpu.vector_load %arg7[%get3A_1095] {strides = array<i32>} : memref<2048xi32, #tpu.memory_space<vmem>>, vector<16xi32>,
    %cumsum3A_1097 = arith.constant true
    %cumsum3A_1098 = vector.broadcast %cumsum3A_1097 : i1 to vector<16xi1>
    %cumsum3A_1099 = tpu.scan <sum>, %get3A_1096 masked %cumsum3A_1098 : vector<16xi32>, vector<16xi1> -> vector<16xi32>
    %add3A_1100 = arith.addi %add3A_1094, %mul3A_886 : i32
    %add3A_1101 = vector.broadcast %add3A_1100 : i32 to vector<16xi32>
    %add3A_1102 = arith.addi %cumsum3A_1099, %add3A_1101 : vector<16xi32>
    %add3A_1103 = arith.constant 512 : i32
    %add3A_1104 = arith.addi %mul3A_886, %add3A_1103 : i32
    %sub3A_1105 = arith.constant 1 : i32
    %sub3A_1106 = arith.subi %add3A_1104, %sub3A_1105 : i32
    %min3A_1107 = vector.broadcast %sub3A_1106 : i32 to vector<16xi32>
    %min3A_1108 = arith.minsi %add3A_1102, %min3A_1107 : vector<16xi32>
    %swap3A_1109 = arith.constant 2 : i32
    %swap3A_1110 = arith.index_cast %swap3A_1109 : i32 to index
    %swap3A_1111 = arith.constant 16 : index
    %swap3A_1112 = tpu.vector_load %arg8[%swap3A_1110, %swap3A_1111] {strides = array<i32>} : memref<32x64xi32, #tpu.memory_space<vmem>>, vector<16xi32>,
    tpu.vector_store %arg8[%swap3A_1110, %swap3A_1111], %min3A_1108 {strides = array<i32>} : memref<32x64xi32, #tpu.memory_space<vmem>>, vector<16xi32>,
    %reduce_sum3A_1113 = arith.constant true
    %reduce_sum3A_1114 = vector.broadcast %reduce_sum3A_1113 : i1 to vector<16xi1>
    %reduce_sum3A_1115 = tpu.scan <sum>, %get3A_1096 masked %reduce_sum3A_1114 : vector<16xi32>, vector<16xi1> -> vector<16xi32>
    %reduce_sum3A_1116 = vector.extract %reduce_sum3A_1115[15] : i32 from vector<16xi32>
    %add3A_1117 = arith.addi %add3A_1094, %reduce_sum3A_1116 : i32
    %get3A_1118 = arith.constant 160 : index
    %get3A_1119 = tpu.vector_load %arg7[%get3A_1118] {strides = array<i32>} : memref<2048xi32, #tpu.memory_space<vmem>>, vector<16xi32>,
    %cumsum3A_1120 = arith.constant true
    %cumsum3A_1121 = vector.broadcast %cumsum3A_1120 : i1 to vector<16xi1>
    %cumsum3A_1122 = tpu.scan <sum>, %get3A_1119 masked %cumsum3A_1121 : vector<16xi32>, vector<16xi1> -> vector<16xi32>
    %add3A_1123 = arith.addi %add3A_1117, %mul3A_886 : i32
    %add3A_1124 = vector.broadcast %add3A_1123 : i32 to vector<16xi32>
    %add3A_1125 = arith.addi %cumsum3A_1122, %add3A_1124 : vector<16xi32>
    %add3A_1126 = arith.constant 512 : i32
    %add3A_1127 = arith.addi %mul3A_886, %add3A_1126 : i32
    %sub3A_1128 = arith.constant 1 : i32
    %sub3A_1129 = arith.subi %add3A_1127, %sub3A_1128 : i32
    %min3A_1130 = vector.broadcast %sub3A_1129 : i32 to vector<16xi32>
    %min3A_1131 = arith.minsi %add3A_1125, %min3A_1130 : vector<16xi32>
    %swap3A_1132 = arith.constant 2 : i32
    %swap3A_1133 = arith.index_cast %swap3A_1132 : i32 to index
    %swap3A_1134 = arith.constant 32 : index
    %swap3A_1135 = tpu.vector_load %arg8[%swap3A_1133, %swap3A_1134] {strides = array<i32>} : memref<32x64xi32, #tpu.memory_space<vmem>>, vector<16xi32>,
    tpu.vector_store %arg8[%swap3A_1133, %swap3A_1134], %min3A_1131 {strides = array<i32>} : memref<32x64xi32, #tpu.memory_space<vmem>>, vector<16xi32>,
    %reduce_sum3A_1136 = arith.constant true
    %reduce_sum3A_1137 = vector.broadcast %reduce_sum3A_1136 : i1 to vector<16xi1>
    %reduce_sum3A_1138 = tpu.scan <sum>, %get3A_1119 masked %reduce_sum3A_1137 : vector<16xi32>, vector<16xi1> -> vector<16xi32>
    %reduce_sum3A_1139 = vector.extract %reduce_sum3A_1138[15] : i32 from vector<16xi32>
    %add3A_1140 = arith.addi %add3A_1117, %reduce_sum3A_1139 : i32
    %get3A_1141 = arith.constant 176 : index
    %get3A_1142 = tpu.vector_load %arg7[%get3A_1141] {strides = array<i32>} : memref<2048xi32, #tpu.memory_space<vmem>>, vector<16xi32>,
    %cumsum3A_1143 = arith.constant true
    %cumsum3A_1144 = vector.broadcast %cumsum3A_1143 : i1 to vector<16xi1>
    %cumsum3A_1145 = tpu.scan <sum>, %get3A_1142 masked %cumsum3A_1144 : vector<16xi32>, vector<16xi1> -> vector<16xi32>
    %add3A_1146 = arith.addi %add3A_1140, %mul3A_886 : i32
    %add3A_1147 = vector.broadcast %add3A_1146 : i32 to vector<16xi32>
    %add3A_1148 = arith.addi %cumsum3A_1145, %add3A_1147 : vector<16xi32>
    %add3A_1149 = arith.constant 512 : i32
    %add3A_1150 = arith.addi %mul3A_886, %add3A_1149 : i32
    %sub3A_1151 = arith.constant 1 : i32
    %sub3A_1152 = arith.subi %add3A_1150, %sub3A_1151 : i32
    %min3A_1153 = vector.broadcast %sub3A_1152 : i32 to vector<16xi32>
    %min3A_1154 = arith.minsi %add3A_1148, %min3A_1153 : vector<16xi32>
    %swap3A_1155 = arith.constant 2 : i32
    %swap3A_1156 = arith.index_cast %swap3A_1155 : i32 to index
    %swap3A_1157 = arith.constant 48 : index
    %swap3A_1158 = tpu.vector_load %arg8[%swap3A_1156, %swap3A_1157] {strides = array<i32>} : memref<32x64xi32, #tpu.memory_space<vmem>>, vector<16xi32>,
    tpu.vector_store %arg8[%swap3A_1156, %swap3A_1157], %min3A_1154 {strides = array<i32>} : memref<32x64xi32, #tpu.memory_space<vmem>>, vector<16xi32>,
    %reduce_sum3A_1159 = arith.constant true
    %reduce_sum3A_1160 = vector.broadcast %reduce_sum3A_1159 : i1 to vector<16xi1>
    %reduce_sum3A_1161 = tpu.scan <sum>, %get3A_1142 masked %reduce_sum3A_1160 : vector<16xi32>, vector<16xi1> -> vector<16xi32>
    %reduce_sum3A_1162 = vector.extract %reduce_sum3A_1161[15] : i32 from vector<16xi32>
    %add3A_1163 = arith.addi %add3A_1140, %reduce_sum3A_1162 : i32
    %get3A_1164 = arith.constant 192 : index
    %get3A_1165 = tpu.vector_load %arg7[%get3A_1164] {strides = array<i32>} : memref<2048xi32, #tpu.memory_space<vmem>>, vector<16xi32>,
    %cumsum3A_1166 = arith.constant true
    %cumsum3A_1167 = vector.broadcast %cumsum3A_1166 : i1 to vector<16xi1>
    %cumsum3A_1168 = tpu.scan <sum>, %get3A_1165 masked %cumsum3A_1167 : vector<16xi32>, vector<16xi1> -> vector<16xi32>
    %add3A_1169 = arith.addi %add3A_1163, %mul3A_886 : i32
    %add3A_1170 = vector.broadcast %add3A_1169 : i32 to vector<16xi32>
    %add3A_1171 = arith.addi %cumsum3A_1168, %add3A_1170 : vector<16xi32>
    %add3A_1172 = arith.constant 512 : i32
    %add3A_1173 = arith.addi %mul3A_886, %add3A_1172 : i32
    %sub3A_1174 = arith.constant 1 : i32
    %sub3A_1175 = arith.subi %add3A_1173, %sub3A_1174 : i32
    %min3A_1176 = vector.broadcast %sub3A_1175 : i32 to vector<16xi32>
    %min3A_1177 = arith.minsi %add3A_1171, %min3A_1176 : vector<16xi32>
    %swap3A_1178 = arith.constant 3 : i32
    %swap3A_1179 = arith.index_cast %swap3A_1178 : i32 to index
    %swap3A_1180 = arith.constant 0 : index
    %swap3A_1181 = tpu.vector_load %arg8[%swap3A_1179, %swap3A_1180] {strides = array<i32>} : memref<32x64xi32, #tpu.memory_space<vmem>>, vector<16xi32>,
    tpu.vector_store %arg8[%swap3A_1179, %swap3A_1180], %min3A_1177 {strides = array<i32>} : memref<32x64xi32, #tpu.memory_space<vmem>>, vector<16xi32>,
    %reduce_sum3A_1182 = arith.constant true
    %reduce_sum3A_1183 = vector.broadcast %reduce_sum3A_1182 : i1 to vector<16xi1>
    %reduce_sum3A_1184 = tpu.scan <sum>, %get3A_1165 masked %reduce_sum3A_1183 : vector<16xi32>, vector<16xi1> -> vector<16xi32>
    %reduce_sum3A_1185 = vector.extract %reduce_sum3A_1184[15] : i32 from vector<16xi32>
    %add3A_1186 = arith.addi %add3A_1163, %reduce_sum3A_1185 : i32
    %get3A_1187 = arith.constant 208 : index
    %get3A_1188 = tpu.vector_load %arg7[%get3A_1187] {strides = array<i32>} : memref<2048xi32, #tpu.memory_space<vmem>>, vector<16xi32>,
    %cumsum3A_1189 = arith.constant true
    %cumsum3A_1190 = vector.broadcast %cumsum3A_1189 : i1 to vector<16xi1>
    %cumsum3A_1191 = tpu.scan <sum>, %get3A_1188 masked %cumsum3A_1190 : vector<16xi32>, vector<16xi1> -> vector<16xi32>
    %add3A_1192 = arith.addi %add3A_1186, %mul3A_886 : i32
    %add3A_1193 = vector.broadcast %add3A_1192 : i32 to vector<16xi32>
    %add3A_1194 = arith.addi %cumsum3A_1191, %add3A_1193 : vector<16xi32>
    %add3A_1195 = arith.constant 512 : i32
    %add3A_1196 = arith.addi %mul3A_886, %add3A_1195 : i32
    %sub3A_1197 = arith.constant 1 : i32
    %sub3A_1198 = arith.subi %add3A_1196, %sub3A_1197 : i32
    %min3A_1199 = vector.broadcast %sub3A_1198 : i32 to vector<16xi32>
    %min3A_1200 = arith.minsi %add3A_1194, %min3A_1199 : vector<16xi32>
    %swap3A_1201 = arith.constant 3 : i32
    %swap3A_1202 = arith.index_cast %swap3A_1201 : i32 to index
    %swap3A_1203 = arith.constant 16 : index
    %swap3A_1204 = tpu.vector_load %arg8[%swap3A_1202, %swap3A_1203] {strides = array<i32>} : memref<32x64xi32, #tpu.memory_space<vmem>>, vector<16xi32>,
    tpu.vector_store %arg8[%swap3A_1202, %swap3A_1203], %min3A_1200 {strides = array<i32>} : memref<32x64xi32, #tpu.memory_space<vmem>>, vector<16xi32>,
    %reduce_sum3A_1205 = arith.constant true
    %reduce_sum3A_1206 = vector.broadcast %reduce_sum3A_1205 : i1 to vector<16xi1>
    %reduce_sum3A_1207 = tpu.scan <sum>, %get3A_1188 masked %reduce_sum3A_1206 : vector<16xi32>, vector<16xi1> -> vector<16xi32>
    %reduce_sum3A_1208 = vector.extract %reduce_sum3A_1207[15] : i32 from vector<16xi32>
    %add3A_1209 = arith.addi %add3A_1186, %reduce_sum3A_1208 : i32
    %get3A_1210 = arith.constant 224 : index
    %get3A_1211 = tpu.vector_load %arg7[%get3A_1210] {strides = array<i32>} : memref<2048xi32, #tpu.memory_space<vmem>>, vector<16xi32>,
    %cumsum3A_1212 = arith.constant true
    %cumsum3A_1213 = vector.broadcast %cumsum3A_1212 : i1 to vector<16xi1>
    %cumsum3A_1214 = tpu.scan <sum>, %get3A_1211 masked %cumsum3A_1213 : vector<16xi32>, vector<16xi1> -> vector<16xi32>
    %add3A_1215 = arith.addi %add3A_1209, %mul3A_886 : i32
    %add3A_1216 = vector.broadcast %add3A_1215 : i32 to vector<16xi32>
    %add3A_1217 = arith.addi %cumsum3A_1214, %add3A_1216 : vector<16xi32>
    %add3A_1218 = arith.constant 512 : i32
    %add3A_1219 = arith.addi %mul3A_886, %add3A_1218 : i32
    %sub3A_1220 = arith.constant 1 : i32
    %sub3A_1221 = arith.subi %add3A_1219, %sub3A_1220 : i32
    %min3A_1222 = vector.broadcast %sub3A_1221 : i32 to vector<16xi32>
    %min3A_1223 = arith.minsi %add3A_1217, %min3A_1222 : vector<16xi32>
    %swap3A_1224 = arith.constant 3 : i32
    %swap3A_1225 = arith.index_cast %swap3A_1224 : i32 to index
    %swap3A_1226 = arith.constant 32 : index
    %swap3A_1227 = tpu.vector_load %arg8[%swap3A_1225, %swap3A_1226] {strides = array<i32>} : memref<32x64xi32, #tpu.memory_space<vmem>>, vector<16xi32>,
    tpu.vector_store %arg8[%swap3A_1225, %swap3A_1226], %min3A_1223 {strides = array<i32>} : memref<32x64xi32, #tpu.memory_space<vmem>>, vector<16xi32>,
    %reduce_sum3A_1228 = arith.constant true
    %reduce_sum3A_1229 = vector.broadcast %reduce_sum3A_1228 : i1 to vector<16xi1>
    %reduce_sum3A_1230 = tpu.scan <sum>, %get3A_1211 masked %reduce_sum3A_1229 : vector<16xi32>, vector<16xi1> -> vector<16xi32>
    %reduce_sum3A_1231 = vector.extract %reduce_sum3A_1230[15] : i32 from vector<16xi32>
    %add3A_1232 = arith.addi %add3A_1209, %reduce_sum3A_1231 : i32
    %get3A_1233 = arith.constant 240 : index
    %get3A_1234 = tpu.vector_load %arg7[%get3A_1233] {strides = array<i32>} : memref<2048xi32, #tpu.memory_space<vmem>>, vector<16xi32>,
    %cumsum3A_1235 = arith.constant true
    %cumsum3A_1236 = vector.broadcast %cumsum3A_1235 : i1 to vector<16xi1>
    %cumsum3A_1237 = tpu.scan <sum>, %get3A_1234 masked %cumsum3A_1236 : vector<16xi32>, vector<16xi1> -> vector<16xi32>
    %add3A_1238 = arith.addi %add3A_1232, %mul3A_886 : i32
    %add3A_1239 = vector.broadcast %add3A_1238 : i32 to vector<16xi32>
    %add3A_1240 = arith.addi %cumsum3A_1237, %add3A_1239 : vector<16xi32>
    %add3A_1241 = arith.constant 512 : i32
    %add3A_1242 = arith.addi %mul3A_886, %add3A_1241 : i32
    %sub3A_1243 = arith.constant 1 : i32
    %sub3A_1244 = arith.subi %add3A_1242, %sub3A_1243 : i32
    %min3A_1245 = vector.broadcast %sub3A_1244 : i32 to vector<16xi32>
    %min3A_1246 = arith.minsi %add3A_1240, %min3A_1245 : vector<16xi32>
    %swap3A_1247 = arith.constant 3 : i32
    %swap3A_1248 = arith.index_cast %swap3A_1247 : i32 to index
    %swap3A_1249 = arith.constant 48 : index
    %swap3A_1250 = tpu.vector_load %arg8[%swap3A_1248, %swap3A_1249] {strides = array<i32>} : memref<32x64xi32, #tpu.memory_space<vmem>>, vector<16xi32>,
    tpu.vector_store %arg8[%swap3A_1248, %swap3A_1249], %min3A_1246 {strides = array<i32>} : memref<32x64xi32, #tpu.memory_space<vmem>>, vector<16xi32>,
    %reduce_sum3A_1251 = arith.constant true
    %reduce_sum3A_1252 = vector.broadcast %reduce_sum3A_1251 : i1 to vector<16xi1>
    %reduce_sum3A_1253 = tpu.scan <sum>, %get3A_1234 masked %reduce_sum3A_1252 : vector<16xi32>, vector<16xi1> -> vector<16xi32>
    %reduce_sum3A_1254 = vector.extract %reduce_sum3A_1253[15] : i32 from vector<16xi32>
    %add3A_1255 = arith.addi %add3A_1232, %reduce_sum3A_1254 : i32
    %get3A_1256 = arith.constant 256 : index
    %get3A_1257 = tpu.vector_load %arg7[%get3A_1256] {strides = array<i32>} : memref<2048xi32, #tpu.memory_space<vmem>>, vector<16xi32>,
    %cumsum3A_1258 = arith.constant true
    %cumsum3A_1259 = vector.broadcast %cumsum3A_1258 : i1 to vector<16xi1>
    %cumsum3A_1260 = tpu.scan <sum>, %get3A_1257 masked %cumsum3A_1259 : vector<16xi32>, vector<16xi1> -> vector<16xi32>
    %add3A_1261 = arith.addi %add3A_1255, %mul3A_886 : i32
    %add3A_1262 = vector.broadcast %add3A_1261 : i32 to vector<16xi32>
    %add3A_1263 = arith.addi %cumsum3A_1260, %add3A_1262 : vector<16xi32>
    %add3A_1264 = arith.constant 512 : i32
    %add3A_1265 = arith.addi %mul3A_886, %add3A_1264 : i32
    %sub3A_1266 = arith.constant 1 : i32
    %sub3A_1267 = arith.subi %add3A_1265, %sub3A_1266 : i32
    %min3A_1268 = vector.broadcast %sub3A_1267 : i32 to vector<16xi32>
    %min3A_1269 = arith.minsi %add3A_1263, %min3A_1268 : vector<16xi32>
    %swap3A_1270 = arith.constant 4 : i32
    %swap3A_1271 = arith.index_cast %swap3A_1270 : i32 to index
    %swap3A_1272 = arith.constant 0 : index
    %swap3A_1273 = tpu.vector_load %arg8[%swap3A_1271, %swap3A_1272] {strides = array<i32>} : memref<32x64xi32, #tpu.memory_space<vmem>>, vector<16xi32>,
    tpu.vector_store %arg8[%swap3A_1271, %swap3A_1272], %min3A_1269 {strides = array<i32>} : memref<32x64xi32, #tpu.memory_space<vmem>>, vector<16xi32>,
    %reduce_sum3A_1274 = arith.constant true
    %reduce_sum3A_1275 = vector.broadcast %reduce_sum3A_1274 : i1 to vector<16xi1>
    %reduce_sum3A_1276 = tpu.scan <sum>, %get3A_1257 masked %reduce_sum3A_1275 : vector<16xi32>, vector<16xi1> -> vector<16xi32>
    %reduce_sum3A_1277 = vector.extract %reduce_sum3A_1276[15] : i32 from vector<16xi32>
    %add3A_1278 = arith.addi %add3A_1255, %reduce_sum3A_1277 : i32
    %get3A_1279 = arith.constant 272 : index
    %get3A_1280 = tpu.vector_load %arg7[%get3A_1279] {strides = array<i32>} : memref<2048xi32, #tpu.memory_space<vmem>>, vector<16xi32>,
    %cumsum3A_1281 = arith.constant true
    %cumsum3A_1282 = vector.broadcast %cumsum3A_1281 : i1 to vector<16xi1>
    %cumsum3A_1283 = tpu.scan <sum>, %get3A_1280 masked %cumsum3A_1282 : vector<16xi32>, vector<16xi1> -> vector<16xi32>
    %add3A_1284 = arith.addi %add3A_1278, %mul3A_886 : i32
    %add3A_1285 = vector.broadcast %add3A_1284 : i32 to vector<16xi32>
    %add3A_1286 = arith.addi %cumsum3A_1283, %add3A_1285 : vector<16xi32>
    %add3A_1287 = arith.constant 512 : i32
    %add3A_1288 = arith.addi %mul3A_886, %add3A_1287 : i32
    %sub3A_1289 = arith.constant 1 : i32
    %sub3A_1290 = arith.subi %add3A_1288, %sub3A_1289 : i32
    %min3A_1291 = vector.broadcast %sub3A_1290 : i32 to vector<16xi32>
    %min3A_1292 = arith.minsi %add3A_1286, %min3A_1291 : vector<16xi32>
    %swap3A_1293 = arith.constant 4 : i32
    %swap3A_1294 = arith.index_cast %swap3A_1293 : i32 to index
    %swap3A_1295 = arith.constant 16 : index
    %swap3A_1296 = tpu.vector_load %arg8[%swap3A_1294, %swap3A_1295] {strides = array<i32>} : memref<32x64xi32, #tpu.memory_space<vmem>>, vector<16xi32>,
    tpu.vector_store %arg8[%swap3A_1294, %swap3A_1295], %min3A_1292 {strides = array<i32>} : memref<32x64xi32, #tpu.memory_space<vmem>>, vector<16xi32>,
    %reduce_sum3A_1297 = arith.constant true
    %reduce_sum3A_1298 = vector.broadcast %reduce_sum3A_1297 : i1 to vector<16xi1>
    %reduce_sum3A_1299 = tpu.scan <sum>, %get3A_1280 masked %reduce_sum3A_1298 : vector<16xi32>, vector<16xi1> -> vector<16xi32>
    %reduce_sum3A_1300 = vector.extract %reduce_sum3A_1299[15] : i32 from vector<16xi32>
    %add3A_1301 = arith.addi %add3A_1278, %reduce_sum3A_1300 : i32
    %get3A_1302 = arith.constant 288 : index
    %get3A_1303 = tpu.vector_load %arg7[%get3A_1302] {strides = array<i32>} : memref<2048xi32, #tpu.memory_space<vmem>>, vector<16xi32>,
    %cumsum3A_1304 = arith.constant true
    %cumsum3A_1305 = vector.broadcast %cumsum3A_1304 : i1 to vector<16xi1>
    %cumsum3A_1306 = tpu.scan <sum>, %get3A_1303 masked %cumsum3A_1305 : vector<16xi32>, vector<16xi1> -> vector<16xi32>
    %add3A_1307 = arith.addi %add3A_1301, %mul3A_886 : i32
    %add3A_1308 = vector.broadcast %add3A_1307 : i32 to vector<16xi32>
    %add3A_1309 = arith.addi %cumsum3A_1306, %add3A_1308 : vector<16xi32>
    %add3A_1310 = arith.constant 512 : i32
    %add3A_1311 = arith.addi %mul3A_886, %add3A_1310 : i32
    %sub3A_1312 = arith.constant 1 : i32
    %sub3A_1313 = arith.subi %add3A_1311, %sub3A_1312 : i32
    %min3A_1314 = vector.broadcast %sub3A_1313 : i32 to vector<16xi32>
    %min3A_1315 = arith.minsi %add3A_1309, %min3A_1314 : vector<16xi32>
    %swap3A_1316 = arith.constant 4 : i32
    %swap3A_1317 = arith.index_cast %swap3A_1316 : i32 to index
    %swap3A_1318 = arith.constant 32 : index
    %swap3A_1319 = tpu.vector_load %arg8[%swap3A_1317, %swap3A_1318] {strides = array<i32>} : memref<32x64xi32, #tpu.memory_space<vmem>>, vector<16xi32>,
    tpu.vector_store %arg8[%swap3A_1317, %swap3A_1318], %min3A_1315 {strides = array<i32>} : memref<32x64xi32, #tpu.memory_space<vmem>>, vector<16xi32>,
    %reduce_sum3A_1320 = arith.constant true
    %reduce_sum3A_1321 = vector.broadcast %reduce_sum3A_1320 : i1 to vector<16xi1>
    %reduce_sum3A_1322 = tpu.scan <sum>, %get3A_1303 masked %reduce_sum3A_1321 : vector<16xi32>, vector<16xi1> -> vector<16xi32>
    %reduce_sum3A_1323 = vector.extract %reduce_sum3A_1322[15] : i32 from vector<16xi32>
    %add3A_1324 = arith.addi %add3A_1301, %reduce_sum3A_1323 : i32
    %get3A_1325 = arith.constant 304 : index
    %get3A_1326 = tpu.vector_load %arg7[%get3A_1325] {strides = array<i32>} : memref<2048xi32, #tpu.memory_space<vmem>>, vector<16xi32>,
    %cumsum3A_1327 = arith.constant true
    %cumsum3A_1328 = vector.broadcast %cumsum3A_1327 : i1 to vector<16xi1>
    %cumsum3A_1329 = tpu.scan <sum>, %get3A_1326 masked %cumsum3A_1328 : vector<16xi32>, vector<16xi1> -> vector<16xi32>
    %add3A_1330 = arith.addi %add3A_1324, %mul3A_886 : i32
    %add3A_1331 = vector.broadcast %add3A_1330 : i32 to vector<16xi32>
    %add3A_1332 = arith.addi %cumsum3A_1329, %add3A_1331 : vector<16xi32>
    %add3A_1333 = arith.constant 512 : i32
    %add3A_1334 = arith.addi %mul3A_886, %add3A_1333 : i32
    %sub3A_1335 = arith.constant 1 : i32
    %sub3A_1336 = arith.subi %add3A_1334, %sub3A_1335 : i32
    %min3A_1337 = vector.broadcast %sub3A_1336 : i32 to vector<16xi32>
    %min3A_1338 = arith.minsi %add3A_1332, %min3A_1337 : vector<16xi32>
    %swap3A_1339 = arith.constant 4 : i32
    %swap3A_1340 = arith.index_cast %swap3A_1339 : i32 to index
    %swap3A_1341 = arith.constant 48 : index
    %swap3A_1342 = tpu.vector_load %arg8[%swap3A_1340, %swap3A_1341] {strides = array<i32>} : memref<32x64xi32, #tpu.memory_space<vmem>>, vector<16xi32>,
    tpu.vector_store %arg8[%swap3A_1340, %swap3A_1341], %min3A_1338 {strides = array<i32>} : memref<32x64xi32, #tpu.memory_space<vmem>>, vector<16xi32>,
    %reduce_sum3A_1343 = arith.constant true
    %reduce_sum3A_1344 = vector.broadcast %reduce_sum3A_1343 : i1 to vector<16xi1>
    %reduce_sum3A_1345 = tpu.scan <sum>, %get3A_1326 masked %reduce_sum3A_1344 : vector<16xi32>, vector<16xi1> -> vector<16xi32>
    %reduce_sum3A_1346 = vector.extract %reduce_sum3A_1345[15] : i32 from vector<16xi32>
    %add3A_1347 = arith.addi %add3A_1324, %reduce_sum3A_1346 : i32
    %get3A_1348 = arith.constant 320 : index
    %get3A_1349 = tpu.vector_load %arg7[%get3A_1348] {strides = array<i32>} : memref<2048xi32, #tpu.memory_space<vmem>>, vector<16xi32>,
    %cumsum3A_1350 = arith.constant true
    %cumsum3A_1351 = vector.broadcast %cumsum3A_1350 : i1 to vector<16xi1>
    %cumsum3A_1352 = tpu.scan <sum>, %get3A_1349 masked %cumsum3A_1351 : vector<16xi32>, vector<16xi1> -> vector<16xi32>
    %add3A_1353 = arith.addi %add3A_1347, %mul3A_886 : i32
    %add3A_1354 = vector.broadcast %add3A_1353 : i32 to vector<16xi32>
    %add3A_1355 = arith.addi %cumsum3A_1352, %add3A_1354 : vector<16xi32>
    %add3A_1356 = arith.constant 512 : i32
    %add3A_1357 = arith.addi %mul3A_886, %add3A_1356 : i32
    %sub3A_1358 = arith.constant 1 : i32
    %sub3A_1359 = arith.subi %add3A_1357, %sub3A_1358 : i32
    %min3A_1360 = vector.broadcast %sub3A_1359 : i32 to vector<16xi32>
    %min3A_1361 = arith.minsi %add3A_1355, %min3A_1360 : vector<16xi32>
    %swap3A_1362 = arith.constant 5 : i32
    %swap3A_1363 = arith.index_cast %swap3A_1362 : i32 to index
    %swap3A_1364 = arith.constant 0 : index
    %swap3A_1365 = tpu.vector_load %arg8[%swap3A_1363, %swap3A_1364] {strides = array<i32>} : memref<32x64xi32, #tpu.memory_space<vmem>>, vector<16xi32>,
    tpu.vector_store %arg8[%swap3A_1363, %swap3A_1364], %min3A_1361 {strides = array<i32>} : memref<32x64xi32, #tpu.memory_space<vmem>>, vector<16xi32>,
    %reduce_sum3A_1366 = arith.constant true
    %reduce_sum3A_1367 = vector.broadcast %reduce_sum3A_1366 : i1 to vector<16xi1>
    %reduce_sum3A_1368 = tpu.scan <sum>, %get3A_1349 masked %reduce_sum3A_1367 : vector<16xi32>, vector<16xi1> -> vector<16xi32>
    %reduce_sum3A_1369 = vector.extract %reduce_sum3A_1368[15] : i32 from vector<16xi32>
    %add3A_1370 = arith.addi %add3A_1347, %reduce_sum3A_1369 : i32
    %get3A_1371 = arith.constant 336 : index
    %get3A_1372 = tpu.vector_load %arg7[%get3A_1371] {strides = array<i32>} : memref<2048xi32, #tpu.memory_space<vmem>>, vector<16xi32>,
    %cumsum3A_1373 = arith.constant true
    %cumsum3A_1374 = vector.broadcast %cumsum3A_1373 : i1 to vector<16xi1>
    %cumsum3A_1375 = tpu.scan <sum>, %get3A_1372 masked %cumsum3A_1374 : vector<16xi32>, vector<16xi1> -> vector<16xi32>
    %add3A_1376 = arith.addi %add3A_1370, %mul3A_886 : i32
    %add3A_1377 = vector.broadcast %add3A_1376 : i32 to vector<16xi32>
    %add3A_1378 = arith.addi %cumsum3A_1375, %add3A_1377 : vector<16xi32>
    %add3A_1379 = arith.constant 512 : i32
    %add3A_1380 = arith.addi %mul3A_886, %add3A_1379 : i32
    %sub3A_1381 = arith.constant 1 : i32
    %sub3A_1382 = arith.subi %add3A_1380, %sub3A_1381 : i32
    %min3A_1383 = vector.broadcast %sub3A_1382 : i32 to vector<16xi32>
    %min3A_1384 = arith.minsi %add3A_1378, %min3A_1383 : vector<16xi32>
    %swap3A_1385 = arith.constant 5 : i32
    %swap3A_1386 = arith.index_cast %swap3A_1385 : i32 to index
    %swap3A_1387 = arith.constant 16 : index
    %swap3A_1388 = tpu.vector_load %arg8[%swap3A_1386, %swap3A_1387] {strides = array<i32>} : memref<32x64xi32, #tpu.memory_space<vmem>>, vector<16xi32>,
    tpu.vector_store %arg8[%swap3A_1386, %swap3A_1387], %min3A_1384 {strides = array<i32>} : memref<32x64xi32, #tpu.memory_space<vmem>>, vector<16xi32>,
    %reduce_sum3A_1389 = arith.constant true
    %reduce_sum3A_1390 = vector.broadcast %reduce_sum3A_1389 : i1 to vector<16xi1>
    %reduce_sum3A_1391 = tpu.scan <sum>, %get3A_1372 masked %reduce_sum3A_1390 : vector<16xi32>, vector<16xi1> -> vector<16xi32>
    %reduce_sum3A_1392 = vector.extract %reduce_sum3A_1391[15] : i32 from vector<16xi32>
    %add3A_1393 = arith.addi %add3A_1370, %reduce_sum3A_1392 : i32
    %get3A_1394 = arith.constant 352 : index
    %get3A_1395 = tpu.vector_load %arg7[%get3A_1394] {strides = array<i32>} : memref<2048xi32, #tpu.memory_space<vmem>>, vector<16xi32>,
    %cumsum3A_1396 = arith.constant true
    %cumsum3A_1397 = vector.broadcast %cumsum3A_1396 : i1 to vector<16xi1>
    %cumsum3A_1398 = tpu.scan <sum>, %get3A_1395 masked %cumsum3A_1397 : vector<16xi32>, vector<16xi1> -> vector<16xi32>
    %add3A_1399 = arith.addi %add3A_1393, %mul3A_886 : i32
    %add3A_1400 = vector.broadcast %add3A_1399 : i32 to vector<16xi32>
    %add3A_1401 = arith.addi %cumsum3A_1398, %add3A_1400 : vector<16xi32>
    %add3A_1402 = arith.constant 512 : i32
    %add3A_1403 = arith.addi %mul3A_886, %add3A_1402 : i32
    %sub3A_1404 = arith.constant 1 : i32
    %sub3A_1405 = arith.subi %add3A_1403, %sub3A_1404 : i32
    %min3A_1406 = vector.broadcast %sub3A_1405 : i32 to vector<16xi32>
    %min3A_1407 = arith.minsi %add3A_1401, %min3A_1406 : vector<16xi32>
    %swap3A_1408 = arith.constant 5 : i32
    %swap3A_1409 = arith.index_cast %swap3A_1408 : i32 to index
    %swap3A_1410 = arith.constant 32 : index
    %swap3A_1411 = tpu.vector_load %arg8[%swap3A_1409, %swap3A_1410] {strides = array<i32>} : memref<32x64xi32, #tpu.memory_space<vmem>>, vector<16xi32>,
    tpu.vector_store %arg8[%swap3A_1409, %swap3A_1410], %min3A_1407 {strides = array<i32>} : memref<32x64xi32, #tpu.memory_space<vmem>>, vector<16xi32>,
    %reduce_sum3A_1412 = arith.constant true
    %reduce_sum3A_1413 = vector.broadcast %reduce_sum3A_1412 : i1 to vector<16xi1>
    %reduce_sum3A_1414 = tpu.scan <sum>, %get3A_1395 masked %reduce_sum3A_1413 : vector<16xi32>, vector<16xi1> -> vector<16xi32>
    %reduce_sum3A_1415 = vector.extract %reduce_sum3A_1414[15] : i32 from vector<16xi32>
    %add3A_1416 = arith.addi %add3A_1393, %reduce_sum3A_1415 : i32
    %get3A_1417 = arith.constant 368 : index
    %get3A_1418 = tpu.vector_load %arg7[%get3A_1417] {strides = array<i32>} : memref<2048xi32, #tpu.memory_space<vmem>>, vector<16xi32>,
    %cumsum3A_1419 = arith.constant true
    %cumsum3A_1420 = vector.broadcast %cumsum3A_1419 : i1 to vector<16xi1>
    %cumsum3A_1421 = tpu.scan <sum>, %get3A_1418 masked %cumsum3A_1420 : vector<16xi32>, vector<16xi1> -> vector<16xi32>
    %add3A_1422 = arith.addi %add3A_1416, %mul3A_886 : i32
    %add3A_1423 = vector.broadcast %add3A_1422 : i32 to vector<16xi32>
    %add3A_1424 = arith.addi %cumsum3A_1421, %add3A_1423 : vector<16xi32>
    %add3A_1425 = arith.constant 512 : i32
    %add3A_1426 = arith.addi %mul3A_886, %add3A_1425 : i32
    %sub3A_1427 = arith.constant 1 : i32
    %sub3A_1428 = arith.subi %add3A_1426, %sub3A_1427 : i32
    %min3A_1429 = vector.broadcast %sub3A_1428 : i32 to vector<16xi32>
    %min3A_1430 = arith.minsi %add3A_1424, %min3A_1429 : vector<16xi32>
    %swap3A_1431 = arith.constant 5 : i32
    %swap3A_1432 = arith.index_cast %swap3A_1431 : i32 to index
    %swap3A_1433 = arith.constant 48 : index
    %swap3A_1434 = tpu.vector_load %arg8[%swap3A_1432, %swap3A_1433] {strides = array<i32>} : memref<32x64xi32, #tpu.memory_space<vmem>>, vector<16xi32>,
    tpu.vector_store %arg8[%swap3A_1432, %swap3A_1433], %min3A_1430 {strides = array<i32>} : memref<32x64xi32, #tpu.memory_space<vmem>>, vector<16xi32>,
    %reduce_sum3A_1435 = arith.constant true
    %reduce_sum3A_1436 = vector.broadcast %reduce_sum3A_1435 : i1 to vector<16xi1>
    %reduce_sum3A_1437 = tpu.scan <sum>, %get3A_1418 masked %reduce_sum3A_1436 : vector<16xi32>, vector<16xi1> -> vector<16xi32>
    %reduce_sum3A_1438 = vector.extract %reduce_sum3A_1437[15] : i32 from vector<16xi32>
    %add3A_1439 = arith.addi %add3A_1416, %reduce_sum3A_1438 : i32
    %get3A_1440 = arith.constant 384 : index
    %get3A_1441 = tpu.vector_load %arg7[%get3A_1440] {strides = array<i32>} : memref<2048xi32, #tpu.memory_space<vmem>>, vector<16xi32>,
    %cumsum3A_1442 = arith.constant true
    %cumsum3A_1443 = vector.broadcast %cumsum3A_1442 : i1 to vector<16xi1>
    %cumsum3A_1444 = tpu.scan <sum>, %get3A_1441 masked %cumsum3A_1443 : vector<16xi32>, vector<16xi1> -> vector<16xi32>
    %add3A_1445 = arith.addi %add3A_1439, %mul3A_886 : i32
    %add3A_1446 = vector.broadcast %add3A_1445 : i32 to vector<16xi32>
    %add3A_1447 = arith.addi %cumsum3A_1444, %add3A_1446 : vector<16xi32>
    %add3A_1448 = arith.constant 512 : i32
    %add3A_1449 = arith.addi %mul3A_886, %add3A_1448 : i32
    %sub3A_1450 = arith.constant 1 : i32
    %sub3A_1451 = arith.subi %add3A_1449, %sub3A_1450 : i32
    %min3A_1452 = vector.broadcast %sub3A_1451 : i32 to vector<16xi32>
    %min3A_1453 = arith.minsi %add3A_1447, %min3A_1452 : vector<16xi32>
    %swap3A_1454 = arith.constant 6 : i32
    %swap3A_1455 = arith.index_cast %swap3A_1454 : i32 to index
    %swap3A_1456 = arith.constant 0 : index
    %swap3A_1457 = tpu.vector_load %arg8[%swap3A_1455, %swap3A_1456] {strides = array<i32>} : memref<32x64xi32, #tpu.memory_space<vmem>>, vector<16xi32>,
    tpu.vector_store %arg8[%swap3A_1455, %swap3A_1456], %min3A_1453 {strides = array<i32>} : memref<32x64xi32, #tpu.memory_space<vmem>>, vector<16xi32>,
    %reduce_sum3A_1458 = arith.constant true
    %reduce_sum3A_1459 = vector.broadcast %reduce_sum3A_1458 : i1 to vector<16xi1>
    %reduce_sum3A_1460 = tpu.scan <sum>, %get3A_1441 masked %reduce_sum3A_1459 : vector<16xi32>, vector<16xi1> -> vector<16xi32>
    %reduce_sum3A_1461 = vector.extract %reduce_sum3A_1460[15] : i32 from vector<16xi32>
    %add3A_1462 = arith.addi %add3A_1439, %reduce_sum3A_1461 : i32
    %get3A_1463 = arith.constant 400 : index
    %get3A_1464 = tpu.vector_load %arg7[%get3A_1463] {strides = array<i32>} : memref<2048xi32, #tpu.memory_space<vmem>>, vector<16xi32>,
    %cumsum3A_1465 = arith.constant true
    %cumsum3A_1466 = vector.broadcast %cumsum3A_1465 : i1 to vector<16xi1>
    %cumsum3A_1467 = tpu.scan <sum>, %get3A_1464 masked %cumsum3A_1466 : vector<16xi32>, vector<16xi1> -> vector<16xi32>
    %add3A_1468 = arith.addi %add3A_1462, %mul3A_886 : i32
    %add3A_1469 = vector.broadcast %add3A_1468 : i32 to vector<16xi32>
    %add3A_1470 = arith.addi %cumsum3A_1467, %add3A_1469 : vector<16xi32>
    %add3A_1471 = arith.constant 512 : i32
    %add3A_1472 = arith.addi %mul3A_886, %add3A_1471 : i32
    %sub3A_1473 = arith.constant 1 : i32
    %sub3A_1474 = arith.subi %add3A_1472, %sub3A_1473 : i32
    %min3A_1475 = vector.broadcast %sub3A_1474 : i32 to vector<16xi32>
    %min3A_1476 = arith.minsi %add3A_1470, %min3A_1475 : vector<16xi32>
    %swap3A_1477 = arith.constant 6 : i32
    %swap3A_1478 = arith.index_cast %swap3A_1477 : i32 to index
    %swap3A_1479 = arith.constant 16 : index
    %swap3A_1480 = tpu.vector_load %arg8[%swap3A_1478, %swap3A_1479] {strides = array<i32>} : memref<32x64xi32, #tpu.memory_space<vmem>>, vector<16xi32>,
    tpu.vector_store %arg8[%swap3A_1478, %swap3A_1479], %min3A_1476 {strides = array<i32>} : memref<32x64xi32, #tpu.memory_space<vmem>>, vector<16xi32>,
    %reduce_sum3A_1481 = arith.constant true
    %reduce_sum3A_1482 = vector.broadcast %reduce_sum3A_1481 : i1 to vector<16xi1>
    %reduce_sum3A_1483 = tpu.scan <sum>, %get3A_1464 masked %reduce_sum3A_1482 : vector<16xi32>, vector<16xi1> -> vector<16xi32>
    %reduce_sum3A_1484 = vector.extract %reduce_sum3A_1483[15] : i32 from vector<16xi32>
    %add3A_1485 = arith.addi %add3A_1462, %reduce_sum3A_1484 : i32
    %get3A_1486 = arith.constant 416 : index
    %get3A_1487 = tpu.vector_load %arg7[%get3A_1486] {strides = array<i32>} : memref<2048xi32, #tpu.memory_space<vmem>>, vector<16xi32>,
    %cumsum3A_1488 = arith.constant true
    %cumsum3A_1489 = vector.broadcast %cumsum3A_1488 : i1 to vector<16xi1>
    %cumsum3A_1490 = tpu.scan <sum>, %get3A_1487 masked %cumsum3A_1489 : vector<16xi32>, vector<16xi1> -> vector<16xi32>
    %add3A_1491 = arith.addi %add3A_1485, %mul3A_886 : i32
    %add3A_1492 = vector.broadcast %add3A_1491 : i32 to vector<16xi32>
    %add3A_1493 = arith.addi %cumsum3A_1490, %add3A_1492 : vector<16xi32>
    %add3A_1494 = arith.constant 512 : i32
    %add3A_1495 = arith.addi %mul3A_886, %add3A_1494 : i32
    %sub3A_1496 = arith.constant 1 : i32
    %sub3A_1497 = arith.subi %add3A_1495, %sub3A_1496 : i32
    %min3A_1498 = vector.broadcast %sub3A_1497 : i32 to vector<16xi32>
    %min3A_1499 = arith.minsi %add3A_1493, %min3A_1498 : vector<16xi32>
    %swap3A_1500 = arith.constant 6 : i32
    %swap3A_1501 = arith.index_cast %swap3A_1500 : i32 to index
    %swap3A_1502 = arith.constant 32 : index
    %swap3A_1503 = tpu.vector_load %arg8[%swap3A_1501, %swap3A_1502] {strides = array<i32>} : memref<32x64xi32, #tpu.memory_space<vmem>>, vector<16xi32>,
    tpu.vector_store %arg8[%swap3A_1501, %swap3A_1502], %min3A_1499 {strides = array<i32>} : memref<32x64xi32, #tpu.memory_space<vmem>>, vector<16xi32>,
    %reduce_sum3A_1504 = arith.constant true
    %reduce_sum3A_1505 = vector.broadcast %reduce_sum3A_1504 : i1 to vector<16xi1>
    %reduce_sum3A_1506 = tpu.scan <sum>, %get3A_1487 masked %reduce_sum3A_1505 : vector<16xi32>, vector<16xi1> -> vector<16xi32>
    %reduce_sum3A_1507 = vector.extract %reduce_sum3A_1506[15] : i32 from vector<16xi32>
    %add3A_1508 = arith.addi %add3A_1485, %reduce_sum3A_1507 : i32
    %get3A_1509 = arith.constant 432 : index
    %get3A_1510 = tpu.vector_load %arg7[%get3A_1509] {strides = array<i32>} : memref<2048xi32, #tpu.memory_space<vmem>>, vector<16xi32>,
    %cumsum3A_1511 = arith.constant true
    %cumsum3A_1512 = vector.broadcast %cumsum3A_1511 : i1 to vector<16xi1>
    %cumsum3A_1513 = tpu.scan <sum>, %get3A_1510 masked %cumsum3A_1512 : vector<16xi32>, vector<16xi1> -> vector<16xi32>
    %add3A_1514 = arith.addi %add3A_1508, %mul3A_886 : i32
    %add3A_1515 = vector.broadcast %add3A_1514 : i32 to vector<16xi32>
    %add3A_1516 = arith.addi %cumsum3A_1513, %add3A_1515 : vector<16xi32>
    %add3A_1517 = arith.constant 512 : i32
    %add3A_1518 = arith.addi %mul3A_886, %add3A_1517 : i32
    %sub3A_1519 = arith.constant 1 : i32
    %sub3A_1520 = arith.subi %add3A_1518, %sub3A_1519 : i32
    %min3A_1521 = vector.broadcast %sub3A_1520 : i32 to vector<16xi32>
    %min3A_1522 = arith.minsi %add3A_1516, %min3A_1521 : vector<16xi32>
    %swap3A_1523 = arith.constant 6 : i32
    %swap3A_1524 = arith.index_cast %swap3A_1523 : i32 to index
    %swap3A_1525 = arith.constant 48 : index
    %swap3A_1526 = tpu.vector_load %arg8[%swap3A_1524, %swap3A_1525] {strides = array<i32>} : memref<32x64xi32, #tpu.memory_space<vmem>>, vector<16xi32>,
    tpu.vector_store %arg8[%swap3A_1524, %swap3A_1525], %min3A_1522 {strides = array<i32>} : memref<32x64xi32, #tpu.memory_space<vmem>>, vector<16xi32>,
    %reduce_sum3A_1527 = arith.constant true
    %reduce_sum3A_1528 = vector.broadcast %reduce_sum3A_1527 : i1 to vector<16xi1>
    %reduce_sum3A_1529 = tpu.scan <sum>, %get3A_1510 masked %reduce_sum3A_1528 : vector<16xi32>, vector<16xi1> -> vector<16xi32>
    %reduce_sum3A_1530 = vector.extract %reduce_sum3A_1529[15] : i32 from vector<16xi32>
    %add3A_1531 = arith.addi %add3A_1508, %reduce_sum3A_1530 : i32
    %get3A_1532 = arith.constant 448 : index
    %get3A_1533 = tpu.vector_load %arg7[%get3A_1532] {strides = array<i32>} : memref<2048xi32, #tpu.memory_space<vmem>>, vector<16xi32>,
    %cumsum3A_1534 = arith.constant true
    %cumsum3A_1535 = vector.broadcast %cumsum3A_1534 : i1 to vector<16xi1>
    %cumsum3A_1536 = tpu.scan <sum>, %get3A_1533 masked %cumsum3A_1535 : vector<16xi32>, vector<16xi1> -> vector<16xi32>
    %add3A_1537 = arith.addi %add3A_1531, %mul3A_886 : i32
    %add3A_1538 = vector.broadcast %add3A_1537 : i32 to vector<16xi32>
    %add3A_1539 = arith.addi %cumsum3A_1536, %add3A_1538 : vector<16xi32>
    %add3A_1540 = arith.constant 512 : i32
    %add3A_1541 = arith.addi %mul3A_886, %add3A_1540 : i32
    %sub3A_1542 = arith.constant 1 : i32
    %sub3A_1543 = arith.subi %add3A_1541, %sub3A_1542 : i32
    %min3A_1544 = vector.broadcast %sub3A_1543 : i32 to vector<16xi32>
    %min3A_1545 = arith.minsi %add3A_1539, %min3A_1544 : vector<16xi32>
    %swap3A_1546 = arith.constant 7 : i32
    %swap3A_1547 = arith.index_cast %swap3A_1546 : i32 to index
    %swap3A_1548 = arith.constant 0 : index
    %swap3A_1549 = tpu.vector_load %arg8[%swap3A_1547, %swap3A_1548] {strides = array<i32>} : memref<32x64xi32, #tpu.memory_space<vmem>>, vector<16xi32>,
    tpu.vector_store %arg8[%swap3A_1547, %swap3A_1548], %min3A_1545 {strides = array<i32>} : memref<32x64xi32, #tpu.memory_space<vmem>>, vector<16xi32>,
    %reduce_sum3A_1550 = arith.constant true
    %reduce_sum3A_1551 = vector.broadcast %reduce_sum3A_1550 : i1 to vector<16xi1>
    %reduce_sum3A_1552 = tpu.scan <sum>, %get3A_1533 masked %reduce_sum3A_1551 : vector<16xi32>, vector<16xi1> -> vector<16xi32>
    %reduce_sum3A_1553 = vector.extract %reduce_sum3A_1552[15] : i32 from vector<16xi32>
    %add3A_1554 = arith.addi %add3A_1531, %reduce_sum3A_1553 : i32
    %get3A_1555 = arith.constant 464 : index
    %get3A_1556 = tpu.vector_load %arg7[%get3A_1555] {strides = array<i32>} : memref<2048xi32, #tpu.memory_space<vmem>>, vector<16xi32>,
    %cumsum3A_1557 = arith.constant true
    %cumsum3A_1558 = vector.broadcast %cumsum3A_1557 : i1 to vector<16xi1>
    %cumsum3A_1559 = tpu.scan <sum>, %get3A_1556 masked %cumsum3A_1558 : vector<16xi32>, vector<16xi1> -> vector<16xi32>
    %add3A_1560 = arith.addi %add3A_1554, %mul3A_886 : i32
    %add3A_1561 = vector.broadcast %add3A_1560 : i32 to vector<16xi32>
    %add3A_1562 = arith.addi %cumsum3A_1559, %add3A_1561 : vector<16xi32>
    %add3A_1563 = arith.constant 512 : i32
    %add3A_1564 = arith.addi %mul3A_886, %add3A_1563 : i32
    %sub3A_1565 = arith.constant 1 : i32
    %sub3A_1566 = arith.subi %add3A_1564, %sub3A_1565 : i32
    %min3A_1567 = vector.broadcast %sub3A_1566 : i32 to vector<16xi32>
    %min3A_1568 = arith.minsi %add3A_1562, %min3A_1567 : vector<16xi32>
    %swap3A_1569 = arith.constant 7 : i32
    %swap3A_1570 = arith.index_cast %swap3A_1569 : i32 to index
    %swap3A_1571 = arith.constant 16 : index
    %swap3A_1572 = tpu.vector_load %arg8[%swap3A_1570, %swap3A_1571] {strides = array<i32>} : memref<32x64xi32, #tpu.memory_space<vmem>>, vector<16xi32>,
    tpu.vector_store %arg8[%swap3A_1570, %swap3A_1571], %min3A_1568 {strides = array<i32>} : memref<32x64xi32, #tpu.memory_space<vmem>>, vector<16xi32>,
    %reduce_sum3A_1573 = arith.constant true
    %reduce_sum3A_1574 = vector.broadcast %reduce_sum3A_1573 : i1 to vector<16xi1>
    %reduce_sum3A_1575 = tpu.scan <sum>, %get3A_1556 masked %reduce_sum3A_1574 : vector<16xi32>, vector<16xi1> -> vector<16xi32>
    %reduce_sum3A_1576 = vector.extract %reduce_sum3A_1575[15] : i32 from vector<16xi32>
    %add3A_1577 = arith.addi %add3A_1554, %reduce_sum3A_1576 : i32
    %get3A_1578 = arith.constant 480 : index
    %get3A_1579 = tpu.vector_load %arg7[%get3A_1578] {strides = array<i32>} : memref<2048xi32, #tpu.memory_space<vmem>>, vector<16xi32>,
    %cumsum3A_1580 = arith.constant true
    %cumsum3A_1581 = vector.broadcast %cumsum3A_1580 : i1 to vector<16xi1>
    %cumsum3A_1582 = tpu.scan <sum>, %get3A_1579 masked %cumsum3A_1581 : vector<16xi32>, vector<16xi1> -> vector<16xi32>
    %add3A_1583 = arith.addi %add3A_1577, %mul3A_886 : i32
    %add3A_1584 = vector.broadcast %add3A_1583 : i32 to vector<16xi32>
    %add3A_1585 = arith.addi %cumsum3A_1582, %add3A_1584 : vector<16xi32>
    %add3A_1586 = arith.constant 512 : i32
    %add3A_1587 = arith.addi %mul3A_886, %add3A_1586 : i32
    %sub3A_1588 = arith.constant 1 : i32
    %sub3A_1589 = arith.subi %add3A_1587, %sub3A_1588 : i32
    %min3A_1590 = vector.broadcast %sub3A_1589 : i32 to vector<16xi32>
    %min3A_1591 = arith.minsi %add3A_1585, %min3A_1590 : vector<16xi32>
    %swap3A_1592 = arith.constant 7 : i32
    %swap3A_1593 = arith.index_cast %swap3A_1592 : i32 to index
    %swap3A_1594 = arith.constant 32 : index
    %swap3A_1595 = tpu.vector_load %arg8[%swap3A_1593, %swap3A_1594] {strides = array<i32>} : memref<32x64xi32, #tpu.memory_space<vmem>>, vector<16xi32>,
    tpu.vector_store %arg8[%swap3A_1593, %swap3A_1594], %min3A_1591 {strides = array<i32>} : memref<32x64xi32, #tpu.memory_space<vmem>>, vector<16xi32>,
    %reduce_sum3A_1596 = arith.constant true
    %reduce_sum3A_1597 = vector.broadcast %reduce_sum3A_1596 : i1 to vector<16xi1>
    %reduce_sum3A_1598 = tpu.scan <sum>, %get3A_1579 masked %reduce_sum3A_1597 : vector<16xi32>, vector<16xi1> -> vector<16xi32>
    %reduce_sum3A_1599 = vector.extract %reduce_sum3A_1598[15] : i32 from vector<16xi32>
    %add3A_1600 = arith.addi %add3A_1577, %reduce_sum3A_1599 : i32
    %get3A_1601 = arith.constant 496 : index
    %get3A_1602 = tpu.vector_load %arg7[%get3A_1601] {strides = array<i32>} : memref<2048xi32, #tpu.memory_space<vmem>>, vector<16xi32>,
    %cumsum3A_1603 = arith.constant true
    %cumsum3A_1604 = vector.broadcast %cumsum3A_1603 : i1 to vector<16xi1>
    %cumsum3A_1605 = tpu.scan <sum>, %get3A_1602 masked %cumsum3A_1604 : vector<16xi32>, vector<16xi1> -> vector<16xi32>
    %add3A_1606 = arith.addi %add3A_1600, %mul3A_886 : i32
    %add3A_1607 = vector.broadcast %add3A_1606 : i32 to vector<16xi32>
    %add3A_1608 = arith.addi %cumsum3A_1605, %add3A_1607 : vector<16xi32>
    %add3A_1609 = arith.constant 512 : i32
    %add3A_1610 = arith.addi %mul3A_886, %add3A_1609 : i32
    %sub3A_1611 = arith.constant 1 : i32
    %sub3A_1612 = arith.subi %add3A_1610, %sub3A_1611 : i32
    %min3A_1613 = vector.broadcast %sub3A_1612 : i32 to vector<16xi32>
    %min3A_1614 = arith.minsi %add3A_1608, %min3A_1613 : vector<16xi32>
    %swap3A_1615 = arith.constant 7 : i32
    %swap3A_1616 = arith.index_cast %swap3A_1615 : i32 to index
    %swap3A_1617 = arith.constant 48 : index
    %swap3A_1618 = tpu.vector_load %arg8[%swap3A_1616, %swap3A_1617] {strides = array<i32>} : memref<32x64xi32, #tpu.memory_space<vmem>>, vector<16xi32>,
    tpu.vector_store %arg8[%swap3A_1616, %swap3A_1617], %min3A_1614 {strides = array<i32>} : memref<32x64xi32, #tpu.memory_space<vmem>>, vector<16xi32>,
    %reduce_sum3A_1619 = arith.constant true
    %reduce_sum3A_1620 = vector.broadcast %reduce_sum3A_1619 : i1 to vector<16xi1>
    %reduce_sum3A_1621 = tpu.scan <sum>, %get3A_1602 masked %reduce_sum3A_1620 : vector<16xi32>, vector<16xi1> -> vector<16xi32>
    %reduce_sum3A_1622 = vector.extract %reduce_sum3A_1621[15] : i32 from vector<16xi32>
    %add3A_1623 = arith.addi %add3A_1600, %reduce_sum3A_1622 : i32
    %get3A_1624 = arith.constant 512 : index
    %get3A_1625 = tpu.vector_load %arg7[%get3A_1624] {strides = array<i32>} : memref<2048xi32, #tpu.memory_space<vmem>>, vector<16xi32>,
    %cumsum3A_1626 = arith.constant true
    %cumsum3A_1627 = vector.broadcast %cumsum3A_1626 : i1 to vector<16xi1>
    %cumsum3A_1628 = tpu.scan <sum>, %get3A_1625 masked %cumsum3A_1627 : vector<16xi32>, vector<16xi1> -> vector<16xi32>
    %add3A_1629 = arith.addi %add3A_1623, %mul3A_886 : i32
    %add3A_1630 = vector.broadcast %add3A_1629 : i32 to vector<16xi32>
    %add3A_1631 = arith.addi %cumsum3A_1628, %add3A_1630 : vector<16xi32>
    %add3A_1632 = arith.constant 512 : i32
    %add3A_1633 = arith.addi %mul3A_886, %add3A_1632 : i32
    %sub3A_1634 = arith.constant 1 : i32
    %sub3A_1635 = arith.subi %add3A_1633, %sub3A_1634 : i32
    %min3A_1636 = vector.broadcast %sub3A_1635 : i32 to vector<16xi32>
    %min3A_1637 = arith.minsi %add3A_1631, %min3A_1636 : vector<16xi32>
    %swap3A_1638 = arith.constant 8 : i32
    %swap3A_1639 = arith.index_cast %swap3A_1638 : i32 to index
    %swap3A_1640 = arith.constant 0 : index
    %swap3A_1641 = tpu.vector_load %arg8[%swap3A_1639, %swap3A_1640] {strides = array<i32>} : memref<32x64xi32, #tpu.memory_space<vmem>>, vector<16xi32>,
    tpu.vector_store %arg8[%swap3A_1639, %swap3A_1640], %min3A_1637 {strides = array<i32>} : memref<32x64xi32, #tpu.memory_space<vmem>>, vector<16xi32>,
    %reduce_sum3A_1642 = arith.constant true
    %reduce_sum3A_1643 = vector.broadcast %reduce_sum3A_1642 : i1 to vector<16xi1>
    %reduce_sum3A_1644 = tpu.scan <sum>, %get3A_1625 masked %reduce_sum3A_1643 : vector<16xi32>, vector<16xi1> -> vector<16xi32>
    %reduce_sum3A_1645 = vector.extract %reduce_sum3A_1644[15] : i32 from vector<16xi32>
    %add3A_1646 = arith.addi %add3A_1623, %reduce_sum3A_1645 : i32
    %get3A_1647 = arith.constant 528 : index
    %get3A_1648 = tpu.vector_load %arg7[%get3A_1647] {strides = array<i32>} : memref<2048xi32, #tpu.memory_space<vmem>>, vector<16xi32>,
    %cumsum3A_1649 = arith.constant true
    %cumsum3A_1650 = vector.broadcast %cumsum3A_1649 : i1 to vector<16xi1>
    %cumsum3A_1651 = tpu.scan <sum>, %get3A_1648 masked %cumsum3A_1650 : vector<16xi32>, vector<16xi1> -> vector<16xi32>
    %add3A_1652 = arith.addi %add3A_1646, %mul3A_886 : i32
    %add3A_1653 = vector.broadcast %add3A_1652 : i32 to vector<16xi32>
    %add3A_1654 = arith.addi %cumsum3A_1651, %add3A_1653 : vector<16xi32>
    %add3A_1655 = arith.constant 512 : i32
    %add3A_1656 = arith.addi %mul3A_886, %add3A_1655 : i32
    %sub3A_1657 = arith.constant 1 : i32
    %sub3A_1658 = arith.subi %add3A_1656, %sub3A_1657 : i32
    %min3A_1659 = vector.broadcast %sub3A_1658 : i32 to vector<16xi32>
    %min3A_1660 = arith.minsi %add3A_1654, %min3A_1659 : vector<16xi32>
    %swap3A_1661 = arith.constant 8 : i32
    %swap3A_1662 = arith.index_cast %swap3A_1661 : i32 to index
    %swap3A_1663 = arith.constant 16 : index
    %swap3A_1664 = tpu.vector_load %arg8[%swap3A_1662, %swap3A_1663] {strides = array<i32>} : memref<32x64xi32, #tpu.memory_space<vmem>>, vector<16xi32>,
    tpu.vector_store %arg8[%swap3A_1662, %swap3A_1663], %min3A_1660 {strides = array<i32>} : memref<32x64xi32, #tpu.memory_space<vmem>>, vector<16xi32>,
    %reduce_sum3A_1665 = arith.constant true
    %reduce_sum3A_1666 = vector.broadcast %reduce_sum3A_1665 : i1 to vector<16xi1>
    %reduce_sum3A_1667 = tpu.scan <sum>, %get3A_1648 masked %reduce_sum3A_1666 : vector<16xi32>, vector<16xi1> -> vector<16xi32>
    %reduce_sum3A_1668 = vector.extract %reduce_sum3A_1667[15] : i32 from vector<16xi32>
    %add3A_1669 = arith.addi %add3A_1646, %reduce_sum3A_1668 : i32
    %get3A_1670 = arith.constant 544 : index
    %get3A_1671 = tpu.vector_load %arg7[%get3A_1670] {strides = array<i32>} : memref<2048xi32, #tpu.memory_space<vmem>>, vector<16xi32>,
    %cumsum3A_1672 = arith.constant true
    %cumsum3A_1673 = vector.broadcast %cumsum3A_1672 : i1 to vector<16xi1>
    %cumsum3A_1674 = tpu.scan <sum>, %get3A_1671 masked %cumsum3A_1673 : vector<16xi32>, vector<16xi1> -> vector<16xi32>
    %add3A_1675 = arith.addi %add3A_1669, %mul3A_886 : i32
    %add3A_1676 = vector.broadcast %add3A_1675 : i32 to vector<16xi32>
    %add3A_1677 = arith.addi %cumsum3A_1674, %add3A_1676 : vector<16xi32>
    %add3A_1678 = arith.constant 512 : i32
    %add3A_1679 = arith.addi %mul3A_886, %add3A_1678 : i32
    %sub3A_1680 = arith.constant 1 : i32
    %sub3A_1681 = arith.subi %add3A_1679, %sub3A_1680 : i32
    %min3A_1682 = vector.broadcast %sub3A_1681 : i32 to vector<16xi32>
    %min3A_1683 = arith.minsi %add3A_1677, %min3A_1682 : vector<16xi32>
    %swap3A_1684 = arith.constant 8 : i32
    %swap3A_1685 = arith.index_cast %swap3A_1684 : i32 to index
    %swap3A_1686 = arith.constant 32 : index
    %swap3A_1687 = tpu.vector_load %arg8[%swap3A_1685, %swap3A_1686] {strides = array<i32>} : memref<32x64xi32, #tpu.memory_space<vmem>>, vector<16xi32>,
    tpu.vector_store %arg8[%swap3A_1685, %swap3A_1686], %min3A_1683 {strides = array<i32>} : memref<32x64xi32, #tpu.memory_space<vmem>>, vector<16xi32>,
    %reduce_sum3A_1688 = arith.constant true
    %reduce_sum3A_1689 = vector.broadcast %reduce_sum3A_1688 : i1 to vector<16xi1>
    %reduce_sum3A_1690 = tpu.scan <sum>, %get3A_1671 masked %reduce_sum3A_1689 : vector<16xi32>, vector<16xi1> -> vector<16xi32>
    %reduce_sum3A_1691 = vector.extract %reduce_sum3A_1690[15] : i32 from vector<16xi32>
    %add3A_1692 = arith.addi %add3A_1669, %reduce_sum3A_1691 : i32
    %get3A_1693 = arith.constant 560 : index
    %get3A_1694 = tpu.vector_load %arg7[%get3A_1693] {strides = array<i32>} : memref<2048xi32, #tpu.memory_space<vmem>>, vector<16xi32>,
    %cumsum3A_1695 = arith.constant true
    %cumsum3A_1696 = vector.broadcast %cumsum3A_1695 : i1 to vector<16xi1>
    %cumsum3A_1697 = tpu.scan <sum>, %get3A_1694 masked %cumsum3A_1696 : vector<16xi32>, vector<16xi1> -> vector<16xi32>
    %add3A_1698 = arith.addi %add3A_1692, %mul3A_886 : i32
    %add3A_1699 = vector.broadcast %add3A_1698 : i32 to vector<16xi32>
    %add3A_1700 = arith.addi %cumsum3A_1697, %add3A_1699 : vector<16xi32>
    %add3A_1701 = arith.constant 512 : i32
    %add3A_1702 = arith.addi %mul3A_886, %add3A_1701 : i32
    %sub3A_1703 = arith.constant 1 : i32
    %sub3A_1704 = arith.subi %add3A_1702, %sub3A_1703 : i32
    %min3A_1705 = vector.broadcast %sub3A_1704 : i32 to vector<16xi32>
    %min3A_1706 = arith.minsi %add3A_1700, %min3A_1705 : vector<16xi32>
    %swap3A_1707 = arith.constant 8 : i32
    %swap3A_1708 = arith.index_cast %swap3A_1707 : i32 to index
    %swap3A_1709 = arith.constant 48 : index
    %swap3A_1710 = tpu.vector_load %arg8[%swap3A_1708, %swap3A_1709] {strides = array<i32>} : memref<32x64xi32, #tpu.memory_space<vmem>>, vector<16xi32>,
    tpu.vector_store %arg8[%swap3A_1708, %swap3A_1709], %min3A_1706 {strides = array<i32>} : memref<32x64xi32, #tpu.memory_space<vmem>>, vector<16xi32>,
    %reduce_sum3A_1711 = arith.constant true
    %reduce_sum3A_1712 = vector.broadcast %reduce_sum3A_1711 : i1 to vector<16xi1>
    %reduce_sum3A_1713 = tpu.scan <sum>, %get3A_1694 masked %reduce_sum3A_1712 : vector<16xi32>, vector<16xi1> -> vector<16xi32>
    %reduce_sum3A_1714 = vector.extract %reduce_sum3A_1713[15] : i32 from vector<16xi32>
    %add3A_1715 = arith.addi %add3A_1692, %reduce_sum3A_1714 : i32
    %get3A_1716 = arith.constant 576 : index
    %get3A_1717 = tpu.vector_load %arg7[%get3A_1716] {strides = array<i32>} : memref<2048xi32, #tpu.memory_space<vmem>>, vector<16xi32>,
    %cumsum3A_1718 = arith.constant true
    %cumsum3A_1719 = vector.broadcast %cumsum3A_1718 : i1 to vector<16xi1>
    %cumsum3A_1720 = tpu.scan <sum>, %get3A_1717 masked %cumsum3A_1719 : vector<16xi32>, vector<16xi1> -> vector<16xi32>
    %add3A_1721 = arith.addi %add3A_1715, %mul3A_886 : i32
    %add3A_1722 = vector.broadcast %add3A_1721 : i32 to vector<16xi32>
    %add3A_1723 = arith.addi %cumsum3A_1720, %add3A_1722 : vector<16xi32>
    %add3A_1724 = arith.constant 512 : i32
    %add3A_1725 = arith.addi %mul3A_886, %add3A_1724 : i32
    %sub3A_1726 = arith.constant 1 : i32
    %sub3A_1727 = arith.subi %add3A_1725, %sub3A_1726 : i32
    %min3A_1728 = vector.broadcast %sub3A_1727 : i32 to vector<16xi32>
    %min3A_1729 = arith.minsi %add3A_1723, %min3A_1728 : vector<16xi32>
    %swap3A_1730 = arith.constant 9 : i32
    %swap3A_1731 = arith.index_cast %swap3A_1730 : i32 to index
    %swap3A_1732 = arith.constant 0 : index
    %swap3A_1733 = tpu.vector_load %arg8[%swap3A_1731, %swap3A_1732] {strides = array<i32>} : memref<32x64xi32, #tpu.memory_space<vmem>>, vector<16xi32>,
    tpu.vector_store %arg8[%swap3A_1731, %swap3A_1732], %min3A_1729 {strides = array<i32>} : memref<32x64xi32, #tpu.memory_space<vmem>>, vector<16xi32>,
    %reduce_sum3A_1734 = arith.constant true
    %reduce_sum3A_1735 = vector.broadcast %reduce_sum3A_1734 : i1 to vector<16xi1>
    %reduce_sum3A_1736 = tpu.scan <sum>, %get3A_1717 masked %reduce_sum3A_1735 : vector<16xi32>, vector<16xi1> -> vector<16xi32>
    %reduce_sum3A_1737 = vector.extract %reduce_sum3A_1736[15] : i32 from vector<16xi32>
    %add3A_1738 = arith.addi %add3A_1715, %reduce_sum3A_1737 : i32
    %get3A_1739 = arith.constant 592 : index
    %get3A_1740 = tpu.vector_load %arg7[%get3A_1739] {strides = array<i32>} : memref<2048xi32, #tpu.memory_space<vmem>>, vector<16xi32>,
    %cumsum3A_1741 = arith.constant true
    %cumsum3A_1742 = vector.broadcast %cumsum3A_1741 : i1 to vector<16xi1>
    %cumsum3A_1743 = tpu.scan <sum>, %get3A_1740 masked %cumsum3A_1742 : vector<16xi32>, vector<16xi1> -> vector<16xi32>
    %add3A_1744 = arith.addi %add3A_1738, %mul3A_886 : i32
    %add3A_1745 = vector.broadcast %add3A_1744 : i32 to vector<16xi32>
    %add3A_1746 = arith.addi %cumsum3A_1743, %add3A_1745 : vector<16xi32>
    %add3A_1747 = arith.constant 512 : i32
    %add3A_1748 = arith.addi %mul3A_886, %add3A_1747 : i32
    %sub3A_1749 = arith.constant 1 : i32
    %sub3A_1750 = arith.subi %add3A_1748, %sub3A_1749 : i32
    %min3A_1751 = vector.broadcast %sub3A_1750 : i32 to vector<16xi32>
    %min3A_1752 = arith.minsi %add3A_1746, %min3A_1751 : vector<16xi32>
    %swap3A_1753 = arith.constant 9 : i32
    %swap3A_1754 = arith.index_cast %swap3A_1753 : i32 to index
    %swap3A_1755 = arith.constant 16 : index
    %swap3A_1756 = tpu.vector_load %arg8[%swap3A_1754, %swap3A_1755] {strides = array<i32>} : memref<32x64xi32, #tpu.memory_space<vmem>>, vector<16xi32>,
    tpu.vector_store %arg8[%swap3A_1754, %swap3A_1755], %min3A_1752 {strides = array<i32>} : memref<32x64xi32, #tpu.memory_space<vmem>>, vector<16xi32>,
    %reduce_sum3A_1757 = arith.constant true
    %reduce_sum3A_1758 = vector.broadcast %reduce_sum3A_1757 : i1 to vector<16xi1>
    %reduce_sum3A_1759 = tpu.scan <sum>, %get3A_1740 masked %reduce_sum3A_1758 : vector<16xi32>, vector<16xi1> -> vector<16xi32>
    %reduce_sum3A_1760 = vector.extract %reduce_sum3A_1759[15] : i32 from vector<16xi32>
    %add3A_1761 = arith.addi %add3A_1738, %reduce_sum3A_1760 : i32
    %get3A_1762 = arith.constant 608 : index
    %get3A_1763 = tpu.vector_load %arg7[%get3A_1762] {strides = array<i32>} : memref<2048xi32, #tpu.memory_space<vmem>>, vector<16xi32>,
    %cumsum3A_1764 = arith.constant true
    %cumsum3A_1765 = vector.broadcast %cumsum3A_1764 : i1 to vector<16xi1>
    %cumsum3A_1766 = tpu.scan <sum>, %get3A_1763 masked %cumsum3A_1765 : vector<16xi32>, vector<16xi1> -> vector<16xi32>
    %add3A_1767 = arith.addi %add3A_1761, %mul3A_886 : i32
    %add3A_1768 = vector.broadcast %add3A_1767 : i32 to vector<16xi32>
    %add3A_1769 = arith.addi %cumsum3A_1766, %add3A_1768 : vector<16xi32>
    %add3A_1770 = arith.constant 512 : i32
    %add3A_1771 = arith.addi %mul3A_886, %add3A_1770 : i32
    %sub3A_1772 = arith.constant 1 : i32
    %sub3A_1773 = arith.subi %add3A_1771, %sub3A_1772 : i32
    %min3A_1774 = vector.broadcast %sub3A_1773 : i32 to vector<16xi32>
    %min3A_1775 = arith.minsi %add3A_1769, %min3A_1774 : vector<16xi32>
    %swap3A_1776 = arith.constant 9 : i32
    %swap3A_1777 = arith.index_cast %swap3A_1776 : i32 to index
    %swap3A_1778 = arith.constant 32 : index
    %swap3A_1779 = tpu.vector_load %arg8[%swap3A_1777, %swap3A_1778] {strides = array<i32>} : memref<32x64xi32, #tpu.memory_space<vmem>>, vector<16xi32>,
    tpu.vector_store %arg8[%swap3A_1777, %swap3A_1778], %min3A_1775 {strides = array<i32>} : memref<32x64xi32, #tpu.memory_space<vmem>>, vector<16xi32>,
    %reduce_sum3A_1780 = arith.constant true
    %reduce_sum3A_1781 = vector.broadcast %reduce_sum3A_1780 : i1 to vector<16xi1>
    %reduce_sum3A_1782 = tpu.scan <sum>, %get3A_1763 masked %reduce_sum3A_1781 : vector<16xi32>, vector<16xi1> -> vector<16xi32>
    %reduce_sum3A_1783 = vector.extract %reduce_sum3A_1782[15] : i32 from vector<16xi32>
    %add3A_1784 = arith.addi %add3A_1761, %reduce_sum3A_1783 : i32
    %get3A_1785 = arith.constant 624 : index
    %get3A_1786 = tpu.vector_load %arg7[%get3A_1785] {strides = array<i32>} : memref<2048xi32, #tpu.memory_space<vmem>>, vector<16xi32>,
    %cumsum3A_1787 = arith.constant true
    %cumsum3A_1788 = vector.broadcast %cumsum3A_1787 : i1 to vector<16xi1>
    %cumsum3A_1789 = tpu.scan <sum>, %get3A_1786 masked %cumsum3A_1788 : vector<16xi32>, vector<16xi1> -> vector<16xi32>
    %add3A_1790 = arith.addi %add3A_1784, %mul3A_886 : i32
    %add3A_1791 = vector.broadcast %add3A_1790 : i32 to vector<16xi32>
    %add3A_1792 = arith.addi %cumsum3A_1789, %add3A_1791 : vector<16xi32>
    %add3A_1793 = arith.constant 512 : i32
    %add3A_1794 = arith.addi %mul3A_886, %add3A_1793 : i32
    %sub3A_1795 = arith.constant 1 : i32
    %sub3A_1796 = arith.subi %add3A_1794, %sub3A_1795 : i32
    %min3A_1797 = vector.broadcast %sub3A_1796 : i32 to vector<16xi32>
    %min3A_1798 = arith.minsi %add3A_1792, %min3A_1797 : vector<16xi32>
    %swap3A_1799 = arith.constant 9 : i32
    %swap3A_1800 = arith.index_cast %swap3A_1799 : i32 to index
    %swap3A_1801 = arith.constant 48 : index
    %swap3A_1802 = tpu.vector_load %arg8[%swap3A_1800, %swap3A_1801] {strides = array<i32>} : memref<32x64xi32, #tpu.memory_space<vmem>>, vector<16xi32>,
    tpu.vector_store %arg8[%swap3A_1800, %swap3A_1801], %min3A_1798 {strides = array<i32>} : memref<32x64xi32, #tpu.memory_space<vmem>>, vector<16xi32>,
    %reduce_sum3A_1803 = arith.constant true
    %reduce_sum3A_1804 = vector.broadcast %reduce_sum3A_1803 : i1 to vector<16xi1>
    %reduce_sum3A_1805 = tpu.scan <sum>, %get3A_1786 masked %reduce_sum3A_1804 : vector<16xi32>, vector<16xi1> -> vector<16xi32>
    %reduce_sum3A_1806 = vector.extract %reduce_sum3A_1805[15] : i32 from vector<16xi32>
    %add3A_1807 = arith.addi %add3A_1784, %reduce_sum3A_1806 : i32
    %get3A_1808 = arith.constant 640 : index
    %get3A_1809 = tpu.vector_load %arg7[%get3A_1808] {strides = array<i32>} : memref<2048xi32, #tpu.memory_space<vmem>>, vector<16xi32>,
    %cumsum3A_1810 = arith.constant true
    %cumsum3A_1811 = vector.broadcast %cumsum3A_1810 : i1 to vector<16xi1>
    %cumsum3A_1812 = tpu.scan <sum>, %get3A_1809 masked %cumsum3A_1811 : vector<16xi32>, vector<16xi1> -> vector<16xi32>
    %add3A_1813 = arith.addi %add3A_1807, %mul3A_886 : i32
    %add3A_1814 = vector.broadcast %add3A_1813 : i32 to vector<16xi32>
    %add3A_1815 = arith.addi %cumsum3A_1812, %add3A_1814 : vector<16xi32>
    %add3A_1816 = arith.constant 512 : i32
    %add3A_1817 = arith.addi %mul3A_886, %add3A_1816 : i32
    %sub3A_1818 = arith.constant 1 : i32
    %sub3A_1819 = arith.subi %add3A_1817, %sub3A_1818 : i32
    %min3A_1820 = vector.broadcast %sub3A_1819 : i32 to vector<16xi32>
    %min3A_1821 = arith.minsi %add3A_1815, %min3A_1820 : vector<16xi32>
    %swap3A_1822 = arith.constant 10 : i32
    %swap3A_1823 = arith.index_cast %swap3A_1822 : i32 to index
    %swap3A_1824 = arith.constant 0 : index
    %swap3A_1825 = tpu.vector_load %arg8[%swap3A_1823, %swap3A_1824] {strides = array<i32>} : memref<32x64xi32, #tpu.memory_space<vmem>>, vector<16xi32>,
    tpu.vector_store %arg8[%swap3A_1823, %swap3A_1824], %min3A_1821 {strides = array<i32>} : memref<32x64xi32, #tpu.memory_space<vmem>>, vector<16xi32>,
    %reduce_sum3A_1826 = arith.constant true
    %reduce_sum3A_1827 = vector.broadcast %reduce_sum3A_1826 : i1 to vector<16xi1>
    %reduce_sum3A_1828 = tpu.scan <sum>, %get3A_1809 masked %reduce_sum3A_1827 : vector<16xi32>, vector<16xi1> -> vector<16xi32>
    %reduce_sum3A_1829 = vector.extract %reduce_sum3A_1828[15] : i32 from vector<16xi32>
    %add3A_1830 = arith.addi %add3A_1807, %reduce_sum3A_1829 : i32
    %get3A_1831 = arith.constant 656 : index
    %get3A_1832 = tpu.vector_load %arg7[%get3A_1831] {strides = array<i32>} : memref<2048xi32, #tpu.memory_space<vmem>>, vector<16xi32>,
    %cumsum3A_1833 = arith.constant true
    %cumsum3A_1834 = vector.broadcast %cumsum3A_1833 : i1 to vector<16xi1>
    %cumsum3A_1835 = tpu.scan <sum>, %get3A_1832 masked %cumsum3A_1834 : vector<16xi32>, vector<16xi1> -> vector<16xi32>
    %add3A_1836 = arith.addi %add3A_1830, %mul3A_886 : i32
    %add3A_1837 = vector.broadcast %add3A_1836 : i32 to vector<16xi32>
    %add3A_1838 = arith.addi %cumsum3A_1835, %add3A_1837 : vector<16xi32>
    %add3A_1839 = arith.constant 512 : i32
    %add3A_1840 = arith.addi %mul3A_886, %add3A_1839 : i32
    %sub3A_1841 = arith.constant 1 : i32
    %sub3A_1842 = arith.subi %add3A_1840, %sub3A_1841 : i32
    %min3A_1843 = vector.broadcast %sub3A_1842 : i32 to vector<16xi32>
    %min3A_1844 = arith.minsi %add3A_1838, %min3A_1843 : vector<16xi32>
    %swap3A_1845 = arith.constant 10 : i32
    %swap3A_1846 = arith.index_cast %swap3A_1845 : i32 to index
    %swap3A_1847 = arith.constant 16 : index
    %swap3A_1848 = tpu.vector_load %arg8[%swap3A_1846, %swap3A_1847] {strides = array<i32>} : memref<32x64xi32, #tpu.memory_space<vmem>>, vector<16xi32>,
    tpu.vector_store %arg8[%swap3A_1846, %swap3A_1847], %min3A_1844 {strides = array<i32>} : memref<32x64xi32, #tpu.memory_space<vmem>>, vector<16xi32>,
    %reduce_sum3A_1849 = arith.constant true
    %reduce_sum3A_1850 = vector.broadcast %reduce_sum3A_1849 : i1 to vector<16xi1>
    %reduce_sum3A_1851 = tpu.scan <sum>, %get3A_1832 masked %reduce_sum3A_1850 : vector<16xi32>, vector<16xi1> -> vector<16xi32>
    %reduce_sum3A_1852 = vector.extract %reduce_sum3A_1851[15] : i32 from vector<16xi32>
    %add3A_1853 = arith.addi %add3A_1830, %reduce_sum3A_1852 : i32
    %get3A_1854 = arith.constant 672 : index
    %get3A_1855 = tpu.vector_load %arg7[%get3A_1854] {strides = array<i32>} : memref<2048xi32, #tpu.memory_space<vmem>>, vector<16xi32>,
    %cumsum3A_1856 = arith.constant true
    %cumsum3A_1857 = vector.broadcast %cumsum3A_1856 : i1 to vector<16xi1>
    %cumsum3A_1858 = tpu.scan <sum>, %get3A_1855 masked %cumsum3A_1857 : vector<16xi32>, vector<16xi1> -> vector<16xi32>
    %add3A_1859 = arith.addi %add3A_1853, %mul3A_886 : i32
    %add3A_1860 = vector.broadcast %add3A_1859 : i32 to vector<16xi32>
    %add3A_1861 = arith.addi %cumsum3A_1858, %add3A_1860 : vector<16xi32>
    %add3A_1862 = arith.constant 512 : i32
    %add3A_1863 = arith.addi %mul3A_886, %add3A_1862 : i32
    %sub3A_1864 = arith.constant 1 : i32
    %sub3A_1865 = arith.subi %add3A_1863, %sub3A_1864 : i32
    %min3A_1866 = vector.broadcast %sub3A_1865 : i32 to vector<16xi32>
    %min3A_1867 = arith.minsi %add3A_1861, %min3A_1866 : vector<16xi32>
    %swap3A_1868 = arith.constant 10 : i32
    %swap3A_1869 = arith.index_cast %swap3A_1868 : i32 to index
    %swap3A_1870 = arith.constant 32 : index
    %swap3A_1871 = tpu.vector_load %arg8[%swap3A_1869, %swap3A_1870] {strides = array<i32>} : memref<32x64xi32, #tpu.memory_space<vmem>>, vector<16xi32>,
    tpu.vector_store %arg8[%swap3A_1869, %swap3A_1870], %min3A_1867 {strides = array<i32>} : memref<32x64xi32, #tpu.memory_space<vmem>>, vector<16xi32>,
    %reduce_sum3A_1872 = arith.constant true
    %reduce_sum3A_1873 = vector.broadcast %reduce_sum3A_1872 : i1 to vector<16xi1>
    %reduce_sum3A_1874 = tpu.scan <sum>, %get3A_1855 masked %reduce_sum3A_1873 : vector<16xi32>, vector<16xi1> -> vector<16xi32>
    %reduce_sum3A_1875 = vector.extract %reduce_sum3A_1874[15] : i32 from vector<16xi32>
    %add3A_1876 = arith.addi %add3A_1853, %reduce_sum3A_1875 : i32
    %get3A_1877 = arith.constant 688 : index
    %get3A_1878 = tpu.vector_load %arg7[%get3A_1877] {strides = array<i32>} : memref<2048xi32, #tpu.memory_space<vmem>>, vector<16xi32>,
    %cumsum3A_1879 = arith.constant true
    %cumsum3A_1880 = vector.broadcast %cumsum3A_1879 : i1 to vector<16xi1>
    %cumsum3A_1881 = tpu.scan <sum>, %get3A_1878 masked %cumsum3A_1880 : vector<16xi32>, vector<16xi1> -> vector<16xi32>
    %add3A_1882 = arith.addi %add3A_1876, %mul3A_886 : i32
    %add3A_1883 = vector.broadcast %add3A_1882 : i32 to vector<16xi32>
    %add3A_1884 = arith.addi %cumsum3A_1881, %add3A_1883 : vector<16xi32>
    %add3A_1885 = arith.constant 512 : i32
    %add3A_1886 = arith.addi %mul3A_886, %add3A_1885 : i32
    %sub3A_1887 = arith.constant 1 : i32
    %sub3A_1888 = arith.subi %add3A_1886, %sub3A_1887 : i32
    %min3A_1889 = vector.broadcast %sub3A_1888 : i32 to vector<16xi32>
    %min3A_1890 = arith.minsi %add3A_1884, %min3A_1889 : vector<16xi32>
    %swap3A_1891 = arith.constant 10 : i32
    %swap3A_1892 = arith.index_cast %swap3A_1891 : i32 to index
    %swap3A_1893 = arith.constant 48 : index
    %swap3A_1894 = tpu.vector_load %arg8[%swap3A_1892, %swap3A_1893] {strides = array<i32>} : memref<32x64xi32, #tpu.memory_space<vmem>>, vector<16xi32>,
    tpu.vector_store %arg8[%swap3A_1892, %swap3A_1893], %min3A_1890 {strides = array<i32>} : memref<32x64xi32, #tpu.memory_space<vmem>>, vector<16xi32>,
    %reduce_sum3A_1895 = arith.constant true
    %reduce_sum3A_1896 = vector.broadcast %reduce_sum3A_1895 : i1 to vector<16xi1>
    %reduce_sum3A_1897 = tpu.scan <sum>, %get3A_1878 masked %reduce_sum3A_1896 : vector<16xi32>, vector<16xi1> -> vector<16xi32>
    %reduce_sum3A_1898 = vector.extract %reduce_sum3A_1897[15] : i32 from vector<16xi32>
    %add3A_1899 = arith.addi %add3A_1876, %reduce_sum3A_1898 : i32
    %get3A_1900 = arith.constant 704 : index
    %get3A_1901 = tpu.vector_load %arg7[%get3A_1900] {strides = array<i32>} : memref<2048xi32, #tpu.memory_space<vmem>>, vector<16xi32>,
    %cumsum3A_1902 = arith.constant true
    %cumsum3A_1903 = vector.broadcast %cumsum3A_1902 : i1 to vector<16xi1>
    %cumsum3A_1904 = tpu.scan <sum>, %get3A_1901 masked %cumsum3A_1903 : vector<16xi32>, vector<16xi1> -> vector<16xi32>
    %add3A_1905 = arith.addi %add3A_1899, %mul3A_886 : i32
    %add3A_1906 = vector.broadcast %add3A_1905 : i32 to vector<16xi32>
    %add3A_1907 = arith.addi %cumsum3A_1904, %add3A_1906 : vector<16xi32>
    %add3A_1908 = arith.constant 512 : i32
    %add3A_1909 = arith.addi %mul3A_886, %add3A_1908 : i32
    %sub3A_1910 = arith.constant 1 : i32
    %sub3A_1911 = arith.subi %add3A_1909, %sub3A_1910 : i32
    %min3A_1912 = vector.broadcast %sub3A_1911 : i32 to vector<16xi32>
    %min3A_1913 = arith.minsi %add3A_1907, %min3A_1912 : vector<16xi32>
    %swap3A_1914 = arith.constant 11 : i32
    %swap3A_1915 = arith.index_cast %swap3A_1914 : i32 to index
    %swap3A_1916 = arith.constant 0 : index
    %swap3A_1917 = tpu.vector_load %arg8[%swap3A_1915, %swap3A_1916] {strides = array<i32>} : memref<32x64xi32, #tpu.memory_space<vmem>>, vector<16xi32>,
    tpu.vector_store %arg8[%swap3A_1915, %swap3A_1916], %min3A_1913 {strides = array<i32>} : memref<32x64xi32, #tpu.memory_space<vmem>>, vector<16xi32>,
    %reduce_sum3A_1918 = arith.constant true
    %reduce_sum3A_1919 = vector.broadcast %reduce_sum3A_1918 : i1 to vector<16xi1>
    %reduce_sum3A_1920 = tpu.scan <sum>, %get3A_1901 masked %reduce_sum3A_1919 : vector<16xi32>, vector<16xi1> -> vector<16xi32>
    %reduce_sum3A_1921 = vector.extract %reduce_sum3A_1920[15] : i32 from vector<16xi32>
    %add3A_1922 = arith.addi %add3A_1899, %reduce_sum3A_1921 : i32
    %get3A_1923 = arith.constant 720 : index
    %get3A_1924 = tpu.vector_load %arg7[%get3A_1923] {strides = array<i32>} : memref<2048xi32, #tpu.memory_space<vmem>>, vector<16xi32>,
    %cumsum3A_1925 = arith.constant true
    %cumsum3A_1926 = vector.broadcast %cumsum3A_1925 : i1 to vector<16xi1>
    %cumsum3A_1927 = tpu.scan <sum>, %get3A_1924 masked %cumsum3A_1926 : vector<16xi32>, vector<16xi1> -> vector<16xi32>
    %add3A_1928 = arith.addi %add3A_1922, %mul3A_886 : i32
    %add3A_1929 = vector.broadcast %add3A_1928 : i32 to vector<16xi32>
    %add3A_1930 = arith.addi %cumsum3A_1927, %add3A_1929 : vector<16xi32>
    %add3A_1931 = arith.constant 512 : i32
    %add3A_1932 = arith.addi %mul3A_886, %add3A_1931 : i32
    %sub3A_1933 = arith.constant 1 : i32
    %sub3A_1934 = arith.subi %add3A_1932, %sub3A_1933 : i32
    %min3A_1935 = vector.broadcast %sub3A_1934 : i32 to vector<16xi32>
    %min3A_1936 = arith.minsi %add3A_1930, %min3A_1935 : vector<16xi32>
    %swap3A_1937 = arith.constant 11 : i32
    %swap3A_1938 = arith.index_cast %swap3A_1937 : i32 to index
    %swap3A_1939 = arith.constant 16 : index
    %swap3A_1940 = tpu.vector_load %arg8[%swap3A_1938, %swap3A_1939] {strides = array<i32>} : memref<32x64xi32, #tpu.memory_space<vmem>>, vector<16xi32>,
    tpu.vector_store %arg8[%swap3A_1938, %swap3A_1939], %min3A_1936 {strides = array<i32>} : memref<32x64xi32, #tpu.memory_space<vmem>>, vector<16xi32>,
    %reduce_sum3A_1941 = arith.constant true
    %reduce_sum3A_1942 = vector.broadcast %reduce_sum3A_1941 : i1 to vector<16xi1>
    %reduce_sum3A_1943 = tpu.scan <sum>, %get3A_1924 masked %reduce_sum3A_1942 : vector<16xi32>, vector<16xi1> -> vector<16xi32>
    %reduce_sum3A_1944 = vector.extract %reduce_sum3A_1943[15] : i32 from vector<16xi32>
    %add3A_1945 = arith.addi %add3A_1922, %reduce_sum3A_1944 : i32
    %get3A_1946 = arith.constant 736 : index
    %get3A_1947 = tpu.vector_load %arg7[%get3A_1946] {strides = array<i32>} : memref<2048xi32, #tpu.memory_space<vmem>>, vector<16xi32>,
    %cumsum3A_1948 = arith.constant true
    %cumsum3A_1949 = vector.broadcast %cumsum3A_1948 : i1 to vector<16xi1>
    %cumsum3A_1950 = tpu.scan <sum>, %get3A_1947 masked %cumsum3A_1949 : vector<16xi32>, vector<16xi1> -> vector<16xi32>
    %add3A_1951 = arith.addi %add3A_1945, %mul3A_886 : i32
    %add3A_1952 = vector.broadcast %add3A_1951 : i32 to vector<16xi32>
    %add3A_1953 = arith.addi %cumsum3A_1950, %add3A_1952 : vector<16xi32>
    %add3A_1954 = arith.constant 512 : i32
    %add3A_1955 = arith.addi %mul3A_886, %add3A_1954 : i32
    %sub3A_1956 = arith.constant 1 : i32
    %sub3A_1957 = arith.subi %add3A_1955, %sub3A_1956 : i32
    %min3A_1958 = vector.broadcast %sub3A_1957 : i32 to vector<16xi32>
    %min3A_1959 = arith.minsi %add3A_1953, %min3A_1958 : vector<16xi32>
    %swap3A_1960 = arith.constant 11 : i32
    %swap3A_1961 = arith.index_cast %swap3A_1960 : i32 to index
    %swap3A_1962 = arith.constant 32 : index
    %swap3A_1963 = tpu.vector_load %arg8[%swap3A_1961, %swap3A_1962] {strides = array<i32>} : memref<32x64xi32, #tpu.memory_space<vmem>>, vector<16xi32>,
    tpu.vector_store %arg8[%swap3A_1961, %swap3A_1962], %min3A_1959 {strides = array<i32>} : memref<32x64xi32, #tpu.memory_space<vmem>>, vector<16xi32>,
    %reduce_sum3A_1964 = arith.constant true
    %reduce_sum3A_1965 = vector.broadcast %reduce_sum3A_1964 : i1 to vector<16xi1>
    %reduce_sum3A_1966 = tpu.scan <sum>, %get3A_1947 masked %reduce_sum3A_1965 : vector<16xi32>, vector<16xi1> -> vector<16xi32>
    %reduce_sum3A_1967 = vector.extract %reduce_sum3A_1966[15] : i32 from vector<16xi32>
    %add3A_1968 = arith.addi %add3A_1945, %reduce_sum3A_1967 : i32
    %get3A_1969 = arith.constant 752 : index
    %get3A_1970 = tpu.vector_load %arg7[%get3A_1969] {strides = array<i32>} : memref<2048xi32, #tpu.memory_space<vmem>>, vector<16xi32>,
    %cumsum3A_1971 = arith.constant true
    %cumsum3A_1972 = vector.broadcast %cumsum3A_1971 : i1 to vector<16xi1>
    %cumsum3A_1973 = tpu.scan <sum>, %get3A_1970 masked %cumsum3A_1972 : vector<16xi32>, vector<16xi1> -> vector<16xi32>
    %add3A_1974 = arith.addi %add3A_1968, %mul3A_886 : i32
    %add3A_1975 = vector.broadcast %add3A_1974 : i32 to vector<16xi32>
    %add3A_1976 = arith.addi %cumsum3A_1973, %add3A_1975 : vector<16xi32>
    %add3A_1977 = arith.constant 512 : i32
    %add3A_1978 = arith.addi %mul3A_886, %add3A_1977 : i32
    %sub3A_1979 = arith.constant 1 : i32
    %sub3A_1980 = arith.subi %add3A_1978, %sub3A_1979 : i32
    %min3A_1981 = vector.broadcast %sub3A_1980 : i32 to vector<16xi32>
    %min3A_1982 = arith.minsi %add3A_1976, %min3A_1981 : vector<16xi32>
    %swap3A_1983 = arith.constant 11 : i32
    %swap3A_1984 = arith.index_cast %swap3A_1983 : i32 to index
    %swap3A_1985 = arith.constant 48 : index
    %swap3A_1986 = tpu.vector_load %arg8[%swap3A_1984, %swap3A_1985] {strides = array<i32>} : memref<32x64xi32, #tpu.memory_space<vmem>>, vector<16xi32>,
    tpu.vector_store %arg8[%swap3A_1984, %swap3A_1985], %min3A_1982 {strides = array<i32>} : memref<32x64xi32, #tpu.memory_space<vmem>>, vector<16xi32>,
    %reduce_sum3A_1987 = arith.constant true
    %reduce_sum3A_1988 = vector.broadcast %reduce_sum3A_1987 : i1 to vector<16xi1>
    %reduce_sum3A_1989 = tpu.scan <sum>, %get3A_1970 masked %reduce_sum3A_1988 : vector<16xi32>, vector<16xi1> -> vector<16xi32>
    %reduce_sum3A_1990 = vector.extract %reduce_sum3A_1989[15] : i32 from vector<16xi32>
    %add3A_1991 = arith.addi %add3A_1968, %reduce_sum3A_1990 : i32
    %get3A_1992 = arith.constant 768 : index
    %get3A_1993 = tpu.vector_load %arg7[%get3A_1992] {strides = array<i32>} : memref<2048xi32, #tpu.memory_space<vmem>>, vector<16xi32>,
    %cumsum3A_1994 = arith.constant true
    %cumsum3A_1995 = vector.broadcast %cumsum3A_1994 : i1 to vector<16xi1>
    %cumsum3A_1996 = tpu.scan <sum>, %get3A_1993 masked %cumsum3A_1995 : vector<16xi32>, vector<16xi1> -> vector<16xi32>
    %add3A_1997 = arith.addi %add3A_1991, %mul3A_886 : i32
    %add3A_1998 = vector.broadcast %add3A_1997 : i32 to vector<16xi32>
    %add3A_1999 = arith.addi %cumsum3A_1996, %add3A_1998 : vector<16xi32>
    %add3A_2000 = arith.constant 512 : i32
    %add3A_2001 = arith.addi %mul3A_886, %add3A_2000 : i32
    %sub3A_2002 = arith.constant 1 : i32
    %sub3A_2003 = arith.subi %add3A_2001, %sub3A_2002 : i32
    %min3A_2004 = vector.broadcast %sub3A_2003 : i32 to vector<16xi32>
    %min3A_2005 = arith.minsi %add3A_1999, %min3A_2004 : vector<16xi32>
    %swap3A_2006 = arith.constant 12 : i32
    %swap3A_2007 = arith.index_cast %swap3A_2006 : i32 to index
    %swap3A_2008 = arith.constant 0 : index
    %swap3A_2009 = tpu.vector_load %arg8[%swap3A_2007, %swap3A_2008] {strides = array<i32>} : memref<32x64xi32, #tpu.memory_space<vmem>>, vector<16xi32>,
    tpu.vector_store %arg8[%swap3A_2007, %swap3A_2008], %min3A_2005 {strides = array<i32>} : memref<32x64xi32, #tpu.memory_space<vmem>>, vector<16xi32>,
    %reduce_sum3A_2010 = arith.constant true
    %reduce_sum3A_2011 = vector.broadcast %reduce_sum3A_2010 : i1 to vector<16xi1>
    %reduce_sum3A_2012 = tpu.scan <sum>, %get3A_1993 masked %reduce_sum3A_2011 : vector<16xi32>, vector<16xi1> -> vector<16xi32>
    %reduce_sum3A_2013 = vector.extract %reduce_sum3A_2012[15] : i32 from vector<16xi32>
    %add3A_2014 = arith.addi %add3A_1991, %reduce_sum3A_2013 : i32
    %get3A_2015 = arith.constant 784 : index
    %get3A_2016 = tpu.vector_load %arg7[%get3A_2015] {strides = array<i32>} : memref<2048xi32, #tpu.memory_space<vmem>>, vector<16xi32>,
    %cumsum3A_2017 = arith.constant true
    %cumsum3A_2018 = vector.broadcast %cumsum3A_2017 : i1 to vector<16xi1>
    %cumsum3A_2019 = tpu.scan <sum>, %get3A_2016 masked %cumsum3A_2018 : vector<16xi32>, vector<16xi1> -> vector<16xi32>
    %add3A_2020 = arith.addi %add3A_2014, %mul3A_886 : i32
    %add3A_2021 = vector.broadcast %add3A_2020 : i32 to vector<16xi32>
    %add3A_2022 = arith.addi %cumsum3A_2019, %add3A_2021 : vector<16xi32>
    %add3A_2023 = arith.constant 512 : i32
    %add3A_2024 = arith.addi %mul3A_886, %add3A_2023 : i32
    %sub3A_2025 = arith.constant 1 : i32
    %sub3A_2026 = arith.subi %add3A_2024, %sub3A_2025 : i32
    %min3A_2027 = vector.broadcast %sub3A_2026 : i32 to vector<16xi32>
    %min3A_2028 = arith.minsi %add3A_2022, %min3A_2027 : vector<16xi32>
    %swap3A_2029 = arith.constant 12 : i32
    %swap3A_2030 = arith.index_cast %swap3A_2029 : i32 to index
    %swap3A_2031 = arith.constant 16 : index
    %swap3A_2032 = tpu.vector_load %arg8[%swap3A_2030, %swap3A_2031] {strides = array<i32>} : memref<32x64xi32, #tpu.memory_space<vmem>>, vector<16xi32>,
    tpu.vector_store %arg8[%swap3A_2030, %swap3A_2031], %min3A_2028 {strides = array<i32>} : memref<32x64xi32, #tpu.memory_space<vmem>>, vector<16xi32>,
    %reduce_sum3A_2033 = arith.constant true
    %reduce_sum3A_2034 = vector.broadcast %reduce_sum3A_2033 : i1 to vector<16xi1>
    %reduce_sum3A_2035 = tpu.scan <sum>, %get3A_2016 masked %reduce_sum3A_2034 : vector<16xi32>, vector<16xi1> -> vector<16xi32>
    %reduce_sum3A_2036 = vector.extract %reduce_sum3A_2035[15] : i32 from vector<16xi32>
    %add3A_2037 = arith.addi %add3A_2014, %reduce_sum3A_2036 : i32
    %get3A_2038 = arith.constant 800 : index
    %get3A_2039 = tpu.vector_load %arg7[%get3A_2038] {strides = array<i32>} : memref<2048xi32, #tpu.memory_space<vmem>>, vector<16xi32>,
    %cumsum3A_2040 = arith.constant true
    %cumsum3A_2041 = vector.broadcast %cumsum3A_2040 : i1 to vector<16xi1>
    %cumsum3A_2042 = tpu.scan <sum>, %get3A_2039 masked %cumsum3A_2041 : vector<16xi32>, vector<16xi1> -> vector<16xi32>
    %add3A_2043 = arith.addi %add3A_2037, %mul3A_886 : i32
    %add3A_2044 = vector.broadcast %add3A_2043 : i32 to vector<16xi32>
    %add3A_2045 = arith.addi %cumsum3A_2042, %add3A_2044 : vector<16xi32>
    %add3A_2046 = arith.constant 512 : i32
    %add3A_2047 = arith.addi %mul3A_886, %add3A_2046 : i32
    %sub3A_2048 = arith.constant 1 : i32
    %sub3A_2049 = arith.subi %add3A_2047, %sub3A_2048 : i32
    %min3A_2050 = vector.broadcast %sub3A_2049 : i32 to vector<16xi32>
    %min3A_2051 = arith.minsi %add3A_2045, %min3A_2050 : vector<16xi32>
    %swap3A_2052 = arith.constant 12 : i32
    %swap3A_2053 = arith.index_cast %swap3A_2052 : i32 to index
    %swap3A_2054 = arith.constant 32 : index
    %swap3A_2055 = tpu.vector_load %arg8[%swap3A_2053, %swap3A_2054] {strides = array<i32>} : memref<32x64xi32, #tpu.memory_space<vmem>>, vector<16xi32>,
    tpu.vector_store %arg8[%swap3A_2053, %swap3A_2054], %min3A_2051 {strides = array<i32>} : memref<32x64xi32, #tpu.memory_space<vmem>>, vector<16xi32>,
    %reduce_sum3A_2056 = arith.constant true
    %reduce_sum3A_2057 = vector.broadcast %reduce_sum3A_2056 : i1 to vector<16xi1>
    %reduce_sum3A_2058 = tpu.scan <sum>, %get3A_2039 masked %reduce_sum3A_2057 : vector<16xi32>, vector<16xi1> -> vector<16xi32>
    %reduce_sum3A_2059 = vector.extract %reduce_sum3A_2058[15] : i32 from vector<16xi32>
    %add3A_2060 = arith.addi %add3A_2037, %reduce_sum3A_2059 : i32
    %get3A_2061 = arith.constant 816 : index
    %get3A_2062 = tpu.vector_load %arg7[%get3A_2061] {strides = array<i32>} : memref<2048xi32, #tpu.memory_space<vmem>>, vector<16xi32>,
    %cumsum3A_2063 = arith.constant true
    %cumsum3A_2064 = vector.broadcast %cumsum3A_2063 : i1 to vector<16xi1>
    %cumsum3A_2065 = tpu.scan <sum>, %get3A_2062 masked %cumsum3A_2064 : vector<16xi32>, vector<16xi1> -> vector<16xi32>
    %add3A_2066 = arith.addi %add3A_2060, %mul3A_886 : i32
    %add3A_2067 = vector.broadcast %add3A_2066 : i32 to vector<16xi32>
    %add3A_2068 = arith.addi %cumsum3A_2065, %add3A_2067 : vector<16xi32>
    %add3A_2069 = arith.constant 512 : i32
    %add3A_2070 = arith.addi %mul3A_886, %add3A_2069 : i32
    %sub3A_2071 = arith.constant 1 : i32
    %sub3A_2072 = arith.subi %add3A_2070, %sub3A_2071 : i32
    %min3A_2073 = vector.broadcast %sub3A_2072 : i32 to vector<16xi32>
    %min3A_2074 = arith.minsi %add3A_2068, %min3A_2073 : vector<16xi32>
    %swap3A_2075 = arith.constant 12 : i32
    %swap3A_2076 = arith.index_cast %swap3A_2075 : i32 to index
    %swap3A_2077 = arith.constant 48 : index
    %swap3A_2078 = tpu.vector_load %arg8[%swap3A_2076, %swap3A_2077] {strides = array<i32>} : memref<32x64xi32, #tpu.memory_space<vmem>>, vector<16xi32>,
    tpu.vector_store %arg8[%swap3A_2076, %swap3A_2077], %min3A_2074 {strides = array<i32>} : memref<32x64xi32, #tpu.memory_space<vmem>>, vector<16xi32>,
    %reduce_sum3A_2079 = arith.constant true
    %reduce_sum3A_2080 = vector.broadcast %reduce_sum3A_2079 : i1 to vector<16xi1>
    %reduce_sum3A_2081 = tpu.scan <sum>, %get3A_2062 masked %reduce_sum3A_2080 : vector<16xi32>, vector<16xi1> -> vector<16xi32>
    %reduce_sum3A_2082 = vector.extract %reduce_sum3A_2081[15] : i32 from vector<16xi32>
    %add3A_2083 = arith.addi %add3A_2060, %reduce_sum3A_2082 : i32
    %get3A_2084 = arith.constant 832 : index
    %get3A_2085 = tpu.vector_load %arg7[%get3A_2084] {strides = array<i32>} : memref<2048xi32, #tpu.memory_space<vmem>>, vector<16xi32>,
    %cumsum3A_2086 = arith.constant true
    %cumsum3A_2087 = vector.broadcast %cumsum3A_2086 : i1 to vector<16xi1>
    %cumsum3A_2088 = tpu.scan <sum>, %get3A_2085 masked %cumsum3A_2087 : vector<16xi32>, vector<16xi1> -> vector<16xi32>
    %add3A_2089 = arith.addi %add3A_2083, %mul3A_886 : i32
    %add3A_2090 = vector.broadcast %add3A_2089 : i32 to vector<16xi32>
    %add3A_2091 = arith.addi %cumsum3A_2088, %add3A_2090 : vector<16xi32>
    %add3A_2092 = arith.constant 512 : i32
    %add3A_2093 = arith.addi %mul3A_886, %add3A_2092 : i32
    %sub3A_2094 = arith.constant 1 : i32
    %sub3A_2095 = arith.subi %add3A_2093, %sub3A_2094 : i32
    %min3A_2096 = vector.broadcast %sub3A_2095 : i32 to vector<16xi32>
    %min3A_2097 = arith.minsi %add3A_2091, %min3A_2096 : vector<16xi32>
    %swap3A_2098 = arith.constant 13 : i32
    %swap3A_2099 = arith.index_cast %swap3A_2098 : i32 to index
    %swap3A_2100 = arith.constant 0 : index
    %swap3A_2101 = tpu.vector_load %arg8[%swap3A_2099, %swap3A_2100] {strides = array<i32>} : memref<32x64xi32, #tpu.memory_space<vmem>>, vector<16xi32>,
    tpu.vector_store %arg8[%swap3A_2099, %swap3A_2100], %min3A_2097 {strides = array<i32>} : memref<32x64xi32, #tpu.memory_space<vmem>>, vector<16xi32>,
    %reduce_sum3A_2102 = arith.constant true
    %reduce_sum3A_2103 = vector.broadcast %reduce_sum3A_2102 : i1 to vector<16xi1>
    %reduce_sum3A_2104 = tpu.scan <sum>, %get3A_2085 masked %reduce_sum3A_2103 : vector<16xi32>, vector<16xi1> -> vector<16xi32>
    %reduce_sum3A_2105 = vector.extract %reduce_sum3A_2104[15] : i32 from vector<16xi32>
    %add3A_2106 = arith.addi %add3A_2083, %reduce_sum3A_2105 : i32
    %get3A_2107 = arith.constant 848 : index
    %get3A_2108 = tpu.vector_load %arg7[%get3A_2107] {strides = array<i32>} : memref<2048xi32, #tpu.memory_space<vmem>>, vector<16xi32>,
    %cumsum3A_2109 = arith.constant true
    %cumsum3A_2110 = vector.broadcast %cumsum3A_2109 : i1 to vector<16xi1>
    %cumsum3A_2111 = tpu.scan <sum>, %get3A_2108 masked %cumsum3A_2110 : vector<16xi32>, vector<16xi1> -> vector<16xi32>
    %add3A_2112 = arith.addi %add3A_2106, %mul3A_886 : i32
    %add3A_2113 = vector.broadcast %add3A_2112 : i32 to vector<16xi32>
    %add3A_2114 = arith.addi %cumsum3A_2111, %add3A_2113 : vector<16xi32>
    %add3A_2115 = arith.constant 512 : i32
    %add3A_2116 = arith.addi %mul3A_886, %add3A_2115 : i32
    %sub3A_2117 = arith.constant 1 : i32
    %sub3A_2118 = arith.subi %add3A_2116, %sub3A_2117 : i32
    %min3A_2119 = vector.broadcast %sub3A_2118 : i32 to vector<16xi32>
    %min3A_2120 = arith.minsi %add3A_2114, %min3A_2119 : vector<16xi32>
    %swap3A_2121 = arith.constant 13 : i32
    %swap3A_2122 = arith.index_cast %swap3A_2121 : i32 to index
    %swap3A_2123 = arith.constant 16 : index
    %swap3A_2124 = tpu.vector_load %arg8[%swap3A_2122, %swap3A_2123] {strides = array<i32>} : memref<32x64xi32, #tpu.memory_space<vmem>>, vector<16xi32>,
    tpu.vector_store %arg8[%swap3A_2122, %swap3A_2123], %min3A_2120 {strides = array<i32>} : memref<32x64xi32, #tpu.memory_space<vmem>>, vector<16xi32>,
    %reduce_sum3A_2125 = arith.constant true
    %reduce_sum3A_2126 = vector.broadcast %reduce_sum3A_2125 : i1 to vector<16xi1>
    %reduce_sum3A_2127 = tpu.scan <sum>, %get3A_2108 masked %reduce_sum3A_2126 : vector<16xi32>, vector<16xi1> -> vector<16xi32>
    %reduce_sum3A_2128 = vector.extract %reduce_sum3A_2127[15] : i32 from vector<16xi32>
    %add3A_2129 = arith.addi %add3A_2106, %reduce_sum3A_2128 : i32
    %get3A_2130 = arith.constant 864 : index
    %get3A_2131 = tpu.vector_load %arg7[%get3A_2130] {strides = array<i32>} : memref<2048xi32, #tpu.memory_space<vmem>>, vector<16xi32>,
    %cumsum3A_2132 = arith.constant true
    %cumsum3A_2133 = vector.broadcast %cumsum3A_2132 : i1 to vector<16xi1>
    %cumsum3A_2134 = tpu.scan <sum>, %get3A_2131 masked %cumsum3A_2133 : vector<16xi32>, vector<16xi1> -> vector<16xi32>
    %add3A_2135 = arith.addi %add3A_2129, %mul3A_886 : i32
    %add3A_2136 = vector.broadcast %add3A_2135 : i32 to vector<16xi32>
    %add3A_2137 = arith.addi %cumsum3A_2134, %add3A_2136 : vector<16xi32>
    %add3A_2138 = arith.constant 512 : i32
    %add3A_2139 = arith.addi %mul3A_886, %add3A_2138 : i32
    %sub3A_2140 = arith.constant 1 : i32
    %sub3A_2141 = arith.subi %add3A_2139, %sub3A_2140 : i32
    %min3A_2142 = vector.broadcast %sub3A_2141 : i32 to vector<16xi32>
    %min3A_2143 = arith.minsi %add3A_2137, %min3A_2142 : vector<16xi32>
    %swap3A_2144 = arith.constant 13 : i32
    %swap3A_2145 = arith.index_cast %swap3A_2144 : i32 to index
    %swap3A_2146 = arith.constant 32 : index
    %swap3A_2147 = tpu.vector_load %arg8[%swap3A_2145, %swap3A_2146] {strides = array<i32>} : memref<32x64xi32, #tpu.memory_space<vmem>>, vector<16xi32>,
    tpu.vector_store %arg8[%swap3A_2145, %swap3A_2146], %min3A_2143 {strides = array<i32>} : memref<32x64xi32, #tpu.memory_space<vmem>>, vector<16xi32>,
    %reduce_sum3A_2148 = arith.constant true
    %reduce_sum3A_2149 = vector.broadcast %reduce_sum3A_2148 : i1 to vector<16xi1>
    %reduce_sum3A_2150 = tpu.scan <sum>, %get3A_2131 masked %reduce_sum3A_2149 : vector<16xi32>, vector<16xi1> -> vector<16xi32>
    %reduce_sum3A_2151 = vector.extract %reduce_sum3A_2150[15] : i32 from vector<16xi32>
    %add3A_2152 = arith.addi %add3A_2129, %reduce_sum3A_2151 : i32
    %get3A_2153 = arith.constant 880 : index
    %get3A_2154 = tpu.vector_load %arg7[%get3A_2153] {strides = array<i32>} : memref<2048xi32, #tpu.memory_space<vmem>>, vector<16xi32>,
    %cumsum3A_2155 = arith.constant true
    %cumsum3A_2156 = vector.broadcast %cumsum3A_2155 : i1 to vector<16xi1>
    %cumsum3A_2157 = tpu.scan <sum>, %get3A_2154 masked %cumsum3A_2156 : vector<16xi32>, vector<16xi1> -> vector<16xi32>
    %add3A_2158 = arith.addi %add3A_2152, %mul3A_886 : i32
    %add3A_2159 = vector.broadcast %add3A_2158 : i32 to vector<16xi32>
    %add3A_2160 = arith.addi %cumsum3A_2157, %add3A_2159 : vector<16xi32>
    %add3A_2161 = arith.constant 512 : i32
    %add3A_2162 = arith.addi %mul3A_886, %add3A_2161 : i32
    %sub3A_2163 = arith.constant 1 : i32
    %sub3A_2164 = arith.subi %add3A_2162, %sub3A_2163 : i32
    %min3A_2165 = vector.broadcast %sub3A_2164 : i32 to vector<16xi32>
    %min3A_2166 = arith.minsi %add3A_2160, %min3A_2165 : vector<16xi32>
    %swap3A_2167 = arith.constant 13 : i32
    %swap3A_2168 = arith.index_cast %swap3A_2167 : i32 to index
    %swap3A_2169 = arith.constant 48 : index
    %swap3A_2170 = tpu.vector_load %arg8[%swap3A_2168, %swap3A_2169] {strides = array<i32>} : memref<32x64xi32, #tpu.memory_space<vmem>>, vector<16xi32>,
    tpu.vector_store %arg8[%swap3A_2168, %swap3A_2169], %min3A_2166 {strides = array<i32>} : memref<32x64xi32, #tpu.memory_space<vmem>>, vector<16xi32>,
    %reduce_sum3A_2171 = arith.constant true
    %reduce_sum3A_2172 = vector.broadcast %reduce_sum3A_2171 : i1 to vector<16xi1>
    %reduce_sum3A_2173 = tpu.scan <sum>, %get3A_2154 masked %reduce_sum3A_2172 : vector<16xi32>, vector<16xi1> -> vector<16xi32>
    %reduce_sum3A_2174 = vector.extract %reduce_sum3A_2173[15] : i32 from vector<16xi32>
    %add3A_2175 = arith.addi %add3A_2152, %reduce_sum3A_2174 : i32
    %get3A_2176 = arith.constant 896 : index
    %get3A_2177 = tpu.vector_load %arg7[%get3A_2176] {strides = array<i32>} : memref<2048xi32, #tpu.memory_space<vmem>>, vector<16xi32>,
    %cumsum3A_2178 = arith.constant true
    %cumsum3A_2179 = vector.broadcast %cumsum3A_2178 : i1 to vector<16xi1>
    %cumsum3A_2180 = tpu.scan <sum>, %get3A_2177 masked %cumsum3A_2179 : vector<16xi32>, vector<16xi1> -> vector<16xi32>
    %add3A_2181 = arith.addi %add3A_2175, %mul3A_886 : i32
    %add3A_2182 = vector.broadcast %add3A_2181 : i32 to vector<16xi32>
    %add3A_2183 = arith.addi %cumsum3A_2180, %add3A_2182 : vector<16xi32>
    %add3A_2184 = arith.constant 512 : i32
    %add3A_2185 = arith.addi %mul3A_886, %add3A_2184 : i32
    %sub3A_2186 = arith.constant 1 : i32
    %sub3A_2187 = arith.subi %add3A_2185, %sub3A_2186 : i32
    %min3A_2188 = vector.broadcast %sub3A_2187 : i32 to vector<16xi32>
    %min3A_2189 = arith.minsi %add3A_2183, %min3A_2188 : vector<16xi32>
    %swap3A_2190 = arith.constant 14 : i32
    %swap3A_2191 = arith.index_cast %swap3A_2190 : i32 to index
    %swap3A_2192 = arith.constant 0 : index
    %swap3A_2193 = tpu.vector_load %arg8[%swap3A_2191, %swap3A_2192] {strides = array<i32>} : memref<32x64xi32, #tpu.memory_space<vmem>>, vector<16xi32>,
    tpu.vector_store %arg8[%swap3A_2191, %swap3A_2192], %min3A_2189 {strides = array<i32>} : memref<32x64xi32, #tpu.memory_space<vmem>>, vector<16xi32>,
    %reduce_sum3A_2194 = arith.constant true
    %reduce_sum3A_2195 = vector.broadcast %reduce_sum3A_2194 : i1 to vector<16xi1>
    %reduce_sum3A_2196 = tpu.scan <sum>, %get3A_2177 masked %reduce_sum3A_2195 : vector<16xi32>, vector<16xi1> -> vector<16xi32>
    %reduce_sum3A_2197 = vector.extract %reduce_sum3A_2196[15] : i32 from vector<16xi32>
    %add3A_2198 = arith.addi %add3A_2175, %reduce_sum3A_2197 : i32
    %get3A_2199 = arith.constant 912 : index
    %get3A_2200 = tpu.vector_load %arg7[%get3A_2199] {strides = array<i32>} : memref<2048xi32, #tpu.memory_space<vmem>>, vector<16xi32>,
    %cumsum3A_2201 = arith.constant true
    %cumsum3A_2202 = vector.broadcast %cumsum3A_2201 : i1 to vector<16xi1>
    %cumsum3A_2203 = tpu.scan <sum>, %get3A_2200 masked %cumsum3A_2202 : vector<16xi32>, vector<16xi1> -> vector<16xi32>
    %add3A_2204 = arith.addi %add3A_2198, %mul3A_886 : i32
    %add3A_2205 = vector.broadcast %add3A_2204 : i32 to vector<16xi32>
    %add3A_2206 = arith.addi %cumsum3A_2203, %add3A_2205 : vector<16xi32>
    %add3A_2207 = arith.constant 512 : i32
    %add3A_2208 = arith.addi %mul3A_886, %add3A_2207 : i32
    %sub3A_2209 = arith.constant 1 : i32
    %sub3A_2210 = arith.subi %add3A_2208, %sub3A_2209 : i32
    %min3A_2211 = vector.broadcast %sub3A_2210 : i32 to vector<16xi32>
    %min3A_2212 = arith.minsi %add3A_2206, %min3A_2211 : vector<16xi32>
    %swap3A_2213 = arith.constant 14 : i32
    %swap3A_2214 = arith.index_cast %swap3A_2213 : i32 to index
    %swap3A_2215 = arith.constant 16 : index
    %swap3A_2216 = tpu.vector_load %arg8[%swap3A_2214, %swap3A_2215] {strides = array<i32>} : memref<32x64xi32, #tpu.memory_space<vmem>>, vector<16xi32>,
    tpu.vector_store %arg8[%swap3A_2214, %swap3A_2215], %min3A_2212 {strides = array<i32>} : memref<32x64xi32, #tpu.memory_space<vmem>>, vector<16xi32>,
    %reduce_sum3A_2217 = arith.constant true
    %reduce_sum3A_2218 = vector.broadcast %reduce_sum3A_2217 : i1 to vector<16xi1>
    %reduce_sum3A_2219 = tpu.scan <sum>, %get3A_2200 masked %reduce_sum3A_2218 : vector<16xi32>, vector<16xi1> -> vector<16xi32>
    %reduce_sum3A_2220 = vector.extract %reduce_sum3A_2219[15] : i32 from vector<16xi32>
    %add3A_2221 = arith.addi %add3A_2198, %reduce_sum3A_2220 : i32
    %get3A_2222 = arith.constant 928 : index
    %get3A_2223 = tpu.vector_load %arg7[%get3A_2222] {strides = array<i32>} : memref<2048xi32, #tpu.memory_space<vmem>>, vector<16xi32>,
    %cumsum3A_2224 = arith.constant true
    %cumsum3A_2225 = vector.broadcast %cumsum3A_2224 : i1 to vector<16xi1>
    %cumsum3A_2226 = tpu.scan <sum>, %get3A_2223 masked %cumsum3A_2225 : vector<16xi32>, vector<16xi1> -> vector<16xi32>
    %add3A_2227 = arith.addi %add3A_2221, %mul3A_886 : i32
    %add3A_2228 = vector.broadcast %add3A_2227 : i32 to vector<16xi32>
    %add3A_2229 = arith.addi %cumsum3A_2226, %add3A_2228 : vector<16xi32>
    %add3A_2230 = arith.constant 512 : i32
    %add3A_2231 = arith.addi %mul3A_886, %add3A_2230 : i32
    %sub3A_2232 = arith.constant 1 : i32
    %sub3A_2233 = arith.subi %add3A_2231, %sub3A_2232 : i32
    %min3A_2234 = vector.broadcast %sub3A_2233 : i32 to vector<16xi32>
    %min3A_2235 = arith.minsi %add3A_2229, %min3A_2234 : vector<16xi32>
    %swap3A_2236 = arith.constant 14 : i32
    %swap3A_2237 = arith.index_cast %swap3A_2236 : i32 to index
    %swap3A_2238 = arith.constant 32 : index
    %swap3A_2239 = tpu.vector_load %arg8[%swap3A_2237, %swap3A_2238] {strides = array<i32>} : memref<32x64xi32, #tpu.memory_space<vmem>>, vector<16xi32>,
    tpu.vector_store %arg8[%swap3A_2237, %swap3A_2238], %min3A_2235 {strides = array<i32>} : memref<32x64xi32, #tpu.memory_space<vmem>>, vector<16xi32>,
    %reduce_sum3A_2240 = arith.constant true
    %reduce_sum3A_2241 = vector.broadcast %reduce_sum3A_2240 : i1 to vector<16xi1>
    %reduce_sum3A_2242 = tpu.scan <sum>, %get3A_2223 masked %reduce_sum3A_2241 : vector<16xi32>, vector<16xi1> -> vector<16xi32>
    %reduce_sum3A_2243 = vector.extract %reduce_sum3A_2242[15] : i32 from vector<16xi32>
    %add3A_2244 = arith.addi %add3A_2221, %reduce_sum3A_2243 : i32
    %get3A_2245 = arith.constant 944 : index
    %get3A_2246 = tpu.vector_load %arg7[%get3A_2245] {strides = array<i32>} : memref<2048xi32, #tpu.memory_space<vmem>>, vector<16xi32>,
    %cumsum3A_2247 = arith.constant true
    %cumsum3A_2248 = vector.broadcast %cumsum3A_2247 : i1 to vector<16xi1>
    %cumsum3A_2249 = tpu.scan <sum>, %get3A_2246 masked %cumsum3A_2248 : vector<16xi32>, vector<16xi1> -> vector<16xi32>
    %add3A_2250 = arith.addi %add3A_2244, %mul3A_886 : i32
    %add3A_2251 = vector.broadcast %add3A_2250 : i32 to vector<16xi32>
    %add3A_2252 = arith.addi %cumsum3A_2249, %add3A_2251 : vector<16xi32>
    %add3A_2253 = arith.constant 512 : i32
    %add3A_2254 = arith.addi %mul3A_886, %add3A_2253 : i32
    %sub3A_2255 = arith.constant 1 : i32
    %sub3A_2256 = arith.subi %add3A_2254, %sub3A_2255 : i32
    %min3A_2257 = vector.broadcast %sub3A_2256 : i32 to vector<16xi32>
    %min3A_2258 = arith.minsi %add3A_2252, %min3A_2257 : vector<16xi32>
    %swap3A_2259 = arith.constant 14 : i32
    %swap3A_2260 = arith.index_cast %swap3A_2259 : i32 to index
    %swap3A_2261 = arith.constant 48 : index
    %swap3A_2262 = tpu.vector_load %arg8[%swap3A_2260, %swap3A_2261] {strides = array<i32>} : memref<32x64xi32, #tpu.memory_space<vmem>>, vector<16xi32>,
    tpu.vector_store %arg8[%swap3A_2260, %swap3A_2261], %min3A_2258 {strides = array<i32>} : memref<32x64xi32, #tpu.memory_space<vmem>>, vector<16xi32>,
    %reduce_sum3A_2263 = arith.constant true
    %reduce_sum3A_2264 = vector.broadcast %reduce_sum3A_2263 : i1 to vector<16xi1>
    %reduce_sum3A_2265 = tpu.scan <sum>, %get3A_2246 masked %reduce_sum3A_2264 : vector<16xi32>, vector<16xi1> -> vector<16xi32>
    %reduce_sum3A_2266 = vector.extract %reduce_sum3A_2265[15] : i32 from vector<16xi32>
    %add3A_2267 = arith.addi %add3A_2244, %reduce_sum3A_2266 : i32
    %get3A_2268 = arith.constant 960 : index
    %get3A_2269 = tpu.vector_load %arg7[%get3A_2268] {strides = array<i32>} : memref<2048xi32, #tpu.memory_space<vmem>>, vector<16xi32>,
    %cumsum3A_2270 = arith.constant true
    %cumsum3A_2271 = vector.broadcast %cumsum3A_2270 : i1 to vector<16xi1>
    %cumsum3A_2272 = tpu.scan <sum>, %get3A_2269 masked %cumsum3A_2271 : vector<16xi32>, vector<16xi1> -> vector<16xi32>
    %add3A_2273 = arith.addi %add3A_2267, %mul3A_886 : i32
    %add3A_2274 = vector.broadcast %add3A_2273 : i32 to vector<16xi32>
    %add3A_2275 = arith.addi %cumsum3A_2272, %add3A_2274 : vector<16xi32>
    %add3A_2276 = arith.constant 512 : i32
    %add3A_2277 = arith.addi %mul3A_886, %add3A_2276 : i32
    %sub3A_2278 = arith.constant 1 : i32
    %sub3A_2279 = arith.subi %add3A_2277, %sub3A_2278 : i32
    %min3A_2280 = vector.broadcast %sub3A_2279 : i32 to vector<16xi32>
    %min3A_2281 = arith.minsi %add3A_2275, %min3A_2280 : vector<16xi32>
    %swap3A_2282 = arith.constant 15 : i32
    %swap3A_2283 = arith.index_cast %swap3A_2282 : i32 to index
    %swap3A_2284 = arith.constant 0 : index
    %swap3A_2285 = tpu.vector_load %arg8[%swap3A_2283, %swap3A_2284] {strides = array<i32>} : memref<32x64xi32, #tpu.memory_space<vmem>>, vector<16xi32>,
    tpu.vector_store %arg8[%swap3A_2283, %swap3A_2284], %min3A_2281 {strides = array<i32>} : memref<32x64xi32, #tpu.memory_space<vmem>>, vector<16xi32>,
    %reduce_sum3A_2286 = arith.constant true
    %reduce_sum3A_2287 = vector.broadcast %reduce_sum3A_2286 : i1 to vector<16xi1>
    %reduce_sum3A_2288 = tpu.scan <sum>, %get3A_2269 masked %reduce_sum3A_2287 : vector<16xi32>, vector<16xi1> -> vector<16xi32>
    %reduce_sum3A_2289 = vector.extract %reduce_sum3A_2288[15] : i32 from vector<16xi32>
    %add3A_2290 = arith.addi %add3A_2267, %reduce_sum3A_2289 : i32
    %get3A_2291 = arith.constant 976 : index
    %get3A_2292 = tpu.vector_load %arg7[%get3A_2291] {strides = array<i32>} : memref<2048xi32, #tpu.memory_space<vmem>>, vector<16xi32>,
    %cumsum3A_2293 = arith.constant true
    %cumsum3A_2294 = vector.broadcast %cumsum3A_2293 : i1 to vector<16xi1>
    %cumsum3A_2295 = tpu.scan <sum>, %get3A_2292 masked %cumsum3A_2294 : vector<16xi32>, vector<16xi1> -> vector<16xi32>
    %add3A_2296 = arith.addi %add3A_2290, %mul3A_886 : i32
    %add3A_2297 = vector.broadcast %add3A_2296 : i32 to vector<16xi32>
    %add3A_2298 = arith.addi %cumsum3A_2295, %add3A_2297 : vector<16xi32>
    %add3A_2299 = arith.constant 512 : i32
    %add3A_2300 = arith.addi %mul3A_886, %add3A_2299 : i32
    %sub3A_2301 = arith.constant 1 : i32
    %sub3A_2302 = arith.subi %add3A_2300, %sub3A_2301 : i32
    %min3A_2303 = vector.broadcast %sub3A_2302 : i32 to vector<16xi32>
    %min3A_2304 = arith.minsi %add3A_2298, %min3A_2303 : vector<16xi32>
    %swap3A_2305 = arith.constant 15 : i32
    %swap3A_2306 = arith.index_cast %swap3A_2305 : i32 to index
    %swap3A_2307 = arith.constant 16 : index
    %swap3A_2308 = tpu.vector_load %arg8[%swap3A_2306, %swap3A_2307] {strides = array<i32>} : memref<32x64xi32, #tpu.memory_space<vmem>>, vector<16xi32>,
    tpu.vector_store %arg8[%swap3A_2306, %swap3A_2307], %min3A_2304 {strides = array<i32>} : memref<32x64xi32, #tpu.memory_space<vmem>>, vector<16xi32>,
    %reduce_sum3A_2309 = arith.constant true
    %reduce_sum3A_2310 = vector.broadcast %reduce_sum3A_2309 : i1 to vector<16xi1>
    %reduce_sum3A_2311 = tpu.scan <sum>, %get3A_2292 masked %reduce_sum3A_2310 : vector<16xi32>, vector<16xi1> -> vector<16xi32>
    %reduce_sum3A_2312 = vector.extract %reduce_sum3A_2311[15] : i32 from vector<16xi32>
    %add3A_2313 = arith.addi %add3A_2290, %reduce_sum3A_2312 : i32
    %get3A_2314 = arith.constant 992 : index
    %get3A_2315 = tpu.vector_load %arg7[%get3A_2314] {strides = array<i32>} : memref<2048xi32, #tpu.memory_space<vmem>>, vector<16xi32>,
    %cumsum3A_2316 = arith.constant true
    %cumsum3A_2317 = vector.broadcast %cumsum3A_2316 : i1 to vector<16xi1>
    %cumsum3A_2318 = tpu.scan <sum>, %get3A_2315 masked %cumsum3A_2317 : vector<16xi32>, vector<16xi1> -> vector<16xi32>
    %add3A_2319 = arith.addi %add3A_2313, %mul3A_886 : i32
    %add3A_2320 = vector.broadcast %add3A_2319 : i32 to vector<16xi32>
    %add3A_2321 = arith.addi %cumsum3A_2318, %add3A_2320 : vector<16xi32>
    %add3A_2322 = arith.constant 512 : i32
    %add3A_2323 = arith.addi %mul3A_886, %add3A_2322 : i32
    %sub3A_2324 = arith.constant 1 : i32
    %sub3A_2325 = arith.subi %add3A_2323, %sub3A_2324 : i32
    %min3A_2326 = vector.broadcast %sub3A_2325 : i32 to vector<16xi32>
    %min3A_2327 = arith.minsi %add3A_2321, %min3A_2326 : vector<16xi32>
    %swap3A_2328 = arith.constant 15 : i32
    %swap3A_2329 = arith.index_cast %swap3A_2328 : i32 to index
    %swap3A_2330 = arith.constant 32 : index
    %swap3A_2331 = tpu.vector_load %arg8[%swap3A_2329, %swap3A_2330] {strides = array<i32>} : memref<32x64xi32, #tpu.memory_space<vmem>>, vector<16xi32>,
    tpu.vector_store %arg8[%swap3A_2329, %swap3A_2330], %min3A_2327 {strides = array<i32>} : memref<32x64xi32, #tpu.memory_space<vmem>>, vector<16xi32>,
    %reduce_sum3A_2332 = arith.constant true
    %reduce_sum3A_2333 = vector.broadcast %reduce_sum3A_2332 : i1 to vector<16xi1>
    %reduce_sum3A_2334 = tpu.scan <sum>, %get3A_2315 masked %reduce_sum3A_2333 : vector<16xi32>, vector<16xi1> -> vector<16xi32>
    %reduce_sum3A_2335 = vector.extract %reduce_sum3A_2334[15] : i32 from vector<16xi32>
    %add3A_2336 = arith.addi %add3A_2313, %reduce_sum3A_2335 : i32
    %get3A_2337 = arith.constant 1008 : index
    %get3A_2338 = tpu.vector_load %arg7[%get3A_2337] {strides = array<i32>} : memref<2048xi32, #tpu.memory_space<vmem>>, vector<16xi32>,
    %cumsum3A_2339 = arith.constant true
    %cumsum3A_2340 = vector.broadcast %cumsum3A_2339 : i1 to vector<16xi1>
    %cumsum3A_2341 = tpu.scan <sum>, %get3A_2338 masked %cumsum3A_2340 : vector<16xi32>, vector<16xi1> -> vector<16xi32>
    %add3A_2342 = arith.addi %add3A_2336, %mul3A_886 : i32
    %add3A_2343 = vector.broadcast %add3A_2342 : i32 to vector<16xi32>
    %add3A_2344 = arith.addi %cumsum3A_2341, %add3A_2343 : vector<16xi32>
    %add3A_2345 = arith.constant 512 : i32
    %add3A_2346 = arith.addi %mul3A_886, %add3A_2345 : i32
    %sub3A_2347 = arith.constant 1 : i32
    %sub3A_2348 = arith.subi %add3A_2346, %sub3A_2347 : i32
    %min3A_2349 = vector.broadcast %sub3A_2348 : i32 to vector<16xi32>
    %min3A_2350 = arith.minsi %add3A_2344, %min3A_2349 : vector<16xi32>
    %swap3A_2351 = arith.constant 15 : i32
    %swap3A_2352 = arith.index_cast %swap3A_2351 : i32 to index
    %swap3A_2353 = arith.constant 48 : index
    %swap3A_2354 = tpu.vector_load %arg8[%swap3A_2352, %swap3A_2353] {strides = array<i32>} : memref<32x64xi32, #tpu.memory_space<vmem>>, vector<16xi32>,
    tpu.vector_store %arg8[%swap3A_2352, %swap3A_2353], %min3A_2350 {strides = array<i32>} : memref<32x64xi32, #tpu.memory_space<vmem>>, vector<16xi32>,
    %reduce_sum3A_2355 = arith.constant true
    %reduce_sum3A_2356 = vector.broadcast %reduce_sum3A_2355 : i1 to vector<16xi1>
    %reduce_sum3A_2357 = tpu.scan <sum>, %get3A_2338 masked %reduce_sum3A_2356 : vector<16xi32>, vector<16xi1> -> vector<16xi32>
    %reduce_sum3A_2358 = vector.extract %reduce_sum3A_2357[15] : i32 from vector<16xi32>
    %add3A_2359 = arith.addi %add3A_2336, %reduce_sum3A_2358 : i32
    %get3A_2360 = arith.constant 1024 : index
    %get3A_2361 = tpu.vector_load %arg7[%get3A_2360] {strides = array<i32>} : memref<2048xi32, #tpu.memory_space<vmem>>, vector<16xi32>,
    %cumsum3A_2362 = arith.constant true
    %cumsum3A_2363 = vector.broadcast %cumsum3A_2362 : i1 to vector<16xi1>
    %cumsum3A_2364 = tpu.scan <sum>, %get3A_2361 masked %cumsum3A_2363 : vector<16xi32>, vector<16xi1> -> vector<16xi32>
    %add3A_2365 = arith.addi %add3A_2359, %mul3A_886 : i32
    %add3A_2366 = vector.broadcast %add3A_2365 : i32 to vector<16xi32>
    %add3A_2367 = arith.addi %cumsum3A_2364, %add3A_2366 : vector<16xi32>
    %add3A_2368 = arith.constant 512 : i32
    %add3A_2369 = arith.addi %mul3A_886, %add3A_2368 : i32
    %sub3A_2370 = arith.constant 1 : i32
    %sub3A_2371 = arith.subi %add3A_2369, %sub3A_2370 : i32
    %min3A_2372 = vector.broadcast %sub3A_2371 : i32 to vector<16xi32>
    %min3A_2373 = arith.minsi %add3A_2367, %min3A_2372 : vector<16xi32>
    %swap3A_2374 = arith.constant 16 : i32
    %swap3A_2375 = arith.index_cast %swap3A_2374 : i32 to index
    %swap3A_2376 = arith.constant 0 : index
    %swap3A_2377 = tpu.vector_load %arg8[%swap3A_2375, %swap3A_2376] {strides = array<i32>} : memref<32x64xi32, #tpu.memory_space<vmem>>, vector<16xi32>,
    tpu.vector_store %arg8[%swap3A_2375, %swap3A_2376], %min3A_2373 {strides = array<i32>} : memref<32x64xi32, #tpu.memory_space<vmem>>, vector<16xi32>,
    %reduce_sum3A_2378 = arith.constant true
    %reduce_sum3A_2379 = vector.broadcast %reduce_sum3A_2378 : i1 to vector<16xi1>
    %reduce_sum3A_2380 = tpu.scan <sum>, %get3A_2361 masked %reduce_sum3A_2379 : vector<16xi32>, vector<16xi1> -> vector<16xi32>
    %reduce_sum3A_2381 = vector.extract %reduce_sum3A_2380[15] : i32 from vector<16xi32>
    %add3A_2382 = arith.addi %add3A_2359, %reduce_sum3A_2381 : i32
    %get3A_2383 = arith.constant 1040 : index
    %get3A_2384 = tpu.vector_load %arg7[%get3A_2383] {strides = array<i32>} : memref<2048xi32, #tpu.memory_space<vmem>>, vector<16xi32>,
    %cumsum3A_2385 = arith.constant true
    %cumsum3A_2386 = vector.broadcast %cumsum3A_2385 : i1 to vector<16xi1>
    %cumsum3A_2387 = tpu.scan <sum>, %get3A_2384 masked %cumsum3A_2386 : vector<16xi32>, vector<16xi1> -> vector<16xi32>
    %add3A_2388 = arith.addi %add3A_2382, %mul3A_886 : i32
    %add3A_2389 = vector.broadcast %add3A_2388 : i32 to vector<16xi32>
    %add3A_2390 = arith.addi %cumsum3A_2387, %add3A_2389 : vector<16xi32>
    %add3A_2391 = arith.constant 512 : i32
    %add3A_2392 = arith.addi %mul3A_886, %add3A_2391 : i32
    %sub3A_2393 = arith.constant 1 : i32
    %sub3A_2394 = arith.subi %add3A_2392, %sub3A_2393 : i32
    %min3A_2395 = vector.broadcast %sub3A_2394 : i32 to vector<16xi32>
    %min3A_2396 = arith.minsi %add3A_2390, %min3A_2395 : vector<16xi32>
    %swap3A_2397 = arith.constant 16 : i32
    %swap3A_2398 = arith.index_cast %swap3A_2397 : i32 to index
    %swap3A_2399 = arith.constant 16 : index
    %swap3A_2400 = tpu.vector_load %arg8[%swap3A_2398, %swap3A_2399] {strides = array<i32>} : memref<32x64xi32, #tpu.memory_space<vmem>>, vector<16xi32>,
    tpu.vector_store %arg8[%swap3A_2398, %swap3A_2399], %min3A_2396 {strides = array<i32>} : memref<32x64xi32, #tpu.memory_space<vmem>>, vector<16xi32>,
    %reduce_sum3A_2401 = arith.constant true
    %reduce_sum3A_2402 = vector.broadcast %reduce_sum3A_2401 : i1 to vector<16xi1>
    %reduce_sum3A_2403 = tpu.scan <sum>, %get3A_2384 masked %reduce_sum3A_2402 : vector<16xi32>, vector<16xi1> -> vector<16xi32>
    %reduce_sum3A_2404 = vector.extract %reduce_sum3A_2403[15] : i32 from vector<16xi32>
    %add3A_2405 = arith.addi %add3A_2382, %reduce_sum3A_2404 : i32
    %get3A_2406 = arith.constant 1056 : index
    %get3A_2407 = tpu.vector_load %arg7[%get3A_2406] {strides = array<i32>} : memref<2048xi32, #tpu.memory_space<vmem>>, vector<16xi32>,
    %cumsum3A_2408 = arith.constant true
    %cumsum3A_2409 = vector.broadcast %cumsum3A_2408 : i1 to vector<16xi1>
    %cumsum3A_2410 = tpu.scan <sum>, %get3A_2407 masked %cumsum3A_2409 : vector<16xi32>, vector<16xi1> -> vector<16xi32>
    %add3A_2411 = arith.addi %add3A_2405, %mul3A_886 : i32
    %add3A_2412 = vector.broadcast %add3A_2411 : i32 to vector<16xi32>
    %add3A_2413 = arith.addi %cumsum3A_2410, %add3A_2412 : vector<16xi32>
    %add3A_2414 = arith.constant 512 : i32
    %add3A_2415 = arith.addi %mul3A_886, %add3A_2414 : i32
    %sub3A_2416 = arith.constant 1 : i32
    %sub3A_2417 = arith.subi %add3A_2415, %sub3A_2416 : i32
    %min3A_2418 = vector.broadcast %sub3A_2417 : i32 to vector<16xi32>
    %min3A_2419 = arith.minsi %add3A_2413, %min3A_2418 : vector<16xi32>
    %swap3A_2420 = arith.constant 16 : i32
    %swap3A_2421 = arith.index_cast %swap3A_2420 : i32 to index
    %swap3A_2422 = arith.constant 32 : index
    %swap3A_2423 = tpu.vector_load %arg8[%swap3A_2421, %swap3A_2422] {strides = array<i32>} : memref<32x64xi32, #tpu.memory_space<vmem>>, vector<16xi32>,
    tpu.vector_store %arg8[%swap3A_2421, %swap3A_2422], %min3A_2419 {strides = array<i32>} : memref<32x64xi32, #tpu.memory_space<vmem>>, vector<16xi32>,
    %reduce_sum3A_2424 = arith.constant true
    %reduce_sum3A_2425 = vector.broadcast %reduce_sum3A_2424 : i1 to vector<16xi1>
    %reduce_sum3A_2426 = tpu.scan <sum>, %get3A_2407 masked %reduce_sum3A_2425 : vector<16xi32>, vector<16xi1> -> vector<16xi32>
    %reduce_sum3A_2427 = vector.extract %reduce_sum3A_2426[15] : i32 from vector<16xi32>
    %add3A_2428 = arith.addi %add3A_2405, %reduce_sum3A_2427 : i32
    %get3A_2429 = arith.constant 1072 : index
    %get3A_2430 = tpu.vector_load %arg7[%get3A_2429] {strides = array<i32>} : memref<2048xi32, #tpu.memory_space<vmem>>, vector<16xi32>,
    %cumsum3A_2431 = arith.constant true
    %cumsum3A_2432 = vector.broadcast %cumsum3A_2431 : i1 to vector<16xi1>
    %cumsum3A_2433 = tpu.scan <sum>, %get3A_2430 masked %cumsum3A_2432 : vector<16xi32>, vector<16xi1> -> vector<16xi32>
    %add3A_2434 = arith.addi %add3A_2428, %mul3A_886 : i32
    %add3A_2435 = vector.broadcast %add3A_2434 : i32 to vector<16xi32>
    %add3A_2436 = arith.addi %cumsum3A_2433, %add3A_2435 : vector<16xi32>
    %add3A_2437 = arith.constant 512 : i32
    %add3A_2438 = arith.addi %mul3A_886, %add3A_2437 : i32
    %sub3A_2439 = arith.constant 1 : i32
    %sub3A_2440 = arith.subi %add3A_2438, %sub3A_2439 : i32
    %min3A_2441 = vector.broadcast %sub3A_2440 : i32 to vector<16xi32>
    %min3A_2442 = arith.minsi %add3A_2436, %min3A_2441 : vector<16xi32>
    %swap3A_2443 = arith.constant 16 : i32
    %swap3A_2444 = arith.index_cast %swap3A_2443 : i32 to index
    %swap3A_2445 = arith.constant 48 : index
    %swap3A_2446 = tpu.vector_load %arg8[%swap3A_2444, %swap3A_2445] {strides = array<i32>} : memref<32x64xi32, #tpu.memory_space<vmem>>, vector<16xi32>,
    tpu.vector_store %arg8[%swap3A_2444, %swap3A_2445], %min3A_2442 {strides = array<i32>} : memref<32x64xi32, #tpu.memory_space<vmem>>, vector<16xi32>,
    %reduce_sum3A_2447 = arith.constant true
    %reduce_sum3A_2448 = vector.broadcast %reduce_sum3A_2447 : i1 to vector<16xi1>
    %reduce_sum3A_2449 = tpu.scan <sum>, %get3A_2430 masked %reduce_sum3A_2448 : vector<16xi32>, vector<16xi1> -> vector<16xi32>
    %reduce_sum3A_2450 = vector.extract %reduce_sum3A_2449[15] : i32 from vector<16xi32>
    %add3A_2451 = arith.addi %add3A_2428, %reduce_sum3A_2450 : i32
    %get3A_2452 = arith.constant 1088 : index
    %get3A_2453 = tpu.vector_load %arg7[%get3A_2452] {strides = array<i32>} : memref<2048xi32, #tpu.memory_space<vmem>>, vector<16xi32>,
    %cumsum3A_2454 = arith.constant true
    %cumsum3A_2455 = vector.broadcast %cumsum3A_2454 : i1 to vector<16xi1>
    %cumsum3A_2456 = tpu.scan <sum>, %get3A_2453 masked %cumsum3A_2455 : vector<16xi32>, vector<16xi1> -> vector<16xi32>
    %add3A_2457 = arith.addi %add3A_2451, %mul3A_886 : i32
    %add3A_2458 = vector.broadcast %add3A_2457 : i32 to vector<16xi32>
    %add3A_2459 = arith.addi %cumsum3A_2456, %add3A_2458 : vector<16xi32>
    %add3A_2460 = arith.constant 512 : i32
    %add3A_2461 = arith.addi %mul3A_886, %add3A_2460 : i32
    %sub3A_2462 = arith.constant 1 : i32
    %sub3A_2463 = arith.subi %add3A_2461, %sub3A_2462 : i32
    %min3A_2464 = vector.broadcast %sub3A_2463 : i32 to vector<16xi32>
    %min3A_2465 = arith.minsi %add3A_2459, %min3A_2464 : vector<16xi32>
    %swap3A_2466 = arith.constant 17 : i32
    %swap3A_2467 = arith.index_cast %swap3A_2466 : i32 to index
    %swap3A_2468 = arith.constant 0 : index
    %swap3A_2469 = tpu.vector_load %arg8[%swap3A_2467, %swap3A_2468] {strides = array<i32>} : memref<32x64xi32, #tpu.memory_space<vmem>>, vector<16xi32>,
    tpu.vector_store %arg8[%swap3A_2467, %swap3A_2468], %min3A_2465 {strides = array<i32>} : memref<32x64xi32, #tpu.memory_space<vmem>>, vector<16xi32>,
    %reduce_sum3A_2470 = arith.constant true
    %reduce_sum3A_2471 = vector.broadcast %reduce_sum3A_2470 : i1 to vector<16xi1>
    %reduce_sum3A_2472 = tpu.scan <sum>, %get3A_2453 masked %reduce_sum3A_2471 : vector<16xi32>, vector<16xi1> -> vector<16xi32>
    %reduce_sum3A_2473 = vector.extract %reduce_sum3A_2472[15] : i32 from vector<16xi32>
    %add3A_2474 = arith.addi %add3A_2451, %reduce_sum3A_2473 : i32
    %get3A_2475 = arith.constant 1104 : index
    %get3A_2476 = tpu.vector_load %arg7[%get3A_2475] {strides = array<i32>} : memref<2048xi32, #tpu.memory_space<vmem>>, vector<16xi32>,
    %cumsum3A_2477 = arith.constant true
    %cumsum3A_2478 = vector.broadcast %cumsum3A_2477 : i1 to vector<16xi1>
    %cumsum3A_2479 = tpu.scan <sum>, %get3A_2476 masked %cumsum3A_2478 : vector<16xi32>, vector<16xi1> -> vector<16xi32>
    %add3A_2480 = arith.addi %add3A_2474, %mul3A_886 : i32
    %add3A_2481 = vector.broadcast %add3A_2480 : i32 to vector<16xi32>
    %add3A_2482 = arith.addi %cumsum3A_2479, %add3A_2481 : vector<16xi32>
    %add3A_2483 = arith.constant 512 : i32
    %add3A_2484 = arith.addi %mul3A_886, %add3A_2483 : i32
    %sub3A_2485 = arith.constant 1 : i32
    %sub3A_2486 = arith.subi %add3A_2484, %sub3A_2485 : i32
    %min3A_2487 = vector.broadcast %sub3A_2486 : i32 to vector<16xi32>
    %min3A_2488 = arith.minsi %add3A_2482, %min3A_2487 : vector<16xi32>
    %swap3A_2489 = arith.constant 17 : i32
    %swap3A_2490 = arith.index_cast %swap3A_2489 : i32 to index
    %swap3A_2491 = arith.constant 16 : index
    %swap3A_2492 = tpu.vector_load %arg8[%swap3A_2490, %swap3A_2491] {strides = array<i32>} : memref<32x64xi32, #tpu.memory_space<vmem>>, vector<16xi32>,
    tpu.vector_store %arg8[%swap3A_2490, %swap3A_2491], %min3A_2488 {strides = array<i32>} : memref<32x64xi32, #tpu.memory_space<vmem>>, vector<16xi32>,
    %reduce_sum3A_2493 = arith.constant true
    %reduce_sum3A_2494 = vector.broadcast %reduce_sum3A_2493 : i1 to vector<16xi1>
    %reduce_sum3A_2495 = tpu.scan <sum>, %get3A_2476 masked %reduce_sum3A_2494 : vector<16xi32>, vector<16xi1> -> vector<16xi32>
    %reduce_sum3A_2496 = vector.extract %reduce_sum3A_2495[15] : i32 from vector<16xi32>
    %add3A_2497 = arith.addi %add3A_2474, %reduce_sum3A_2496 : i32
    %get3A_2498 = arith.constant 1120 : index
    %get3A_2499 = tpu.vector_load %arg7[%get3A_2498] {strides = array<i32>} : memref<2048xi32, #tpu.memory_space<vmem>>, vector<16xi32>,
    %cumsum3A_2500 = arith.constant true
    %cumsum3A_2501 = vector.broadcast %cumsum3A_2500 : i1 to vector<16xi1>
    %cumsum3A_2502 = tpu.scan <sum>, %get3A_2499 masked %cumsum3A_2501 : vector<16xi32>, vector<16xi1> -> vector<16xi32>
    %add3A_2503 = arith.addi %add3A_2497, %mul3A_886 : i32
    %add3A_2504 = vector.broadcast %add3A_2503 : i32 to vector<16xi32>
    %add3A_2505 = arith.addi %cumsum3A_2502, %add3A_2504 : vector<16xi32>
    %add3A_2506 = arith.constant 512 : i32
    %add3A_2507 = arith.addi %mul3A_886, %add3A_2506 : i32
    %sub3A_2508 = arith.constant 1 : i32
    %sub3A_2509 = arith.subi %add3A_2507, %sub3A_2508 : i32
    %min3A_2510 = vector.broadcast %sub3A_2509 : i32 to vector<16xi32>
    %min3A_2511 = arith.minsi %add3A_2505, %min3A_2510 : vector<16xi32>
    %swap3A_2512 = arith.constant 17 : i32
    %swap3A_2513 = arith.index_cast %swap3A_2512 : i32 to index
    %swap3A_2514 = arith.constant 32 : index
    %swap3A_2515 = tpu.vector_load %arg8[%swap3A_2513, %swap3A_2514] {strides = array<i32>} : memref<32x64xi32, #tpu.memory_space<vmem>>, vector<16xi32>,
    tpu.vector_store %arg8[%swap3A_2513, %swap3A_2514], %min3A_2511 {strides = array<i32>} : memref<32x64xi32, #tpu.memory_space<vmem>>, vector<16xi32>,
    %reduce_sum3A_2516 = arith.constant true
    %reduce_sum3A_2517 = vector.broadcast %reduce_sum3A_2516 : i1 to vector<16xi1>
    %reduce_sum3A_2518 = tpu.scan <sum>, %get3A_2499 masked %reduce_sum3A_2517 : vector<16xi32>, vector<16xi1> -> vector<16xi32>
    %reduce_sum3A_2519 = vector.extract %reduce_sum3A_2518[15] : i32 from vector<16xi32>
    %add3A_2520 = arith.addi %add3A_2497, %reduce_sum3A_2519 : i32
    %get3A_2521 = arith.constant 1136 : index
    %get3A_2522 = tpu.vector_load %arg7[%get3A_2521] {strides = array<i32>} : memref<2048xi32, #tpu.memory_space<vmem>>, vector<16xi32>,
    %cumsum3A_2523 = arith.constant true
    %cumsum3A_2524 = vector.broadcast %cumsum3A_2523 : i1 to vector<16xi1>
    %cumsum3A_2525 = tpu.scan <sum>, %get3A_2522 masked %cumsum3A_2524 : vector<16xi32>, vector<16xi1> -> vector<16xi32>
    %add3A_2526 = arith.addi %add3A_2520, %mul3A_886 : i32
    %add3A_2527 = vector.broadcast %add3A_2526 : i32 to vector<16xi32>
    %add3A_2528 = arith.addi %cumsum3A_2525, %add3A_2527 : vector<16xi32>
    %add3A_2529 = arith.constant 512 : i32
    %add3A_2530 = arith.addi %mul3A_886, %add3A_2529 : i32
    %sub3A_2531 = arith.constant 1 : i32
    %sub3A_2532 = arith.subi %add3A_2530, %sub3A_2531 : i32
    %min3A_2533 = vector.broadcast %sub3A_2532 : i32 to vector<16xi32>
    %min3A_2534 = arith.minsi %add3A_2528, %min3A_2533 : vector<16xi32>
    %swap3A_2535 = arith.constant 17 : i32
    %swap3A_2536 = arith.index_cast %swap3A_2535 : i32 to index
    %swap3A_2537 = arith.constant 48 : index
    %swap3A_2538 = tpu.vector_load %arg8[%swap3A_2536, %swap3A_2537] {strides = array<i32>} : memref<32x64xi32, #tpu.memory_space<vmem>>, vector<16xi32>,
    tpu.vector_store %arg8[%swap3A_2536, %swap3A_2537], %min3A_2534 {strides = array<i32>} : memref<32x64xi32, #tpu.memory_space<vmem>>, vector<16xi32>,
    %reduce_sum3A_2539 = arith.constant true
    %reduce_sum3A_2540 = vector.broadcast %reduce_sum3A_2539 : i1 to vector<16xi1>
    %reduce_sum3A_2541 = tpu.scan <sum>, %get3A_2522 masked %reduce_sum3A_2540 : vector<16xi32>, vector<16xi1> -> vector<16xi32>
    %reduce_sum3A_2542 = vector.extract %reduce_sum3A_2541[15] : i32 from vector<16xi32>
    %add3A_2543 = arith.addi %add3A_2520, %reduce_sum3A_2542 : i32
    %get3A_2544 = arith.constant 1152 : index
    %get3A_2545 = tpu.vector_load %arg7[%get3A_2544] {strides = array<i32>} : memref<2048xi32, #tpu.memory_space<vmem>>, vector<16xi32>,
    %cumsum3A_2546 = arith.constant true
    %cumsum3A_2547 = vector.broadcast %cumsum3A_2546 : i1 to vector<16xi1>
    %cumsum3A_2548 = tpu.scan <sum>, %get3A_2545 masked %cumsum3A_2547 : vector<16xi32>, vector<16xi1> -> vector<16xi32>
    %add3A_2549 = arith.addi %add3A_2543, %mul3A_886 : i32
    %add3A_2550 = vector.broadcast %add3A_2549 : i32 to vector<16xi32>
    %add3A_2551 = arith.addi %cumsum3A_2548, %add3A_2550 : vector<16xi32>
    %add3A_2552 = arith.constant 512 : i32
    %add3A_2553 = arith.addi %mul3A_886, %add3A_2552 : i32
    %sub3A_2554 = arith.constant 1 : i32
    %sub3A_2555 = arith.subi %add3A_2553, %sub3A_2554 : i32
    %min3A_2556 = vector.broadcast %sub3A_2555 : i32 to vector<16xi32>
    %min3A_2557 = arith.minsi %add3A_2551, %min3A_2556 : vector<16xi32>
    %swap3A_2558 = arith.constant 18 : i32
    %swap3A_2559 = arith.index_cast %swap3A_2558 : i32 to index
    %swap3A_2560 = arith.constant 0 : index
    %swap3A_2561 = tpu.vector_load %arg8[%swap3A_2559, %swap3A_2560] {strides = array<i32>} : memref<32x64xi32, #tpu.memory_space<vmem>>, vector<16xi32>,
    tpu.vector_store %arg8[%swap3A_2559, %swap3A_2560], %min3A_2557 {strides = array<i32>} : memref<32x64xi32, #tpu.memory_space<vmem>>, vector<16xi32>,
    %reduce_sum3A_2562 = arith.constant true
    %reduce_sum3A_2563 = vector.broadcast %reduce_sum3A_2562 : i1 to vector<16xi1>
    %reduce_sum3A_2564 = tpu.scan <sum>, %get3A_2545 masked %reduce_sum3A_2563 : vector<16xi32>, vector<16xi1> -> vector<16xi32>
    %reduce_sum3A_2565 = vector.extract %reduce_sum3A_2564[15] : i32 from vector<16xi32>
    %add3A_2566 = arith.addi %add3A_2543, %reduce_sum3A_2565 : i32
    %get3A_2567 = arith.constant 1168 : index
    %get3A_2568 = tpu.vector_load %arg7[%get3A_2567] {strides = array<i32>} : memref<2048xi32, #tpu.memory_space<vmem>>, vector<16xi32>,
    %cumsum3A_2569 = arith.constant true
    %cumsum3A_2570 = vector.broadcast %cumsum3A_2569 : i1 to vector<16xi1>
    %cumsum3A_2571 = tpu.scan <sum>, %get3A_2568 masked %cumsum3A_2570 : vector<16xi32>, vector<16xi1> -> vector<16xi32>
    %add3A_2572 = arith.addi %add3A_2566, %mul3A_886 : i32
    %add3A_2573 = vector.broadcast %add3A_2572 : i32 to vector<16xi32>
    %add3A_2574 = arith.addi %cumsum3A_2571, %add3A_2573 : vector<16xi32>
    %add3A_2575 = arith.constant 512 : i32
    %add3A_2576 = arith.addi %mul3A_886, %add3A_2575 : i32
    %sub3A_2577 = arith.constant 1 : i32
    %sub3A_2578 = arith.subi %add3A_2576, %sub3A_2577 : i32
    %min3A_2579 = vector.broadcast %sub3A_2578 : i32 to vector<16xi32>
    %min3A_2580 = arith.minsi %add3A_2574, %min3A_2579 : vector<16xi32>
    %swap3A_2581 = arith.constant 18 : i32
    %swap3A_2582 = arith.index_cast %swap3A_2581 : i32 to index
    %swap3A_2583 = arith.constant 16 : index
    %swap3A_2584 = tpu.vector_load %arg8[%swap3A_2582, %swap3A_2583] {strides = array<i32>} : memref<32x64xi32, #tpu.memory_space<vmem>>, vector<16xi32>,
    tpu.vector_store %arg8[%swap3A_2582, %swap3A_2583], %min3A_2580 {strides = array<i32>} : memref<32x64xi32, #tpu.memory_space<vmem>>, vector<16xi32>,
    %reduce_sum3A_2585 = arith.constant true
    %reduce_sum3A_2586 = vector.broadcast %reduce_sum3A_2585 : i1 to vector<16xi1>
    %reduce_sum3A_2587 = tpu.scan <sum>, %get3A_2568 masked %reduce_sum3A_2586 : vector<16xi32>, vector<16xi1> -> vector<16xi32>
    %reduce_sum3A_2588 = vector.extract %reduce_sum3A_2587[15] : i32 from vector<16xi32>
    %add3A_2589 = arith.addi %add3A_2566, %reduce_sum3A_2588 : i32
    %get3A_2590 = arith.constant 1184 : index
    %get3A_2591 = tpu.vector_load %arg7[%get3A_2590] {strides = array<i32>} : memref<2048xi32, #tpu.memory_space<vmem>>, vector<16xi32>,
    %cumsum3A_2592 = arith.constant true
    %cumsum3A_2593 = vector.broadcast %cumsum3A_2592 : i1 to vector<16xi1>
    %cumsum3A_2594 = tpu.scan <sum>, %get3A_2591 masked %cumsum3A_2593 : vector<16xi32>, vector<16xi1> -> vector<16xi32>
    %add3A_2595 = arith.addi %add3A_2589, %mul3A_886 : i32
    %add3A_2596 = vector.broadcast %add3A_2595 : i32 to vector<16xi32>
    %add3A_2597 = arith.addi %cumsum3A_2594, %add3A_2596 : vector<16xi32>
    %add3A_2598 = arith.constant 512 : i32
    %add3A_2599 = arith.addi %mul3A_886, %add3A_2598 : i32
    %sub3A_2600 = arith.constant 1 : i32
    %sub3A_2601 = arith.subi %add3A_2599, %sub3A_2600 : i32
    %min3A_2602 = vector.broadcast %sub3A_2601 : i32 to vector<16xi32>
    %min3A_2603 = arith.minsi %add3A_2597, %min3A_2602 : vector<16xi32>
    %swap3A_2604 = arith.constant 18 : i32
    %swap3A_2605 = arith.index_cast %swap3A_2604 : i32 to index
    %swap3A_2606 = arith.constant 32 : index
    %swap3A_2607 = tpu.vector_load %arg8[%swap3A_2605, %swap3A_2606] {strides = array<i32>} : memref<32x64xi32, #tpu.memory_space<vmem>>, vector<16xi32>,
    tpu.vector_store %arg8[%swap3A_2605, %swap3A_2606], %min3A_2603 {strides = array<i32>} : memref<32x64xi32, #tpu.memory_space<vmem>>, vector<16xi32>,
    %reduce_sum3A_2608 = arith.constant true
    %reduce_sum3A_2609 = vector.broadcast %reduce_sum3A_2608 : i1 to vector<16xi1>
    %reduce_sum3A_2610 = tpu.scan <sum>, %get3A_2591 masked %reduce_sum3A_2609 : vector<16xi32>, vector<16xi1> -> vector<16xi32>
    %reduce_sum3A_2611 = vector.extract %reduce_sum3A_2610[15] : i32 from vector<16xi32>
    %add3A_2612 = arith.addi %add3A_2589, %reduce_sum3A_2611 : i32
    %get3A_2613 = arith.constant 1200 : index
    %get3A_2614 = tpu.vector_load %arg7[%get3A_2613] {strides = array<i32>} : memref<2048xi32, #tpu.memory_space<vmem>>, vector<16xi32>,
    %cumsum3A_2615 = arith.constant true
    %cumsum3A_2616 = vector.broadcast %cumsum3A_2615 : i1 to vector<16xi1>
    %cumsum3A_2617 = tpu.scan <sum>, %get3A_2614 masked %cumsum3A_2616 : vector<16xi32>, vector<16xi1> -> vector<16xi32>
    %add3A_2618 = arith.addi %add3A_2612, %mul3A_886 : i32
    %add3A_2619 = vector.broadcast %add3A_2618 : i32 to vector<16xi32>
    %add3A_2620 = arith.addi %cumsum3A_2617, %add3A_2619 : vector<16xi32>
    %add3A_2621 = arith.constant 512 : i32
    %add3A_2622 = arith.addi %mul3A_886, %add3A_2621 : i32
    %sub3A_2623 = arith.constant 1 : i32
    %sub3A_2624 = arith.subi %add3A_2622, %sub3A_2623 : i32
    %min3A_2625 = vector.broadcast %sub3A_2624 : i32 to vector<16xi32>
    %min3A_2626 = arith.minsi %add3A_2620, %min3A_2625 : vector<16xi32>
    %swap3A_2627 = arith.constant 18 : i32
    %swap3A_2628 = arith.index_cast %swap3A_2627 : i32 to index
    %swap3A_2629 = arith.constant 48 : index
    %swap3A_2630 = tpu.vector_load %arg8[%swap3A_2628, %swap3A_2629] {strides = array<i32>} : memref<32x64xi32, #tpu.memory_space<vmem>>, vector<16xi32>,
    tpu.vector_store %arg8[%swap3A_2628, %swap3A_2629], %min3A_2626 {strides = array<i32>} : memref<32x64xi32, #tpu.memory_space<vmem>>, vector<16xi32>,
    %reduce_sum3A_2631 = arith.constant true
    %reduce_sum3A_2632 = vector.broadcast %reduce_sum3A_2631 : i1 to vector<16xi1>
    %reduce_sum3A_2633 = tpu.scan <sum>, %get3A_2614 masked %reduce_sum3A_2632 : vector<16xi32>, vector<16xi1> -> vector<16xi32>
    %reduce_sum3A_2634 = vector.extract %reduce_sum3A_2633[15] : i32 from vector<16xi32>
    %add3A_2635 = arith.addi %add3A_2612, %reduce_sum3A_2634 : i32
    %get3A_2636 = arith.constant 1216 : index
    %get3A_2637 = tpu.vector_load %arg7[%get3A_2636] {strides = array<i32>} : memref<2048xi32, #tpu.memory_space<vmem>>, vector<16xi32>,
    %cumsum3A_2638 = arith.constant true
    %cumsum3A_2639 = vector.broadcast %cumsum3A_2638 : i1 to vector<16xi1>
    %cumsum3A_2640 = tpu.scan <sum>, %get3A_2637 masked %cumsum3A_2639 : vector<16xi32>, vector<16xi1> -> vector<16xi32>
    %add3A_2641 = arith.addi %add3A_2635, %mul3A_886 : i32
    %add3A_2642 = vector.broadcast %add3A_2641 : i32 to vector<16xi32>
    %add3A_2643 = arith.addi %cumsum3A_2640, %add3A_2642 : vector<16xi32>
    %add3A_2644 = arith.constant 512 : i32
    %add3A_2645 = arith.addi %mul3A_886, %add3A_2644 : i32
    %sub3A_2646 = arith.constant 1 : i32
    %sub3A_2647 = arith.subi %add3A_2645, %sub3A_2646 : i32
    %min3A_2648 = vector.broadcast %sub3A_2647 : i32 to vector<16xi32>
    %min3A_2649 = arith.minsi %add3A_2643, %min3A_2648 : vector<16xi32>
    %swap3A_2650 = arith.constant 19 : i32
    %swap3A_2651 = arith.index_cast %swap3A_2650 : i32 to index
    %swap3A_2652 = arith.constant 0 : index
    %swap3A_2653 = tpu.vector_load %arg8[%swap3A_2651, %swap3A_2652] {strides = array<i32>} : memref<32x64xi32, #tpu.memory_space<vmem>>, vector<16xi32>,
    tpu.vector_store %arg8[%swap3A_2651, %swap3A_2652], %min3A_2649 {strides = array<i32>} : memref<32x64xi32, #tpu.memory_space<vmem>>, vector<16xi32>,
    %reduce_sum3A_2654 = arith.constant true
    %reduce_sum3A_2655 = vector.broadcast %reduce_sum3A_2654 : i1 to vector<16xi1>
    %reduce_sum3A_2656 = tpu.scan <sum>, %get3A_2637 masked %reduce_sum3A_2655 : vector<16xi32>, vector<16xi1> -> vector<16xi32>
    %reduce_sum3A_2657 = vector.extract %reduce_sum3A_2656[15] : i32 from vector<16xi32>
    %add3A_2658 = arith.addi %add3A_2635, %reduce_sum3A_2657 : i32
    %get3A_2659 = arith.constant 1232 : index
    %get3A_2660 = tpu.vector_load %arg7[%get3A_2659] {strides = array<i32>} : memref<2048xi32, #tpu.memory_space<vmem>>, vector<16xi32>,
    %cumsum3A_2661 = arith.constant true
    %cumsum3A_2662 = vector.broadcast %cumsum3A_2661 : i1 to vector<16xi1>
    %cumsum3A_2663 = tpu.scan <sum>, %get3A_2660 masked %cumsum3A_2662 : vector<16xi32>, vector<16xi1> -> vector<16xi32>
    %add3A_2664 = arith.addi %add3A_2658, %mul3A_886 : i32
    %add3A_2665 = vector.broadcast %add3A_2664 : i32 to vector<16xi32>
    %add3A_2666 = arith.addi %cumsum3A_2663, %add3A_2665 : vector<16xi32>
    %add3A_2667 = arith.constant 512 : i32
    %add3A_2668 = arith.addi %mul3A_886, %add3A_2667 : i32
    %sub3A_2669 = arith.constant 1 : i32
    %sub3A_2670 = arith.subi %add3A_2668, %sub3A_2669 : i32
    %min3A_2671 = vector.broadcast %sub3A_2670 : i32 to vector<16xi32>
    %min3A_2672 = arith.minsi %add3A_2666, %min3A_2671 : vector<16xi32>
    %swap3A_2673 = arith.constant 19 : i32
    %swap3A_2674 = arith.index_cast %swap3A_2673 : i32 to index
    %swap3A_2675 = arith.constant 16 : index
    %swap3A_2676 = tpu.vector_load %arg8[%swap3A_2674, %swap3A_2675] {strides = array<i32>} : memref<32x64xi32, #tpu.memory_space<vmem>>, vector<16xi32>,
    tpu.vector_store %arg8[%swap3A_2674, %swap3A_2675], %min3A_2672 {strides = array<i32>} : memref<32x64xi32, #tpu.memory_space<vmem>>, vector<16xi32>,
    %reduce_sum3A_2677 = arith.constant true
    %reduce_sum3A_2678 = vector.broadcast %reduce_sum3A_2677 : i1 to vector<16xi1>
    %reduce_sum3A_2679 = tpu.scan <sum>, %get3A_2660 masked %reduce_sum3A_2678 : vector<16xi32>, vector<16xi1> -> vector<16xi32>
    %reduce_sum3A_2680 = vector.extract %reduce_sum3A_2679[15] : i32 from vector<16xi32>
    %add3A_2681 = arith.addi %add3A_2658, %reduce_sum3A_2680 : i32
    %get3A_2682 = arith.constant 1248 : index
    %get3A_2683 = tpu.vector_load %arg7[%get3A_2682] {strides = array<i32>} : memref<2048xi32, #tpu.memory_space<vmem>>, vector<16xi32>,
    %cumsum3A_2684 = arith.constant true
    %cumsum3A_2685 = vector.broadcast %cumsum3A_2684 : i1 to vector<16xi1>
    %cumsum3A_2686 = tpu.scan <sum>, %get3A_2683 masked %cumsum3A_2685 : vector<16xi32>, vector<16xi1> -> vector<16xi32>
    %add3A_2687 = arith.addi %add3A_2681, %mul3A_886 : i32
    %add3A_2688 = vector.broadcast %add3A_2687 : i32 to vector<16xi32>
    %add3A_2689 = arith.addi %cumsum3A_2686, %add3A_2688 : vector<16xi32>
    %add3A_2690 = arith.constant 512 : i32
    %add3A_2691 = arith.addi %mul3A_886, %add3A_2690 : i32
    %sub3A_2692 = arith.constant 1 : i32
    %sub3A_2693 = arith.subi %add3A_2691, %sub3A_2692 : i32
    %min3A_2694 = vector.broadcast %sub3A_2693 : i32 to vector<16xi32>
    %min3A_2695 = arith.minsi %add3A_2689, %min3A_2694 : vector<16xi32>
    %swap3A_2696 = arith.constant 19 : i32
    %swap3A_2697 = arith.index_cast %swap3A_2696 : i32 to index
    %swap3A_2698 = arith.constant 32 : index
    %swap3A_2699 = tpu.vector_load %arg8[%swap3A_2697, %swap3A_2698] {strides = array<i32>} : memref<32x64xi32, #tpu.memory_space<vmem>>, vector<16xi32>,
    tpu.vector_store %arg8[%swap3A_2697, %swap3A_2698], %min3A_2695 {strides = array<i32>} : memref<32x64xi32, #tpu.memory_space<vmem>>, vector<16xi32>,
    %reduce_sum3A_2700 = arith.constant true
    %reduce_sum3A_2701 = vector.broadcast %reduce_sum3A_2700 : i1 to vector<16xi1>
    %reduce_sum3A_2702 = tpu.scan <sum>, %get3A_2683 masked %reduce_sum3A_2701 : vector<16xi32>, vector<16xi1> -> vector<16xi32>
    %reduce_sum3A_2703 = vector.extract %reduce_sum3A_2702[15] : i32 from vector<16xi32>
    %add3A_2704 = arith.addi %add3A_2681, %reduce_sum3A_2703 : i32
    %get3A_2705 = arith.constant 1264 : index
    %get3A_2706 = tpu.vector_load %arg7[%get3A_2705] {strides = array<i32>} : memref<2048xi32, #tpu.memory_space<vmem>>, vector<16xi32>,
    %cumsum3A_2707 = arith.constant true
    %cumsum3A_2708 = vector.broadcast %cumsum3A_2707 : i1 to vector<16xi1>
    %cumsum3A_2709 = tpu.scan <sum>, %get3A_2706 masked %cumsum3A_2708 : vector<16xi32>, vector<16xi1> -> vector<16xi32>
    %add3A_2710 = arith.addi %add3A_2704, %mul3A_886 : i32
    %add3A_2711 = vector.broadcast %add3A_2710 : i32 to vector<16xi32>
    %add3A_2712 = arith.addi %cumsum3A_2709, %add3A_2711 : vector<16xi32>
    %add3A_2713 = arith.constant 512 : i32
    %add3A_2714 = arith.addi %mul3A_886, %add3A_2713 : i32
    %sub3A_2715 = arith.constant 1 : i32
    %sub3A_2716 = arith.subi %add3A_2714, %sub3A_2715 : i32
    %min3A_2717 = vector.broadcast %sub3A_2716 : i32 to vector<16xi32>
    %min3A_2718 = arith.minsi %add3A_2712, %min3A_2717 : vector<16xi32>
    %swap3A_2719 = arith.constant 19 : i32
    %swap3A_2720 = arith.index_cast %swap3A_2719 : i32 to index
    %swap3A_2721 = arith.constant 48 : index
    %swap3A_2722 = tpu.vector_load %arg8[%swap3A_2720, %swap3A_2721] {strides = array<i32>} : memref<32x64xi32, #tpu.memory_space<vmem>>, vector<16xi32>,
    tpu.vector_store %arg8[%swap3A_2720, %swap3A_2721], %min3A_2718 {strides = array<i32>} : memref<32x64xi32, #tpu.memory_space<vmem>>, vector<16xi32>,
    %reduce_sum3A_2723 = arith.constant true
    %reduce_sum3A_2724 = vector.broadcast %reduce_sum3A_2723 : i1 to vector<16xi1>
    %reduce_sum3A_2725 = tpu.scan <sum>, %get3A_2706 masked %reduce_sum3A_2724 : vector<16xi32>, vector<16xi1> -> vector<16xi32>
    %reduce_sum3A_2726 = vector.extract %reduce_sum3A_2725[15] : i32 from vector<16xi32>
    %add3A_2727 = arith.addi %add3A_2704, %reduce_sum3A_2726 : i32
    %get3A_2728 = arith.constant 1280 : index
    %get3A_2729 = tpu.vector_load %arg7[%get3A_2728] {strides = array<i32>} : memref<2048xi32, #tpu.memory_space<vmem>>, vector<16xi32>,
    %cumsum3A_2730 = arith.constant true
    %cumsum3A_2731 = vector.broadcast %cumsum3A_2730 : i1 to vector<16xi1>
    %cumsum3A_2732 = tpu.scan <sum>, %get3A_2729 masked %cumsum3A_2731 : vector<16xi32>, vector<16xi1> -> vector<16xi32>
    %add3A_2733 = arith.addi %add3A_2727, %mul3A_886 : i32
    %add3A_2734 = vector.broadcast %add3A_2733 : i32 to vector<16xi32>
    %add3A_2735 = arith.addi %cumsum3A_2732, %add3A_2734 : vector<16xi32>
    %add3A_2736 = arith.constant 512 : i32
    %add3A_2737 = arith.addi %mul3A_886, %add3A_2736 : i32
    %sub3A_2738 = arith.constant 1 : i32
    %sub3A_2739 = arith.subi %add3A_2737, %sub3A_2738 : i32
    %min3A_2740 = vector.broadcast %sub3A_2739 : i32 to vector<16xi32>
    %min3A_2741 = arith.minsi %add3A_2735, %min3A_2740 : vector<16xi32>
    %swap3A_2742 = arith.constant 20 : i32
    %swap3A_2743 = arith.index_cast %swap3A_2742 : i32 to index
    %swap3A_2744 = arith.constant 0 : index
    %swap3A_2745 = tpu.vector_load %arg8[%swap3A_2743, %swap3A_2744] {strides = array<i32>} : memref<32x64xi32, #tpu.memory_space<vmem>>, vector<16xi32>,
    tpu.vector_store %arg8[%swap3A_2743, %swap3A_2744], %min3A_2741 {strides = array<i32>} : memref<32x64xi32, #tpu.memory_space<vmem>>, vector<16xi32>,
    %reduce_sum3A_2746 = arith.constant true
    %reduce_sum3A_2747 = vector.broadcast %reduce_sum3A_2746 : i1 to vector<16xi1>
    %reduce_sum3A_2748 = tpu.scan <sum>, %get3A_2729 masked %reduce_sum3A_2747 : vector<16xi32>, vector<16xi1> -> vector<16xi32>
    %reduce_sum3A_2749 = vector.extract %reduce_sum3A_2748[15] : i32 from vector<16xi32>
    %add3A_2750 = arith.addi %add3A_2727, %reduce_sum3A_2749 : i32
    %get3A_2751 = arith.constant 1296 : index
    %get3A_2752 = tpu.vector_load %arg7[%get3A_2751] {strides = array<i32>} : memref<2048xi32, #tpu.memory_space<vmem>>, vector<16xi32>,
    %cumsum3A_2753 = arith.constant true
    %cumsum3A_2754 = vector.broadcast %cumsum3A_2753 : i1 to vector<16xi1>
    %cumsum3A_2755 = tpu.scan <sum>, %get3A_2752 masked %cumsum3A_2754 : vector<16xi32>, vector<16xi1> -> vector<16xi32>
    %add3A_2756 = arith.addi %add3A_2750, %mul3A_886 : i32
    %add3A_2757 = vector.broadcast %add3A_2756 : i32 to vector<16xi32>
    %add3A_2758 = arith.addi %cumsum3A_2755, %add3A_2757 : vector<16xi32>
    %add3A_2759 = arith.constant 512 : i32
    %add3A_2760 = arith.addi %mul3A_886, %add3A_2759 : i32
    %sub3A_2761 = arith.constant 1 : i32
    %sub3A_2762 = arith.subi %add3A_2760, %sub3A_2761 : i32
    %min3A_2763 = vector.broadcast %sub3A_2762 : i32 to vector<16xi32>
    %min3A_2764 = arith.minsi %add3A_2758, %min3A_2763 : vector<16xi32>
    %swap3A_2765 = arith.constant 20 : i32
    %swap3A_2766 = arith.index_cast %swap3A_2765 : i32 to index
    %swap3A_2767 = arith.constant 16 : index
    %swap3A_2768 = tpu.vector_load %arg8[%swap3A_2766, %swap3A_2767] {strides = array<i32>} : memref<32x64xi32, #tpu.memory_space<vmem>>, vector<16xi32>,
    tpu.vector_store %arg8[%swap3A_2766, %swap3A_2767], %min3A_2764 {strides = array<i32>} : memref<32x64xi32, #tpu.memory_space<vmem>>, vector<16xi32>,
    %reduce_sum3A_2769 = arith.constant true
    %reduce_sum3A_2770 = vector.broadcast %reduce_sum3A_2769 : i1 to vector<16xi1>
    %reduce_sum3A_2771 = tpu.scan <sum>, %get3A_2752 masked %reduce_sum3A_2770 : vector<16xi32>, vector<16xi1> -> vector<16xi32>
    %reduce_sum3A_2772 = vector.extract %reduce_sum3A_2771[15] : i32 from vector<16xi32>
    %add3A_2773 = arith.addi %add3A_2750, %reduce_sum3A_2772 : i32
    %get3A_2774 = arith.constant 1312 : index
    %get3A_2775 = tpu.vector_load %arg7[%get3A_2774] {strides = array<i32>} : memref<2048xi32, #tpu.memory_space<vmem>>, vector<16xi32>,
    %cumsum3A_2776 = arith.constant true
    %cumsum3A_2777 = vector.broadcast %cumsum3A_2776 : i1 to vector<16xi1>
    %cumsum3A_2778 = tpu.scan <sum>, %get3A_2775 masked %cumsum3A_2777 : vector<16xi32>, vector<16xi1> -> vector<16xi32>
    %add3A_2779 = arith.addi %add3A_2773, %mul3A_886 : i32
    %add3A_2780 = vector.broadcast %add3A_2779 : i32 to vector<16xi32>
    %add3A_2781 = arith.addi %cumsum3A_2778, %add3A_2780 : vector<16xi32>
    %add3A_2782 = arith.constant 512 : i32
    %add3A_2783 = arith.addi %mul3A_886, %add3A_2782 : i32
    %sub3A_2784 = arith.constant 1 : i32
    %sub3A_2785 = arith.subi %add3A_2783, %sub3A_2784 : i32
    %min3A_2786 = vector.broadcast %sub3A_2785 : i32 to vector<16xi32>
    %min3A_2787 = arith.minsi %add3A_2781, %min3A_2786 : vector<16xi32>
    %swap3A_2788 = arith.constant 20 : i32
    %swap3A_2789 = arith.index_cast %swap3A_2788 : i32 to index
    %swap3A_2790 = arith.constant 32 : index
    %swap3A_2791 = tpu.vector_load %arg8[%swap3A_2789, %swap3A_2790] {strides = array<i32>} : memref<32x64xi32, #tpu.memory_space<vmem>>, vector<16xi32>,
    tpu.vector_store %arg8[%swap3A_2789, %swap3A_2790], %min3A_2787 {strides = array<i32>} : memref<32x64xi32, #tpu.memory_space<vmem>>, vector<16xi32>,
    %reduce_sum3A_2792 = arith.constant true
    %reduce_sum3A_2793 = vector.broadcast %reduce_sum3A_2792 : i1 to vector<16xi1>
    %reduce_sum3A_2794 = tpu.scan <sum>, %get3A_2775 masked %reduce_sum3A_2793 : vector<16xi32>, vector<16xi1> -> vector<16xi32>
    %reduce_sum3A_2795 = vector.extract %reduce_sum3A_2794[15] : i32 from vector<16xi32>
    %add3A_2796 = arith.addi %add3A_2773, %reduce_sum3A_2795 : i32
    %get3A_2797 = arith.constant 1328 : index
    %get3A_2798 = tpu.vector_load %arg7[%get3A_2797] {strides = array<i32>} : memref<2048xi32, #tpu.memory_space<vmem>>, vector<16xi32>,
    %cumsum3A_2799 = arith.constant true
    %cumsum3A_2800 = vector.broadcast %cumsum3A_2799 : i1 to vector<16xi1>
    %cumsum3A_2801 = tpu.scan <sum>, %get3A_2798 masked %cumsum3A_2800 : vector<16xi32>, vector<16xi1> -> vector<16xi32>
    %add3A_2802 = arith.addi %add3A_2796, %mul3A_886 : i32
    %add3A_2803 = vector.broadcast %add3A_2802 : i32 to vector<16xi32>
    %add3A_2804 = arith.addi %cumsum3A_2801, %add3A_2803 : vector<16xi32>
    %add3A_2805 = arith.constant 512 : i32
    %add3A_2806 = arith.addi %mul3A_886, %add3A_2805 : i32
    %sub3A_2807 = arith.constant 1 : i32
    %sub3A_2808 = arith.subi %add3A_2806, %sub3A_2807 : i32
    %min3A_2809 = vector.broadcast %sub3A_2808 : i32 to vector<16xi32>
    %min3A_2810 = arith.minsi %add3A_2804, %min3A_2809 : vector<16xi32>
    %swap3A_2811 = arith.constant 20 : i32
    %swap3A_2812 = arith.index_cast %swap3A_2811 : i32 to index
    %swap3A_2813 = arith.constant 48 : index
    %swap3A_2814 = tpu.vector_load %arg8[%swap3A_2812, %swap3A_2813] {strides = array<i32>} : memref<32x64xi32, #tpu.memory_space<vmem>>, vector<16xi32>,
    tpu.vector_store %arg8[%swap3A_2812, %swap3A_2813], %min3A_2810 {strides = array<i32>} : memref<32x64xi32, #tpu.memory_space<vmem>>, vector<16xi32>,
    %reduce_sum3A_2815 = arith.constant true
    %reduce_sum3A_2816 = vector.broadcast %reduce_sum3A_2815 : i1 to vector<16xi1>
    %reduce_sum3A_2817 = tpu.scan <sum>, %get3A_2798 masked %reduce_sum3A_2816 : vector<16xi32>, vector<16xi1> -> vector<16xi32>
    %reduce_sum3A_2818 = vector.extract %reduce_sum3A_2817[15] : i32 from vector<16xi32>
    %add3A_2819 = arith.addi %add3A_2796, %reduce_sum3A_2818 : i32
    %get3A_2820 = arith.constant 1344 : index
    %get3A_2821 = tpu.vector_load %arg7[%get3A_2820] {strides = array<i32>} : memref<2048xi32, #tpu.memory_space<vmem>>, vector<16xi32>,
    %cumsum3A_2822 = arith.constant true
    %cumsum3A_2823 = vector.broadcast %cumsum3A_2822 : i1 to vector<16xi1>
    %cumsum3A_2824 = tpu.scan <sum>, %get3A_2821 masked %cumsum3A_2823 : vector<16xi32>, vector<16xi1> -> vector<16xi32>
    %add3A_2825 = arith.addi %add3A_2819, %mul3A_886 : i32
    %add3A_2826 = vector.broadcast %add3A_2825 : i32 to vector<16xi32>
    %add3A_2827 = arith.addi %cumsum3A_2824, %add3A_2826 : vector<16xi32>
    %add3A_2828 = arith.constant 512 : i32
    %add3A_2829 = arith.addi %mul3A_886, %add3A_2828 : i32
    %sub3A_2830 = arith.constant 1 : i32
    %sub3A_2831 = arith.subi %add3A_2829, %sub3A_2830 : i32
    %min3A_2832 = vector.broadcast %sub3A_2831 : i32 to vector<16xi32>
    %min3A_2833 = arith.minsi %add3A_2827, %min3A_2832 : vector<16xi32>
    %swap3A_2834 = arith.constant 21 : i32
    %swap3A_2835 = arith.index_cast %swap3A_2834 : i32 to index
    %swap3A_2836 = arith.constant 0 : index
    %swap3A_2837 = tpu.vector_load %arg8[%swap3A_2835, %swap3A_2836] {strides = array<i32>} : memref<32x64xi32, #tpu.memory_space<vmem>>, vector<16xi32>,
    tpu.vector_store %arg8[%swap3A_2835, %swap3A_2836], %min3A_2833 {strides = array<i32>} : memref<32x64xi32, #tpu.memory_space<vmem>>, vector<16xi32>,
    %reduce_sum3A_2838 = arith.constant true
    %reduce_sum3A_2839 = vector.broadcast %reduce_sum3A_2838 : i1 to vector<16xi1>
    %reduce_sum3A_2840 = tpu.scan <sum>, %get3A_2821 masked %reduce_sum3A_2839 : vector<16xi32>, vector<16xi1> -> vector<16xi32>
    %reduce_sum3A_2841 = vector.extract %reduce_sum3A_2840[15] : i32 from vector<16xi32>
    %add3A_2842 = arith.addi %add3A_2819, %reduce_sum3A_2841 : i32
    %get3A_2843 = arith.constant 1360 : index
    %get3A_2844 = tpu.vector_load %arg7[%get3A_2843] {strides = array<i32>} : memref<2048xi32, #tpu.memory_space<vmem>>, vector<16xi32>,
    %cumsum3A_2845 = arith.constant true
    %cumsum3A_2846 = vector.broadcast %cumsum3A_2845 : i1 to vector<16xi1>
    %cumsum3A_2847 = tpu.scan <sum>, %get3A_2844 masked %cumsum3A_2846 : vector<16xi32>, vector<16xi1> -> vector<16xi32>
    %add3A_2848 = arith.addi %add3A_2842, %mul3A_886 : i32
    %add3A_2849 = vector.broadcast %add3A_2848 : i32 to vector<16xi32>
    %add3A_2850 = arith.addi %cumsum3A_2847, %add3A_2849 : vector<16xi32>
    %add3A_2851 = arith.constant 512 : i32
    %add3A_2852 = arith.addi %mul3A_886, %add3A_2851 : i32
    %sub3A_2853 = arith.constant 1 : i32
    %sub3A_2854 = arith.subi %add3A_2852, %sub3A_2853 : i32
    %min3A_2855 = vector.broadcast %sub3A_2854 : i32 to vector<16xi32>
    %min3A_2856 = arith.minsi %add3A_2850, %min3A_2855 : vector<16xi32>
    %swap3A_2857 = arith.constant 21 : i32
    %swap3A_2858 = arith.index_cast %swap3A_2857 : i32 to index
    %swap3A_2859 = arith.constant 16 : index
    %swap3A_2860 = tpu.vector_load %arg8[%swap3A_2858, %swap3A_2859] {strides = array<i32>} : memref<32x64xi32, #tpu.memory_space<vmem>>, vector<16xi32>,
    tpu.vector_store %arg8[%swap3A_2858, %swap3A_2859], %min3A_2856 {strides = array<i32>} : memref<32x64xi32, #tpu.memory_space<vmem>>, vector<16xi32>,
    %reduce_sum3A_2861 = arith.constant true
    %reduce_sum3A_2862 = vector.broadcast %reduce_sum3A_2861 : i1 to vector<16xi1>
    %reduce_sum3A_2863 = tpu.scan <sum>, %get3A_2844 masked %reduce_sum3A_2862 : vector<16xi32>, vector<16xi1> -> vector<16xi32>
    %reduce_sum3A_2864 = vector.extract %reduce_sum3A_2863[15] : i32 from vector<16xi32>
    %add3A_2865 = arith.addi %add3A_2842, %reduce_sum3A_2864 : i32
    %get3A_2866 = arith.constant 1376 : index
    %get3A_2867 = tpu.vector_load %arg7[%get3A_2866] {strides = array<i32>} : memref<2048xi32, #tpu.memory_space<vmem>>, vector<16xi32>,
    %cumsum3A_2868 = arith.constant true
    %cumsum3A_2869 = vector.broadcast %cumsum3A_2868 : i1 to vector<16xi1>
    %cumsum3A_2870 = tpu.scan <sum>, %get3A_2867 masked %cumsum3A_2869 : vector<16xi32>, vector<16xi1> -> vector<16xi32>
    %add3A_2871 = arith.addi %add3A_2865, %mul3A_886 : i32
    %add3A_2872 = vector.broadcast %add3A_2871 : i32 to vector<16xi32>
    %add3A_2873 = arith.addi %cumsum3A_2870, %add3A_2872 : vector<16xi32>
    %add3A_2874 = arith.constant 512 : i32
    %add3A_2875 = arith.addi %mul3A_886, %add3A_2874 : i32
    %sub3A_2876 = arith.constant 1 : i32
    %sub3A_2877 = arith.subi %add3A_2875, %sub3A_2876 : i32
    %min3A_2878 = vector.broadcast %sub3A_2877 : i32 to vector<16xi32>
    %min3A_2879 = arith.minsi %add3A_2873, %min3A_2878 : vector<16xi32>
    %swap3A_2880 = arith.constant 21 : i32
    %swap3A_2881 = arith.index_cast %swap3A_2880 : i32 to index
    %swap3A_2882 = arith.constant 32 : index
    %swap3A_2883 = tpu.vector_load %arg8[%swap3A_2881, %swap3A_2882] {strides = array<i32>} : memref<32x64xi32, #tpu.memory_space<vmem>>, vector<16xi32>,
    tpu.vector_store %arg8[%swap3A_2881, %swap3A_2882], %min3A_2879 {strides = array<i32>} : memref<32x64xi32, #tpu.memory_space<vmem>>, vector<16xi32>,
    %reduce_sum3A_2884 = arith.constant true
    %reduce_sum3A_2885 = vector.broadcast %reduce_sum3A_2884 : i1 to vector<16xi1>
    %reduce_sum3A_2886 = tpu.scan <sum>, %get3A_2867 masked %reduce_sum3A_2885 : vector<16xi32>, vector<16xi1> -> vector<16xi32>
    %reduce_sum3A_2887 = vector.extract %reduce_sum3A_2886[15] : i32 from vector<16xi32>
    %add3A_2888 = arith.addi %add3A_2865, %reduce_sum3A_2887 : i32
    %get3A_2889 = arith.constant 1392 : index
    %get3A_2890 = tpu.vector_load %arg7[%get3A_2889] {strides = array<i32>} : memref<2048xi32, #tpu.memory_space<vmem>>, vector<16xi32>,
    %cumsum3A_2891 = arith.constant true
    %cumsum3A_2892 = vector.broadcast %cumsum3A_2891 : i1 to vector<16xi1>
    %cumsum3A_2893 = tpu.scan <sum>, %get3A_2890 masked %cumsum3A_2892 : vector<16xi32>, vector<16xi1> -> vector<16xi32>
    %add3A_2894 = arith.addi %add3A_2888, %mul3A_886 : i32
    %add3A_2895 = vector.broadcast %add3A_2894 : i32 to vector<16xi32>
    %add3A_2896 = arith.addi %cumsum3A_2893, %add3A_2895 : vector<16xi32>
    %add3A_2897 = arith.constant 512 : i32
    %add3A_2898 = arith.addi %mul3A_886, %add3A_2897 : i32
    %sub3A_2899 = arith.constant 1 : i32
    %sub3A_2900 = arith.subi %add3A_2898, %sub3A_2899 : i32
    %min3A_2901 = vector.broadcast %sub3A_2900 : i32 to vector<16xi32>
    %min3A_2902 = arith.minsi %add3A_2896, %min3A_2901 : vector<16xi32>
    %swap3A_2903 = arith.constant 21 : i32
    %swap3A_2904 = arith.index_cast %swap3A_2903 : i32 to index
    %swap3A_2905 = arith.constant 48 : index
    %swap3A_2906 = tpu.vector_load %arg8[%swap3A_2904, %swap3A_2905] {strides = array<i32>} : memref<32x64xi32, #tpu.memory_space<vmem>>, vector<16xi32>,
    tpu.vector_store %arg8[%swap3A_2904, %swap3A_2905], %min3A_2902 {strides = array<i32>} : memref<32x64xi32, #tpu.memory_space<vmem>>, vector<16xi32>,
    %reduce_sum3A_2907 = arith.constant true
    %reduce_sum3A_2908 = vector.broadcast %reduce_sum3A_2907 : i1 to vector<16xi1>
    %reduce_sum3A_2909 = tpu.scan <sum>, %get3A_2890 masked %reduce_sum3A_2908 : vector<16xi32>, vector<16xi1> -> vector<16xi32>
    %reduce_sum3A_2910 = vector.extract %reduce_sum3A_2909[15] : i32 from vector<16xi32>
    %add3A_2911 = arith.addi %add3A_2888, %reduce_sum3A_2910 : i32
    %get3A_2912 = arith.constant 1408 : index
    %get3A_2913 = tpu.vector_load %arg7[%get3A_2912] {strides = array<i32>} : memref<2048xi32, #tpu.memory_space<vmem>>, vector<16xi32>,
    %cumsum3A_2914 = arith.constant true
    %cumsum3A_2915 = vector.broadcast %cumsum3A_2914 : i1 to vector<16xi1>
    %cumsum3A_2916 = tpu.scan <sum>, %get3A_2913 masked %cumsum3A_2915 : vector<16xi32>, vector<16xi1> -> vector<16xi32>
    %add3A_2917 = arith.addi %add3A_2911, %mul3A_886 : i32
    %add3A_2918 = vector.broadcast %add3A_2917 : i32 to vector<16xi32>
    %add3A_2919 = arith.addi %cumsum3A_2916, %add3A_2918 : vector<16xi32>
    %add3A_2920 = arith.constant 512 : i32
    %add3A_2921 = arith.addi %mul3A_886, %add3A_2920 : i32
    %sub3A_2922 = arith.constant 1 : i32
    %sub3A_2923 = arith.subi %add3A_2921, %sub3A_2922 : i32
    %min3A_2924 = vector.broadcast %sub3A_2923 : i32 to vector<16xi32>
    %min3A_2925 = arith.minsi %add3A_2919, %min3A_2924 : vector<16xi32>
    %swap3A_2926 = arith.constant 22 : i32
    %swap3A_2927 = arith.index_cast %swap3A_2926 : i32 to index
    %swap3A_2928 = arith.constant 0 : index
    %swap3A_2929 = tpu.vector_load %arg8[%swap3A_2927, %swap3A_2928] {strides = array<i32>} : memref<32x64xi32, #tpu.memory_space<vmem>>, vector<16xi32>,
    tpu.vector_store %arg8[%swap3A_2927, %swap3A_2928], %min3A_2925 {strides = array<i32>} : memref<32x64xi32, #tpu.memory_space<vmem>>, vector<16xi32>,
    %reduce_sum3A_2930 = arith.constant true
    %reduce_sum3A_2931 = vector.broadcast %reduce_sum3A_2930 : i1 to vector<16xi1>
    %reduce_sum3A_2932 = tpu.scan <sum>, %get3A_2913 masked %reduce_sum3A_2931 : vector<16xi32>, vector<16xi1> -> vector<16xi32>
    %reduce_sum3A_2933 = vector.extract %reduce_sum3A_2932[15] : i32 from vector<16xi32>
    %add3A_2934 = arith.addi %add3A_2911, %reduce_sum3A_2933 : i32
    %get3A_2935 = arith.constant 1424 : index
    %get3A_2936 = tpu.vector_load %arg7[%get3A_2935] {strides = array<i32>} : memref<2048xi32, #tpu.memory_space<vmem>>, vector<16xi32>,
    %cumsum3A_2937 = arith.constant true
    %cumsum3A_2938 = vector.broadcast %cumsum3A_2937 : i1 to vector<16xi1>
    %cumsum3A_2939 = tpu.scan <sum>, %get3A_2936 masked %cumsum3A_2938 : vector<16xi32>, vector<16xi1> -> vector<16xi32>
    %add3A_2940 = arith.addi %add3A_2934, %mul3A_886 : i32
    %add3A_2941 = vector.broadcast %add3A_2940 : i32 to vector<16xi32>
    %add3A_2942 = arith.addi %cumsum3A_2939, %add3A_2941 : vector<16xi32>
    %add3A_2943 = arith.constant 512 : i32
    %add3A_2944 = arith.addi %mul3A_886, %add3A_2943 : i32
    %sub3A_2945 = arith.constant 1 : i32
    %sub3A_2946 = arith.subi %add3A_2944, %sub3A_2945 : i32
    %min3A_2947 = vector.broadcast %sub3A_2946 : i32 to vector<16xi32>
    %min3A_2948 = arith.minsi %add3A_2942, %min3A_2947 : vector<16xi32>
    %swap3A_2949 = arith.constant 22 : i32
    %swap3A_2950 = arith.index_cast %swap3A_2949 : i32 to index
    %swap3A_2951 = arith.constant 16 : index
    %swap3A_2952 = tpu.vector_load %arg8[%swap3A_2950, %swap3A_2951] {strides = array<i32>} : memref<32x64xi32, #tpu.memory_space<vmem>>, vector<16xi32>,
    tpu.vector_store %arg8[%swap3A_2950, %swap3A_2951], %min3A_2948 {strides = array<i32>} : memref<32x64xi32, #tpu.memory_space<vmem>>, vector<16xi32>,
    %reduce_sum3A_2953 = arith.constant true
    %reduce_sum3A_2954 = vector.broadcast %reduce_sum3A_2953 : i1 to vector<16xi1>
    %reduce_sum3A_2955 = tpu.scan <sum>, %get3A_2936 masked %reduce_sum3A_2954 : vector<16xi32>, vector<16xi1> -> vector<16xi32>
    %reduce_sum3A_2956 = vector.extract %reduce_sum3A_2955[15] : i32 from vector<16xi32>
    %add3A_2957 = arith.addi %add3A_2934, %reduce_sum3A_2956 : i32
    %get3A_2958 = arith.constant 1440 : index
    %get3A_2959 = tpu.vector_load %arg7[%get3A_2958] {strides = array<i32>} : memref<2048xi32, #tpu.memory_space<vmem>>, vector<16xi32>,
    %cumsum3A_2960 = arith.constant true
    %cumsum3A_2961 = vector.broadcast %cumsum3A_2960 : i1 to vector<16xi1>
    %cumsum3A_2962 = tpu.scan <sum>, %get3A_2959 masked %cumsum3A_2961 : vector<16xi32>, vector<16xi1> -> vector<16xi32>
    %add3A_2963 = arith.addi %add3A_2957, %mul3A_886 : i32
    %add3A_2964 = vector.broadcast %add3A_2963 : i32 to vector<16xi32>
    %add3A_2965 = arith.addi %cumsum3A_2962, %add3A_2964 : vector<16xi32>
    %add3A_2966 = arith.constant 512 : i32
    %add3A_2967 = arith.addi %mul3A_886, %add3A_2966 : i32
    %sub3A_2968 = arith.constant 1 : i32
    %sub3A_2969 = arith.subi %add3A_2967, %sub3A_2968 : i32
    %min3A_2970 = vector.broadcast %sub3A_2969 : i32 to vector<16xi32>
    %min3A_2971 = arith.minsi %add3A_2965, %min3A_2970 : vector<16xi32>
    %swap3A_2972 = arith.constant 22 : i32
    %swap3A_2973 = arith.index_cast %swap3A_2972 : i32 to index
    %swap3A_2974 = arith.constant 32 : index
    %swap3A_2975 = tpu.vector_load %arg8[%swap3A_2973, %swap3A_2974] {strides = array<i32>} : memref<32x64xi32, #tpu.memory_space<vmem>>, vector<16xi32>,
    tpu.vector_store %arg8[%swap3A_2973, %swap3A_2974], %min3A_2971 {strides = array<i32>} : memref<32x64xi32, #tpu.memory_space<vmem>>, vector<16xi32>,
    %reduce_sum3A_2976 = arith.constant true
    %reduce_sum3A_2977 = vector.broadcast %reduce_sum3A_2976 : i1 to vector<16xi1>
    %reduce_sum3A_2978 = tpu.scan <sum>, %get3A_2959 masked %reduce_sum3A_2977 : vector<16xi32>, vector<16xi1> -> vector<16xi32>
    %reduce_sum3A_2979 = vector.extract %reduce_sum3A_2978[15] : i32 from vector<16xi32>
    %add3A_2980 = arith.addi %add3A_2957, %reduce_sum3A_2979 : i32
    %get3A_2981 = arith.constant 1456 : index
    %get3A_2982 = tpu.vector_load %arg7[%get3A_2981] {strides = array<i32>} : memref<2048xi32, #tpu.memory_space<vmem>>, vector<16xi32>,
    %cumsum3A_2983 = arith.constant true
    %cumsum3A_2984 = vector.broadcast %cumsum3A_2983 : i1 to vector<16xi1>
    %cumsum3A_2985 = tpu.scan <sum>, %get3A_2982 masked %cumsum3A_2984 : vector<16xi32>, vector<16xi1> -> vector<16xi32>
    %add3A_2986 = arith.addi %add3A_2980, %mul3A_886 : i32
    %add3A_2987 = vector.broadcast %add3A_2986 : i32 to vector<16xi32>
    %add3A_2988 = arith.addi %cumsum3A_2985, %add3A_2987 : vector<16xi32>
    %add3A_2989 = arith.constant 512 : i32
    %add3A_2990 = arith.addi %mul3A_886, %add3A_2989 : i32
    %sub3A_2991 = arith.constant 1 : i32
    %sub3A_2992 = arith.subi %add3A_2990, %sub3A_2991 : i32
    %min3A_2993 = vector.broadcast %sub3A_2992 : i32 to vector<16xi32>
    %min3A_2994 = arith.minsi %add3A_2988, %min3A_2993 : vector<16xi32>
    %swap3A_2995 = arith.constant 22 : i32
    %swap3A_2996 = arith.index_cast %swap3A_2995 : i32 to index
    %swap3A_2997 = arith.constant 48 : index
    %swap3A_2998 = tpu.vector_load %arg8[%swap3A_2996, %swap3A_2997] {strides = array<i32>} : memref<32x64xi32, #tpu.memory_space<vmem>>, vector<16xi32>,
    tpu.vector_store %arg8[%swap3A_2996, %swap3A_2997], %min3A_2994 {strides = array<i32>} : memref<32x64xi32, #tpu.memory_space<vmem>>, vector<16xi32>,
    %reduce_sum3A_2999 = arith.constant true
    %reduce_sum3A_3000 = vector.broadcast %reduce_sum3A_2999 : i1 to vector<16xi1>
    %reduce_sum3A_3001 = tpu.scan <sum>, %get3A_2982 masked %reduce_sum3A_3000 : vector<16xi32>, vector<16xi1> -> vector<16xi32>
    %reduce_sum3A_3002 = vector.extract %reduce_sum3A_3001[15] : i32 from vector<16xi32>
    %add3A_3003 = arith.addi %add3A_2980, %reduce_sum3A_3002 : i32
    %get3A_3004 = arith.constant 1472 : index
    %get3A_3005 = tpu.vector_load %arg7[%get3A_3004] {strides = array<i32>} : memref<2048xi32, #tpu.memory_space<vmem>>, vector<16xi32>,
    %cumsum3A_3006 = arith.constant true
    %cumsum3A_3007 = vector.broadcast %cumsum3A_3006 : i1 to vector<16xi1>
    %cumsum3A_3008 = tpu.scan <sum>, %get3A_3005 masked %cumsum3A_3007 : vector<16xi32>, vector<16xi1> -> vector<16xi32>
    %add3A_3009 = arith.addi %add3A_3003, %mul3A_886 : i32
    %add3A_3010 = vector.broadcast %add3A_3009 : i32 to vector<16xi32>
    %add3A_3011 = arith.addi %cumsum3A_3008, %add3A_3010 : vector<16xi32>
    %add3A_3012 = arith.constant 512 : i32
    %add3A_3013 = arith.addi %mul3A_886, %add3A_3012 : i32
    %sub3A_3014 = arith.constant 1 : i32
    %sub3A_3015 = arith.subi %add3A_3013, %sub3A_3014 : i32
    %min3A_3016 = vector.broadcast %sub3A_3015 : i32 to vector<16xi32>
    %min3A_3017 = arith.minsi %add3A_3011, %min3A_3016 : vector<16xi32>
    %swap3A_3018 = arith.constant 23 : i32
    %swap3A_3019 = arith.index_cast %swap3A_3018 : i32 to index
    %swap3A_3020 = arith.constant 0 : index
    %swap3A_3021 = tpu.vector_load %arg8[%swap3A_3019, %swap3A_3020] {strides = array<i32>} : memref<32x64xi32, #tpu.memory_space<vmem>>, vector<16xi32>,
    tpu.vector_store %arg8[%swap3A_3019, %swap3A_3020], %min3A_3017 {strides = array<i32>} : memref<32x64xi32, #tpu.memory_space<vmem>>, vector<16xi32>,
    %reduce_sum3A_3022 = arith.constant true
    %reduce_sum3A_3023 = vector.broadcast %reduce_sum3A_3022 : i1 to vector<16xi1>
    %reduce_sum3A_3024 = tpu.scan <sum>, %get3A_3005 masked %reduce_sum3A_3023 : vector<16xi32>, vector<16xi1> -> vector<16xi32>
    %reduce_sum3A_3025 = vector.extract %reduce_sum3A_3024[15] : i32 from vector<16xi32>
    %add3A_3026 = arith.addi %add3A_3003, %reduce_sum3A_3025 : i32
    %get3A_3027 = arith.constant 1488 : index
    %get3A_3028 = tpu.vector_load %arg7[%get3A_3027] {strides = array<i32>} : memref<2048xi32, #tpu.memory_space<vmem>>, vector<16xi32>,
    %cumsum3A_3029 = arith.constant true
    %cumsum3A_3030 = vector.broadcast %cumsum3A_3029 : i1 to vector<16xi1>
    %cumsum3A_3031 = tpu.scan <sum>, %get3A_3028 masked %cumsum3A_3030 : vector<16xi32>, vector<16xi1> -> vector<16xi32>
    %add3A_3032 = arith.addi %add3A_3026, %mul3A_886 : i32
    %add3A_3033 = vector.broadcast %add3A_3032 : i32 to vector<16xi32>
    %add3A_3034 = arith.addi %cumsum3A_3031, %add3A_3033 : vector<16xi32>
    %add3A_3035 = arith.constant 512 : i32
    %add3A_3036 = arith.addi %mul3A_886, %add3A_3035 : i32
    %sub3A_3037 = arith.constant 1 : i32
    %sub3A_3038 = arith.subi %add3A_3036, %sub3A_3037 : i32
    %min3A_3039 = vector.broadcast %sub3A_3038 : i32 to vector<16xi32>
    %min3A_3040 = arith.minsi %add3A_3034, %min3A_3039 : vector<16xi32>
    %swap3A_3041 = arith.constant 23 : i32
    %swap3A_3042 = arith.index_cast %swap3A_3041 : i32 to index
    %swap3A_3043 = arith.constant 16 : index
    %swap3A_3044 = tpu.vector_load %arg8[%swap3A_3042, %swap3A_3043] {strides = array<i32>} : memref<32x64xi32, #tpu.memory_space<vmem>>, vector<16xi32>,
    tpu.vector_store %arg8[%swap3A_3042, %swap3A_3043], %min3A_3040 {strides = array<i32>} : memref<32x64xi32, #tpu.memory_space<vmem>>, vector<16xi32>,
    %reduce_sum3A_3045 = arith.constant true
    %reduce_sum3A_3046 = vector.broadcast %reduce_sum3A_3045 : i1 to vector<16xi1>
    %reduce_sum3A_3047 = tpu.scan <sum>, %get3A_3028 masked %reduce_sum3A_3046 : vector<16xi32>, vector<16xi1> -> vector<16xi32>
    %reduce_sum3A_3048 = vector.extract %reduce_sum3A_3047[15] : i32 from vector<16xi32>
    %add3A_3049 = arith.addi %add3A_3026, %reduce_sum3A_3048 : i32
    %get3A_3050 = arith.constant 1504 : index
    %get3A_3051 = tpu.vector_load %arg7[%get3A_3050] {strides = array<i32>} : memref<2048xi32, #tpu.memory_space<vmem>>, vector<16xi32>,
    %cumsum3A_3052 = arith.constant true
    %cumsum3A_3053 = vector.broadcast %cumsum3A_3052 : i1 to vector<16xi1>
    %cumsum3A_3054 = tpu.scan <sum>, %get3A_3051 masked %cumsum3A_3053 : vector<16xi32>, vector<16xi1> -> vector<16xi32>
    %add3A_3055 = arith.addi %add3A_3049, %mul3A_886 : i32
    %add3A_3056 = vector.broadcast %add3A_3055 : i32 to vector<16xi32>
    %add3A_3057 = arith.addi %cumsum3A_3054, %add3A_3056 : vector<16xi32>
    %add3A_3058 = arith.constant 512 : i32
    %add3A_3059 = arith.addi %mul3A_886, %add3A_3058 : i32
    %sub3A_3060 = arith.constant 1 : i32
    %sub3A_3061 = arith.subi %add3A_3059, %sub3A_3060 : i32
    %min3A_3062 = vector.broadcast %sub3A_3061 : i32 to vector<16xi32>
    %min3A_3063 = arith.minsi %add3A_3057, %min3A_3062 : vector<16xi32>
    %swap3A_3064 = arith.constant 23 : i32
    %swap3A_3065 = arith.index_cast %swap3A_3064 : i32 to index
    %swap3A_3066 = arith.constant 32 : index
    %swap3A_3067 = tpu.vector_load %arg8[%swap3A_3065, %swap3A_3066] {strides = array<i32>} : memref<32x64xi32, #tpu.memory_space<vmem>>, vector<16xi32>,
    tpu.vector_store %arg8[%swap3A_3065, %swap3A_3066], %min3A_3063 {strides = array<i32>} : memref<32x64xi32, #tpu.memory_space<vmem>>, vector<16xi32>,
    %reduce_sum3A_3068 = arith.constant true
    %reduce_sum3A_3069 = vector.broadcast %reduce_sum3A_3068 : i1 to vector<16xi1>
    %reduce_sum3A_3070 = tpu.scan <sum>, %get3A_3051 masked %reduce_sum3A_3069 : vector<16xi32>, vector<16xi1> -> vector<16xi32>
    %reduce_sum3A_3071 = vector.extract %reduce_sum3A_3070[15] : i32 from vector<16xi32>
    %add3A_3072 = arith.addi %add3A_3049, %reduce_sum3A_3071 : i32
    %get3A_3073 = arith.constant 1520 : index
    %get3A_3074 = tpu.vector_load %arg7[%get3A_3073] {strides = array<i32>} : memref<2048xi32, #tpu.memory_space<vmem>>, vector<16xi32>,
    %cumsum3A_3075 = arith.constant true
    %cumsum3A_3076 = vector.broadcast %cumsum3A_3075 : i1 to vector<16xi1>
    %cumsum3A_3077 = tpu.scan <sum>, %get3A_3074 masked %cumsum3A_3076 : vector<16xi32>, vector<16xi1> -> vector<16xi32>
    %add3A_3078 = arith.addi %add3A_3072, %mul3A_886 : i32
    %add3A_3079 = vector.broadcast %add3A_3078 : i32 to vector<16xi32>
    %add3A_3080 = arith.addi %cumsum3A_3077, %add3A_3079 : vector<16xi32>
    %add3A_3081 = arith.constant 512 : i32
    %add3A_3082 = arith.addi %mul3A_886, %add3A_3081 : i32
    %sub3A_3083 = arith.constant 1 : i32
    %sub3A_3084 = arith.subi %add3A_3082, %sub3A_3083 : i32
    %min3A_3085 = vector.broadcast %sub3A_3084 : i32 to vector<16xi32>
    %min3A_3086 = arith.minsi %add3A_3080, %min3A_3085 : vector<16xi32>
    %swap3A_3087 = arith.constant 23 : i32
    %swap3A_3088 = arith.index_cast %swap3A_3087 : i32 to index
    %swap3A_3089 = arith.constant 48 : index
    %swap3A_3090 = tpu.vector_load %arg8[%swap3A_3088, %swap3A_3089] {strides = array<i32>} : memref<32x64xi32, #tpu.memory_space<vmem>>, vector<16xi32>,
    tpu.vector_store %arg8[%swap3A_3088, %swap3A_3089], %min3A_3086 {strides = array<i32>} : memref<32x64xi32, #tpu.memory_space<vmem>>, vector<16xi32>,
    %reduce_sum3A_3091 = arith.constant true
    %reduce_sum3A_3092 = vector.broadcast %reduce_sum3A_3091 : i1 to vector<16xi1>
    %reduce_sum3A_3093 = tpu.scan <sum>, %get3A_3074 masked %reduce_sum3A_3092 : vector<16xi32>, vector<16xi1> -> vector<16xi32>
    %reduce_sum3A_3094 = vector.extract %reduce_sum3A_3093[15] : i32 from vector<16xi32>
    %add3A_3095 = arith.addi %add3A_3072, %reduce_sum3A_3094 : i32
    %get3A_3096 = arith.constant 1536 : index
    %get3A_3097 = tpu.vector_load %arg7[%get3A_3096] {strides = array<i32>} : memref<2048xi32, #tpu.memory_space<vmem>>, vector<16xi32>,
    %cumsum3A_3098 = arith.constant true
    %cumsum3A_3099 = vector.broadcast %cumsum3A_3098 : i1 to vector<16xi1>
    %cumsum3A_3100 = tpu.scan <sum>, %get3A_3097 masked %cumsum3A_3099 : vector<16xi32>, vector<16xi1> -> vector<16xi32>
    %add3A_3101 = arith.addi %add3A_3095, %mul3A_886 : i32
    %add3A_3102 = vector.broadcast %add3A_3101 : i32 to vector<16xi32>
    %add3A_3103 = arith.addi %cumsum3A_3100, %add3A_3102 : vector<16xi32>
    %add3A_3104 = arith.constant 512 : i32
    %add3A_3105 = arith.addi %mul3A_886, %add3A_3104 : i32
    %sub3A_3106 = arith.constant 1 : i32
    %sub3A_3107 = arith.subi %add3A_3105, %sub3A_3106 : i32
    %min3A_3108 = vector.broadcast %sub3A_3107 : i32 to vector<16xi32>
    %min3A_3109 = arith.minsi %add3A_3103, %min3A_3108 : vector<16xi32>
    %swap3A_3110 = arith.constant 24 : i32
    %swap3A_3111 = arith.index_cast %swap3A_3110 : i32 to index
    %swap3A_3112 = arith.constant 0 : index
    %swap3A_3113 = tpu.vector_load %arg8[%swap3A_3111, %swap3A_3112] {strides = array<i32>} : memref<32x64xi32, #tpu.memory_space<vmem>>, vector<16xi32>,
    tpu.vector_store %arg8[%swap3A_3111, %swap3A_3112], %min3A_3109 {strides = array<i32>} : memref<32x64xi32, #tpu.memory_space<vmem>>, vector<16xi32>,
    %reduce_sum3A_3114 = arith.constant true
    %reduce_sum3A_3115 = vector.broadcast %reduce_sum3A_3114 : i1 to vector<16xi1>
    %reduce_sum3A_3116 = tpu.scan <sum>, %get3A_3097 masked %reduce_sum3A_3115 : vector<16xi32>, vector<16xi1> -> vector<16xi32>
    %reduce_sum3A_3117 = vector.extract %reduce_sum3A_3116[15] : i32 from vector<16xi32>
    %add3A_3118 = arith.addi %add3A_3095, %reduce_sum3A_3117 : i32
    %get3A_3119 = arith.constant 1552 : index
    %get3A_3120 = tpu.vector_load %arg7[%get3A_3119] {strides = array<i32>} : memref<2048xi32, #tpu.memory_space<vmem>>, vector<16xi32>,
    %cumsum3A_3121 = arith.constant true
    %cumsum3A_3122 = vector.broadcast %cumsum3A_3121 : i1 to vector<16xi1>
    %cumsum3A_3123 = tpu.scan <sum>, %get3A_3120 masked %cumsum3A_3122 : vector<16xi32>, vector<16xi1> -> vector<16xi32>
    %add3A_3124 = arith.addi %add3A_3118, %mul3A_886 : i32
    %add3A_3125 = vector.broadcast %add3A_3124 : i32 to vector<16xi32>
    %add3A_3126 = arith.addi %cumsum3A_3123, %add3A_3125 : vector<16xi32>
    %add3A_3127 = arith.constant 512 : i32
    %add3A_3128 = arith.addi %mul3A_886, %add3A_3127 : i32
    %sub3A_3129 = arith.constant 1 : i32
    %sub3A_3130 = arith.subi %add3A_3128, %sub3A_3129 : i32
    %min3A_3131 = vector.broadcast %sub3A_3130 : i32 to vector<16xi32>
    %min3A_3132 = arith.minsi %add3A_3126, %min3A_3131 : vector<16xi32>
    %swap3A_3133 = arith.constant 24 : i32
    %swap3A_3134 = arith.index_cast %swap3A_3133 : i32 to index
    %swap3A_3135 = arith.constant 16 : index
    %swap3A_3136 = tpu.vector_load %arg8[%swap3A_3134, %swap3A_3135] {strides = array<i32>} : memref<32x64xi32, #tpu.memory_space<vmem>>, vector<16xi32>,
    tpu.vector_store %arg8[%swap3A_3134, %swap3A_3135], %min3A_3132 {strides = array<i32>} : memref<32x64xi32, #tpu.memory_space<vmem>>, vector<16xi32>,
    %reduce_sum3A_3137 = arith.constant true
    %reduce_sum3A_3138 = vector.broadcast %reduce_sum3A_3137 : i1 to vector<16xi1>
    %reduce_sum3A_3139 = tpu.scan <sum>, %get3A_3120 masked %reduce_sum3A_3138 : vector<16xi32>, vector<16xi1> -> vector<16xi32>
    %reduce_sum3A_3140 = vector.extract %reduce_sum3A_3139[15] : i32 from vector<16xi32>
    %add3A_3141 = arith.addi %add3A_3118, %reduce_sum3A_3140 : i32
    %get3A_3142 = arith.constant 1568 : index
    %get3A_3143 = tpu.vector_load %arg7[%get3A_3142] {strides = array<i32>} : memref<2048xi32, #tpu.memory_space<vmem>>, vector<16xi32>,
    %cumsum3A_3144 = arith.constant true
    %cumsum3A_3145 = vector.broadcast %cumsum3A_3144 : i1 to vector<16xi1>
    %cumsum3A_3146 = tpu.scan <sum>, %get3A_3143 masked %cumsum3A_3145 : vector<16xi32>, vector<16xi1> -> vector<16xi32>
    %add3A_3147 = arith.addi %add3A_3141, %mul3A_886 : i32
    %add3A_3148 = vector.broadcast %add3A_3147 : i32 to vector<16xi32>
    %add3A_3149 = arith.addi %cumsum3A_3146, %add3A_3148 : vector<16xi32>
    %add3A_3150 = arith.constant 512 : i32
    %add3A_3151 = arith.addi %mul3A_886, %add3A_3150 : i32
    %sub3A_3152 = arith.constant 1 : i32
    %sub3A_3153 = arith.subi %add3A_3151, %sub3A_3152 : i32
    %min3A_3154 = vector.broadcast %sub3A_3153 : i32 to vector<16xi32>
    %min3A_3155 = arith.minsi %add3A_3149, %min3A_3154 : vector<16xi32>
    %swap3A_3156 = arith.constant 24 : i32
    %swap3A_3157 = arith.index_cast %swap3A_3156 : i32 to index
    %swap3A_3158 = arith.constant 32 : index
    %swap3A_3159 = tpu.vector_load %arg8[%swap3A_3157, %swap3A_3158] {strides = array<i32>} : memref<32x64xi32, #tpu.memory_space<vmem>>, vector<16xi32>,
    tpu.vector_store %arg8[%swap3A_3157, %swap3A_3158], %min3A_3155 {strides = array<i32>} : memref<32x64xi32, #tpu.memory_space<vmem>>, vector<16xi32>,
    %reduce_sum3A_3160 = arith.constant true
    %reduce_sum3A_3161 = vector.broadcast %reduce_sum3A_3160 : i1 to vector<16xi1>
    %reduce_sum3A_3162 = tpu.scan <sum>, %get3A_3143 masked %reduce_sum3A_3161 : vector<16xi32>, vector<16xi1> -> vector<16xi32>
    %reduce_sum3A_3163 = vector.extract %reduce_sum3A_3162[15] : i32 from vector<16xi32>
    %add3A_3164 = arith.addi %add3A_3141, %reduce_sum3A_3163 : i32
    %get3A_3165 = arith.constant 1584 : index
    %get3A_3166 = tpu.vector_load %arg7[%get3A_3165] {strides = array<i32>} : memref<2048xi32, #tpu.memory_space<vmem>>, vector<16xi32>,
    %cumsum3A_3167 = arith.constant true
    %cumsum3A_3168 = vector.broadcast %cumsum3A_3167 : i1 to vector<16xi1>
    %cumsum3A_3169 = tpu.scan <sum>, %get3A_3166 masked %cumsum3A_3168 : vector<16xi32>, vector<16xi1> -> vector<16xi32>
    %add3A_3170 = arith.addi %add3A_3164, %mul3A_886 : i32
    %add3A_3171 = vector.broadcast %add3A_3170 : i32 to vector<16xi32>
    %add3A_3172 = arith.addi %cumsum3A_3169, %add3A_3171 : vector<16xi32>
    %add3A_3173 = arith.constant 512 : i32
    %add3A_3174 = arith.addi %mul3A_886, %add3A_3173 : i32
    %sub3A_3175 = arith.constant 1 : i32
    %sub3A_3176 = arith.subi %add3A_3174, %sub3A_3175 : i32
    %min3A_3177 = vector.broadcast %sub3A_3176 : i32 to vector<16xi32>
    %min3A_3178 = arith.minsi %add3A_3172, %min3A_3177 : vector<16xi32>
    %swap3A_3179 = arith.constant 24 : i32
    %swap3A_3180 = arith.index_cast %swap3A_3179 : i32 to index
    %swap3A_3181 = arith.constant 48 : index
    %swap3A_3182 = tpu.vector_load %arg8[%swap3A_3180, %swap3A_3181] {strides = array<i32>} : memref<32x64xi32, #tpu.memory_space<vmem>>, vector<16xi32>,
    tpu.vector_store %arg8[%swap3A_3180, %swap3A_3181], %min3A_3178 {strides = array<i32>} : memref<32x64xi32, #tpu.memory_space<vmem>>, vector<16xi32>,
    %reduce_sum3A_3183 = arith.constant true
    %reduce_sum3A_3184 = vector.broadcast %reduce_sum3A_3183 : i1 to vector<16xi1>
    %reduce_sum3A_3185 = tpu.scan <sum>, %get3A_3166 masked %reduce_sum3A_3184 : vector<16xi32>, vector<16xi1> -> vector<16xi32>
    %reduce_sum3A_3186 = vector.extract %reduce_sum3A_3185[15] : i32 from vector<16xi32>
    %add3A_3187 = arith.addi %add3A_3164, %reduce_sum3A_3186 : i32
    %get3A_3188 = arith.constant 1600 : index
    %get3A_3189 = tpu.vector_load %arg7[%get3A_3188] {strides = array<i32>} : memref<2048xi32, #tpu.memory_space<vmem>>, vector<16xi32>,
    %cumsum3A_3190 = arith.constant true
    %cumsum3A_3191 = vector.broadcast %cumsum3A_3190 : i1 to vector<16xi1>
    %cumsum3A_3192 = tpu.scan <sum>, %get3A_3189 masked %cumsum3A_3191 : vector<16xi32>, vector<16xi1> -> vector<16xi32>
    %add3A_3193 = arith.addi %add3A_3187, %mul3A_886 : i32
    %add3A_3194 = vector.broadcast %add3A_3193 : i32 to vector<16xi32>
    %add3A_3195 = arith.addi %cumsum3A_3192, %add3A_3194 : vector<16xi32>
    %add3A_3196 = arith.constant 512 : i32
    %add3A_3197 = arith.addi %mul3A_886, %add3A_3196 : i32
    %sub3A_3198 = arith.constant 1 : i32
    %sub3A_3199 = arith.subi %add3A_3197, %sub3A_3198 : i32
    %min3A_3200 = vector.broadcast %sub3A_3199 : i32 to vector<16xi32>
    %min3A_3201 = arith.minsi %add3A_3195, %min3A_3200 : vector<16xi32>
    %swap3A_3202 = arith.constant 25 : i32
    %swap3A_3203 = arith.index_cast %swap3A_3202 : i32 to index
    %swap3A_3204 = arith.constant 0 : index
    %swap3A_3205 = tpu.vector_load %arg8[%swap3A_3203, %swap3A_3204] {strides = array<i32>} : memref<32x64xi32, #tpu.memory_space<vmem>>, vector<16xi32>,
    tpu.vector_store %arg8[%swap3A_3203, %swap3A_3204], %min3A_3201 {strides = array<i32>} : memref<32x64xi32, #tpu.memory_space<vmem>>, vector<16xi32>,
    %reduce_sum3A_3206 = arith.constant true
    %reduce_sum3A_3207 = vector.broadcast %reduce_sum3A_3206 : i1 to vector<16xi1>
    %reduce_sum3A_3208 = tpu.scan <sum>, %get3A_3189 masked %reduce_sum3A_3207 : vector<16xi32>, vector<16xi1> -> vector<16xi32>
    %reduce_sum3A_3209 = vector.extract %reduce_sum3A_3208[15] : i32 from vector<16xi32>
    %add3A_3210 = arith.addi %add3A_3187, %reduce_sum3A_3209 : i32
    %get3A_3211 = arith.constant 1616 : index
    %get3A_3212 = tpu.vector_load %arg7[%get3A_3211] {strides = array<i32>} : memref<2048xi32, #tpu.memory_space<vmem>>, vector<16xi32>,
    %cumsum3A_3213 = arith.constant true
    %cumsum3A_3214 = vector.broadcast %cumsum3A_3213 : i1 to vector<16xi1>
    %cumsum3A_3215 = tpu.scan <sum>, %get3A_3212 masked %cumsum3A_3214 : vector<16xi32>, vector<16xi1> -> vector<16xi32>
    %add3A_3216 = arith.addi %add3A_3210, %mul3A_886 : i32
    %add3A_3217 = vector.broadcast %add3A_3216 : i32 to vector<16xi32>
    %add3A_3218 = arith.addi %cumsum3A_3215, %add3A_3217 : vector<16xi32>
    %add3A_3219 = arith.constant 512 : i32
    %add3A_3220 = arith.addi %mul3A_886, %add3A_3219 : i32
    %sub3A_3221 = arith.constant 1 : i32
    %sub3A_3222 = arith.subi %add3A_3220, %sub3A_3221 : i32
    %min3A_3223 = vector.broadcast %sub3A_3222 : i32 to vector<16xi32>
    %min3A_3224 = arith.minsi %add3A_3218, %min3A_3223 : vector<16xi32>
    %swap3A_3225 = arith.constant 25 : i32
    %swap3A_3226 = arith.index_cast %swap3A_3225 : i32 to index
    %swap3A_3227 = arith.constant 16 : index
    %swap3A_3228 = tpu.vector_load %arg8[%swap3A_3226, %swap3A_3227] {strides = array<i32>} : memref<32x64xi32, #tpu.memory_space<vmem>>, vector<16xi32>,
    tpu.vector_store %arg8[%swap3A_3226, %swap3A_3227], %min3A_3224 {strides = array<i32>} : memref<32x64xi32, #tpu.memory_space<vmem>>, vector<16xi32>,
    %reduce_sum3A_3229 = arith.constant true
    %reduce_sum3A_3230 = vector.broadcast %reduce_sum3A_3229 : i1 to vector<16xi1>
    %reduce_sum3A_3231 = tpu.scan <sum>, %get3A_3212 masked %reduce_sum3A_3230 : vector<16xi32>, vector<16xi1> -> vector<16xi32>
    %reduce_sum3A_3232 = vector.extract %reduce_sum3A_3231[15] : i32 from vector<16xi32>
    %add3A_3233 = arith.addi %add3A_3210, %reduce_sum3A_3232 : i32
    %get3A_3234 = arith.constant 1632 : index
    %get3A_3235 = tpu.vector_load %arg7[%get3A_3234] {strides = array<i32>} : memref<2048xi32, #tpu.memory_space<vmem>>, vector<16xi32>,
    %cumsum3A_3236 = arith.constant true
    %cumsum3A_3237 = vector.broadcast %cumsum3A_3236 : i1 to vector<16xi1>
    %cumsum3A_3238 = tpu.scan <sum>, %get3A_3235 masked %cumsum3A_3237 : vector<16xi32>, vector<16xi1> -> vector<16xi32>
    %add3A_3239 = arith.addi %add3A_3233, %mul3A_886 : i32
    %add3A_3240 = vector.broadcast %add3A_3239 : i32 to vector<16xi32>
    %add3A_3241 = arith.addi %cumsum3A_3238, %add3A_3240 : vector<16xi32>
    %add3A_3242 = arith.constant 512 : i32
    %add3A_3243 = arith.addi %mul3A_886, %add3A_3242 : i32
    %sub3A_3244 = arith.constant 1 : i32
    %sub3A_3245 = arith.subi %add3A_3243, %sub3A_3244 : i32
    %min3A_3246 = vector.broadcast %sub3A_3245 : i32 to vector<16xi32>
    %min3A_3247 = arith.minsi %add3A_3241, %min3A_3246 : vector<16xi32>
    %swap3A_3248 = arith.constant 25 : i32
    %swap3A_3249 = arith.index_cast %swap3A_3248 : i32 to index
    %swap3A_3250 = arith.constant 32 : index
    %swap3A_3251 = tpu.vector_load %arg8[%swap3A_3249, %swap3A_3250] {strides = array<i32>} : memref<32x64xi32, #tpu.memory_space<vmem>>, vector<16xi32>,
    tpu.vector_store %arg8[%swap3A_3249, %swap3A_3250], %min3A_3247 {strides = array<i32>} : memref<32x64xi32, #tpu.memory_space<vmem>>, vector<16xi32>,
    %reduce_sum3A_3252 = arith.constant true
    %reduce_sum3A_3253 = vector.broadcast %reduce_sum3A_3252 : i1 to vector<16xi1>
    %reduce_sum3A_3254 = tpu.scan <sum>, %get3A_3235 masked %reduce_sum3A_3253 : vector<16xi32>, vector<16xi1> -> vector<16xi32>
    %reduce_sum3A_3255 = vector.extract %reduce_sum3A_3254[15] : i32 from vector<16xi32>
    %add3A_3256 = arith.addi %add3A_3233, %reduce_sum3A_3255 : i32
    %get3A_3257 = arith.constant 1648 : index
    %get3A_3258 = tpu.vector_load %arg7[%get3A_3257] {strides = array<i32>} : memref<2048xi32, #tpu.memory_space<vmem>>, vector<16xi32>,
    %cumsum3A_3259 = arith.constant true
    %cumsum3A_3260 = vector.broadcast %cumsum3A_3259 : i1 to vector<16xi1>
    %cumsum3A_3261 = tpu.scan <sum>, %get3A_3258 masked %cumsum3A_3260 : vector<16xi32>, vector<16xi1> -> vector<16xi32>
    %add3A_3262 = arith.addi %add3A_3256, %mul3A_886 : i32
    %add3A_3263 = vector.broadcast %add3A_3262 : i32 to vector<16xi32>
    %add3A_3264 = arith.addi %cumsum3A_3261, %add3A_3263 : vector<16xi32>
    %add3A_3265 = arith.constant 512 : i32
    %add3A_3266 = arith.addi %mul3A_886, %add3A_3265 : i32
    %sub3A_3267 = arith.constant 1 : i32
    %sub3A_3268 = arith.subi %add3A_3266, %sub3A_3267 : i32
    %min3A_3269 = vector.broadcast %sub3A_3268 : i32 to vector<16xi32>
    %min3A_3270 = arith.minsi %add3A_3264, %min3A_3269 : vector<16xi32>
    %swap3A_3271 = arith.constant 25 : i32
    %swap3A_3272 = arith.index_cast %swap3A_3271 : i32 to index
    %swap3A_3273 = arith.constant 48 : index
    %swap3A_3274 = tpu.vector_load %arg8[%swap3A_3272, %swap3A_3273] {strides = array<i32>} : memref<32x64xi32, #tpu.memory_space<vmem>>, vector<16xi32>,
    tpu.vector_store %arg8[%swap3A_3272, %swap3A_3273], %min3A_3270 {strides = array<i32>} : memref<32x64xi32, #tpu.memory_space<vmem>>, vector<16xi32>,
    %reduce_sum3A_3275 = arith.constant true
    %reduce_sum3A_3276 = vector.broadcast %reduce_sum3A_3275 : i1 to vector<16xi1>
    %reduce_sum3A_3277 = tpu.scan <sum>, %get3A_3258 masked %reduce_sum3A_3276 : vector<16xi32>, vector<16xi1> -> vector<16xi32>
    %reduce_sum3A_3278 = vector.extract %reduce_sum3A_3277[15] : i32 from vector<16xi32>
    %add3A_3279 = arith.addi %add3A_3256, %reduce_sum3A_3278 : i32
    %get3A_3280 = arith.constant 1664 : index
    %get3A_3281 = tpu.vector_load %arg7[%get3A_3280] {strides = array<i32>} : memref<2048xi32, #tpu.memory_space<vmem>>, vector<16xi32>,
    %cumsum3A_3282 = arith.constant true
    %cumsum3A_3283 = vector.broadcast %cumsum3A_3282 : i1 to vector<16xi1>
    %cumsum3A_3284 = tpu.scan <sum>, %get3A_3281 masked %cumsum3A_3283 : vector<16xi32>, vector<16xi1> -> vector<16xi32>
    %add3A_3285 = arith.addi %add3A_3279, %mul3A_886 : i32
    %add3A_3286 = vector.broadcast %add3A_3285 : i32 to vector<16xi32>
    %add3A_3287 = arith.addi %cumsum3A_3284, %add3A_3286 : vector<16xi32>
    %add3A_3288 = arith.constant 512 : i32
    %add3A_3289 = arith.addi %mul3A_886, %add3A_3288 : i32
    %sub3A_3290 = arith.constant 1 : i32
    %sub3A_3291 = arith.subi %add3A_3289, %sub3A_3290 : i32
    %min3A_3292 = vector.broadcast %sub3A_3291 : i32 to vector<16xi32>
    %min3A_3293 = arith.minsi %add3A_3287, %min3A_3292 : vector<16xi32>
    %swap3A_3294 = arith.constant 26 : i32
    %swap3A_3295 = arith.index_cast %swap3A_3294 : i32 to index
    %swap3A_3296 = arith.constant 0 : index
    %swap3A_3297 = tpu.vector_load %arg8[%swap3A_3295, %swap3A_3296] {strides = array<i32>} : memref<32x64xi32, #tpu.memory_space<vmem>>, vector<16xi32>,
    tpu.vector_store %arg8[%swap3A_3295, %swap3A_3296], %min3A_3293 {strides = array<i32>} : memref<32x64xi32, #tpu.memory_space<vmem>>, vector<16xi32>,
    %reduce_sum3A_3298 = arith.constant true
    %reduce_sum3A_3299 = vector.broadcast %reduce_sum3A_3298 : i1 to vector<16xi1>
    %reduce_sum3A_3300 = tpu.scan <sum>, %get3A_3281 masked %reduce_sum3A_3299 : vector<16xi32>, vector<16xi1> -> vector<16xi32>
    %reduce_sum3A_3301 = vector.extract %reduce_sum3A_3300[15] : i32 from vector<16xi32>
    %add3A_3302 = arith.addi %add3A_3279, %reduce_sum3A_3301 : i32
    %get3A_3303 = arith.constant 1680 : index
    %get3A_3304 = tpu.vector_load %arg7[%get3A_3303] {strides = array<i32>} : memref<2048xi32, #tpu.memory_space<vmem>>, vector<16xi32>,
    %cumsum3A_3305 = arith.constant true
    %cumsum3A_3306 = vector.broadcast %cumsum3A_3305 : i1 to vector<16xi1>
    %cumsum3A_3307 = tpu.scan <sum>, %get3A_3304 masked %cumsum3A_3306 : vector<16xi32>, vector<16xi1> -> vector<16xi32>
    %add3A_3308 = arith.addi %add3A_3302, %mul3A_886 : i32
    %add3A_3309 = vector.broadcast %add3A_3308 : i32 to vector<16xi32>
    %add3A_3310 = arith.addi %cumsum3A_3307, %add3A_3309 : vector<16xi32>
    %add3A_3311 = arith.constant 512 : i32
    %add3A_3312 = arith.addi %mul3A_886, %add3A_3311 : i32
    %sub3A_3313 = arith.constant 1 : i32
    %sub3A_3314 = arith.subi %add3A_3312, %sub3A_3313 : i32
    %min3A_3315 = vector.broadcast %sub3A_3314 : i32 to vector<16xi32>
    %min3A_3316 = arith.minsi %add3A_3310, %min3A_3315 : vector<16xi32>
    %swap3A_3317 = arith.constant 26 : i32
    %swap3A_3318 = arith.index_cast %swap3A_3317 : i32 to index
    %swap3A_3319 = arith.constant 16 : index
    %swap3A_3320 = tpu.vector_load %arg8[%swap3A_3318, %swap3A_3319] {strides = array<i32>} : memref<32x64xi32, #tpu.memory_space<vmem>>, vector<16xi32>,
    tpu.vector_store %arg8[%swap3A_3318, %swap3A_3319], %min3A_3316 {strides = array<i32>} : memref<32x64xi32, #tpu.memory_space<vmem>>, vector<16xi32>,
    %reduce_sum3A_3321 = arith.constant true
    %reduce_sum3A_3322 = vector.broadcast %reduce_sum3A_3321 : i1 to vector<16xi1>
    %reduce_sum3A_3323 = tpu.scan <sum>, %get3A_3304 masked %reduce_sum3A_3322 : vector<16xi32>, vector<16xi1> -> vector<16xi32>
    %reduce_sum3A_3324 = vector.extract %reduce_sum3A_3323[15] : i32 from vector<16xi32>
    %add3A_3325 = arith.addi %add3A_3302, %reduce_sum3A_3324 : i32
    %get3A_3326 = arith.constant 1696 : index
    %get3A_3327 = tpu.vector_load %arg7[%get3A_3326] {strides = array<i32>} : memref<2048xi32, #tpu.memory_space<vmem>>, vector<16xi32>,
    %cumsum3A_3328 = arith.constant true
    %cumsum3A_3329 = vector.broadcast %cumsum3A_3328 : i1 to vector<16xi1>
    %cumsum3A_3330 = tpu.scan <sum>, %get3A_3327 masked %cumsum3A_3329 : vector<16xi32>, vector<16xi1> -> vector<16xi32>
    %add3A_3331 = arith.addi %add3A_3325, %mul3A_886 : i32
    %add3A_3332 = vector.broadcast %add3A_3331 : i32 to vector<16xi32>
    %add3A_3333 = arith.addi %cumsum3A_3330, %add3A_3332 : vector<16xi32>
    %add3A_3334 = arith.constant 512 : i32
    %add3A_3335 = arith.addi %mul3A_886, %add3A_3334 : i32
    %sub3A_3336 = arith.constant 1 : i32
    %sub3A_3337 = arith.subi %add3A_3335, %sub3A_3336 : i32
    %min3A_3338 = vector.broadcast %sub3A_3337 : i32 to vector<16xi32>
    %min3A_3339 = arith.minsi %add3A_3333, %min3A_3338 : vector<16xi32>
    %swap3A_3340 = arith.constant 26 : i32
    %swap3A_3341 = arith.index_cast %swap3A_3340 : i32 to index
    %swap3A_3342 = arith.constant 32 : index
    %swap3A_3343 = tpu.vector_load %arg8[%swap3A_3341, %swap3A_3342] {strides = array<i32>} : memref<32x64xi32, #tpu.memory_space<vmem>>, vector<16xi32>,
    tpu.vector_store %arg8[%swap3A_3341, %swap3A_3342], %min3A_3339 {strides = array<i32>} : memref<32x64xi32, #tpu.memory_space<vmem>>, vector<16xi32>,
    %reduce_sum3A_3344 = arith.constant true
    %reduce_sum3A_3345 = vector.broadcast %reduce_sum3A_3344 : i1 to vector<16xi1>
    %reduce_sum3A_3346 = tpu.scan <sum>, %get3A_3327 masked %reduce_sum3A_3345 : vector<16xi32>, vector<16xi1> -> vector<16xi32>
    %reduce_sum3A_3347 = vector.extract %reduce_sum3A_3346[15] : i32 from vector<16xi32>
    %add3A_3348 = arith.addi %add3A_3325, %reduce_sum3A_3347 : i32
    %get3A_3349 = arith.constant 1712 : index
    %get3A_3350 = tpu.vector_load %arg7[%get3A_3349] {strides = array<i32>} : memref<2048xi32, #tpu.memory_space<vmem>>, vector<16xi32>,
    %cumsum3A_3351 = arith.constant true
    %cumsum3A_3352 = vector.broadcast %cumsum3A_3351 : i1 to vector<16xi1>
    %cumsum3A_3353 = tpu.scan <sum>, %get3A_3350 masked %cumsum3A_3352 : vector<16xi32>, vector<16xi1> -> vector<16xi32>
    %add3A_3354 = arith.addi %add3A_3348, %mul3A_886 : i32
    %add3A_3355 = vector.broadcast %add3A_3354 : i32 to vector<16xi32>
    %add3A_3356 = arith.addi %cumsum3A_3353, %add3A_3355 : vector<16xi32>
    %add3A_3357 = arith.constant 512 : i32
    %add3A_3358 = arith.addi %mul3A_886, %add3A_3357 : i32
    %sub3A_3359 = arith.constant 1 : i32
    %sub3A_3360 = arith.subi %add3A_3358, %sub3A_3359 : i32
    %min3A_3361 = vector.broadcast %sub3A_3360 : i32 to vector<16xi32>
    %min3A_3362 = arith.minsi %add3A_3356, %min3A_3361 : vector<16xi32>
    %swap3A_3363 = arith.constant 26 : i32
    %swap3A_3364 = arith.index_cast %swap3A_3363 : i32 to index
    %swap3A_3365 = arith.constant 48 : index
    %swap3A_3366 = tpu.vector_load %arg8[%swap3A_3364, %swap3A_3365] {strides = array<i32>} : memref<32x64xi32, #tpu.memory_space<vmem>>, vector<16xi32>,
    tpu.vector_store %arg8[%swap3A_3364, %swap3A_3365], %min3A_3362 {strides = array<i32>} : memref<32x64xi32, #tpu.memory_space<vmem>>, vector<16xi32>,
    %reduce_sum3A_3367 = arith.constant true
    %reduce_sum3A_3368 = vector.broadcast %reduce_sum3A_3367 : i1 to vector<16xi1>
    %reduce_sum3A_3369 = tpu.scan <sum>, %get3A_3350 masked %reduce_sum3A_3368 : vector<16xi32>, vector<16xi1> -> vector<16xi32>
    %reduce_sum3A_3370 = vector.extract %reduce_sum3A_3369[15] : i32 from vector<16xi32>
    %add3A_3371 = arith.addi %add3A_3348, %reduce_sum3A_3370 : i32
    %get3A_3372 = arith.constant 1728 : index
    %get3A_3373 = tpu.vector_load %arg7[%get3A_3372] {strides = array<i32>} : memref<2048xi32, #tpu.memory_space<vmem>>, vector<16xi32>,
    %cumsum3A_3374 = arith.constant true
    %cumsum3A_3375 = vector.broadcast %cumsum3A_3374 : i1 to vector<16xi1>
    %cumsum3A_3376 = tpu.scan <sum>, %get3A_3373 masked %cumsum3A_3375 : vector<16xi32>, vector<16xi1> -> vector<16xi32>
    %add3A_3377 = arith.addi %add3A_3371, %mul3A_886 : i32
    %add3A_3378 = vector.broadcast %add3A_3377 : i32 to vector<16xi32>
    %add3A_3379 = arith.addi %cumsum3A_3376, %add3A_3378 : vector<16xi32>
    %add3A_3380 = arith.constant 512 : i32
    %add3A_3381 = arith.addi %mul3A_886, %add3A_3380 : i32
    %sub3A_3382 = arith.constant 1 : i32
    %sub3A_3383 = arith.subi %add3A_3381, %sub3A_3382 : i32
    %min3A_3384 = vector.broadcast %sub3A_3383 : i32 to vector<16xi32>
    %min3A_3385 = arith.minsi %add3A_3379, %min3A_3384 : vector<16xi32>
    %swap3A_3386 = arith.constant 27 : i32
    %swap3A_3387 = arith.index_cast %swap3A_3386 : i32 to index
    %swap3A_3388 = arith.constant 0 : index
    %swap3A_3389 = tpu.vector_load %arg8[%swap3A_3387, %swap3A_3388] {strides = array<i32>} : memref<32x64xi32, #tpu.memory_space<vmem>>, vector<16xi32>,
    tpu.vector_store %arg8[%swap3A_3387, %swap3A_3388], %min3A_3385 {strides = array<i32>} : memref<32x64xi32, #tpu.memory_space<vmem>>, vector<16xi32>,
    %reduce_sum3A_3390 = arith.constant true
    %reduce_sum3A_3391 = vector.broadcast %reduce_sum3A_3390 : i1 to vector<16xi1>
    %reduce_sum3A_3392 = tpu.scan <sum>, %get3A_3373 masked %reduce_sum3A_3391 : vector<16xi32>, vector<16xi1> -> vector<16xi32>
    %reduce_sum3A_3393 = vector.extract %reduce_sum3A_3392[15] : i32 from vector<16xi32>
    %add3A_3394 = arith.addi %add3A_3371, %reduce_sum3A_3393 : i32
    %get3A_3395 = arith.constant 1744 : index
    %get3A_3396 = tpu.vector_load %arg7[%get3A_3395] {strides = array<i32>} : memref<2048xi32, #tpu.memory_space<vmem>>, vector<16xi32>,
    %cumsum3A_3397 = arith.constant true
    %cumsum3A_3398 = vector.broadcast %cumsum3A_3397 : i1 to vector<16xi1>
    %cumsum3A_3399 = tpu.scan <sum>, %get3A_3396 masked %cumsum3A_3398 : vector<16xi32>, vector<16xi1> -> vector<16xi32>
    %add3A_3400 = arith.addi %add3A_3394, %mul3A_886 : i32
    %add3A_3401 = vector.broadcast %add3A_3400 : i32 to vector<16xi32>
    %add3A_3402 = arith.addi %cumsum3A_3399, %add3A_3401 : vector<16xi32>
    %add3A_3403 = arith.constant 512 : i32
    %add3A_3404 = arith.addi %mul3A_886, %add3A_3403 : i32
    %sub3A_3405 = arith.constant 1 : i32
    %sub3A_3406 = arith.subi %add3A_3404, %sub3A_3405 : i32
    %min3A_3407 = vector.broadcast %sub3A_3406 : i32 to vector<16xi32>
    %min3A_3408 = arith.minsi %add3A_3402, %min3A_3407 : vector<16xi32>
    %swap3A_3409 = arith.constant 27 : i32
    %swap3A_3410 = arith.index_cast %swap3A_3409 : i32 to index
    %swap3A_3411 = arith.constant 16 : index
    %swap3A_3412 = tpu.vector_load %arg8[%swap3A_3410, %swap3A_3411] {strides = array<i32>} : memref<32x64xi32, #tpu.memory_space<vmem>>, vector<16xi32>,
    tpu.vector_store %arg8[%swap3A_3410, %swap3A_3411], %min3A_3408 {strides = array<i32>} : memref<32x64xi32, #tpu.memory_space<vmem>>, vector<16xi32>,
    %reduce_sum3A_3413 = arith.constant true
    %reduce_sum3A_3414 = vector.broadcast %reduce_sum3A_3413 : i1 to vector<16xi1>
    %reduce_sum3A_3415 = tpu.scan <sum>, %get3A_3396 masked %reduce_sum3A_3414 : vector<16xi32>, vector<16xi1> -> vector<16xi32>
    %reduce_sum3A_3416 = vector.extract %reduce_sum3A_3415[15] : i32 from vector<16xi32>
    %add3A_3417 = arith.addi %add3A_3394, %reduce_sum3A_3416 : i32
    %get3A_3418 = arith.constant 1760 : index
    %get3A_3419 = tpu.vector_load %arg7[%get3A_3418] {strides = array<i32>} : memref<2048xi32, #tpu.memory_space<vmem>>, vector<16xi32>,
    %cumsum3A_3420 = arith.constant true
    %cumsum3A_3421 = vector.broadcast %cumsum3A_3420 : i1 to vector<16xi1>
    %cumsum3A_3422 = tpu.scan <sum>, %get3A_3419 masked %cumsum3A_3421 : vector<16xi32>, vector<16xi1> -> vector<16xi32>
    %add3A_3423 = arith.addi %add3A_3417, %mul3A_886 : i32
    %add3A_3424 = vector.broadcast %add3A_3423 : i32 to vector<16xi32>
    %add3A_3425 = arith.addi %cumsum3A_3422, %add3A_3424 : vector<16xi32>
    %add3A_3426 = arith.constant 512 : i32
    %add3A_3427 = arith.addi %mul3A_886, %add3A_3426 : i32
    %sub3A_3428 = arith.constant 1 : i32
    %sub3A_3429 = arith.subi %add3A_3427, %sub3A_3428 : i32
    %min3A_3430 = vector.broadcast %sub3A_3429 : i32 to vector<16xi32>
    %min3A_3431 = arith.minsi %add3A_3425, %min3A_3430 : vector<16xi32>
    %swap3A_3432 = arith.constant 27 : i32
    %swap3A_3433 = arith.index_cast %swap3A_3432 : i32 to index
    %swap3A_3434 = arith.constant 32 : index
    %swap3A_3435 = tpu.vector_load %arg8[%swap3A_3433, %swap3A_3434] {strides = array<i32>} : memref<32x64xi32, #tpu.memory_space<vmem>>, vector<16xi32>,
    tpu.vector_store %arg8[%swap3A_3433, %swap3A_3434], %min3A_3431 {strides = array<i32>} : memref<32x64xi32, #tpu.memory_space<vmem>>, vector<16xi32>,
    %reduce_sum3A_3436 = arith.constant true
    %reduce_sum3A_3437 = vector.broadcast %reduce_sum3A_3436 : i1 to vector<16xi1>
    %reduce_sum3A_3438 = tpu.scan <sum>, %get3A_3419 masked %reduce_sum3A_3437 : vector<16xi32>, vector<16xi1> -> vector<16xi32>
    %reduce_sum3A_3439 = vector.extract %reduce_sum3A_3438[15] : i32 from vector<16xi32>
    %add3A_3440 = arith.addi %add3A_3417, %reduce_sum3A_3439 : i32
    %get3A_3441 = arith.constant 1776 : index
    %get3A_3442 = tpu.vector_load %arg7[%get3A_3441] {strides = array<i32>} : memref<2048xi32, #tpu.memory_space<vmem>>, vector<16xi32>,
    %cumsum3A_3443 = arith.constant true
    %cumsum3A_3444 = vector.broadcast %cumsum3A_3443 : i1 to vector<16xi1>
    %cumsum3A_3445 = tpu.scan <sum>, %get3A_3442 masked %cumsum3A_3444 : vector<16xi32>, vector<16xi1> -> vector<16xi32>
    %add3A_3446 = arith.addi %add3A_3440, %mul3A_886 : i32
    %add3A_3447 = vector.broadcast %add3A_3446 : i32 to vector<16xi32>
    %add3A_3448 = arith.addi %cumsum3A_3445, %add3A_3447 : vector<16xi32>
    %add3A_3449 = arith.constant 512 : i32
    %add3A_3450 = arith.addi %mul3A_886, %add3A_3449 : i32
    %sub3A_3451 = arith.constant 1 : i32
    %sub3A_3452 = arith.subi %add3A_3450, %sub3A_3451 : i32
    %min3A_3453 = vector.broadcast %sub3A_3452 : i32 to vector<16xi32>
    %min3A_3454 = arith.minsi %add3A_3448, %min3A_3453 : vector<16xi32>
    %swap3A_3455 = arith.constant 27 : i32
    %swap3A_3456 = arith.index_cast %swap3A_3455 : i32 to index
    %swap3A_3457 = arith.constant 48 : index
    %swap3A_3458 = tpu.vector_load %arg8[%swap3A_3456, %swap3A_3457] {strides = array<i32>} : memref<32x64xi32, #tpu.memory_space<vmem>>, vector<16xi32>,
    tpu.vector_store %arg8[%swap3A_3456, %swap3A_3457], %min3A_3454 {strides = array<i32>} : memref<32x64xi32, #tpu.memory_space<vmem>>, vector<16xi32>,
    %reduce_sum3A_3459 = arith.constant true
    %reduce_sum3A_3460 = vector.broadcast %reduce_sum3A_3459 : i1 to vector<16xi1>
    %reduce_sum3A_3461 = tpu.scan <sum>, %get3A_3442 masked %reduce_sum3A_3460 : vector<16xi32>, vector<16xi1> -> vector<16xi32>
    %reduce_sum3A_3462 = vector.extract %reduce_sum3A_3461[15] : i32 from vector<16xi32>
    %add3A_3463 = arith.addi %add3A_3440, %reduce_sum3A_3462 : i32
    %get3A_3464 = arith.constant 1792 : index
    %get3A_3465 = tpu.vector_load %arg7[%get3A_3464] {strides = array<i32>} : memref<2048xi32, #tpu.memory_space<vmem>>, vector<16xi32>,
    %cumsum3A_3466 = arith.constant true
    %cumsum3A_3467 = vector.broadcast %cumsum3A_3466 : i1 to vector<16xi1>
    %cumsum3A_3468 = tpu.scan <sum>, %get3A_3465 masked %cumsum3A_3467 : vector<16xi32>, vector<16xi1> -> vector<16xi32>
    %add3A_3469 = arith.addi %add3A_3463, %mul3A_886 : i32
    %add3A_3470 = vector.broadcast %add3A_3469 : i32 to vector<16xi32>
    %add3A_3471 = arith.addi %cumsum3A_3468, %add3A_3470 : vector<16xi32>
    %add3A_3472 = arith.constant 512 : i32
    %add3A_3473 = arith.addi %mul3A_886, %add3A_3472 : i32
    %sub3A_3474 = arith.constant 1 : i32
    %sub3A_3475 = arith.subi %add3A_3473, %sub3A_3474 : i32
    %min3A_3476 = vector.broadcast %sub3A_3475 : i32 to vector<16xi32>
    %min3A_3477 = arith.minsi %add3A_3471, %min3A_3476 : vector<16xi32>
    %swap3A_3478 = arith.constant 28 : i32
    %swap3A_3479 = arith.index_cast %swap3A_3478 : i32 to index
    %swap3A_3480 = arith.constant 0 : index
    %swap3A_3481 = tpu.vector_load %arg8[%swap3A_3479, %swap3A_3480] {strides = array<i32>} : memref<32x64xi32, #tpu.memory_space<vmem>>, vector<16xi32>,
    tpu.vector_store %arg8[%swap3A_3479, %swap3A_3480], %min3A_3477 {strides = array<i32>} : memref<32x64xi32, #tpu.memory_space<vmem>>, vector<16xi32>,
    %reduce_sum3A_3482 = arith.constant true
    %reduce_sum3A_3483 = vector.broadcast %reduce_sum3A_3482 : i1 to vector<16xi1>
    %reduce_sum3A_3484 = tpu.scan <sum>, %get3A_3465 masked %reduce_sum3A_3483 : vector<16xi32>, vector<16xi1> -> vector<16xi32>
    %reduce_sum3A_3485 = vector.extract %reduce_sum3A_3484[15] : i32 from vector<16xi32>
    %add3A_3486 = arith.addi %add3A_3463, %reduce_sum3A_3485 : i32
    %get3A_3487 = arith.constant 1808 : index
    %get3A_3488 = tpu.vector_load %arg7[%get3A_3487] {strides = array<i32>} : memref<2048xi32, #tpu.memory_space<vmem>>, vector<16xi32>,
    %cumsum3A_3489 = arith.constant true
    %cumsum3A_3490 = vector.broadcast %cumsum3A_3489 : i1 to vector<16xi1>
    %cumsum3A_3491 = tpu.scan <sum>, %get3A_3488 masked %cumsum3A_3490 : vector<16xi32>, vector<16xi1> -> vector<16xi32>
    %add3A_3492 = arith.addi %add3A_3486, %mul3A_886 : i32
    %add3A_3493 = vector.broadcast %add3A_3492 : i32 to vector<16xi32>
    %add3A_3494 = arith.addi %cumsum3A_3491, %add3A_3493 : vector<16xi32>
    %add3A_3495 = arith.constant 512 : i32
    %add3A_3496 = arith.addi %mul3A_886, %add3A_3495 : i32
    %sub3A_3497 = arith.constant 1 : i32
    %sub3A_3498 = arith.subi %add3A_3496, %sub3A_3497 : i32
    %min3A_3499 = vector.broadcast %sub3A_3498 : i32 to vector<16xi32>
    %min3A_3500 = arith.minsi %add3A_3494, %min3A_3499 : vector<16xi32>
    %swap3A_3501 = arith.constant 28 : i32
    %swap3A_3502 = arith.index_cast %swap3A_3501 : i32 to index
    %swap3A_3503 = arith.constant 16 : index
    %swap3A_3504 = tpu.vector_load %arg8[%swap3A_3502, %swap3A_3503] {strides = array<i32>} : memref<32x64xi32, #tpu.memory_space<vmem>>, vector<16xi32>,
    tpu.vector_store %arg8[%swap3A_3502, %swap3A_3503], %min3A_3500 {strides = array<i32>} : memref<32x64xi32, #tpu.memory_space<vmem>>, vector<16xi32>,
    %reduce_sum3A_3505 = arith.constant true
    %reduce_sum3A_3506 = vector.broadcast %reduce_sum3A_3505 : i1 to vector<16xi1>
    %reduce_sum3A_3507 = tpu.scan <sum>, %get3A_3488 masked %reduce_sum3A_3506 : vector<16xi32>, vector<16xi1> -> vector<16xi32>
    %reduce_sum3A_3508 = vector.extract %reduce_sum3A_3507[15] : i32 from vector<16xi32>
    %add3A_3509 = arith.addi %add3A_3486, %reduce_sum3A_3508 : i32
    %get3A_3510 = arith.constant 1824 : index
    %get3A_3511 = tpu.vector_load %arg7[%get3A_3510] {strides = array<i32>} : memref<2048xi32, #tpu.memory_space<vmem>>, vector<16xi32>,
    %cumsum3A_3512 = arith.constant true
    %cumsum3A_3513 = vector.broadcast %cumsum3A_3512 : i1 to vector<16xi1>
    %cumsum3A_3514 = tpu.scan <sum>, %get3A_3511 masked %cumsum3A_3513 : vector<16xi32>, vector<16xi1> -> vector<16xi32>
    %add3A_3515 = arith.addi %add3A_3509, %mul3A_886 : i32
    %add3A_3516 = vector.broadcast %add3A_3515 : i32 to vector<16xi32>
    %add3A_3517 = arith.addi %cumsum3A_3514, %add3A_3516 : vector<16xi32>
    %add3A_3518 = arith.constant 512 : i32
    %add3A_3519 = arith.addi %mul3A_886, %add3A_3518 : i32
    %sub3A_3520 = arith.constant 1 : i32
    %sub3A_3521 = arith.subi %add3A_3519, %sub3A_3520 : i32
    %min3A_3522 = vector.broadcast %sub3A_3521 : i32 to vector<16xi32>
    %min3A_3523 = arith.minsi %add3A_3517, %min3A_3522 : vector<16xi32>
    %swap3A_3524 = arith.constant 28 : i32
    %swap3A_3525 = arith.index_cast %swap3A_3524 : i32 to index
    %swap3A_3526 = arith.constant 32 : index
    %swap3A_3527 = tpu.vector_load %arg8[%swap3A_3525, %swap3A_3526] {strides = array<i32>} : memref<32x64xi32, #tpu.memory_space<vmem>>, vector<16xi32>,
    tpu.vector_store %arg8[%swap3A_3525, %swap3A_3526], %min3A_3523 {strides = array<i32>} : memref<32x64xi32, #tpu.memory_space<vmem>>, vector<16xi32>,
    %reduce_sum3A_3528 = arith.constant true
    %reduce_sum3A_3529 = vector.broadcast %reduce_sum3A_3528 : i1 to vector<16xi1>
    %reduce_sum3A_3530 = tpu.scan <sum>, %get3A_3511 masked %reduce_sum3A_3529 : vector<16xi32>, vector<16xi1> -> vector<16xi32>
    %reduce_sum3A_3531 = vector.extract %reduce_sum3A_3530[15] : i32 from vector<16xi32>
    %add3A_3532 = arith.addi %add3A_3509, %reduce_sum3A_3531 : i32
    %get3A_3533 = arith.constant 1840 : index
    %get3A_3534 = tpu.vector_load %arg7[%get3A_3533] {strides = array<i32>} : memref<2048xi32, #tpu.memory_space<vmem>>, vector<16xi32>,
    %cumsum3A_3535 = arith.constant true
    %cumsum3A_3536 = vector.broadcast %cumsum3A_3535 : i1 to vector<16xi1>
    %cumsum3A_3537 = tpu.scan <sum>, %get3A_3534 masked %cumsum3A_3536 : vector<16xi32>, vector<16xi1> -> vector<16xi32>
    %add3A_3538 = arith.addi %add3A_3532, %mul3A_886 : i32
    %add3A_3539 = vector.broadcast %add3A_3538 : i32 to vector<16xi32>
    %add3A_3540 = arith.addi %cumsum3A_3537, %add3A_3539 : vector<16xi32>
    %add3A_3541 = arith.constant 512 : i32
    %add3A_3542 = arith.addi %mul3A_886, %add3A_3541 : i32
    %sub3A_3543 = arith.constant 1 : i32
    %sub3A_3544 = arith.subi %add3A_3542, %sub3A_3543 : i32
    %min3A_3545 = vector.broadcast %sub3A_3544 : i32 to vector<16xi32>
    %min3A_3546 = arith.minsi %add3A_3540, %min3A_3545 : vector<16xi32>
    %swap3A_3547 = arith.constant 28 : i32
    %swap3A_3548 = arith.index_cast %swap3A_3547 : i32 to index
    %swap3A_3549 = arith.constant 48 : index
    %swap3A_3550 = tpu.vector_load %arg8[%swap3A_3548, %swap3A_3549] {strides = array<i32>} : memref<32x64xi32, #tpu.memory_space<vmem>>, vector<16xi32>,
    tpu.vector_store %arg8[%swap3A_3548, %swap3A_3549], %min3A_3546 {strides = array<i32>} : memref<32x64xi32, #tpu.memory_space<vmem>>, vector<16xi32>,
    %reduce_sum3A_3551 = arith.constant true
    %reduce_sum3A_3552 = vector.broadcast %reduce_sum3A_3551 : i1 to vector<16xi1>
    %reduce_sum3A_3553 = tpu.scan <sum>, %get3A_3534 masked %reduce_sum3A_3552 : vector<16xi32>, vector<16xi1> -> vector<16xi32>
    %reduce_sum3A_3554 = vector.extract %reduce_sum3A_3553[15] : i32 from vector<16xi32>
    %add3A_3555 = arith.addi %add3A_3532, %reduce_sum3A_3554 : i32
    %get3A_3556 = arith.constant 1856 : index
    %get3A_3557 = tpu.vector_load %arg7[%get3A_3556] {strides = array<i32>} : memref<2048xi32, #tpu.memory_space<vmem>>, vector<16xi32>,
    %cumsum3A_3558 = arith.constant true
    %cumsum3A_3559 = vector.broadcast %cumsum3A_3558 : i1 to vector<16xi1>
    %cumsum3A_3560 = tpu.scan <sum>, %get3A_3557 masked %cumsum3A_3559 : vector<16xi32>, vector<16xi1> -> vector<16xi32>
    %add3A_3561 = arith.addi %add3A_3555, %mul3A_886 : i32
    %add3A_3562 = vector.broadcast %add3A_3561 : i32 to vector<16xi32>
    %add3A_3563 = arith.addi %cumsum3A_3560, %add3A_3562 : vector<16xi32>
    %add3A_3564 = arith.constant 512 : i32
    %add3A_3565 = arith.addi %mul3A_886, %add3A_3564 : i32
    %sub3A_3566 = arith.constant 1 : i32
    %sub3A_3567 = arith.subi %add3A_3565, %sub3A_3566 : i32
    %min3A_3568 = vector.broadcast %sub3A_3567 : i32 to vector<16xi32>
    %min3A_3569 = arith.minsi %add3A_3563, %min3A_3568 : vector<16xi32>
    %swap3A_3570 = arith.constant 29 : i32
    %swap3A_3571 = arith.index_cast %swap3A_3570 : i32 to index
    %swap3A_3572 = arith.constant 0 : index
    %swap3A_3573 = tpu.vector_load %arg8[%swap3A_3571, %swap3A_3572] {strides = array<i32>} : memref<32x64xi32, #tpu.memory_space<vmem>>, vector<16xi32>,
    tpu.vector_store %arg8[%swap3A_3571, %swap3A_3572], %min3A_3569 {strides = array<i32>} : memref<32x64xi32, #tpu.memory_space<vmem>>, vector<16xi32>,
    %reduce_sum3A_3574 = arith.constant true
    %reduce_sum3A_3575 = vector.broadcast %reduce_sum3A_3574 : i1 to vector<16xi1>
    %reduce_sum3A_3576 = tpu.scan <sum>, %get3A_3557 masked %reduce_sum3A_3575 : vector<16xi32>, vector<16xi1> -> vector<16xi32>
    %reduce_sum3A_3577 = vector.extract %reduce_sum3A_3576[15] : i32 from vector<16xi32>
    %add3A_3578 = arith.addi %add3A_3555, %reduce_sum3A_3577 : i32
    %get3A_3579 = arith.constant 1872 : index
    %get3A_3580 = tpu.vector_load %arg7[%get3A_3579] {strides = array<i32>} : memref<2048xi32, #tpu.memory_space<vmem>>, vector<16xi32>,
    %cumsum3A_3581 = arith.constant true
    %cumsum3A_3582 = vector.broadcast %cumsum3A_3581 : i1 to vector<16xi1>
    %cumsum3A_3583 = tpu.scan <sum>, %get3A_3580 masked %cumsum3A_3582 : vector<16xi32>, vector<16xi1> -> vector<16xi32>
    %add3A_3584 = arith.addi %add3A_3578, %mul3A_886 : i32
    %add3A_3585 = vector.broadcast %add3A_3584 : i32 to vector<16xi32>
    %add3A_3586 = arith.addi %cumsum3A_3583, %add3A_3585 : vector<16xi32>
    %add3A_3587 = arith.constant 512 : i32
    %add3A_3588 = arith.addi %mul3A_886, %add3A_3587 : i32
    %sub3A_3589 = arith.constant 1 : i32
    %sub3A_3590 = arith.subi %add3A_3588, %sub3A_3589 : i32
    %min3A_3591 = vector.broadcast %sub3A_3590 : i32 to vector<16xi32>
    %min3A_3592 = arith.minsi %add3A_3586, %min3A_3591 : vector<16xi32>
    %swap3A_3593 = arith.constant 29 : i32
    %swap3A_3594 = arith.index_cast %swap3A_3593 : i32 to index
    %swap3A_3595 = arith.constant 16 : index
    %swap3A_3596 = tpu.vector_load %arg8[%swap3A_3594, %swap3A_3595] {strides = array<i32>} : memref<32x64xi32, #tpu.memory_space<vmem>>, vector<16xi32>,
    tpu.vector_store %arg8[%swap3A_3594, %swap3A_3595], %min3A_3592 {strides = array<i32>} : memref<32x64xi32, #tpu.memory_space<vmem>>, vector<16xi32>,
    %reduce_sum3A_3597 = arith.constant true
    %reduce_sum3A_3598 = vector.broadcast %reduce_sum3A_3597 : i1 to vector<16xi1>
    %reduce_sum3A_3599 = tpu.scan <sum>, %get3A_3580 masked %reduce_sum3A_3598 : vector<16xi32>, vector<16xi1> -> vector<16xi32>
    %reduce_sum3A_3600 = vector.extract %reduce_sum3A_3599[15] : i32 from vector<16xi32>
    %add3A_3601 = arith.addi %add3A_3578, %reduce_sum3A_3600 : i32
    %get3A_3602 = arith.constant 1888 : index
    %get3A_3603 = tpu.vector_load %arg7[%get3A_3602] {strides = array<i32>} : memref<2048xi32, #tpu.memory_space<vmem>>, vector<16xi32>,
    %cumsum3A_3604 = arith.constant true
    %cumsum3A_3605 = vector.broadcast %cumsum3A_3604 : i1 to vector<16xi1>
    %cumsum3A_3606 = tpu.scan <sum>, %get3A_3603 masked %cumsum3A_3605 : vector<16xi32>, vector<16xi1> -> vector<16xi32>
    %add3A_3607 = arith.addi %add3A_3601, %mul3A_886 : i32
    %add3A_3608 = vector.broadcast %add3A_3607 : i32 to vector<16xi32>
    %add3A_3609 = arith.addi %cumsum3A_3606, %add3A_3608 : vector<16xi32>
    %add3A_3610 = arith.constant 512 : i32
    %add3A_3611 = arith.addi %mul3A_886, %add3A_3610 : i32
    %sub3A_3612 = arith.constant 1 : i32
    %sub3A_3613 = arith.subi %add3A_3611, %sub3A_3612 : i32
    %min3A_3614 = vector.broadcast %sub3A_3613 : i32 to vector<16xi32>
    %min3A_3615 = arith.minsi %add3A_3609, %min3A_3614 : vector<16xi32>
    %swap3A_3616 = arith.constant 29 : i32
    %swap3A_3617 = arith.index_cast %swap3A_3616 : i32 to index
    %swap3A_3618 = arith.constant 32 : index
    %swap3A_3619 = tpu.vector_load %arg8[%swap3A_3617, %swap3A_3618] {strides = array<i32>} : memref<32x64xi32, #tpu.memory_space<vmem>>, vector<16xi32>,
    tpu.vector_store %arg8[%swap3A_3617, %swap3A_3618], %min3A_3615 {strides = array<i32>} : memref<32x64xi32, #tpu.memory_space<vmem>>, vector<16xi32>,
    %reduce_sum3A_3620 = arith.constant true
    %reduce_sum3A_3621 = vector.broadcast %reduce_sum3A_3620 : i1 to vector<16xi1>
    %reduce_sum3A_3622 = tpu.scan <sum>, %get3A_3603 masked %reduce_sum3A_3621 : vector<16xi32>, vector<16xi1> -> vector<16xi32>
    %reduce_sum3A_3623 = vector.extract %reduce_sum3A_3622[15] : i32 from vector<16xi32>
    %add3A_3624 = arith.addi %add3A_3601, %reduce_sum3A_3623 : i32
    %get3A_3625 = arith.constant 1904 : index
    %get3A_3626 = tpu.vector_load %arg7[%get3A_3625] {strides = array<i32>} : memref<2048xi32, #tpu.memory_space<vmem>>, vector<16xi32>,
    %cumsum3A_3627 = arith.constant true
    %cumsum3A_3628 = vector.broadcast %cumsum3A_3627 : i1 to vector<16xi1>
    %cumsum3A_3629 = tpu.scan <sum>, %get3A_3626 masked %cumsum3A_3628 : vector<16xi32>, vector<16xi1> -> vector<16xi32>
    %add3A_3630 = arith.addi %add3A_3624, %mul3A_886 : i32
    %add3A_3631 = vector.broadcast %add3A_3630 : i32 to vector<16xi32>
    %add3A_3632 = arith.addi %cumsum3A_3629, %add3A_3631 : vector<16xi32>
    %add3A_3633 = arith.constant 512 : i32
    %add3A_3634 = arith.addi %mul3A_886, %add3A_3633 : i32
    %sub3A_3635 = arith.constant 1 : i32
    %sub3A_3636 = arith.subi %add3A_3634, %sub3A_3635 : i32
    %min3A_3637 = vector.broadcast %sub3A_3636 : i32 to vector<16xi32>
    %min3A_3638 = arith.minsi %add3A_3632, %min3A_3637 : vector<16xi32>
    %swap3A_3639 = arith.constant 29 : i32
    %swap3A_3640 = arith.index_cast %swap3A_3639 : i32 to index
    %swap3A_3641 = arith.constant 48 : index
    %swap3A_3642 = tpu.vector_load %arg8[%swap3A_3640, %swap3A_3641] {strides = array<i32>} : memref<32x64xi32, #tpu.memory_space<vmem>>, vector<16xi32>,
    tpu.vector_store %arg8[%swap3A_3640, %swap3A_3641], %min3A_3638 {strides = array<i32>} : memref<32x64xi32, #tpu.memory_space<vmem>>, vector<16xi32>,
    %reduce_sum3A_3643 = arith.constant true
    %reduce_sum3A_3644 = vector.broadcast %reduce_sum3A_3643 : i1 to vector<16xi1>
    %reduce_sum3A_3645 = tpu.scan <sum>, %get3A_3626 masked %reduce_sum3A_3644 : vector<16xi32>, vector<16xi1> -> vector<16xi32>
    %reduce_sum3A_3646 = vector.extract %reduce_sum3A_3645[15] : i32 from vector<16xi32>
    %add3A_3647 = arith.addi %add3A_3624, %reduce_sum3A_3646 : i32
    %get3A_3648 = arith.constant 1920 : index
    %get3A_3649 = tpu.vector_load %arg7[%get3A_3648] {strides = array<i32>} : memref<2048xi32, #tpu.memory_space<vmem>>, vector<16xi32>,
    %cumsum3A_3650 = arith.constant true
    %cumsum3A_3651 = vector.broadcast %cumsum3A_3650 : i1 to vector<16xi1>
    %cumsum3A_3652 = tpu.scan <sum>, %get3A_3649 masked %cumsum3A_3651 : vector<16xi32>, vector<16xi1> -> vector<16xi32>
    %add3A_3653 = arith.addi %add3A_3647, %mul3A_886 : i32
    %add3A_3654 = vector.broadcast %add3A_3653 : i32 to vector<16xi32>
    %add3A_3655 = arith.addi %cumsum3A_3652, %add3A_3654 : vector<16xi32>
    %add3A_3656 = arith.constant 512 : i32
    %add3A_3657 = arith.addi %mul3A_886, %add3A_3656 : i32
    %sub3A_3658 = arith.constant 1 : i32
    %sub3A_3659 = arith.subi %add3A_3657, %sub3A_3658 : i32
    %min3A_3660 = vector.broadcast %sub3A_3659 : i32 to vector<16xi32>
    %min3A_3661 = arith.minsi %add3A_3655, %min3A_3660 : vector<16xi32>
    %swap3A_3662 = arith.constant 30 : i32
    %swap3A_3663 = arith.index_cast %swap3A_3662 : i32 to index
    %swap3A_3664 = arith.constant 0 : index
    %swap3A_3665 = tpu.vector_load %arg8[%swap3A_3663, %swap3A_3664] {strides = array<i32>} : memref<32x64xi32, #tpu.memory_space<vmem>>, vector<16xi32>,
    tpu.vector_store %arg8[%swap3A_3663, %swap3A_3664], %min3A_3661 {strides = array<i32>} : memref<32x64xi32, #tpu.memory_space<vmem>>, vector<16xi32>,
    %reduce_sum3A_3666 = arith.constant true
    %reduce_sum3A_3667 = vector.broadcast %reduce_sum3A_3666 : i1 to vector<16xi1>
    %reduce_sum3A_3668 = tpu.scan <sum>, %get3A_3649 masked %reduce_sum3A_3667 : vector<16xi32>, vector<16xi1> -> vector<16xi32>
    %reduce_sum3A_3669 = vector.extract %reduce_sum3A_3668[15] : i32 from vector<16xi32>
    %add3A_3670 = arith.addi %add3A_3647, %reduce_sum3A_3669 : i32
    %get3A_3671 = arith.constant 1936 : index
    %get3A_3672 = tpu.vector_load %arg7[%get3A_3671] {strides = array<i32>} : memref<2048xi32, #tpu.memory_space<vmem>>, vector<16xi32>,
    %cumsum3A_3673 = arith.constant true
    %cumsum3A_3674 = vector.broadcast %cumsum3A_3673 : i1 to vector<16xi1>
    %cumsum3A_3675 = tpu.scan <sum>, %get3A_3672 masked %cumsum3A_3674 : vector<16xi32>, vector<16xi1> -> vector<16xi32>
    %add3A_3676 = arith.addi %add3A_3670, %mul3A_886 : i32
    %add3A_3677 = vector.broadcast %add3A_3676 : i32 to vector<16xi32>
    %add3A_3678 = arith.addi %cumsum3A_3675, %add3A_3677 : vector<16xi32>
    %add3A_3679 = arith.constant 512 : i32
    %add3A_3680 = arith.addi %mul3A_886, %add3A_3679 : i32
    %sub3A_3681 = arith.constant 1 : i32
    %sub3A_3682 = arith.subi %add3A_3680, %sub3A_3681 : i32
    %min3A_3683 = vector.broadcast %sub3A_3682 : i32 to vector<16xi32>
    %min3A_3684 = arith.minsi %add3A_3678, %min3A_3683 : vector<16xi32>
    %swap3A_3685 = arith.constant 30 : i32
    %swap3A_3686 = arith.index_cast %swap3A_3685 : i32 to index
    %swap3A_3687 = arith.constant 16 : index
    %swap3A_3688 = tpu.vector_load %arg8[%swap3A_3686, %swap3A_3687] {strides = array<i32>} : memref<32x64xi32, #tpu.memory_space<vmem>>, vector<16xi32>,
    tpu.vector_store %arg8[%swap3A_3686, %swap3A_3687], %min3A_3684 {strides = array<i32>} : memref<32x64xi32, #tpu.memory_space<vmem>>, vector<16xi32>,
    %reduce_sum3A_3689 = arith.constant true
    %reduce_sum3A_3690 = vector.broadcast %reduce_sum3A_3689 : i1 to vector<16xi1>
    %reduce_sum3A_3691 = tpu.scan <sum>, %get3A_3672 masked %reduce_sum3A_3690 : vector<16xi32>, vector<16xi1> -> vector<16xi32>
    %reduce_sum3A_3692 = vector.extract %reduce_sum3A_3691[15] : i32 from vector<16xi32>
    %add3A_3693 = arith.addi %add3A_3670, %reduce_sum3A_3692 : i32
    %get3A_3694 = arith.constant 1952 : index
    %get3A_3695 = tpu.vector_load %arg7[%get3A_3694] {strides = array<i32>} : memref<2048xi32, #tpu.memory_space<vmem>>, vector<16xi32>,
    %cumsum3A_3696 = arith.constant true
    %cumsum3A_3697 = vector.broadcast %cumsum3A_3696 : i1 to vector<16xi1>
    %cumsum3A_3698 = tpu.scan <sum>, %get3A_3695 masked %cumsum3A_3697 : vector<16xi32>, vector<16xi1> -> vector<16xi32>
    %add3A_3699 = arith.addi %add3A_3693, %mul3A_886 : i32
    %add3A_3700 = vector.broadcast %add3A_3699 : i32 to vector<16xi32>
    %add3A_3701 = arith.addi %cumsum3A_3698, %add3A_3700 : vector<16xi32>
    %add3A_3702 = arith.constant 512 : i32
    %add3A_3703 = arith.addi %mul3A_886, %add3A_3702 : i32
    %sub3A_3704 = arith.constant 1 : i32
    %sub3A_3705 = arith.subi %add3A_3703, %sub3A_3704 : i32
    %min3A_3706 = vector.broadcast %sub3A_3705 : i32 to vector<16xi32>
    %min3A_3707 = arith.minsi %add3A_3701, %min3A_3706 : vector<16xi32>
    %swap3A_3708 = arith.constant 30 : i32
    %swap3A_3709 = arith.index_cast %swap3A_3708 : i32 to index
    %swap3A_3710 = arith.constant 32 : index
    %swap3A_3711 = tpu.vector_load %arg8[%swap3A_3709, %swap3A_3710] {strides = array<i32>} : memref<32x64xi32, #tpu.memory_space<vmem>>, vector<16xi32>,
    tpu.vector_store %arg8[%swap3A_3709, %swap3A_3710], %min3A_3707 {strides = array<i32>} : memref<32x64xi32, #tpu.memory_space<vmem>>, vector<16xi32>,
    %reduce_sum3A_3712 = arith.constant true
    %reduce_sum3A_3713 = vector.broadcast %reduce_sum3A_3712 : i1 to vector<16xi1>
    %reduce_sum3A_3714 = tpu.scan <sum>, %get3A_3695 masked %reduce_sum3A_3713 : vector<16xi32>, vector<16xi1> -> vector<16xi32>
    %reduce_sum3A_3715 = vector.extract %reduce_sum3A_3714[15] : i32 from vector<16xi32>
    %add3A_3716 = arith.addi %add3A_3693, %reduce_sum3A_3715 : i32
    %get3A_3717 = arith.constant 1968 : index
    %get3A_3718 = tpu.vector_load %arg7[%get3A_3717] {strides = array<i32>} : memref<2048xi32, #tpu.memory_space<vmem>>, vector<16xi32>,
    %cumsum3A_3719 = arith.constant true
    %cumsum3A_3720 = vector.broadcast %cumsum3A_3719 : i1 to vector<16xi1>
    %cumsum3A_3721 = tpu.scan <sum>, %get3A_3718 masked %cumsum3A_3720 : vector<16xi32>, vector<16xi1> -> vector<16xi32>
    %add3A_3722 = arith.addi %add3A_3716, %mul3A_886 : i32
    %add3A_3723 = vector.broadcast %add3A_3722 : i32 to vector<16xi32>
    %add3A_3724 = arith.addi %cumsum3A_3721, %add3A_3723 : vector<16xi32>
    %add3A_3725 = arith.constant 512 : i32
    %add3A_3726 = arith.addi %mul3A_886, %add3A_3725 : i32
    %sub3A_3727 = arith.constant 1 : i32
    %sub3A_3728 = arith.subi %add3A_3726, %sub3A_3727 : i32
    %min3A_3729 = vector.broadcast %sub3A_3728 : i32 to vector<16xi32>
    %min3A_3730 = arith.minsi %add3A_3724, %min3A_3729 : vector<16xi32>
    %swap3A_3731 = arith.constant 30 : i32
    %swap3A_3732 = arith.index_cast %swap3A_3731 : i32 to index
    %swap3A_3733 = arith.constant 48 : index
    %swap3A_3734 = tpu.vector_load %arg8[%swap3A_3732, %swap3A_3733] {strides = array<i32>} : memref<32x64xi32, #tpu.memory_space<vmem>>, vector<16xi32>,
    tpu.vector_store %arg8[%swap3A_3732, %swap3A_3733], %min3A_3730 {strides = array<i32>} : memref<32x64xi32, #tpu.memory_space<vmem>>, vector<16xi32>,
    %reduce_sum3A_3735 = arith.constant true
    %reduce_sum3A_3736 = vector.broadcast %reduce_sum3A_3735 : i1 to vector<16xi1>
    %reduce_sum3A_3737 = tpu.scan <sum>, %get3A_3718 masked %reduce_sum3A_3736 : vector<16xi32>, vector<16xi1> -> vector<16xi32>
    %reduce_sum3A_3738 = vector.extract %reduce_sum3A_3737[15] : i32 from vector<16xi32>
    %add3A_3739 = arith.addi %add3A_3716, %reduce_sum3A_3738 : i32
    %get3A_3740 = arith.constant 1984 : index
    %get3A_3741 = tpu.vector_load %arg7[%get3A_3740] {strides = array<i32>} : memref<2048xi32, #tpu.memory_space<vmem>>, vector<16xi32>,
    %cumsum3A_3742 = arith.constant true
    %cumsum3A_3743 = vector.broadcast %cumsum3A_3742 : i1 to vector<16xi1>
    %cumsum3A_3744 = tpu.scan <sum>, %get3A_3741 masked %cumsum3A_3743 : vector<16xi32>, vector<16xi1> -> vector<16xi32>
    %add3A_3745 = arith.addi %add3A_3739, %mul3A_886 : i32
    %add3A_3746 = vector.broadcast %add3A_3745 : i32 to vector<16xi32>
    %add3A_3747 = arith.addi %cumsum3A_3744, %add3A_3746 : vector<16xi32>
    %add3A_3748 = arith.constant 512 : i32
    %add3A_3749 = arith.addi %mul3A_886, %add3A_3748 : i32
    %sub3A_3750 = arith.constant 1 : i32
    %sub3A_3751 = arith.subi %add3A_3749, %sub3A_3750 : i32
    %min3A_3752 = vector.broadcast %sub3A_3751 : i32 to vector<16xi32>
    %min3A_3753 = arith.minsi %add3A_3747, %min3A_3752 : vector<16xi32>
    %swap3A_3754 = arith.constant 31 : i32
    %swap3A_3755 = arith.index_cast %swap3A_3754 : i32 to index
    %swap3A_3756 = arith.constant 0 : index
    %swap3A_3757 = tpu.vector_load %arg8[%swap3A_3755, %swap3A_3756] {strides = array<i32>} : memref<32x64xi32, #tpu.memory_space<vmem>>, vector<16xi32>,
    tpu.vector_store %arg8[%swap3A_3755, %swap3A_3756], %min3A_3753 {strides = array<i32>} : memref<32x64xi32, #tpu.memory_space<vmem>>, vector<16xi32>,
    %reduce_sum3A_3758 = arith.constant true
    %reduce_sum3A_3759 = vector.broadcast %reduce_sum3A_3758 : i1 to vector<16xi1>
    %reduce_sum3A_3760 = tpu.scan <sum>, %get3A_3741 masked %reduce_sum3A_3759 : vector<16xi32>, vector<16xi1> -> vector<16xi32>
    %reduce_sum3A_3761 = vector.extract %reduce_sum3A_3760[15] : i32 from vector<16xi32>
    %add3A_3762 = arith.addi %add3A_3739, %reduce_sum3A_3761 : i32
    %get3A_3763 = arith.constant 2000 : index
    %get3A_3764 = tpu.vector_load %arg7[%get3A_3763] {strides = array<i32>} : memref<2048xi32, #tpu.memory_space<vmem>>, vector<16xi32>,
    %cumsum3A_3765 = arith.constant true
    %cumsum3A_3766 = vector.broadcast %cumsum3A_3765 : i1 to vector<16xi1>
    %cumsum3A_3767 = tpu.scan <sum>, %get3A_3764 masked %cumsum3A_3766 : vector<16xi32>, vector<16xi1> -> vector<16xi32>
    %add3A_3768 = arith.addi %add3A_3762, %mul3A_886 : i32
    %add3A_3769 = vector.broadcast %add3A_3768 : i32 to vector<16xi32>
    %add3A_3770 = arith.addi %cumsum3A_3767, %add3A_3769 : vector<16xi32>
    %add3A_3771 = arith.constant 512 : i32
    %add3A_3772 = arith.addi %mul3A_886, %add3A_3771 : i32
    %sub3A_3773 = arith.constant 1 : i32
    %sub3A_3774 = arith.subi %add3A_3772, %sub3A_3773 : i32
    %min3A_3775 = vector.broadcast %sub3A_3774 : i32 to vector<16xi32>
    %min3A_3776 = arith.minsi %add3A_3770, %min3A_3775 : vector<16xi32>
    %swap3A_3777 = arith.constant 31 : i32
    %swap3A_3778 = arith.index_cast %swap3A_3777 : i32 to index
    %swap3A_3779 = arith.constant 16 : index
    %swap3A_3780 = tpu.vector_load %arg8[%swap3A_3778, %swap3A_3779] {strides = array<i32>} : memref<32x64xi32, #tpu.memory_space<vmem>>, vector<16xi32>,
    tpu.vector_store %arg8[%swap3A_3778, %swap3A_3779], %min3A_3776 {strides = array<i32>} : memref<32x64xi32, #tpu.memory_space<vmem>>, vector<16xi32>,
    %reduce_sum3A_3781 = arith.constant true
    %reduce_sum3A_3782 = vector.broadcast %reduce_sum3A_3781 : i1 to vector<16xi1>
    %reduce_sum3A_3783 = tpu.scan <sum>, %get3A_3764 masked %reduce_sum3A_3782 : vector<16xi32>, vector<16xi1> -> vector<16xi32>
    %reduce_sum3A_3784 = vector.extract %reduce_sum3A_3783[15] : i32 from vector<16xi32>
    %add3A_3785 = arith.addi %add3A_3762, %reduce_sum3A_3784 : i32
    %get3A_3786 = arith.constant 2016 : index
    %get3A_3787 = tpu.vector_load %arg7[%get3A_3786] {strides = array<i32>} : memref<2048xi32, #tpu.memory_space<vmem>>, vector<16xi32>,
    %cumsum3A_3788 = arith.constant true
    %cumsum3A_3789 = vector.broadcast %cumsum3A_3788 : i1 to vector<16xi1>
    %cumsum3A_3790 = tpu.scan <sum>, %get3A_3787 masked %cumsum3A_3789 : vector<16xi32>, vector<16xi1> -> vector<16xi32>
    %add3A_3791 = arith.addi %add3A_3785, %mul3A_886 : i32
    %add3A_3792 = vector.broadcast %add3A_3791 : i32 to vector<16xi32>
    %add3A_3793 = arith.addi %cumsum3A_3790, %add3A_3792 : vector<16xi32>
    %add3A_3794 = arith.constant 512 : i32
    %add3A_3795 = arith.addi %mul3A_886, %add3A_3794 : i32
    %sub3A_3796 = arith.constant 1 : i32
    %sub3A_3797 = arith.subi %add3A_3795, %sub3A_3796 : i32
    %min3A_3798 = vector.broadcast %sub3A_3797 : i32 to vector<16xi32>
    %min3A_3799 = arith.minsi %add3A_3793, %min3A_3798 : vector<16xi32>
    %swap3A_3800 = arith.constant 31 : i32
    %swap3A_3801 = arith.index_cast %swap3A_3800 : i32 to index
    %swap3A_3802 = arith.constant 32 : index
    %swap3A_3803 = tpu.vector_load %arg8[%swap3A_3801, %swap3A_3802] {strides = array<i32>} : memref<32x64xi32, #tpu.memory_space<vmem>>, vector<16xi32>,
    tpu.vector_store %arg8[%swap3A_3801, %swap3A_3802], %min3A_3799 {strides = array<i32>} : memref<32x64xi32, #tpu.memory_space<vmem>>, vector<16xi32>,
    %reduce_sum3A_3804 = arith.constant true
    %reduce_sum3A_3805 = vector.broadcast %reduce_sum3A_3804 : i1 to vector<16xi1>
    %reduce_sum3A_3806 = tpu.scan <sum>, %get3A_3787 masked %reduce_sum3A_3805 : vector<16xi32>, vector<16xi1> -> vector<16xi32>
    %reduce_sum3A_3807 = vector.extract %reduce_sum3A_3806[15] : i32 from vector<16xi32>
    %add3A_3808 = arith.addi %add3A_3785, %reduce_sum3A_3807 : i32
    %get3A_3809 = arith.constant 2032 : index
    %get3A_3810 = tpu.vector_load %arg7[%get3A_3809] {strides = array<i32>} : memref<2048xi32, #tpu.memory_space<vmem>>, vector<16xi32>,
    %cumsum3A_3811 = arith.constant true
    %cumsum3A_3812 = vector.broadcast %cumsum3A_3811 : i1 to vector<16xi1>
    %cumsum3A_3813 = tpu.scan <sum>, %get3A_3810 masked %cumsum3A_3812 : vector<16xi32>, vector<16xi1> -> vector<16xi32>
    %add3A_3814 = arith.addi %add3A_3808, %mul3A_886 : i32
    %add3A_3815 = vector.broadcast %add3A_3814 : i32 to vector<16xi32>
    %add3A_3816 = arith.addi %cumsum3A_3813, %add3A_3815 : vector<16xi32>
    %add3A_3817 = arith.constant 512 : i32
    %add3A_3818 = arith.addi %mul3A_886, %add3A_3817 : i32
    %sub3A_3819 = arith.constant 1 : i32
    %sub3A_3820 = arith.subi %add3A_3818, %sub3A_3819 : i32
    %min3A_3821 = vector.broadcast %sub3A_3820 : i32 to vector<16xi32>
    %min3A_3822 = arith.minsi %add3A_3816, %min3A_3821 : vector<16xi32>
    %swap3A_3823 = arith.constant 31 : i32
    %swap3A_3824 = arith.index_cast %swap3A_3823 : i32 to index
    %swap3A_3825 = arith.constant 48 : index
    %swap3A_3826 = tpu.vector_load %arg8[%swap3A_3824, %swap3A_3825] {strides = array<i32>} : memref<32x64xi32, #tpu.memory_space<vmem>>, vector<16xi32>,
    tpu.vector_store %arg8[%swap3A_3824, %swap3A_3825], %min3A_3822 {strides = array<i32>} : memref<32x64xi32, #tpu.memory_space<vmem>>, vector<16xi32>,
    %reduce_sum3A_3827 = arith.constant true
    %reduce_sum3A_3828 = vector.broadcast %reduce_sum3A_3827 : i1 to vector<16xi1>
    %reduce_sum3A_3829 = tpu.scan <sum>, %get3A_3810 masked %reduce_sum3A_3828 : vector<16xi32>, vector<16xi1> -> vector<16xi32>
    %reduce_sum3A_3830 = vector.extract %reduce_sum3A_3829[15] : i32 from vector<16xi32>
    %add3A_3831 = arith.addi %add3A_3808, %reduce_sum3A_3830 : i32
    %add3A_3832 = arith.constant 0 : i32
    %add3A_3833 = arith.addi %mul3A_876, %add3A_3832 : i32
    %sub3A_3834 = arith.subi %add3A_872, %add3A_3833 : i32
    %gt3A = arith.constant 0 : i32
    %gt3A_3835 = arith.cmpi sgt, %sub3A_3834, %gt3A : i32
    %convert_element_type3A_3836 = arith.extui %gt3A_3835 : i1 to i32
    %cond3A_3837 = arith.constant 0 : i32
    %cond3A_3838 = arith.cmpi ne, %convert_element_type3A_3836, %cond3A_3837 : i32
    scf.if %cond3A_3838 {
      %add3A_3885 = arith.constant 0 : i32
      %add3A_3886 = arith.addi %mul3A_874, %add3A_3885 : i32
      %dma_start3A_3887 = arith.constant 0 : i32
      %dma_start3A_3888 = tpu.memref_slice %arg8[%add3A_3886, %dma_start3A_3887] : memref<32x64xi32, #tpu.memory_space<vmem>> -> memref<1x64xi32, #tpu.memory_space<vmem>>
      %dma_start3A_3889 = tpu.memref_squeeze %dma_start3A_3888 : memref<1x64xi32, #tpu.memory_space<vmem>> -> memref<64xi32, #tpu.memory_space<vmem>>
      %dma_start3A_3890 = arith.constant 0 : i32
      %dma_start3A_3891 = arith.constant 0 : i32
      %dma_start3A_3892 = tpu.memref_slice %arg2[%dma_start3A_3890, %dma_start3A_3891] : memref<8192x384xf32, #tpu.memory_space<hbm>> -> memref<8192x384xf32, #tpu.memory_space<hbm>>
      tpu.enqueue_indirect_dma source(%dma_start3A_3892 : memref<8192x384xf32, #tpu.memory_space<hbm>>) target(%arg9 : memref<64x384xf32, #tpu.memory_space<vmem>>) offsets(%dma_start3A_3889 : memref<64xi32, #tpu.memory_space<vmem>>) semaphore(%arg12 : memref<!tpu.dma_semaphore, #tpu.memory_space<semaphore_mem>>)
    } else {
    }
    %add3A_3839 = arith.constant 64 : i32
    %add3A_3840 = arith.addi %mul3A_876, %add3A_3839 : i32
    %sub3A_3841 = arith.subi %add3A_872, %add3A_3840 : i32
    %gt3A_3842 = arith.constant 0 : i32
    %gt3A_3843 = arith.cmpi sgt, %sub3A_3841, %gt3A_3842 : i32
    %convert_element_type3A_3844 = arith.extui %gt3A_3843 : i1 to i32
    %cond3A_3845 = arith.constant 0 : i32
    %cond3A_3846 = arith.cmpi ne, %convert_element_type3A_3844, %cond3A_3845 : i32
    scf.if %cond3A_3846 {
      %add3A_3885 = arith.constant 1 : i32
      %add3A_3886 = arith.addi %mul3A_874, %add3A_3885 : i32
      %dma_start3A_3887 = arith.constant 0 : i32
      %dma_start3A_3888 = tpu.memref_slice %arg8[%add3A_3886, %dma_start3A_3887] : memref<32x64xi32, #tpu.memory_space<vmem>> -> memref<1x64xi32, #tpu.memory_space<vmem>>
      %dma_start3A_3889 = tpu.memref_squeeze %dma_start3A_3888 : memref<1x64xi32, #tpu.memory_space<vmem>> -> memref<64xi32, #tpu.memory_space<vmem>>
      %dma_start3A_3890 = arith.constant 0 : i32
      %dma_start3A_3891 = arith.constant 0 : i32
      %dma_start3A_3892 = tpu.memref_slice %arg2[%dma_start3A_3890, %dma_start3A_3891] : memref<8192x384xf32, #tpu.memory_space<hbm>> -> memref<8192x384xf32, #tpu.memory_space<hbm>>
      tpu.enqueue_indirect_dma source(%dma_start3A_3892 : memref<8192x384xf32, #tpu.memory_space<hbm>>) target(%arg10 : memref<64x384xf32, #tpu.memory_space<vmem>>) offsets(%dma_start3A_3889 : memref<64xi32, #tpu.memory_space<vmem>>) semaphore(%arg13 : memref<!tpu.dma_semaphore, #tpu.memory_space<semaphore_mem>>)
    } else {
    }
    %add3A_3847 = arith.constant 0 : i32
    %add3A_3848 = arith.addi %mul3A_876, %add3A_3847 : i32
    %sub3A_3849 = arith.subi %add3A_872, %add3A_3848 : i32
    %gt3A_3850 = arith.constant 0 : i32
    %gt3A_3851 = arith.cmpi sgt, %sub3A_3849, %gt3A_3850 : i32
    %convert_element_type3A_3852 = arith.extui %gt3A_3851 : i1 to i32
    %cond3A_3853 = arith.constant 0 : i32
    %cond3A_3854 = arith.cmpi ne, %convert_element_type3A_3852, %cond3A_3853 : i32
    scf.if %cond3A_3854 {
      %add3A_3885 = arith.constant 0 : i32
      %add3A_3886 = arith.addi %mul3A_874, %add3A_3885 : i32
      %dma_wait3A_3887 = arith.constant 0 : i32
      %dma_wait3A_3888 = tpu.memref_slice %arg8[%add3A_3886, %dma_wait3A_3887] : memref<32x64xi32, #tpu.memory_space<vmem>> -> memref<1x64xi32, #tpu.memory_space<vmem>>
      %dma_wait3A_3889 = tpu.memref_squeeze %dma_wait3A_3888 : memref<1x64xi32, #tpu.memory_space<vmem>> -> memref<64xi32, #tpu.memory_space<vmem>>
      %dma_wait3A_3890 = arith.constant 0 : i32
      %dma_wait3A_3891 = arith.constant 0 : i32
      %dma_wait3A_3892 = tpu.memref_slice %arg2[%dma_wait3A_3890, %dma_wait3A_3891] : memref<8192x384xf32, #tpu.memory_space<hbm>> -> memref<8192x384xf32, #tpu.memory_space<hbm>>
      tpu.wait_indirect_dma semaphore(%arg12 : memref<!tpu.dma_semaphore, #tpu.memory_space<semaphore_mem>>) src(%dma_wait3A_3892 : memref<8192x384xf32, #tpu.memory_space<hbm>>) dst(%arg9 : memref<64x384xf32, #tpu.memory_space<vmem>>)
      %lt3A_3893 = arith.constant 64 : i32
      %lt3A_3894 = arith.cmpi slt, %sub3A_3849, %lt3A_3893 : i32
      %convert_element_type3A_3895 = arith.extui %lt3A_3894 : i1 to i32
      %cond3A_3896 = arith.constant 0 : i32
      %cond3A_3897 = arith.cmpi ne, %convert_element_type3A_3895, %cond3A_3896 : i32
      scf.if %cond3A_3897 {
        %while3A = arith.constant 64 : i32
        %while3A_3904 = arith.constant 0 : i32
        %while3A_3905 = arith.subi %while3A, %sub3A_3849 : i32
        %while3A_3906 = arith.addi %sub3A_3849, %while3A_3905 : i32
        %while3A_3907 = arith.constant 1 : i32
        %while3A_3908 = arith.divsi %while3A_3905, %while3A_3907 : i32
        %while3A_3909 = arith.muli %while3A_3908, %while3A_3907 : i32
        %while3A_3910 = arith.addi %sub3A_3849, %while3A_3909 : i32
        %while3A_3911 = arith.constant 1 : i32
        %while3A_3912 = scf.for %while3A_3915 = %sub3A_3849 to %while3A_3910 step %while3A_3911 iter_args(%while3A_3916 = %while3A_3904) -> (i32)  : i32 {
          %broadcast_in_dim3A_3917 = arith.constant 0.000000e+00 : f32
          %broadcast_in_dim3A_3918 = vector.broadcast %broadcast_in_dim3A_3917 : f32 to vector<16xf32>
          %swap3A_3919 = arith.index_cast %while3A_3915 : i32 to index
          %swap3A_3920 = arith.constant 0 : index
          %swap3A_3921 = tpu.vector_load %arg9[%swap3A_3919, %swap3A_3920] {strides = array<i32>} : memref<64x384xf32, #tpu.memory_space<vmem>>, vector<16xf32>,
          tpu.vector_store %arg9[%swap3A_3919, %swap3A_3920], %broadcast_in_dim3A_3918 {strides = array<i32>} : memref<64x384xf32, #tpu.memory_space<vmem>>, vector<16xf32>,
          %broadcast_in_dim3A_3922 = arith.constant 0.000000e+00 : f32
          %broadcast_in_dim3A_3923 = vector.broadcast %broadcast_in_dim3A_3922 : f32 to vector<16xf32>
          %swap3A_3924 = arith.index_cast %while3A_3915 : i32 to index
          %swap3A_3925 = arith.constant 16 : index
          %swap3A_3926 = tpu.vector_load %arg9[%swap3A_3924, %swap3A_3925] {strides = array<i32>} : memref<64x384xf32, #tpu.memory_space<vmem>>, vector<16xf32>,
          tpu.vector_store %arg9[%swap3A_3924, %swap3A_3925], %broadcast_in_dim3A_3923 {strides = array<i32>} : memref<64x384xf32, #tpu.memory_space<vmem>>, vector<16xf32>,
          %broadcast_in_dim3A_3927 = arith.constant 0.000000e+00 : f32
          %broadcast_in_dim3A_3928 = vector.broadcast %broadcast_in_dim3A_3927 : f32 to vector<16xf32>
          %swap3A_3929 = arith.index_cast %while3A_3915 : i32 to index
          %swap3A_3930 = arith.constant 32 : index
          %swap3A_3931 = tpu.vector_load %arg9[%swap3A_3929, %swap3A_3930] {strides = array<i32>} : memref<64x384xf32, #tpu.memory_space<vmem>>, vector<16xf32>,
          tpu.vector_store %arg9[%swap3A_3929, %swap3A_3930], %broadcast_in_dim3A_3928 {strides = array<i32>} : memref<64x384xf32, #tpu.memory_space<vmem>>, vector<16xf32>,
          %broadcast_in_dim3A_3932 = arith.constant 0.000000e+00 : f32
          %broadcast_in_dim3A_3933 = vector.broadcast %broadcast_in_dim3A_3932 : f32 to vector<16xf32>
          %swap3A_3934 = arith.index_cast %while3A_3915 : i32 to index
          %swap3A_3935 = arith.constant 48 : index
          %swap3A_3936 = tpu.vector_load %arg9[%swap3A_3934, %swap3A_3935] {strides = array<i32>} : memref<64x384xf32, #tpu.memory_space<vmem>>, vector<16xf32>,
          tpu.vector_store %arg9[%swap3A_3934, %swap3A_3935], %broadcast_in_dim3A_3933 {strides = array<i32>} : memref<64x384xf32, #tpu.memory_space<vmem>>, vector<16xf32>,
          %broadcast_in_dim3A_3937 = arith.constant 0.000000e+00 : f32
          %broadcast_in_dim3A_3938 = vector.broadcast %broadcast_in_dim3A_3937 : f32 to vector<16xf32>
          %swap3A_3939 = arith.index_cast %while3A_3915 : i32 to index
          %swap3A_3940 = arith.constant 64 : index
          %swap3A_3941 = tpu.vector_load %arg9[%swap3A_3939, %swap3A_3940] {strides = array<i32>} : memref<64x384xf32, #tpu.memory_space<vmem>>, vector<16xf32>,
          tpu.vector_store %arg9[%swap3A_3939, %swap3A_3940], %broadcast_in_dim3A_3938 {strides = array<i32>} : memref<64x384xf32, #tpu.memory_space<vmem>>, vector<16xf32>,
          %broadcast_in_dim3A_3942 = arith.constant 0.000000e+00 : f32
          %broadcast_in_dim3A_3943 = vector.broadcast %broadcast_in_dim3A_3942 : f32 to vector<16xf32>
          %swap3A_3944 = arith.index_cast %while3A_3915 : i32 to index
          %swap3A_3945 = arith.constant 80 : index
          %swap3A_3946 = tpu.vector_load %arg9[%swap3A_3944, %swap3A_3945] {strides = array<i32>} : memref<64x384xf32, #tpu.memory_space<vmem>>, vector<16xf32>,
          tpu.vector_store %arg9[%swap3A_3944, %swap3A_3945], %broadcast_in_dim3A_3943 {strides = array<i32>} : memref<64x384xf32, #tpu.memory_space<vmem>>, vector<16xf32>,
          %broadcast_in_dim3A_3947 = arith.constant 0.000000e+00 : f32
          %broadcast_in_dim3A_3948 = vector.broadcast %broadcast_in_dim3A_3947 : f32 to vector<16xf32>
          %swap3A_3949 = arith.index_cast %while3A_3915 : i32 to index
          %swap3A_3950 = arith.constant 96 : index
          %swap3A_3951 = tpu.vector_load %arg9[%swap3A_3949, %swap3A_3950] {strides = array<i32>} : memref<64x384xf32, #tpu.memory_space<vmem>>, vector<16xf32>,
          tpu.vector_store %arg9[%swap3A_3949, %swap3A_3950], %broadcast_in_dim3A_3948 {strides = array<i32>} : memref<64x384xf32, #tpu.memory_space<vmem>>, vector<16xf32>,
          %broadcast_in_dim3A_3952 = arith.constant 0.000000e+00 : f32
          %broadcast_in_dim3A_3953 = vector.broadcast %broadcast_in_dim3A_3952 : f32 to vector<16xf32>
          %swap3A_3954 = arith.index_cast %while3A_3915 : i32 to index
          %swap3A_3955 = arith.constant 112 : index
          %swap3A_3956 = tpu.vector_load %arg9[%swap3A_3954, %swap3A_3955] {strides = array<i32>} : memref<64x384xf32, #tpu.memory_space<vmem>>, vector<16xf32>,
          tpu.vector_store %arg9[%swap3A_3954, %swap3A_3955], %broadcast_in_dim3A_3953 {strides = array<i32>} : memref<64x384xf32, #tpu.memory_space<vmem>>, vector<16xf32>,
          %broadcast_in_dim3A_3957 = arith.constant 0.000000e+00 : f32
          %broadcast_in_dim3A_3958 = vector.broadcast %broadcast_in_dim3A_3957 : f32 to vector<16xf32>
          %swap3A_3959 = arith.index_cast %while3A_3915 : i32 to index
          %swap3A_3960 = arith.constant 128 : index
          %swap3A_3961 = tpu.vector_load %arg9[%swap3A_3959, %swap3A_3960] {strides = array<i32>} : memref<64x384xf32, #tpu.memory_space<vmem>>, vector<16xf32>,
          tpu.vector_store %arg9[%swap3A_3959, %swap3A_3960], %broadcast_in_dim3A_3958 {strides = array<i32>} : memref<64x384xf32, #tpu.memory_space<vmem>>, vector<16xf32>,
          %broadcast_in_dim3A_3962 = arith.constant 0.000000e+00 : f32
          %broadcast_in_dim3A_3963 = vector.broadcast %broadcast_in_dim3A_3962 : f32 to vector<16xf32>
          %swap3A_3964 = arith.index_cast %while3A_3915 : i32 to index
          %swap3A_3965 = arith.constant 144 : index
          %swap3A_3966 = tpu.vector_load %arg9[%swap3A_3964, %swap3A_3965] {strides = array<i32>} : memref<64x384xf32, #tpu.memory_space<vmem>>, vector<16xf32>,
          tpu.vector_store %arg9[%swap3A_3964, %swap3A_3965], %broadcast_in_dim3A_3963 {strides = array<i32>} : memref<64x384xf32, #tpu.memory_space<vmem>>, vector<16xf32>,
          %broadcast_in_dim3A_3967 = arith.constant 0.000000e+00 : f32
          %broadcast_in_dim3A_3968 = vector.broadcast %broadcast_in_dim3A_3967 : f32 to vector<16xf32>
          %swap3A_3969 = arith.index_cast %while3A_3915 : i32 to index
          %swap3A_3970 = arith.constant 160 : index
          %swap3A_3971 = tpu.vector_load %arg9[%swap3A_3969, %swap3A_3970] {strides = array<i32>} : memref<64x384xf32, #tpu.memory_space<vmem>>, vector<16xf32>,
          tpu.vector_store %arg9[%swap3A_3969, %swap3A_3970], %broadcast_in_dim3A_3968 {strides = array<i32>} : memref<64x384xf32, #tpu.memory_space<vmem>>, vector<16xf32>,
          %broadcast_in_dim3A_3972 = arith.constant 0.000000e+00 : f32
          %broadcast_in_dim3A_3973 = vector.broadcast %broadcast_in_dim3A_3972 : f32 to vector<16xf32>
          %swap3A_3974 = arith.index_cast %while3A_3915 : i32 to index
          %swap3A_3975 = arith.constant 176 : index
          %swap3A_3976 = tpu.vector_load %arg9[%swap3A_3974, %swap3A_3975] {strides = array<i32>} : memref<64x384xf32, #tpu.memory_space<vmem>>, vector<16xf32>,
          tpu.vector_store %arg9[%swap3A_3974, %swap3A_3975], %broadcast_in_dim3A_3973 {strides = array<i32>} : memref<64x384xf32, #tpu.memory_space<vmem>>, vector<16xf32>,
          %broadcast_in_dim3A_3977 = arith.constant 0.000000e+00 : f32
          %broadcast_in_dim3A_3978 = vector.broadcast %broadcast_in_dim3A_3977 : f32 to vector<16xf32>
          %swap3A_3979 = arith.index_cast %while3A_3915 : i32 to index
          %swap3A_3980 = arith.constant 192 : index
          %swap3A_3981 = tpu.vector_load %arg9[%swap3A_3979, %swap3A_3980] {strides = array<i32>} : memref<64x384xf32, #tpu.memory_space<vmem>>, vector<16xf32>,
          tpu.vector_store %arg9[%swap3A_3979, %swap3A_3980], %broadcast_in_dim3A_3978 {strides = array<i32>} : memref<64x384xf32, #tpu.memory_space<vmem>>, vector<16xf32>,
          %broadcast_in_dim3A_3982 = arith.constant 0.000000e+00 : f32
          %broadcast_in_dim3A_3983 = vector.broadcast %broadcast_in_dim3A_3982 : f32 to vector<16xf32>
          %swap3A_3984 = arith.index_cast %while3A_3915 : i32 to index
          %swap3A_3985 = arith.constant 208 : index
          %swap3A_3986 = tpu.vector_load %arg9[%swap3A_3984, %swap3A_3985] {strides = array<i32>} : memref<64x384xf32, #tpu.memory_space<vmem>>, vector<16xf32>,
          tpu.vector_store %arg9[%swap3A_3984, %swap3A_3985], %broadcast_in_dim3A_3983 {strides = array<i32>} : memref<64x384xf32, #tpu.memory_space<vmem>>, vector<16xf32>,
          %broadcast_in_dim3A_3987 = arith.constant 0.000000e+00 : f32
          %broadcast_in_dim3A_3988 = vector.broadcast %broadcast_in_dim3A_3987 : f32 to vector<16xf32>
          %swap3A_3989 = arith.index_cast %while3A_3915 : i32 to index
          %swap3A_3990 = arith.constant 224 : index
          %swap3A_3991 = tpu.vector_load %arg9[%swap3A_3989, %swap3A_3990] {strides = array<i32>} : memref<64x384xf32, #tpu.memory_space<vmem>>, vector<16xf32>,
          tpu.vector_store %arg9[%swap3A_3989, %swap3A_3990], %broadcast_in_dim3A_3988 {strides = array<i32>} : memref<64x384xf32, #tpu.memory_space<vmem>>, vector<16xf32>,
          %broadcast_in_dim3A_3992 = arith.constant 0.000000e+00 : f32
          %broadcast_in_dim3A_3993 = vector.broadcast %broadcast_in_dim3A_3992 : f32 to vector<16xf32>
          %swap3A_3994 = arith.index_cast %while3A_3915 : i32 to index
          %swap3A_3995 = arith.constant 240 : index
          %swap3A_3996 = tpu.vector_load %arg9[%swap3A_3994, %swap3A_3995] {strides = array<i32>} : memref<64x384xf32, #tpu.memory_space<vmem>>, vector<16xf32>,
          tpu.vector_store %arg9[%swap3A_3994, %swap3A_3995], %broadcast_in_dim3A_3993 {strides = array<i32>} : memref<64x384xf32, #tpu.memory_space<vmem>>, vector<16xf32>,
          %broadcast_in_dim3A_3997 = arith.constant 0.000000e+00 : f32
          %broadcast_in_dim3A_3998 = vector.broadcast %broadcast_in_dim3A_3997 : f32 to vector<16xf32>
          %swap3A_3999 = arith.index_cast %while3A_3915 : i32 to index
          %swap3A_4000 = arith.constant 256 : index
          %swap3A_4001 = tpu.vector_load %arg9[%swap3A_3999, %swap3A_4000] {strides = array<i32>} : memref<64x384xf32, #tpu.memory_space<vmem>>, vector<16xf32>,
          tpu.vector_store %arg9[%swap3A_3999, %swap3A_4000], %broadcast_in_dim3A_3998 {strides = array<i32>} : memref<64x384xf32, #tpu.memory_space<vmem>>, vector<16xf32>,
          %broadcast_in_dim3A_4002 = arith.constant 0.000000e+00 : f32
          %broadcast_in_dim3A_4003 = vector.broadcast %broadcast_in_dim3A_4002 : f32 to vector<16xf32>
          %swap3A_4004 = arith.index_cast %while3A_3915 : i32 to index
          %swap3A_4005 = arith.constant 272 : index
          %swap3A_4006 = tpu.vector_load %arg9[%swap3A_4004, %swap3A_4005] {strides = array<i32>} : memref<64x384xf32, #tpu.memory_space<vmem>>, vector<16xf32>,
          tpu.vector_store %arg9[%swap3A_4004, %swap3A_4005], %broadcast_in_dim3A_4003 {strides = array<i32>} : memref<64x384xf32, #tpu.memory_space<vmem>>, vector<16xf32>,
          %broadcast_in_dim3A_4007 = arith.constant 0.000000e+00 : f32
          %broadcast_in_dim3A_4008 = vector.broadcast %broadcast_in_dim3A_4007 : f32 to vector<16xf32>
          %swap3A_4009 = arith.index_cast %while3A_3915 : i32 to index
          %swap3A_4010 = arith.constant 288 : index
          %swap3A_4011 = tpu.vector_load %arg9[%swap3A_4009, %swap3A_4010] {strides = array<i32>} : memref<64x384xf32, #tpu.memory_space<vmem>>, vector<16xf32>,
          tpu.vector_store %arg9[%swap3A_4009, %swap3A_4010], %broadcast_in_dim3A_4008 {strides = array<i32>} : memref<64x384xf32, #tpu.memory_space<vmem>>, vector<16xf32>,
          %broadcast_in_dim3A_4012 = arith.constant 0.000000e+00 : f32
          %broadcast_in_dim3A_4013 = vector.broadcast %broadcast_in_dim3A_4012 : f32 to vector<16xf32>
          %swap3A_4014 = arith.index_cast %while3A_3915 : i32 to index
          %swap3A_4015 = arith.constant 304 : index
          %swap3A_4016 = tpu.vector_load %arg9[%swap3A_4014, %swap3A_4015] {strides = array<i32>} : memref<64x384xf32, #tpu.memory_space<vmem>>, vector<16xf32>,
          tpu.vector_store %arg9[%swap3A_4014, %swap3A_4015], %broadcast_in_dim3A_4013 {strides = array<i32>} : memref<64x384xf32, #tpu.memory_space<vmem>>, vector<16xf32>,
          %broadcast_in_dim3A_4017 = arith.constant 0.000000e+00 : f32
          %broadcast_in_dim3A_4018 = vector.broadcast %broadcast_in_dim3A_4017 : f32 to vector<16xf32>
          %swap3A_4019 = arith.index_cast %while3A_3915 : i32 to index
          %swap3A_4020 = arith.constant 320 : index
          %swap3A_4021 = tpu.vector_load %arg9[%swap3A_4019, %swap3A_4020] {strides = array<i32>} : memref<64x384xf32, #tpu.memory_space<vmem>>, vector<16xf32>,
          tpu.vector_store %arg9[%swap3A_4019, %swap3A_4020], %broadcast_in_dim3A_4018 {strides = array<i32>} : memref<64x384xf32, #tpu.memory_space<vmem>>, vector<16xf32>,
          %broadcast_in_dim3A_4022 = arith.constant 0.000000e+00 : f32
          %broadcast_in_dim3A_4023 = vector.broadcast %broadcast_in_dim3A_4022 : f32 to vector<16xf32>
          %swap3A_4024 = arith.index_cast %while3A_3915 : i32 to index
          %swap3A_4025 = arith.constant 336 : index
          %swap3A_4026 = tpu.vector_load %arg9[%swap3A_4024, %swap3A_4025] {strides = array<i32>} : memref<64x384xf32, #tpu.memory_space<vmem>>, vector<16xf32>,
          tpu.vector_store %arg9[%swap3A_4024, %swap3A_4025], %broadcast_in_dim3A_4023 {strides = array<i32>} : memref<64x384xf32, #tpu.memory_space<vmem>>, vector<16xf32>,
          %broadcast_in_dim3A_4027 = arith.constant 0.000000e+00 : f32
          %broadcast_in_dim3A_4028 = vector.broadcast %broadcast_in_dim3A_4027 : f32 to vector<16xf32>
          %swap3A_4029 = arith.index_cast %while3A_3915 : i32 to index
          %swap3A_4030 = arith.constant 352 : index
          %swap3A_4031 = tpu.vector_load %arg9[%swap3A_4029, %swap3A_4030] {strides = array<i32>} : memref<64x384xf32, #tpu.memory_space<vmem>>, vector<16xf32>,
          tpu.vector_store %arg9[%swap3A_4029, %swap3A_4030], %broadcast_in_dim3A_4028 {strides = array<i32>} : memref<64x384xf32, #tpu.memory_space<vmem>>, vector<16xf32>,
          %broadcast_in_dim3A_4032 = arith.constant 0.000000e+00 : f32
          %broadcast_in_dim3A_4033 = vector.broadcast %broadcast_in_dim3A_4032 : f32 to vector<16xf32>
          %swap3A_4034 = arith.index_cast %while3A_3915 : i32 to index
          %swap3A_4035 = arith.constant 368 : index
          %swap3A_4036 = tpu.vector_load %arg9[%swap3A_4034, %swap3A_4035] {strides = array<i32>} : memref<64x384xf32, #tpu.memory_space<vmem>>, vector<16xf32>,
          tpu.vector_store %arg9[%swap3A_4034, %swap3A_4035], %broadcast_in_dim3A_4033 {strides = array<i32>} : memref<64x384xf32, #tpu.memory_space<vmem>>, vector<16xf32>,
          %while3A_4037 = arith.constant 0 : i32
          scf.yield %while3A_4037 : i32
        }
        %while3A_3913 = arith.constant 1 : i32
        %while3A_3914 = scf.for %while3A_3915 = %while3A_3910 to %while3A_3906 step %while3A_3913 iter_args(%while3A_3916 = %while3A_3912) -> (i32)  : i32 {
          %broadcast_in_dim3A_3917 = arith.constant 0.000000e+00 : f32
          %broadcast_in_dim3A_3918 = vector.broadcast %broadcast_in_dim3A_3917 : f32 to vector<16xf32>
          %swap3A_3919 = arith.index_cast %while3A_3915 : i32 to index
          %swap3A_3920 = arith.constant 0 : index
          %swap3A_3921 = tpu.vector_load %arg9[%swap3A_3919, %swap3A_3920] {strides = array<i32>} : memref<64x384xf32, #tpu.memory_space<vmem>>, vector<16xf32>,
          tpu.vector_store %arg9[%swap3A_3919, %swap3A_3920], %broadcast_in_dim3A_3918 {strides = array<i32>} : memref<64x384xf32, #tpu.memory_space<vmem>>, vector<16xf32>,
          %broadcast_in_dim3A_3922 = arith.constant 0.000000e+00 : f32
          %broadcast_in_dim3A_3923 = vector.broadcast %broadcast_in_dim3A_3922 : f32 to vector<16xf32>
          %swap3A_3924 = arith.index_cast %while3A_3915 : i32 to index
          %swap3A_3925 = arith.constant 16 : index
          %swap3A_3926 = tpu.vector_load %arg9[%swap3A_3924, %swap3A_3925] {strides = array<i32>} : memref<64x384xf32, #tpu.memory_space<vmem>>, vector<16xf32>,
          tpu.vector_store %arg9[%swap3A_3924, %swap3A_3925], %broadcast_in_dim3A_3923 {strides = array<i32>} : memref<64x384xf32, #tpu.memory_space<vmem>>, vector<16xf32>,
          %broadcast_in_dim3A_3927 = arith.constant 0.000000e+00 : f32
          %broadcast_in_dim3A_3928 = vector.broadcast %broadcast_in_dim3A_3927 : f32 to vector<16xf32>
          %swap3A_3929 = arith.index_cast %while3A_3915 : i32 to index
          %swap3A_3930 = arith.constant 32 : index
          %swap3A_3931 = tpu.vector_load %arg9[%swap3A_3929, %swap3A_3930] {strides = array<i32>} : memref<64x384xf32, #tpu.memory_space<vmem>>, vector<16xf32>,
          tpu.vector_store %arg9[%swap3A_3929, %swap3A_3930], %broadcast_in_dim3A_3928 {strides = array<i32>} : memref<64x384xf32, #tpu.memory_space<vmem>>, vector<16xf32>,
          %broadcast_in_dim3A_3932 = arith.constant 0.000000e+00 : f32
          %broadcast_in_dim3A_3933 = vector.broadcast %broadcast_in_dim3A_3932 : f32 to vector<16xf32>
          %swap3A_3934 = arith.index_cast %while3A_3915 : i32 to index
          %swap3A_3935 = arith.constant 48 : index
          %swap3A_3936 = tpu.vector_load %arg9[%swap3A_3934, %swap3A_3935] {strides = array<i32>} : memref<64x384xf32, #tpu.memory_space<vmem>>, vector<16xf32>,
          tpu.vector_store %arg9[%swap3A_3934, %swap3A_3935], %broadcast_in_dim3A_3933 {strides = array<i32>} : memref<64x384xf32, #tpu.memory_space<vmem>>, vector<16xf32>,
          %broadcast_in_dim3A_3937 = arith.constant 0.000000e+00 : f32
          %broadcast_in_dim3A_3938 = vector.broadcast %broadcast_in_dim3A_3937 : f32 to vector<16xf32>
          %swap3A_3939 = arith.index_cast %while3A_3915 : i32 to index
          %swap3A_3940 = arith.constant 64 : index
          %swap3A_3941 = tpu.vector_load %arg9[%swap3A_3939, %swap3A_3940] {strides = array<i32>} : memref<64x384xf32, #tpu.memory_space<vmem>>, vector<16xf32>,
          tpu.vector_store %arg9[%swap3A_3939, %swap3A_3940], %broadcast_in_dim3A_3938 {strides = array<i32>} : memref<64x384xf32, #tpu.memory_space<vmem>>, vector<16xf32>,
          %broadcast_in_dim3A_3942 = arith.constant 0.000000e+00 : f32
          %broadcast_in_dim3A_3943 = vector.broadcast %broadcast_in_dim3A_3942 : f32 to vector<16xf32>
          %swap3A_3944 = arith.index_cast %while3A_3915 : i32 to index
          %swap3A_3945 = arith.constant 80 : index
          %swap3A_3946 = tpu.vector_load %arg9[%swap3A_3944, %swap3A_3945] {strides = array<i32>} : memref<64x384xf32, #tpu.memory_space<vmem>>, vector<16xf32>,
          tpu.vector_store %arg9[%swap3A_3944, %swap3A_3945], %broadcast_in_dim3A_3943 {strides = array<i32>} : memref<64x384xf32, #tpu.memory_space<vmem>>, vector<16xf32>,
          %broadcast_in_dim3A_3947 = arith.constant 0.000000e+00 : f32
          %broadcast_in_dim3A_3948 = vector.broadcast %broadcast_in_dim3A_3947 : f32 to vector<16xf32>
          %swap3A_3949 = arith.index_cast %while3A_3915 : i32 to index
          %swap3A_3950 = arith.constant 96 : index
          %swap3A_3951 = tpu.vector_load %arg9[%swap3A_3949, %swap3A_3950] {strides = array<i32>} : memref<64x384xf32, #tpu.memory_space<vmem>>, vector<16xf32>,
          tpu.vector_store %arg9[%swap3A_3949, %swap3A_3950], %broadcast_in_dim3A_3948 {strides = array<i32>} : memref<64x384xf32, #tpu.memory_space<vmem>>, vector<16xf32>,
          %broadcast_in_dim3A_3952 = arith.constant 0.000000e+00 : f32
          %broadcast_in_dim3A_3953 = vector.broadcast %broadcast_in_dim3A_3952 : f32 to vector<16xf32>
          %swap3A_3954 = arith.index_cast %while3A_3915 : i32 to index
          %swap3A_3955 = arith.constant 112 : index
          %swap3A_3956 = tpu.vector_load %arg9[%swap3A_3954, %swap3A_3955] {strides = array<i32>} : memref<64x384xf32, #tpu.memory_space<vmem>>, vector<16xf32>,
          tpu.vector_store %arg9[%swap3A_3954, %swap3A_3955], %broadcast_in_dim3A_3953 {strides = array<i32>} : memref<64x384xf32, #tpu.memory_space<vmem>>, vector<16xf32>,
          %broadcast_in_dim3A_3957 = arith.constant 0.000000e+00 : f32
          %broadcast_in_dim3A_3958 = vector.broadcast %broadcast_in_dim3A_3957 : f32 to vector<16xf32>
          %swap3A_3959 = arith.index_cast %while3A_3915 : i32 to index
          %swap3A_3960 = arith.constant 128 : index
          %swap3A_3961 = tpu.vector_load %arg9[%swap3A_3959, %swap3A_3960] {strides = array<i32>} : memref<64x384xf32, #tpu.memory_space<vmem>>, vector<16xf32>,
          tpu.vector_store %arg9[%swap3A_3959, %swap3A_3960], %broadcast_in_dim3A_3958 {strides = array<i32>} : memref<64x384xf32, #tpu.memory_space<vmem>>, vector<16xf32>,
          %broadcast_in_dim3A_3962 = arith.constant 0.000000e+00 : f32
          %broadcast_in_dim3A_3963 = vector.broadcast %broadcast_in_dim3A_3962 : f32 to vector<16xf32>
          %swap3A_3964 = arith.index_cast %while3A_3915 : i32 to index
          %swap3A_3965 = arith.constant 144 : index
          %swap3A_3966 = tpu.vector_load %arg9[%swap3A_3964, %swap3A_3965] {strides = array<i32>} : memref<64x384xf32, #tpu.memory_space<vmem>>, vector<16xf32>,
          tpu.vector_store %arg9[%swap3A_3964, %swap3A_3965], %broadcast_in_dim3A_3963 {strides = array<i32>} : memref<64x384xf32, #tpu.memory_space<vmem>>, vector<16xf32>,
          %broadcast_in_dim3A_3967 = arith.constant 0.000000e+00 : f32
          %broadcast_in_dim3A_3968 = vector.broadcast %broadcast_in_dim3A_3967 : f32 to vector<16xf32>
          %swap3A_3969 = arith.index_cast %while3A_3915 : i32 to index
          %swap3A_3970 = arith.constant 160 : index
          %swap3A_3971 = tpu.vector_load %arg9[%swap3A_3969, %swap3A_3970] {strides = array<i32>} : memref<64x384xf32, #tpu.memory_space<vmem>>, vector<16xf32>,
          tpu.vector_store %arg9[%swap3A_3969, %swap3A_3970], %broadcast_in_dim3A_3968 {strides = array<i32>} : memref<64x384xf32, #tpu.memory_space<vmem>>, vector<16xf32>,
          %broadcast_in_dim3A_3972 = arith.constant 0.000000e+00 : f32
          %broadcast_in_dim3A_3973 = vector.broadcast %broadcast_in_dim3A_3972 : f32 to vector<16xf32>
          %swap3A_3974 = arith.index_cast %while3A_3915 : i32 to index
          %swap3A_3975 = arith.constant 176 : index
          %swap3A_3976 = tpu.vector_load %arg9[%swap3A_3974, %swap3A_3975] {strides = array<i32>} : memref<64x384xf32, #tpu.memory_space<vmem>>, vector<16xf32>,
          tpu.vector_store %arg9[%swap3A_3974, %swap3A_3975], %broadcast_in_dim3A_3973 {strides = array<i32>} : memref<64x384xf32, #tpu.memory_space<vmem>>, vector<16xf32>,
          %broadcast_in_dim3A_3977 = arith.constant 0.000000e+00 : f32
          %broadcast_in_dim3A_3978 = vector.broadcast %broadcast_in_dim3A_3977 : f32 to vector<16xf32>
          %swap3A_3979 = arith.index_cast %while3A_3915 : i32 to index
          %swap3A_3980 = arith.constant 192 : index
          %swap3A_3981 = tpu.vector_load %arg9[%swap3A_3979, %swap3A_3980] {strides = array<i32>} : memref<64x384xf32, #tpu.memory_space<vmem>>, vector<16xf32>,
          tpu.vector_store %arg9[%swap3A_3979, %swap3A_3980], %broadcast_in_dim3A_3978 {strides = array<i32>} : memref<64x384xf32, #tpu.memory_space<vmem>>, vector<16xf32>,
          %broadcast_in_dim3A_3982 = arith.constant 0.000000e+00 : f32
          %broadcast_in_dim3A_3983 = vector.broadcast %broadcast_in_dim3A_3982 : f32 to vector<16xf32>
          %swap3A_3984 = arith.index_cast %while3A_3915 : i32 to index
          %swap3A_3985 = arith.constant 208 : index
          %swap3A_3986 = tpu.vector_load %arg9[%swap3A_3984, %swap3A_3985] {strides = array<i32>} : memref<64x384xf32, #tpu.memory_space<vmem>>, vector<16xf32>,
          tpu.vector_store %arg9[%swap3A_3984, %swap3A_3985], %broadcast_in_dim3A_3983 {strides = array<i32>} : memref<64x384xf32, #tpu.memory_space<vmem>>, vector<16xf32>,
          %broadcast_in_dim3A_3987 = arith.constant 0.000000e+00 : f32
          %broadcast_in_dim3A_3988 = vector.broadcast %broadcast_in_dim3A_3987 : f32 to vector<16xf32>
          %swap3A_3989 = arith.index_cast %while3A_3915 : i32 to index
          %swap3A_3990 = arith.constant 224 : index
          %swap3A_3991 = tpu.vector_load %arg9[%swap3A_3989, %swap3A_3990] {strides = array<i32>} : memref<64x384xf32, #tpu.memory_space<vmem>>, vector<16xf32>,
          tpu.vector_store %arg9[%swap3A_3989, %swap3A_3990], %broadcast_in_dim3A_3988 {strides = array<i32>} : memref<64x384xf32, #tpu.memory_space<vmem>>, vector<16xf32>,
          %broadcast_in_dim3A_3992 = arith.constant 0.000000e+00 : f32
          %broadcast_in_dim3A_3993 = vector.broadcast %broadcast_in_dim3A_3992 : f32 to vector<16xf32>
          %swap3A_3994 = arith.index_cast %while3A_3915 : i32 to index
          %swap3A_3995 = arith.constant 240 : index
          %swap3A_3996 = tpu.vector_load %arg9[%swap3A_3994, %swap3A_3995] {strides = array<i32>} : memref<64x384xf32, #tpu.memory_space<vmem>>, vector<16xf32>,
          tpu.vector_store %arg9[%swap3A_3994, %swap3A_3995], %broadcast_in_dim3A_3993 {strides = array<i32>} : memref<64x384xf32, #tpu.memory_space<vmem>>, vector<16xf32>,
          %broadcast_in_dim3A_3997 = arith.constant 0.000000e+00 : f32
          %broadcast_in_dim3A_3998 = vector.broadcast %broadcast_in_dim3A_3997 : f32 to vector<16xf32>
          %swap3A_3999 = arith.index_cast %while3A_3915 : i32 to index
          %swap3A_4000 = arith.constant 256 : index
          %swap3A_4001 = tpu.vector_load %arg9[%swap3A_3999, %swap3A_4000] {strides = array<i32>} : memref<64x384xf32, #tpu.memory_space<vmem>>, vector<16xf32>,
          tpu.vector_store %arg9[%swap3A_3999, %swap3A_4000], %broadcast_in_dim3A_3998 {strides = array<i32>} : memref<64x384xf32, #tpu.memory_space<vmem>>, vector<16xf32>,
          %broadcast_in_dim3A_4002 = arith.constant 0.000000e+00 : f32
          %broadcast_in_dim3A_4003 = vector.broadcast %broadcast_in_dim3A_4002 : f32 to vector<16xf32>
          %swap3A_4004 = arith.index_cast %while3A_3915 : i32 to index
          %swap3A_4005 = arith.constant 272 : index
          %swap3A_4006 = tpu.vector_load %arg9[%swap3A_4004, %swap3A_4005] {strides = array<i32>} : memref<64x384xf32, #tpu.memory_space<vmem>>, vector<16xf32>,
          tpu.vector_store %arg9[%swap3A_4004, %swap3A_4005], %broadcast_in_dim3A_4003 {strides = array<i32>} : memref<64x384xf32, #tpu.memory_space<vmem>>, vector<16xf32>,
          %broadcast_in_dim3A_4007 = arith.constant 0.000000e+00 : f32
          %broadcast_in_dim3A_4008 = vector.broadcast %broadcast_in_dim3A_4007 : f32 to vector<16xf32>
          %swap3A_4009 = arith.index_cast %while3A_3915 : i32 to index
          %swap3A_4010 = arith.constant 288 : index
          %swap3A_4011 = tpu.vector_load %arg9[%swap3A_4009, %swap3A_4010] {strides = array<i32>} : memref<64x384xf32, #tpu.memory_space<vmem>>, vector<16xf32>,
          tpu.vector_store %arg9[%swap3A_4009, %swap3A_4010], %broadcast_in_dim3A_4008 {strides = array<i32>} : memref<64x384xf32, #tpu.memory_space<vmem>>, vector<16xf32>,
          %broadcast_in_dim3A_4012 = arith.constant 0.000000e+00 : f32
          %broadcast_in_dim3A_4013 = vector.broadcast %broadcast_in_dim3A_4012 : f32 to vector<16xf32>
          %swap3A_4014 = arith.index_cast %while3A_3915 : i32 to index
          %swap3A_4015 = arith.constant 304 : index
          %swap3A_4016 = tpu.vector_load %arg9[%swap3A_4014, %swap3A_4015] {strides = array<i32>} : memref<64x384xf32, #tpu.memory_space<vmem>>, vector<16xf32>,
          tpu.vector_store %arg9[%swap3A_4014, %swap3A_4015], %broadcast_in_dim3A_4013 {strides = array<i32>} : memref<64x384xf32, #tpu.memory_space<vmem>>, vector<16xf32>,
          %broadcast_in_dim3A_4017 = arith.constant 0.000000e+00 : f32
          %broadcast_in_dim3A_4018 = vector.broadcast %broadcast_in_dim3A_4017 : f32 to vector<16xf32>
          %swap3A_4019 = arith.index_cast %while3A_3915 : i32 to index
          %swap3A_4020 = arith.constant 320 : index
          %swap3A_4021 = tpu.vector_load %arg9[%swap3A_4019, %swap3A_4020] {strides = array<i32>} : memref<64x384xf32, #tpu.memory_space<vmem>>, vector<16xf32>,
          tpu.vector_store %arg9[%swap3A_4019, %swap3A_4020], %broadcast_in_dim3A_4018 {strides = array<i32>} : memref<64x384xf32, #tpu.memory_space<vmem>>, vector<16xf32>,
          %broadcast_in_dim3A_4022 = arith.constant 0.000000e+00 : f32
          %broadcast_in_dim3A_4023 = vector.broadcast %broadcast_in_dim3A_4022 : f32 to vector<16xf32>
          %swap3A_4024 = arith.index_cast %while3A_3915 : i32 to index
          %swap3A_4025 = arith.constant 336 : index
          %swap3A_4026 = tpu.vector_load %arg9[%swap3A_4024, %swap3A_4025] {strides = array<i32>} : memref<64x384xf32, #tpu.memory_space<vmem>>, vector<16xf32>,
          tpu.vector_store %arg9[%swap3A_4024, %swap3A_4025], %broadcast_in_dim3A_4023 {strides = array<i32>} : memref<64x384xf32, #tpu.memory_space<vmem>>, vector<16xf32>,
          %broadcast_in_dim3A_4027 = arith.constant 0.000000e+00 : f32
          %broadcast_in_dim3A_4028 = vector.broadcast %broadcast_in_dim3A_4027 : f32 to vector<16xf32>
          %swap3A_4029 = arith.index_cast %while3A_3915 : i32 to index
          %swap3A_4030 = arith.constant 352 : index
          %swap3A_4031 = tpu.vector_load %arg9[%swap3A_4029, %swap3A_4030] {strides = array<i32>} : memref<64x384xf32, #tpu.memory_space<vmem>>, vector<16xf32>,
          tpu.vector_store %arg9[%swap3A_4029, %swap3A_4030], %broadcast_in_dim3A_4028 {strides = array<i32>} : memref<64x384xf32, #tpu.memory_space<vmem>>, vector<16xf32>,
          %broadcast_in_dim3A_4032 = arith.constant 0.000000e+00 : f32
          %broadcast_in_dim3A_4033 = vector.broadcast %broadcast_in_dim3A_4032 : f32 to vector<16xf32>
          %swap3A_4034 = arith.index_cast %while3A_3915 : i32 to index
          %swap3A_4035 = arith.constant 368 : index
          %swap3A_4036 = tpu.vector_load %arg9[%swap3A_4034, %swap3A_4035] {strides = array<i32>} : memref<64x384xf32, #tpu.memory_space<vmem>>, vector<16xf32>,
          tpu.vector_store %arg9[%swap3A_4034, %swap3A_4035], %broadcast_in_dim3A_4033 {strides = array<i32>} : memref<64x384xf32, #tpu.memory_space<vmem>>, vector<16xf32>,
          %while3A_4037 = arith.constant 0 : i32
          scf.yield %while3A_4037 : i32
        }
      } else {
      }
      %add3A_3898 = arith.constant 0 : i32
      %add3A_3899 = arith.addi %add3A_879, %add3A_3898 : i32
      %dma_start3A_3900 = arith.constant 0 : i32
      %dma_start3A_3901 = tpu.memref_slice %arg5[%add3A_3899, %dma_start3A_3900] : memref<4096x384xf32, #tpu.memory_space<hbm>> -> memref<64x384xf32, #tpu.memory_space<hbm>>
      %dma_start3A_3902 = arith.constant 0 : i32
      %dma_start3A_3903 = tpu.memref_slice %arg5[%add3A_3899, %dma_start3A_3902] : memref<4096x384xf32, #tpu.memory_space<hbm>> -> memref<64x384xf32, #tpu.memory_space<hbm>>
      tpu.enqueue_dma source(%arg9 : memref<64x384xf32, #tpu.memory_space<vmem>>) target(%dma_start3A_3903 : memref<64x384xf32, #tpu.memory_space<hbm>>) target_semaphore(%arg14 : memref<!tpu.dma_semaphore, #tpu.memory_space<semaphore_mem>>)
    } else {
    }
    %le3A_3855 = arith.constant 0 : i32
    %le3A_3856 = arith.cmpi sle, %sub3A_3849, %le3A_3855 : i32
    %convert_element_type3A_3857 = arith.extui %le3A_3856 : i1 to i32
    %cond3A_3858 = arith.constant 0 : i32
    %cond3A_3859 = arith.cmpi ne, %convert_element_type3A_3857, %cond3A_3858 : i32
    scf.if %cond3A_3859 {
      %add3A_3885 = arith.constant 0 : i32
      %add3A_3886 = arith.addi %add3A_879, %add3A_3885 : i32
      %dma_start3A_3887 = arith.constant 0 : i32
      %dma_start3A_3888 = tpu.memref_slice %arg5[%add3A_3886, %dma_start3A_3887] : memref<4096x384xf32, #tpu.memory_space<hbm>> -> memref<64x384xf32, #tpu.memory_space<hbm>>
      %dma_start3A_3889 = arith.constant 0 : i32
      %dma_start3A_3890 = tpu.memref_slice %arg5[%add3A_3886, %dma_start3A_3889] : memref<4096x384xf32, #tpu.memory_space<hbm>> -> memref<64x384xf32, #tpu.memory_space<hbm>>
      tpu.enqueue_dma source(%arg11 : memref<64x384xf32, #tpu.memory_space<vmem>>) target(%dma_start3A_3890 : memref<64x384xf32, #tpu.memory_space<hbm>>) target_semaphore(%arg14 : memref<!tpu.dma_semaphore, #tpu.memory_space<semaphore_mem>>)
    } else {
    }
    %add3A_3860 = arith.constant 64 : i32
    %add3A_3861 = arith.addi %mul3A_876, %add3A_3860 : i32
    %sub3A_3862 = arith.subi %add3A_872, %add3A_3861 : i32
    %gt3A_3863 = arith.constant 0 : i32
    %gt3A_3864 = arith.cmpi sgt, %sub3A_3862, %gt3A_3863 : i32
    %convert_element_type3A_3865 = arith.extui %gt3A_3864 : i1 to i32
    %cond3A_3866 = arith.constant 0 : i32
    %cond3A_3867 = arith.cmpi ne, %convert_element_type3A_3865, %cond3A_3866 : i32
    scf.if %cond3A_3867 {
      %add3A_3885 = arith.constant 1 : i32
      %add3A_3886 = arith.addi %mul3A_874, %add3A_3885 : i32
      %dma_wait3A_3887 = arith.constant 0 : i32
      %dma_wait3A_3888 = tpu.memref_slice %arg8[%add3A_3886, %dma_wait3A_3887] : memref<32x64xi32, #tpu.memory_space<vmem>> -> memref<1x64xi32, #tpu.memory_space<vmem>>
      %dma_wait3A_3889 = tpu.memref_squeeze %dma_wait3A_3888 : memref<1x64xi32, #tpu.memory_space<vmem>> -> memref<64xi32, #tpu.memory_space<vmem>>
      %dma_wait3A_3890 = arith.constant 0 : i32
      %dma_wait3A_3891 = arith.constant 0 : i32
      %dma_wait3A_3892 = tpu.memref_slice %arg2[%dma_wait3A_3890, %dma_wait3A_3891] : memref<8192x384xf32, #tpu.memory_space<hbm>> -> memref<8192x384xf32, #tpu.memory_space<hbm>>
      tpu.wait_indirect_dma semaphore(%arg13 : memref<!tpu.dma_semaphore, #tpu.memory_space<semaphore_mem>>) src(%dma_wait3A_3892 : memref<8192x384xf32, #tpu.memory_space<hbm>>) dst(%arg10 : memref<64x384xf32, #tpu.memory_space<vmem>>)
      %lt3A_3893 = arith.constant 64 : i32
      %lt3A_3894 = arith.cmpi slt, %sub3A_3862, %lt3A_3893 : i32
      %convert_element_type3A_3895 = arith.extui %lt3A_3894 : i1 to i32
      %cond3A_3896 = arith.constant 0 : i32
      %cond3A_3897 = arith.cmpi ne, %convert_element_type3A_3895, %cond3A_3896 : i32
      scf.if %cond3A_3897 {
        %while3A = arith.constant 64 : i32
        %while3A_3904 = arith.constant 0 : i32
        %while3A_3905 = arith.subi %while3A, %sub3A_3862 : i32
        %while3A_3906 = arith.addi %sub3A_3862, %while3A_3905 : i32
        %while3A_3907 = arith.constant 1 : i32
        %while3A_3908 = arith.divsi %while3A_3905, %while3A_3907 : i32
        %while3A_3909 = arith.muli %while3A_3908, %while3A_3907 : i32
        %while3A_3910 = arith.addi %sub3A_3862, %while3A_3909 : i32
        %while3A_3911 = arith.constant 1 : i32
        %while3A_3912 = scf.for %while3A_3915 = %sub3A_3862 to %while3A_3910 step %while3A_3911 iter_args(%while3A_3916 = %while3A_3904) -> (i32)  : i32 {
          %broadcast_in_dim3A_3917 = arith.constant 0.000000e+00 : f32
          %broadcast_in_dim3A_3918 = vector.broadcast %broadcast_in_dim3A_3917 : f32 to vector<16xf32>
          %swap3A_3919 = arith.index_cast %while3A_3915 : i32 to index
          %swap3A_3920 = arith.constant 0 : index
          %swap3A_3921 = tpu.vector_load %arg10[%swap3A_3919, %swap3A_3920] {strides = array<i32>} : memref<64x384xf32, #tpu.memory_space<vmem>>, vector<16xf32>,
          tpu.vector_store %arg10[%swap3A_3919, %swap3A_3920], %broadcast_in_dim3A_3918 {strides = array<i32>} : memref<64x384xf32, #tpu.memory_space<vmem>>, vector<16xf32>,
          %broadcast_in_dim3A_3922 = arith.constant 0.000000e+00 : f32
          %broadcast_in_dim3A_3923 = vector.broadcast %broadcast_in_dim3A_3922 : f32 to vector<16xf32>
          %swap3A_3924 = arith.index_cast %while3A_3915 : i32 to index
          %swap3A_3925 = arith.constant 16 : index
          %swap3A_3926 = tpu.vector_load %arg10[%swap3A_3924, %swap3A_3925] {strides = array<i32>} : memref<64x384xf32, #tpu.memory_space<vmem>>, vector<16xf32>,
          tpu.vector_store %arg10[%swap3A_3924, %swap3A_3925], %broadcast_in_dim3A_3923 {strides = array<i32>} : memref<64x384xf32, #tpu.memory_space<vmem>>, vector<16xf32>,
          %broadcast_in_dim3A_3927 = arith.constant 0.000000e+00 : f32
          %broadcast_in_dim3A_3928 = vector.broadcast %broadcast_in_dim3A_3927 : f32 to vector<16xf32>
          %swap3A_3929 = arith.index_cast %while3A_3915 : i32 to index
          %swap3A_3930 = arith.constant 32 : index
          %swap3A_3931 = tpu.vector_load %arg10[%swap3A_3929, %swap3A_3930] {strides = array<i32>} : memref<64x384xf32, #tpu.memory_space<vmem>>, vector<16xf32>,
          tpu.vector_store %arg10[%swap3A_3929, %swap3A_3930], %broadcast_in_dim3A_3928 {strides = array<i32>} : memref<64x384xf32, #tpu.memory_space<vmem>>, vector<16xf32>,
          %broadcast_in_dim3A_3932 = arith.constant 0.000000e+00 : f32
          %broadcast_in_dim3A_3933 = vector.broadcast %broadcast_in_dim3A_3932 : f32 to vector<16xf32>
          %swap3A_3934 = arith.index_cast %while3A_3915 : i32 to index
          %swap3A_3935 = arith.constant 48 : index
          %swap3A_3936 = tpu.vector_load %arg10[%swap3A_3934, %swap3A_3935] {strides = array<i32>} : memref<64x384xf32, #tpu.memory_space<vmem>>, vector<16xf32>,
          tpu.vector_store %arg10[%swap3A_3934, %swap3A_3935], %broadcast_in_dim3A_3933 {strides = array<i32>} : memref<64x384xf32, #tpu.memory_space<vmem>>, vector<16xf32>,
          %broadcast_in_dim3A_3937 = arith.constant 0.000000e+00 : f32
          %broadcast_in_dim3A_3938 = vector.broadcast %broadcast_in_dim3A_3937 : f32 to vector<16xf32>
          %swap3A_3939 = arith.index_cast %while3A_3915 : i32 to index
          %swap3A_3940 = arith.constant 64 : index
          %swap3A_3941 = tpu.vector_load %arg10[%swap3A_3939, %swap3A_3940] {strides = array<i32>} : memref<64x384xf32, #tpu.memory_space<vmem>>, vector<16xf32>,
          tpu.vector_store %arg10[%swap3A_3939, %swap3A_3940], %broadcast_in_dim3A_3938 {strides = array<i32>} : memref<64x384xf32, #tpu.memory_space<vmem>>, vector<16xf32>,
          %broadcast_in_dim3A_3942 = arith.constant 0.000000e+00 : f32
          %broadcast_in_dim3A_3943 = vector.broadcast %broadcast_in_dim3A_3942 : f32 to vector<16xf32>
          %swap3A_3944 = arith.index_cast %while3A_3915 : i32 to index
          %swap3A_3945 = arith.constant 80 : index
          %swap3A_3946 = tpu.vector_load %arg10[%swap3A_3944, %swap3A_3945] {strides = array<i32>} : memref<64x384xf32, #tpu.memory_space<vmem>>, vector<16xf32>,
          tpu.vector_store %arg10[%swap3A_3944, %swap3A_3945], %broadcast_in_dim3A_3943 {strides = array<i32>} : memref<64x384xf32, #tpu.memory_space<vmem>>, vector<16xf32>,
          %broadcast_in_dim3A_3947 = arith.constant 0.000000e+00 : f32
          %broadcast_in_dim3A_3948 = vector.broadcast %broadcast_in_dim3A_3947 : f32 to vector<16xf32>
          %swap3A_3949 = arith.index_cast %while3A_3915 : i32 to index
          %swap3A_3950 = arith.constant 96 : index
          %swap3A_3951 = tpu.vector_load %arg10[%swap3A_3949, %swap3A_3950] {strides = array<i32>} : memref<64x384xf32, #tpu.memory_space<vmem>>, vector<16xf32>,
          tpu.vector_store %arg10[%swap3A_3949, %swap3A_3950], %broadcast_in_dim3A_3948 {strides = array<i32>} : memref<64x384xf32, #tpu.memory_space<vmem>>, vector<16xf32>,
          %broadcast_in_dim3A_3952 = arith.constant 0.000000e+00 : f32
          %broadcast_in_dim3A_3953 = vector.broadcast %broadcast_in_dim3A_3952 : f32 to vector<16xf32>
          %swap3A_3954 = arith.index_cast %while3A_3915 : i32 to index
          %swap3A_3955 = arith.constant 112 : index
          %swap3A_3956 = tpu.vector_load %arg10[%swap3A_3954, %swap3A_3955] {strides = array<i32>} : memref<64x384xf32, #tpu.memory_space<vmem>>, vector<16xf32>,
          tpu.vector_store %arg10[%swap3A_3954, %swap3A_3955], %broadcast_in_dim3A_3953 {strides = array<i32>} : memref<64x384xf32, #tpu.memory_space<vmem>>, vector<16xf32>,
          %broadcast_in_dim3A_3957 = arith.constant 0.000000e+00 : f32
          %broadcast_in_dim3A_3958 = vector.broadcast %broadcast_in_dim3A_3957 : f32 to vector<16xf32>
          %swap3A_3959 = arith.index_cast %while3A_3915 : i32 to index
          %swap3A_3960 = arith.constant 128 : index
          %swap3A_3961 = tpu.vector_load %arg10[%swap3A_3959, %swap3A_3960] {strides = array<i32>} : memref<64x384xf32, #tpu.memory_space<vmem>>, vector<16xf32>,
          tpu.vector_store %arg10[%swap3A_3959, %swap3A_3960], %broadcast_in_dim3A_3958 {strides = array<i32>} : memref<64x384xf32, #tpu.memory_space<vmem>>, vector<16xf32>,
          %broadcast_in_dim3A_3962 = arith.constant 0.000000e+00 : f32
          %broadcast_in_dim3A_3963 = vector.broadcast %broadcast_in_dim3A_3962 : f32 to vector<16xf32>
          %swap3A_3964 = arith.index_cast %while3A_3915 : i32 to index
          %swap3A_3965 = arith.constant 144 : index
          %swap3A_3966 = tpu.vector_load %arg10[%swap3A_3964, %swap3A_3965] {strides = array<i32>} : memref<64x384xf32, #tpu.memory_space<vmem>>, vector<16xf32>,
          tpu.vector_store %arg10[%swap3A_3964, %swap3A_3965], %broadcast_in_dim3A_3963 {strides = array<i32>} : memref<64x384xf32, #tpu.memory_space<vmem>>, vector<16xf32>,
          %broadcast_in_dim3A_3967 = arith.constant 0.000000e+00 : f32
          %broadcast_in_dim3A_3968 = vector.broadcast %broadcast_in_dim3A_3967 : f32 to vector<16xf32>
          %swap3A_3969 = arith.index_cast %while3A_3915 : i32 to index
          %swap3A_3970 = arith.constant 160 : index
          %swap3A_3971 = tpu.vector_load %arg10[%swap3A_3969, %swap3A_3970] {strides = array<i32>} : memref<64x384xf32, #tpu.memory_space<vmem>>, vector<16xf32>,
          tpu.vector_store %arg10[%swap3A_3969, %swap3A_3970], %broadcast_in_dim3A_3968 {strides = array<i32>} : memref<64x384xf32, #tpu.memory_space<vmem>>, vector<16xf32>,
          %broadcast_in_dim3A_3972 = arith.constant 0.000000e+00 : f32
          %broadcast_in_dim3A_3973 = vector.broadcast %broadcast_in_dim3A_3972 : f32 to vector<16xf32>
          %swap3A_3974 = arith.index_cast %while3A_3915 : i32 to index
          %swap3A_3975 = arith.constant 176 : index
          %swap3A_3976 = tpu.vector_load %arg10[%swap3A_3974, %swap3A_3975] {strides = array<i32>} : memref<64x384xf32, #tpu.memory_space<vmem>>, vector<16xf32>,
          tpu.vector_store %arg10[%swap3A_3974, %swap3A_3975], %broadcast_in_dim3A_3973 {strides = array<i32>} : memref<64x384xf32, #tpu.memory_space<vmem>>, vector<16xf32>,
          %broadcast_in_dim3A_3977 = arith.constant 0.000000e+00 : f32
          %broadcast_in_dim3A_3978 = vector.broadcast %broadcast_in_dim3A_3977 : f32 to vector<16xf32>
          %swap3A_3979 = arith.index_cast %while3A_3915 : i32 to index
          %swap3A_3980 = arith.constant 192 : index
          %swap3A_3981 = tpu.vector_load %arg10[%swap3A_3979, %swap3A_3980] {strides = array<i32>} : memref<64x384xf32, #tpu.memory_space<vmem>>, vector<16xf32>,
          tpu.vector_store %arg10[%swap3A_3979, %swap3A_3980], %broadcast_in_dim3A_3978 {strides = array<i32>} : memref<64x384xf32, #tpu.memory_space<vmem>>, vector<16xf32>,
          %broadcast_in_dim3A_3982 = arith.constant 0.000000e+00 : f32
          %broadcast_in_dim3A_3983 = vector.broadcast %broadcast_in_dim3A_3982 : f32 to vector<16xf32>
          %swap3A_3984 = arith.index_cast %while3A_3915 : i32 to index
          %swap3A_3985 = arith.constant 208 : index
          %swap3A_3986 = tpu.vector_load %arg10[%swap3A_3984, %swap3A_3985] {strides = array<i32>} : memref<64x384xf32, #tpu.memory_space<vmem>>, vector<16xf32>,
          tpu.vector_store %arg10[%swap3A_3984, %swap3A_3985], %broadcast_in_dim3A_3983 {strides = array<i32>} : memref<64x384xf32, #tpu.memory_space<vmem>>, vector<16xf32>,
          %broadcast_in_dim3A_3987 = arith.constant 0.000000e+00 : f32
          %broadcast_in_dim3A_3988 = vector.broadcast %broadcast_in_dim3A_3987 : f32 to vector<16xf32>
          %swap3A_3989 = arith.index_cast %while3A_3915 : i32 to index
          %swap3A_3990 = arith.constant 224 : index
          %swap3A_3991 = tpu.vector_load %arg10[%swap3A_3989, %swap3A_3990] {strides = array<i32>} : memref<64x384xf32, #tpu.memory_space<vmem>>, vector<16xf32>,
          tpu.vector_store %arg10[%swap3A_3989, %swap3A_3990], %broadcast_in_dim3A_3988 {strides = array<i32>} : memref<64x384xf32, #tpu.memory_space<vmem>>, vector<16xf32>,
          %broadcast_in_dim3A_3992 = arith.constant 0.000000e+00 : f32
          %broadcast_in_dim3A_3993 = vector.broadcast %broadcast_in_dim3A_3992 : f32 to vector<16xf32>
          %swap3A_3994 = arith.index_cast %while3A_3915 : i32 to index
          %swap3A_3995 = arith.constant 240 : index
          %swap3A_3996 = tpu.vector_load %arg10[%swap3A_3994, %swap3A_3995] {strides = array<i32>} : memref<64x384xf32, #tpu.memory_space<vmem>>, vector<16xf32>,
          tpu.vector_store %arg10[%swap3A_3994, %swap3A_3995], %broadcast_in_dim3A_3993 {strides = array<i32>} : memref<64x384xf32, #tpu.memory_space<vmem>>, vector<16xf32>,
          %broadcast_in_dim3A_3997 = arith.constant 0.000000e+00 : f32
          %broadcast_in_dim3A_3998 = vector.broadcast %broadcast_in_dim3A_3997 : f32 to vector<16xf32>
          %swap3A_3999 = arith.index_cast %while3A_3915 : i32 to index
          %swap3A_4000 = arith.constant 256 : index
          %swap3A_4001 = tpu.vector_load %arg10[%swap3A_3999, %swap3A_4000] {strides = array<i32>} : memref<64x384xf32, #tpu.memory_space<vmem>>, vector<16xf32>,
          tpu.vector_store %arg10[%swap3A_3999, %swap3A_4000], %broadcast_in_dim3A_3998 {strides = array<i32>} : memref<64x384xf32, #tpu.memory_space<vmem>>, vector<16xf32>,
          %broadcast_in_dim3A_4002 = arith.constant 0.000000e+00 : f32
          %broadcast_in_dim3A_4003 = vector.broadcast %broadcast_in_dim3A_4002 : f32 to vector<16xf32>
          %swap3A_4004 = arith.index_cast %while3A_3915 : i32 to index
          %swap3A_4005 = arith.constant 272 : index
          %swap3A_4006 = tpu.vector_load %arg10[%swap3A_4004, %swap3A_4005] {strides = array<i32>} : memref<64x384xf32, #tpu.memory_space<vmem>>, vector<16xf32>,
          tpu.vector_store %arg10[%swap3A_4004, %swap3A_4005], %broadcast_in_dim3A_4003 {strides = array<i32>} : memref<64x384xf32, #tpu.memory_space<vmem>>, vector<16xf32>,
          %broadcast_in_dim3A_4007 = arith.constant 0.000000e+00 : f32
          %broadcast_in_dim3A_4008 = vector.broadcast %broadcast_in_dim3A_4007 : f32 to vector<16xf32>
          %swap3A_4009 = arith.index_cast %while3A_3915 : i32 to index
          %swap3A_4010 = arith.constant 288 : index
          %swap3A_4011 = tpu.vector_load %arg10[%swap3A_4009, %swap3A_4010] {strides = array<i32>} : memref<64x384xf32, #tpu.memory_space<vmem>>, vector<16xf32>,
          tpu.vector_store %arg10[%swap3A_4009, %swap3A_4010], %broadcast_in_dim3A_4008 {strides = array<i32>} : memref<64x384xf32, #tpu.memory_space<vmem>>, vector<16xf32>,
          %broadcast_in_dim3A_4012 = arith.constant 0.000000e+00 : f32
          %broadcast_in_dim3A_4013 = vector.broadcast %broadcast_in_dim3A_4012 : f32 to vector<16xf32>
          %swap3A_4014 = arith.index_cast %while3A_3915 : i32 to index
          %swap3A_4015 = arith.constant 304 : index
          %swap3A_4016 = tpu.vector_load %arg10[%swap3A_4014, %swap3A_4015] {strides = array<i32>} : memref<64x384xf32, #tpu.memory_space<vmem>>, vector<16xf32>,
          tpu.vector_store %arg10[%swap3A_4014, %swap3A_4015], %broadcast_in_dim3A_4013 {strides = array<i32>} : memref<64x384xf32, #tpu.memory_space<vmem>>, vector<16xf32>,
          %broadcast_in_dim3A_4017 = arith.constant 0.000000e+00 : f32
          %broadcast_in_dim3A_4018 = vector.broadcast %broadcast_in_dim3A_4017 : f32 to vector<16xf32>
          %swap3A_4019 = arith.index_cast %while3A_3915 : i32 to index
          %swap3A_4020 = arith.constant 320 : index
          %swap3A_4021 = tpu.vector_load %arg10[%swap3A_4019, %swap3A_4020] {strides = array<i32>} : memref<64x384xf32, #tpu.memory_space<vmem>>, vector<16xf32>,
          tpu.vector_store %arg10[%swap3A_4019, %swap3A_4020], %broadcast_in_dim3A_4018 {strides = array<i32>} : memref<64x384xf32, #tpu.memory_space<vmem>>, vector<16xf32>,
          %broadcast_in_dim3A_4022 = arith.constant 0.000000e+00 : f32
          %broadcast_in_dim3A_4023 = vector.broadcast %broadcast_in_dim3A_4022 : f32 to vector<16xf32>
          %swap3A_4024 = arith.index_cast %while3A_3915 : i32 to index
          %swap3A_4025 = arith.constant 336 : index
          %swap3A_4026 = tpu.vector_load %arg10[%swap3A_4024, %swap3A_4025] {strides = array<i32>} : memref<64x384xf32, #tpu.memory_space<vmem>>, vector<16xf32>,
          tpu.vector_store %arg10[%swap3A_4024, %swap3A_4025], %broadcast_in_dim3A_4023 {strides = array<i32>} : memref<64x384xf32, #tpu.memory_space<vmem>>, vector<16xf32>,
          %broadcast_in_dim3A_4027 = arith.constant 0.000000e+00 : f32
          %broadcast_in_dim3A_4028 = vector.broadcast %broadcast_in_dim3A_4027 : f32 to vector<16xf32>
          %swap3A_4029 = arith.index_cast %while3A_3915 : i32 to index
          %swap3A_4030 = arith.constant 352 : index
          %swap3A_4031 = tpu.vector_load %arg10[%swap3A_4029, %swap3A_4030] {strides = array<i32>} : memref<64x384xf32, #tpu.memory_space<vmem>>, vector<16xf32>,
          tpu.vector_store %arg10[%swap3A_4029, %swap3A_4030], %broadcast_in_dim3A_4028 {strides = array<i32>} : memref<64x384xf32, #tpu.memory_space<vmem>>, vector<16xf32>,
          %broadcast_in_dim3A_4032 = arith.constant 0.000000e+00 : f32
          %broadcast_in_dim3A_4033 = vector.broadcast %broadcast_in_dim3A_4032 : f32 to vector<16xf32>
          %swap3A_4034 = arith.index_cast %while3A_3915 : i32 to index
          %swap3A_4035 = arith.constant 368 : index
          %swap3A_4036 = tpu.vector_load %arg10[%swap3A_4034, %swap3A_4035] {strides = array<i32>} : memref<64x384xf32, #tpu.memory_space<vmem>>, vector<16xf32>,
          tpu.vector_store %arg10[%swap3A_4034, %swap3A_4035], %broadcast_in_dim3A_4033 {strides = array<i32>} : memref<64x384xf32, #tpu.memory_space<vmem>>, vector<16xf32>,
          %while3A_4037 = arith.constant 0 : i32
          scf.yield %while3A_4037 : i32
        }
        %while3A_3913 = arith.constant 1 : i32
        %while3A_3914 = scf.for %while3A_3915 = %while3A_3910 to %while3A_3906 step %while3A_3913 iter_args(%while3A_3916 = %while3A_3912) -> (i32)  : i32 {
          %broadcast_in_dim3A_3917 = arith.constant 0.000000e+00 : f32
          %broadcast_in_dim3A_3918 = vector.broadcast %broadcast_in_dim3A_3917 : f32 to vector<16xf32>
          %swap3A_3919 = arith.index_cast %while3A_3915 : i32 to index
          %swap3A_3920 = arith.constant 0 : index
          %swap3A_3921 = tpu.vector_load %arg10[%swap3A_3919, %swap3A_3920] {strides = array<i32>} : memref<64x384xf32, #tpu.memory_space<vmem>>, vector<16xf32>,
          tpu.vector_store %arg10[%swap3A_3919, %swap3A_3920], %broadcast_in_dim3A_3918 {strides = array<i32>} : memref<64x384xf32, #tpu.memory_space<vmem>>, vector<16xf32>,
          %broadcast_in_dim3A_3922 = arith.constant 0.000000e+00 : f32
          %broadcast_in_dim3A_3923 = vector.broadcast %broadcast_in_dim3A_3922 : f32 to vector<16xf32>
          %swap3A_3924 = arith.index_cast %while3A_3915 : i32 to index
          %swap3A_3925 = arith.constant 16 : index
          %swap3A_3926 = tpu.vector_load %arg10[%swap3A_3924, %swap3A_3925] {strides = array<i32>} : memref<64x384xf32, #tpu.memory_space<vmem>>, vector<16xf32>,
          tpu.vector_store %arg10[%swap3A_3924, %swap3A_3925], %broadcast_in_dim3A_3923 {strides = array<i32>} : memref<64x384xf32, #tpu.memory_space<vmem>>, vector<16xf32>,
          %broadcast_in_dim3A_3927 = arith.constant 0.000000e+00 : f32
          %broadcast_in_dim3A_3928 = vector.broadcast %broadcast_in_dim3A_3927 : f32 to vector<16xf32>
          %swap3A_3929 = arith.index_cast %while3A_3915 : i32 to index
          %swap3A_3930 = arith.constant 32 : index
          %swap3A_3931 = tpu.vector_load %arg10[%swap3A_3929, %swap3A_3930] {strides = array<i32>} : memref<64x384xf32, #tpu.memory_space<vmem>>, vector<16xf32>,
          tpu.vector_store %arg10[%swap3A_3929, %swap3A_3930], %broadcast_in_dim3A_3928 {strides = array<i32>} : memref<64x384xf32, #tpu.memory_space<vmem>>, vector<16xf32>,
          %broadcast_in_dim3A_3932 = arith.constant 0.000000e+00 : f32
          %broadcast_in_dim3A_3933 = vector.broadcast %broadcast_in_dim3A_3932 : f32 to vector<16xf32>
          %swap3A_3934 = arith.index_cast %while3A_3915 : i32 to index
          %swap3A_3935 = arith.constant 48 : index
          %swap3A_3936 = tpu.vector_load %arg10[%swap3A_3934, %swap3A_3935] {strides = array<i32>} : memref<64x384xf32, #tpu.memory_space<vmem>>, vector<16xf32>,
          tpu.vector_store %arg10[%swap3A_3934, %swap3A_3935], %broadcast_in_dim3A_3933 {strides = array<i32>} : memref<64x384xf32, #tpu.memory_space<vmem>>, vector<16xf32>,
          %broadcast_in_dim3A_3937 = arith.constant 0.000000e+00 : f32
          %broadcast_in_dim3A_3938 = vector.broadcast %broadcast_in_dim3A_3937 : f32 to vector<16xf32>
          %swap3A_3939 = arith.index_cast %while3A_3915 : i32 to index
          %swap3A_3940 = arith.constant 64 : index
          %swap3A_3941 = tpu.vector_load %arg10[%swap3A_3939, %swap3A_3940] {strides = array<i32>} : memref<64x384xf32, #tpu.memory_space<vmem>>, vector<16xf32>,
          tpu.vector_store %arg10[%swap3A_3939, %swap3A_3940], %broadcast_in_dim3A_3938 {strides = array<i32>} : memref<64x384xf32, #tpu.memory_space<vmem>>, vector<16xf32>,
          %broadcast_in_dim3A_3942 = arith.constant 0.000000e+00 : f32
          %broadcast_in_dim3A_3943 = vector.broadcast %broadcast_in_dim3A_3942 : f32 to vector<16xf32>
          %swap3A_3944 = arith.index_cast %while3A_3915 : i32 to index
          %swap3A_3945 = arith.constant 80 : index
          %swap3A_3946 = tpu.vector_load %arg10[%swap3A_3944, %swap3A_3945] {strides = array<i32>} : memref<64x384xf32, #tpu.memory_space<vmem>>, vector<16xf32>,
          tpu.vector_store %arg10[%swap3A_3944, %swap3A_3945], %broadcast_in_dim3A_3943 {strides = array<i32>} : memref<64x384xf32, #tpu.memory_space<vmem>>, vector<16xf32>,
          %broadcast_in_dim3A_3947 = arith.constant 0.000000e+00 : f32
          %broadcast_in_dim3A_3948 = vector.broadcast %broadcast_in_dim3A_3947 : f32 to vector<16xf32>
          %swap3A_3949 = arith.index_cast %while3A_3915 : i32 to index
          %swap3A_3950 = arith.constant 96 : index
          %swap3A_3951 = tpu.vector_load %arg10[%swap3A_3949, %swap3A_3950] {strides = array<i32>} : memref<64x384xf32, #tpu.memory_space<vmem>>, vector<16xf32>,
          tpu.vector_store %arg10[%swap3A_3949, %swap3A_3950], %broadcast_in_dim3A_3948 {strides = array<i32>} : memref<64x384xf32, #tpu.memory_space<vmem>>, vector<16xf32>,
          %broadcast_in_dim3A_3952 = arith.constant 0.000000e+00 : f32
          %broadcast_in_dim3A_3953 = vector.broadcast %broadcast_in_dim3A_3952 : f32 to vector<16xf32>
          %swap3A_3954 = arith.index_cast %while3A_3915 : i32 to index
          %swap3A_3955 = arith.constant 112 : index
          %swap3A_3956 = tpu.vector_load %arg10[%swap3A_3954, %swap3A_3955] {strides = array<i32>} : memref<64x384xf32, #tpu.memory_space<vmem>>, vector<16xf32>,
          tpu.vector_store %arg10[%swap3A_3954, %swap3A_3955], %broadcast_in_dim3A_3953 {strides = array<i32>} : memref<64x384xf32, #tpu.memory_space<vmem>>, vector<16xf32>,
          %broadcast_in_dim3A_3957 = arith.constant 0.000000e+00 : f32
          %broadcast_in_dim3A_3958 = vector.broadcast %broadcast_in_dim3A_3957 : f32 to vector<16xf32>
          %swap3A_3959 = arith.index_cast %while3A_3915 : i32 to index
          %swap3A_3960 = arith.constant 128 : index
          %swap3A_3961 = tpu.vector_load %arg10[%swap3A_3959, %swap3A_3960] {strides = array<i32>} : memref<64x384xf32, #tpu.memory_space<vmem>>, vector<16xf32>,
          tpu.vector_store %arg10[%swap3A_3959, %swap3A_3960], %broadcast_in_dim3A_3958 {strides = array<i32>} : memref<64x384xf32, #tpu.memory_space<vmem>>, vector<16xf32>,
          %broadcast_in_dim3A_3962 = arith.constant 0.000000e+00 : f32
          %broadcast_in_dim3A_3963 = vector.broadcast %broadcast_in_dim3A_3962 : f32 to vector<16xf32>
          %swap3A_3964 = arith.index_cast %while3A_3915 : i32 to index
          %swap3A_3965 = arith.constant 144 : index
          %swap3A_3966 = tpu.vector_load %arg10[%swap3A_3964, %swap3A_3965] {strides = array<i32>} : memref<64x384xf32, #tpu.memory_space<vmem>>, vector<16xf32>,
          tpu.vector_store %arg10[%swap3A_3964, %swap3A_3965], %broadcast_in_dim3A_3963 {strides = array<i32>} : memref<64x384xf32, #tpu.memory_space<vmem>>, vector<16xf32>,
          %broadcast_in_dim3A_3967 = arith.constant 0.000000e+00 : f32
          %broadcast_in_dim3A_3968 = vector.broadcast %broadcast_in_dim3A_3967 : f32 to vector<16xf32>
          %swap3A_3969 = arith.index_cast %while3A_3915 : i32 to index
          %swap3A_3970 = arith.constant 160 : index
          %swap3A_3971 = tpu.vector_load %arg10[%swap3A_3969, %swap3A_3970] {strides = array<i32>} : memref<64x384xf32, #tpu.memory_space<vmem>>, vector<16xf32>,
          tpu.vector_store %arg10[%swap3A_3969, %swap3A_3970], %broadcast_in_dim3A_3968 {strides = array<i32>} : memref<64x384xf32, #tpu.memory_space<vmem>>, vector<16xf32>,
          %broadcast_in_dim3A_3972 = arith.constant 0.000000e+00 : f32
          %broadcast_in_dim3A_3973 = vector.broadcast %broadcast_in_dim3A_3972 : f32 to vector<16xf32>
          %swap3A_3974 = arith.index_cast %while3A_3915 : i32 to index
          %swap3A_3975 = arith.constant 176 : index
          %swap3A_3976 = tpu.vector_load %arg10[%swap3A_3974, %swap3A_3975] {strides = array<i32>} : memref<64x384xf32, #tpu.memory_space<vmem>>, vector<16xf32>,
          tpu.vector_store %arg10[%swap3A_3974, %swap3A_3975], %broadcast_in_dim3A_3973 {strides = array<i32>} : memref<64x384xf32, #tpu.memory_space<vmem>>, vector<16xf32>,
          %broadcast_in_dim3A_3977 = arith.constant 0.000000e+00 : f32
          %broadcast_in_dim3A_3978 = vector.broadcast %broadcast_in_dim3A_3977 : f32 to vector<16xf32>
          %swap3A_3979 = arith.index_cast %while3A_3915 : i32 to index
          %swap3A_3980 = arith.constant 192 : index
          %swap3A_3981 = tpu.vector_load %arg10[%swap3A_3979, %swap3A_3980] {strides = array<i32>} : memref<64x384xf32, #tpu.memory_space<vmem>>, vector<16xf32>,
          tpu.vector_store %arg10[%swap3A_3979, %swap3A_3980], %broadcast_in_dim3A_3978 {strides = array<i32>} : memref<64x384xf32, #tpu.memory_space<vmem>>, vector<16xf32>,
          %broadcast_in_dim3A_3982 = arith.constant 0.000000e+00 : f32
          %broadcast_in_dim3A_3983 = vector.broadcast %broadcast_in_dim3A_3982 : f32 to vector<16xf32>
          %swap3A_3984 = arith.index_cast %while3A_3915 : i32 to index
          %swap3A_3985 = arith.constant 208 : index
          %swap3A_3986 = tpu.vector_load %arg10[%swap3A_3984, %swap3A_3985] {strides = array<i32>} : memref<64x384xf32, #tpu.memory_space<vmem>>, vector<16xf32>,
          tpu.vector_store %arg10[%swap3A_3984, %swap3A_3985], %broadcast_in_dim3A_3983 {strides = array<i32>} : memref<64x384xf32, #tpu.memory_space<vmem>>, vector<16xf32>,
          %broadcast_in_dim3A_3987 = arith.constant 0.000000e+00 : f32
          %broadcast_in_dim3A_3988 = vector.broadcast %broadcast_in_dim3A_3987 : f32 to vector<16xf32>
          %swap3A_3989 = arith.index_cast %while3A_3915 : i32 to index
          %swap3A_3990 = arith.constant 224 : index
          %swap3A_3991 = tpu.vector_load %arg10[%swap3A_3989, %swap3A_3990] {strides = array<i32>} : memref<64x384xf32, #tpu.memory_space<vmem>>, vector<16xf32>,
          tpu.vector_store %arg10[%swap3A_3989, %swap3A_3990], %broadcast_in_dim3A_3988 {strides = array<i32>} : memref<64x384xf32, #tpu.memory_space<vmem>>, vector<16xf32>,
          %broadcast_in_dim3A_3992 = arith.constant 0.000000e+00 : f32
          %broadcast_in_dim3A_3993 = vector.broadcast %broadcast_in_dim3A_3992 : f32 to vector<16xf32>
          %swap3A_3994 = arith.index_cast %while3A_3915 : i32 to index
          %swap3A_3995 = arith.constant 240 : index
          %swap3A_3996 = tpu.vector_load %arg10[%swap3A_3994, %swap3A_3995] {strides = array<i32>} : memref<64x384xf32, #tpu.memory_space<vmem>>, vector<16xf32>,
          tpu.vector_store %arg10[%swap3A_3994, %swap3A_3995], %broadcast_in_dim3A_3993 {strides = array<i32>} : memref<64x384xf32, #tpu.memory_space<vmem>>, vector<16xf32>,
          %broadcast_in_dim3A_3997 = arith.constant 0.000000e+00 : f32
          %broadcast_in_dim3A_3998 = vector.broadcast %broadcast_in_dim3A_3997 : f32 to vector<16xf32>
          %swap3A_3999 = arith.index_cast %while3A_3915 : i32 to index
          %swap3A_4000 = arith.constant 256 : index
          %swap3A_4001 = tpu.vector_load %arg10[%swap3A_3999, %swap3A_4000] {strides = array<i32>} : memref<64x384xf32, #tpu.memory_space<vmem>>, vector<16xf32>,
          tpu.vector_store %arg10[%swap3A_3999, %swap3A_4000], %broadcast_in_dim3A_3998 {strides = array<i32>} : memref<64x384xf32, #tpu.memory_space<vmem>>, vector<16xf32>,
          %broadcast_in_dim3A_4002 = arith.constant 0.000000e+00 : f32
          %broadcast_in_dim3A_4003 = vector.broadcast %broadcast_in_dim3A_4002 : f32 to vector<16xf32>
          %swap3A_4004 = arith.index_cast %while3A_3915 : i32 to index
          %swap3A_4005 = arith.constant 272 : index
          %swap3A_4006 = tpu.vector_load %arg10[%swap3A_4004, %swap3A_4005] {strides = array<i32>} : memref<64x384xf32, #tpu.memory_space<vmem>>, vector<16xf32>,
          tpu.vector_store %arg10[%swap3A_4004, %swap3A_4005], %broadcast_in_dim3A_4003 {strides = array<i32>} : memref<64x384xf32, #tpu.memory_space<vmem>>, vector<16xf32>,
          %broadcast_in_dim3A_4007 = arith.constant 0.000000e+00 : f32
          %broadcast_in_dim3A_4008 = vector.broadcast %broadcast_in_dim3A_4007 : f32 to vector<16xf32>
          %swap3A_4009 = arith.index_cast %while3A_3915 : i32 to index
          %swap3A_4010 = arith.constant 288 : index
          %swap3A_4011 = tpu.vector_load %arg10[%swap3A_4009, %swap3A_4010] {strides = array<i32>} : memref<64x384xf32, #tpu.memory_space<vmem>>, vector<16xf32>,
          tpu.vector_store %arg10[%swap3A_4009, %swap3A_4010], %broadcast_in_dim3A_4008 {strides = array<i32>} : memref<64x384xf32, #tpu.memory_space<vmem>>, vector<16xf32>,
          %broadcast_in_dim3A_4012 = arith.constant 0.000000e+00 : f32
          %broadcast_in_dim3A_4013 = vector.broadcast %broadcast_in_dim3A_4012 : f32 to vector<16xf32>
          %swap3A_4014 = arith.index_cast %while3A_3915 : i32 to index
          %swap3A_4015 = arith.constant 304 : index
          %swap3A_4016 = tpu.vector_load %arg10[%swap3A_4014, %swap3A_4015] {strides = array<i32>} : memref<64x384xf32, #tpu.memory_space<vmem>>, vector<16xf32>,
          tpu.vector_store %arg10[%swap3A_4014, %swap3A_4015], %broadcast_in_dim3A_4013 {strides = array<i32>} : memref<64x384xf32, #tpu.memory_space<vmem>>, vector<16xf32>,
          %broadcast_in_dim3A_4017 = arith.constant 0.000000e+00 : f32
          %broadcast_in_dim3A_4018 = vector.broadcast %broadcast_in_dim3A_4017 : f32 to vector<16xf32>
          %swap3A_4019 = arith.index_cast %while3A_3915 : i32 to index
          %swap3A_4020 = arith.constant 320 : index
          %swap3A_4021 = tpu.vector_load %arg10[%swap3A_4019, %swap3A_4020] {strides = array<i32>} : memref<64x384xf32, #tpu.memory_space<vmem>>, vector<16xf32>,
          tpu.vector_store %arg10[%swap3A_4019, %swap3A_4020], %broadcast_in_dim3A_4018 {strides = array<i32>} : memref<64x384xf32, #tpu.memory_space<vmem>>, vector<16xf32>,
          %broadcast_in_dim3A_4022 = arith.constant 0.000000e+00 : f32
          %broadcast_in_dim3A_4023 = vector.broadcast %broadcast_in_dim3A_4022 : f32 to vector<16xf32>
          %swap3A_4024 = arith.index_cast %while3A_3915 : i32 to index
          %swap3A_4025 = arith.constant 336 : index
          %swap3A_4026 = tpu.vector_load %arg10[%swap3A_4024, %swap3A_4025] {strides = array<i32>} : memref<64x384xf32, #tpu.memory_space<vmem>>, vector<16xf32>,
          tpu.vector_store %arg10[%swap3A_4024, %swap3A_4025], %broadcast_in_dim3A_4023 {strides = array<i32>} : memref<64x384xf32, #tpu.memory_space<vmem>>, vector<16xf32>,
          %broadcast_in_dim3A_4027 = arith.constant 0.000000e+00 : f32
          %broadcast_in_dim3A_4028 = vector.broadcast %broadcast_in_dim3A_4027 : f32 to vector<16xf32>
          %swap3A_4029 = arith.index_cast %while3A_3915 : i32 to index
          %swap3A_4030 = arith.constant 352 : index
          %swap3A_4031 = tpu.vector_load %arg10[%swap3A_4029, %swap3A_4030] {strides = array<i32>} : memref<64x384xf32, #tpu.memory_space<vmem>>, vector<16xf32>,
          tpu.vector_store %arg10[%swap3A_4029, %swap3A_4030], %broadcast_in_dim3A_4028 {strides = array<i32>} : memref<64x384xf32, #tpu.memory_space<vmem>>, vector<16xf32>,
          %broadcast_in_dim3A_4032 = arith.constant 0.000000e+00 : f32
          %broadcast_in_dim3A_4033 = vector.broadcast %broadcast_in_dim3A_4032 : f32 to vector<16xf32>
          %swap3A_4034 = arith.index_cast %while3A_3915 : i32 to index
          %swap3A_4035 = arith.constant 368 : index
          %swap3A_4036 = tpu.vector_load %arg10[%swap3A_4034, %swap3A_4035] {strides = array<i32>} : memref<64x384xf32, #tpu.memory_space<vmem>>, vector<16xf32>,
          tpu.vector_store %arg10[%swap3A_4034, %swap3A_4035], %broadcast_in_dim3A_4033 {strides = array<i32>} : memref<64x384xf32, #tpu.memory_space<vmem>>, vector<16xf32>,
          %while3A_4037 = arith.constant 0 : i32
          scf.yield %while3A_4037 : i32
        }
      } else {
      }
      %add3A_3898 = arith.constant 64 : i32
      %add3A_3899 = arith.addi %add3A_879, %add3A_3898 : i32
      %dma_start3A_3900 = arith.constant 0 : i32
      %dma_start3A_3901 = tpu.memref_slice %arg5[%add3A_3899, %dma_start3A_3900] : memref<4096x384xf32, #tpu.memory_space<hbm>> -> memref<64x384xf32, #tpu.memory_space<hbm>>
      %dma_start3A_3902 = arith.constant 0 : i32
      %dma_start3A_3903 = tpu.memref_slice %arg5[%add3A_3899, %dma_start3A_3902] : memref<4096x384xf32, #tpu.memory_space<hbm>> -> memref<64x384xf32, #tpu.memory_space<hbm>>
      tpu.enqueue_dma source(%arg10 : memref<64x384xf32, #tpu.memory_space<vmem>>) target(%dma_start3A_3903 : memref<64x384xf32, #tpu.memory_space<hbm>>) target_semaphore(%arg15 : memref<!tpu.dma_semaphore, #tpu.memory_space<semaphore_mem>>)
    } else {
    }
    %le3A_3868 = arith.constant 0 : i32
    %le3A_3869 = arith.cmpi sle, %sub3A_3862, %le3A_3868 : i32
    %convert_element_type3A_3870 = arith.extui %le3A_3869 : i1 to i32
    %cond3A_3871 = arith.constant 0 : i32
    %cond3A_3872 = arith.cmpi ne, %convert_element_type3A_3870, %cond3A_3871 : i32
    scf.if %cond3A_3872 {
      %add3A_3885 = arith.constant 64 : i32
      %add3A_3886 = arith.addi %add3A_879, %add3A_3885 : i32
      %dma_start3A_3887 = arith.constant 0 : i32
      %dma_start3A_3888 = tpu.memref_slice %arg5[%add3A_3886, %dma_start3A_3887] : memref<4096x384xf32, #tpu.memory_space<hbm>> -> memref<64x384xf32, #tpu.memory_space<hbm>>
      %dma_start3A_3889 = arith.constant 0 : i32
      %dma_start3A_3890 = tpu.memref_slice %arg5[%add3A_3886, %dma_start3A_3889] : memref<4096x384xf32, #tpu.memory_space<hbm>> -> memref<64x384xf32, #tpu.memory_space<hbm>>
      tpu.enqueue_dma source(%arg11 : memref<64x384xf32, #tpu.memory_space<vmem>>) target(%dma_start3A_3890 : memref<64x384xf32, #tpu.memory_space<hbm>>) target_semaphore(%arg15 : memref<!tpu.dma_semaphore, #tpu.memory_space<semaphore_mem>>)
    } else {
    }
    %add3A_3873 = arith.constant 0 : i32
    %add3A_3874 = arith.addi %add3A_879, %add3A_3873 : i32
    %dma_wait3A_3875 = arith.constant 0 : i32
    %dma_wait3A_3876 = tpu.memref_slice %arg5[%add3A_3874, %dma_wait3A_3875] : memref<4096x384xf32, #tpu.memory_space<hbm>> -> memref<64x384xf32, #tpu.memory_space<hbm>>
    %dma_wait3A_3877 = arith.constant 0 : i32
    %dma_wait3A_3878 = tpu.memref_slice %arg5[%add3A_3874, %dma_wait3A_3877] : memref<4096x384xf32, #tpu.memory_space<hbm>> -> memref<64x384xf32, #tpu.memory_space<hbm>>
    tpu.wait_dma2 semaphore(%arg14 : memref<!tpu.dma_semaphore, #tpu.memory_space<semaphore_mem>>) src(%arg9 : memref<64x384xf32, #tpu.memory_space<vmem>>) dst(%dma_wait3A_3878 : memref<64x384xf32, #tpu.memory_space<hbm>>)
    %add3A_3879 = arith.constant 64 : i32
    %add3A_3880 = arith.addi %add3A_879, %add3A_3879 : i32
    %dma_wait3A_3881 = arith.constant 0 : i32
    %dma_wait3A_3882 = tpu.memref_slice %arg5[%add3A_3880, %dma_wait3A_3881] : memref<4096x384xf32, #tpu.memory_space<hbm>> -> memref<64x384xf32, #tpu.memory_space<hbm>>
    %dma_wait3A_3883 = arith.constant 0 : i32
    %dma_wait3A_3884 = tpu.memref_slice %arg5[%add3A_3880, %dma_wait3A_3883] : memref<4096x384xf32, #tpu.memory_space<hbm>> -> memref<64x384xf32, #tpu.memory_space<hbm>>
    tpu.wait_dma2 semaphore(%arg15 : memref<!tpu.dma_semaphore, #tpu.memory_space<semaphore_mem>>) src(%arg10 : memref<64x384xf32, #tpu.memory_space<vmem>>) dst(%dma_wait3A_3884 : memref<64x384xf32, #tpu.memory_space<hbm>>)
    return
  }
}

module attributes {stable_mosaic.version = 14 : i64} {
  func.func @_tc_body(%arg0: i32, %arg1: memref<1x1x512xi32, #tpu.memory_space<vmem>>, %arg2: memref<1x512x384xf32, #tpu.memory_space<vmem>>, %arg3: memref<1x2048x384xf32, #tpu.memory_space<vmem>>) attributes {dimension_semantics = [#tpu.dimension_semantics<arbitrary>], iteration_bounds = array<i64: 14>, scalar_prefetch = 0 : i64, scratch_operands = 0 : i64, tpu.core_type = #tpu.core_type<tc>, window_params = [{transform_indices = @transform_0, window_bounds = array<i64: 1, 1, 512>}, {transform_indices = @transform_1, window_bounds = array<i64: 1, 512, 384>}, {transform_indices = @transform_2, window_bounds = array<i64: 1, 2048, 384>}]} {
    %get3A = arith.constant 0 : index
    %get3A_0 = arith.constant 0 : index
    %get3A_1 = arith.constant 0 : index
    %get3A_2 = vector.load %arg1[%get3A, %get3A_0, %get3A_1] : memref<1x1x512xi32, #tpu.memory_space<vmem>>, vector<1x1x512xi32>
    %get3A_3 = vector.shape_cast %get3A_2 : vector<1x1x512xi32> to vector<1x512xi32>
    %max3A = arith.constant 1 : i32
    %max3A_4 = vector.broadcast %max3A : i32 to vector<1x512xi32>
    %max3A_5 = arith.maxsi %get3A_3, %max3A_4 : vector<1x512xi32>
    %convert_element_type3A = arith.sitofp %max3A_5 : vector<1x512xi32> to vector<1x512xf32>
    %iota3A = tpu.iota {dimensions = array<i32: 0>} : vector<512x512xi32>
    %iota3A_6 = tpu.iota {dimensions = array<i32: 1>} : vector<512x512xi32>
    %le3A = arith.cmpi sle, %iota3A, %iota3A_6 : vector<512x512xi32>
    %convert_element_type3A_7 = arith.extui %le3A : vector<512x512xi1> to vector<512x512xi32>
    %convert_element_type3A_8 = arith.sitofp %convert_element_type3A_7 : vector<512x512xi32> to vector<512x512xf32>
    %dot_general3A = arith.constant dense<0.000000e+00> : vector<1x512xf32>
    %dot_general3A_9 = tpu.matmul %convert_element_type3A, %convert_element_type3A_8, %dot_general3A {dimension_numbers = #tpu.dot_dimension_numbers<[1], [0], [0], [1], [0, 0, 1, 1], [], []>, transpose_lhs_hint = false} : vector<1x512xf32>, vector<512x512xf32>, vector<1x512xf32> -> vector<1x512xf32>
    %sub3A = arith.subf %dot_general3A_9, %convert_element_type3A : vector<1x512xf32>
    %get3A_10 = arith.constant 0 : index
    %get3A_11 = arith.constant 0 : index
    %get3A_12 = arith.constant 0 : index
    %get3A_13 = vector.load %arg2[%get3A_10, %get3A_11, %get3A_12] : memref<1x512x384xf32, #tpu.memory_space<vmem>>, vector<1x512x384xf32>
    %get3A_14 = vector.shape_cast %get3A_13 : vector<1x512x384xf32> to vector<512x384xf32>
    %convert_element_type3A_15 = arith.truncf %get3A_14 : vector<512x384xf32> to vector<512x384xbf16>
    %iota3A_16 = tpu.iota {dimensions = array<i32: 0>} : vector<512x1xi32>
    %add3A = arith.constant 0 : i32
    %add3A_17 = vector.broadcast %add3A : i32 to vector<512x1xi32>
    %add3A_18 = arith.addi %iota3A_16, %add3A_17 : vector<512x1xi32>
    %convert_element_type3A_19 = arith.sitofp %add3A_18 : vector<512x1xi32> to vector<512x1xf32>
    %lt3A = vector.broadcast %convert_element_type3A_19 : vector<512x1xf32> to vector<512x512xf32>
    %lt3A_20 = vector.broadcast %dot_general3A_9 : vector<1x512xf32> to vector<512x512xf32>
    %lt3A_21 = arith.cmpf olt, %lt3A, %lt3A_20 : vector<512x512xf32>
    %convert_element_type3A_22 = arith.extui %lt3A_21 : vector<512x512xi1> to vector<512x512xi32>
    %convert_element_type3A_23 = arith.sitofp %convert_element_type3A_22 : vector<512x512xi32> to vector<512x512xf32>
    %convert_element_type3A_24 = arith.truncf %convert_element_type3A_23 : vector<512x512xf32> to vector<512x512xbf16>
    %lt3A_25 = vector.broadcast %convert_element_type3A_19 : vector<512x1xf32> to vector<512x512xf32>
    %lt3A_26 = vector.broadcast %sub3A : vector<1x512xf32> to vector<512x512xf32>
    %lt3A_27 = arith.cmpf olt, %lt3A_25, %lt3A_26 : vector<512x512xf32>
    %convert_element_type3A_28 = arith.extui %lt3A_27 : vector<512x512xi1> to vector<512x512xi32>
    %convert_element_type3A_29 = arith.sitofp %convert_element_type3A_28 : vector<512x512xi32> to vector<512x512xf32>
    %convert_element_type3A_30 = arith.truncf %convert_element_type3A_29 : vector<512x512xf32> to vector<512x512xbf16>
    %sub3A_31 = arith.subf %convert_element_type3A_24, %convert_element_type3A_30 : vector<512x512xbf16>
    %dot_general3A_32 = arith.constant dense<0.000000e+00> : vector<512x384xf32>
    %dot_general3A_33 = tpu.matmul %sub3A_31, %convert_element_type3A_15, %dot_general3A_32 {dimension_numbers = #tpu.dot_dimension_numbers<[1], [0], [0], [1], [0, 0, 1, 1], [], []>, transpose_lhs_hint = false} : vector<512x512xbf16>, vector<512x384xbf16>, vector<512x384xf32> -> vector<512x384xf32>
    %swap3A = arith.constant 0 : index
    %swap3A_34 = arith.constant 0 : index
    %swap3A_35 = arith.constant 0 : index
    %swap3A_36 = vector.load %arg3[%swap3A, %swap3A_34, %swap3A_35] : memref<1x2048x384xf32, #tpu.memory_space<vmem>>, vector<1x512x384xf32>
    %swap3A_37 = vector.shape_cast %swap3A_36 : vector<1x512x384xf32> to vector<512x384xf32>
    %swap3A_38 = vector.shape_cast %dot_general3A_33 : vector<512x384xf32> to vector<1x512x384xf32>
    tpu.vector_store %arg3[%swap3A, %swap3A_34, %swap3A_35], %swap3A_38 {strides = array<i32>} : memref<1x2048x384xf32, #tpu.memory_space<vmem>>, vector<1x512x384xf32>,
    %iota3A_39 = tpu.iota {dimensions = array<i32: 0>} : vector<512x1xi32>
    %add3A_40 = arith.constant 512 : i32
    %add3A_41 = vector.broadcast %add3A_40 : i32 to vector<512x1xi32>
    %add3A_42 = arith.addi %iota3A_39, %add3A_41 : vector<512x1xi32>
    %convert_element_type3A_43 = arith.sitofp %add3A_42 : vector<512x1xi32> to vector<512x1xf32>
    %lt3A_44 = vector.broadcast %convert_element_type3A_43 : vector<512x1xf32> to vector<512x512xf32>
    %lt3A_45 = vector.broadcast %dot_general3A_9 : vector<1x512xf32> to vector<512x512xf32>
    %lt3A_46 = arith.cmpf olt, %lt3A_44, %lt3A_45 : vector<512x512xf32>
    %convert_element_type3A_47 = arith.extui %lt3A_46 : vector<512x512xi1> to vector<512x512xi32>
    %convert_element_type3A_48 = arith.sitofp %convert_element_type3A_47 : vector<512x512xi32> to vector<512x512xf32>
    %convert_element_type3A_49 = arith.truncf %convert_element_type3A_48 : vector<512x512xf32> to vector<512x512xbf16>
    %lt3A_50 = vector.broadcast %convert_element_type3A_43 : vector<512x1xf32> to vector<512x512xf32>
    %lt3A_51 = vector.broadcast %sub3A : vector<1x512xf32> to vector<512x512xf32>
    %lt3A_52 = arith.cmpf olt, %lt3A_50, %lt3A_51 : vector<512x512xf32>
    %convert_element_type3A_53 = arith.extui %lt3A_52 : vector<512x512xi1> to vector<512x512xi32>
    %convert_element_type3A_54 = arith.sitofp %convert_element_type3A_53 : vector<512x512xi32> to vector<512x512xf32>
    %convert_element_type3A_55 = arith.truncf %convert_element_type3A_54 : vector<512x512xf32> to vector<512x512xbf16>
    %sub3A_56 = arith.subf %convert_element_type3A_49, %convert_element_type3A_55 : vector<512x512xbf16>
    %dot_general3A_57 = arith.constant dense<0.000000e+00> : vector<512x384xf32>
    %dot_general3A_58 = tpu.matmul %sub3A_56, %convert_element_type3A_15, %dot_general3A_57 {dimension_numbers = #tpu.dot_dimension_numbers<[1], [0], [0], [1], [0, 0, 1, 1], [], []>, transpose_lhs_hint = false} : vector<512x512xbf16>, vector<512x384xbf16>, vector<512x384xf32> -> vector<512x384xf32>
    %swap3A_59 = arith.constant 0 : index
    %swap3A_60 = arith.constant 512 : index
    %swap3A_61 = arith.constant 0 : index
    %swap3A_62 = vector.load %arg3[%swap3A_59, %swap3A_60, %swap3A_61] : memref<1x2048x384xf32, #tpu.memory_space<vmem>>, vector<1x512x384xf32>
    %swap3A_63 = vector.shape_cast %swap3A_62 : vector<1x512x384xf32> to vector<512x384xf32>
    %swap3A_64 = vector.shape_cast %dot_general3A_58 : vector<512x384xf32> to vector<1x512x384xf32>
    tpu.vector_store %arg3[%swap3A_59, %swap3A_60, %swap3A_61], %swap3A_64 {strides = array<i32>} : memref<1x2048x384xf32, #tpu.memory_space<vmem>>, vector<1x512x384xf32>,
    %iota3A_65 = tpu.iota {dimensions = array<i32: 0>} : vector<512x1xi32>
    %add3A_66 = arith.constant 1024 : i32
    %add3A_67 = vector.broadcast %add3A_66 : i32 to vector<512x1xi32>
    %add3A_68 = arith.addi %iota3A_65, %add3A_67 : vector<512x1xi32>
    %convert_element_type3A_69 = arith.sitofp %add3A_68 : vector<512x1xi32> to vector<512x1xf32>
    %lt3A_70 = vector.broadcast %convert_element_type3A_69 : vector<512x1xf32> to vector<512x512xf32>
    %lt3A_71 = vector.broadcast %dot_general3A_9 : vector<1x512xf32> to vector<512x512xf32>
    %lt3A_72 = arith.cmpf olt, %lt3A_70, %lt3A_71 : vector<512x512xf32>
    %convert_element_type3A_73 = arith.extui %lt3A_72 : vector<512x512xi1> to vector<512x512xi32>
    %convert_element_type3A_74 = arith.sitofp %convert_element_type3A_73 : vector<512x512xi32> to vector<512x512xf32>
    %convert_element_type3A_75 = arith.truncf %convert_element_type3A_74 : vector<512x512xf32> to vector<512x512xbf16>
    %lt3A_76 = vector.broadcast %convert_element_type3A_69 : vector<512x1xf32> to vector<512x512xf32>
    %lt3A_77 = vector.broadcast %sub3A : vector<1x512xf32> to vector<512x512xf32>
    %lt3A_78 = arith.cmpf olt, %lt3A_76, %lt3A_77 : vector<512x512xf32>
    %convert_element_type3A_79 = arith.extui %lt3A_78 : vector<512x512xi1> to vector<512x512xi32>
    %convert_element_type3A_80 = arith.sitofp %convert_element_type3A_79 : vector<512x512xi32> to vector<512x512xf32>
    %convert_element_type3A_81 = arith.truncf %convert_element_type3A_80 : vector<512x512xf32> to vector<512x512xbf16>
    %sub3A_82 = arith.subf %convert_element_type3A_75, %convert_element_type3A_81 : vector<512x512xbf16>
    %dot_general3A_83 = arith.constant dense<0.000000e+00> : vector<512x384xf32>
    %dot_general3A_84 = tpu.matmul %sub3A_82, %convert_element_type3A_15, %dot_general3A_83 {dimension_numbers = #tpu.dot_dimension_numbers<[1], [0], [0], [1], [0, 0, 1, 1], [], []>, transpose_lhs_hint = false} : vector<512x512xbf16>, vector<512x384xbf16>, vector<512x384xf32> -> vector<512x384xf32>
    %swap3A_85 = arith.constant 0 : index
    %swap3A_86 = arith.constant 1024 : index
    %swap3A_87 = arith.constant 0 : index
    %swap3A_88 = vector.load %arg3[%swap3A_85, %swap3A_86, %swap3A_87] : memref<1x2048x384xf32, #tpu.memory_space<vmem>>, vector<1x512x384xf32>
    %swap3A_89 = vector.shape_cast %swap3A_88 : vector<1x512x384xf32> to vector<512x384xf32>
    %swap3A_90 = vector.shape_cast %dot_general3A_84 : vector<512x384xf32> to vector<1x512x384xf32>
    tpu.vector_store %arg3[%swap3A_85, %swap3A_86, %swap3A_87], %swap3A_90 {strides = array<i32>} : memref<1x2048x384xf32, #tpu.memory_space<vmem>>, vector<1x512x384xf32>,
    %iota3A_91 = tpu.iota {dimensions = array<i32: 0>} : vector<512x1xi32>
    %add3A_92 = arith.constant 1536 : i32
    %add3A_93 = vector.broadcast %add3A_92 : i32 to vector<512x1xi32>
    %add3A_94 = arith.addi %iota3A_91, %add3A_93 : vector<512x1xi32>
    %convert_element_type3A_95 = arith.sitofp %add3A_94 : vector<512x1xi32> to vector<512x1xf32>
    %lt3A_96 = vector.broadcast %convert_element_type3A_95 : vector<512x1xf32> to vector<512x512xf32>
    %lt3A_97 = vector.broadcast %dot_general3A_9 : vector<1x512xf32> to vector<512x512xf32>
    %lt3A_98 = arith.cmpf olt, %lt3A_96, %lt3A_97 : vector<512x512xf32>
    %convert_element_type3A_99 = arith.extui %lt3A_98 : vector<512x512xi1> to vector<512x512xi32>
    %convert_element_type3A_100 = arith.sitofp %convert_element_type3A_99 : vector<512x512xi32> to vector<512x512xf32>
    %convert_element_type3A_101 = arith.truncf %convert_element_type3A_100 : vector<512x512xf32> to vector<512x512xbf16>
    %lt3A_102 = vector.broadcast %convert_element_type3A_95 : vector<512x1xf32> to vector<512x512xf32>
    %lt3A_103 = vector.broadcast %sub3A : vector<1x512xf32> to vector<512x512xf32>
    %lt3A_104 = arith.cmpf olt, %lt3A_102, %lt3A_103 : vector<512x512xf32>
    %convert_element_type3A_105 = arith.extui %lt3A_104 : vector<512x512xi1> to vector<512x512xi32>
    %convert_element_type3A_106 = arith.sitofp %convert_element_type3A_105 : vector<512x512xi32> to vector<512x512xf32>
    %convert_element_type3A_107 = arith.truncf %convert_element_type3A_106 : vector<512x512xf32> to vector<512x512xbf16>
    %sub3A_108 = arith.subf %convert_element_type3A_101, %convert_element_type3A_107 : vector<512x512xbf16>
    %dot_general3A_109 = arith.constant dense<0.000000e+00> : vector<512x384xf32>
    %dot_general3A_110 = tpu.matmul %sub3A_108, %convert_element_type3A_15, %dot_general3A_109 {dimension_numbers = #tpu.dot_dimension_numbers<[1], [0], [0], [1], [0, 0, 1, 1], [], []>, transpose_lhs_hint = false} : vector<512x512xbf16>, vector<512x384xbf16>, vector<512x384xf32> -> vector<512x384xf32>
    %swap3A_111 = arith.constant 0 : index
    %swap3A_112 = arith.constant 1536 : index
    %swap3A_113 = arith.constant 0 : index
    %swap3A_114 = vector.load %arg3[%swap3A_111, %swap3A_112, %swap3A_113] : memref<1x2048x384xf32, #tpu.memory_space<vmem>>, vector<1x512x384xf32>
    %swap3A_115 = vector.shape_cast %swap3A_114 : vector<1x512x384xf32> to vector<512x384xf32>
    %swap3A_116 = vector.shape_cast %dot_general3A_110 : vector<512x384xf32> to vector<1x512x384xf32>
    tpu.vector_store %arg3[%swap3A_111, %swap3A_112, %swap3A_113], %swap3A_116 {strides = array<i32>} : memref<1x2048x384xf32, #tpu.memory_space<vmem>>, vector<1x512x384xf32>,
    return
  }
  func.func @transform_0(%arg0: i32) -> (i32, i32, i32) {
    %add3A = arith.constant 2 : i32
    %add3A_0 = arith.addi %arg0, %add3A : i32
    %c0_i32 = arith.constant 0 : i32
    %c0_i32_1 = arith.constant 0 : i32
    %c0_i32_2 = arith.constant 0 : i32
    return %add3A_0, %c0_i32, %c0_i32_1 : i32, i32, i32
  }
  func.func @transform_1(%arg0: i32) -> (i32, i32, i32) {
    %add3A = arith.constant 2 : i32
    %add3A_0 = arith.addi %arg0, %add3A : i32
    %c0_i32 = arith.constant 0 : i32
    %c0_i32_1 = arith.constant 0 : i32
    %c0_i32_2 = arith.constant 0 : i32
    return %add3A_0, %c0_i32, %c0_i32_1 : i32, i32, i32
  }
  func.func @transform_2(%arg0: i32) -> (i32, i32, i32) {
    %add3A = arith.constant 2 : i32
    %add3A_0 = arith.addi %arg0, %add3A : i32
    %c0_i32 = arith.constant 0 : i32
    %c0_i32_1 = arith.constant 0 : i32
    %c0_i32_2 = arith.constant 0 : i32
    return %add3A_0, %c0_i32, %c0_i32_1 : i32, i32, i32
  }
}

</mosaic_0001>

<sc_bundles>
// kernel: kernel.4.cloned.1.call-start
scs
__scs_entry_jumppad:
0x0: {  	(pc) =	sbr.rel $0x88, $3  }
0x1: {  	(tag) =	ssettag $0x0;
	lr =	simm.s32 $0x1  }
0x2: {  	[smem:$0x3F9F] =	sst lr;
	_ =	strace $0xD0000000  }
0x3: {  	_ = 	snop  }
0x4: {  	_ = 	snop  }
0x5: {  	_ = 	snop  }
0x6: {  	_ = 	snop  }
0x7: {  	_ = 	snop  }
__scs_overlays_trampoline_lowered:
0x8: {  	[smem:$0x3FAE] =	sst s0  }
0x9: {  	[smem:$0x3FAF] =	sst s1  }
0xa: {  	[smem:$0x3FB0] =	sst s2  }
0xb: {  	[smem:$0x3FB1] =	sst s3  }
0xc: {  	[smem:$0x3FB2] =	sst s4  }
0xd: {  	[smem:$0x3FB3] =	sst s5  }
0xe: {  	[smem:$0x3FB4] =	sst s6  }
0xf: {  	[smem:$0x3FB5] =	sst s7  }
0x10: {  	[smem:$0x3FB6] =	sst s8  }
0x11: {  	[smem:$0x3FB7] =	sst s9;
	s0 =	simm.s32 @!p0 $0x0  }
0x12: {  	s1 =	sld [smem:$0x3F9D];
	s0 =	simm.s32 @p0 $0x1  }
0x13: {  	[smem:$0x3FB8] =	sst s0;
	s0 =	simm.s32 @!p1 $0x0  }
0x14: {  	s2 =	sld [smem:$0x3F9C];
	s0 =	simm.s32 @p1 $0x1  }
0x15: {  	[smem:$0x3FB9] =	sst s0;
	s0 =	simm.s32 @!p2 $0x0  }
0x16: {  	s3 =	sld [smem:$0x3FDB];
	s0 =	simm.s32 @p2 $0x1  }
0x17: {  	s4 =	simm.s32 $0x1BF5;
	[smem:$0x3FBB] =	sst s0  }
0x18: {  	s0 =	sld [smem:$0x3F9E];
	_ =	swait.ge [sflag:s4], $0x0  }
0x19: {  	s7 =	sld [smem:$0x3F9F]  }
0x1a: {  	s8 =	sadd.s32 $0xFFFFE003, lr  }
0x1b: {  	s9 =	sadd.s32 $0xFFFFFEF7, lr;
	s5 =	simm.s32 $0xFFFFFFFF;
	p2 =	slt.u32 s8, $0xFFFFF086  }
0x1c: {  	p1 =	slt.u32 s9, $0xF7A;
	s5 =	simm.s32 @!p2 $0x0  }
0x1d: {  	s5 =	simm.s32 @p1 $0x1;
	p0 =	seq.s32 s7, s2  }
0x1e: {  	s7 =	smul.u32 @!p0 $0xF7A, s2;
	p2 =	seq.s32 @!p0 s5, $0x0  }
0x1f: {  	s9 =	smul.u32 $0xF7A, s1;
	s8 =	simm.s32 @!p0 $0x1BF5;
	p2 =	por !p2, p0  }
0x20: {  	[sflag:s8] =	ssyncset.s32 @!p0 $0xFFFFF086;
	s6 =	sadd.s32 @!p0 s3, s7;
	s7 =	simm.s32 @!p0 $0x108  }
0x21: {  	s3 =	sadd.s32 s3, s9;
	s6 =	sadd.s32 @!p0 $0x88, s6;
	s7 =	simm.s32 @p2 $0x1082  }
0x22: {  	[simem:s7], [sflag:s8] =	dma.local @!p0 [hbm:s6], $0xF7A  }
0x23: {  	s9 =	sor.u32 $0xD0000000, s2;
	s6 =	simm.s32 $0x108;
	_ =	swait.ge @!p0 [sflag:s8], $0x0  }
0x24: {  	s3 =	sadd.s32 $0x88, s3;
	s6 =	simm.s32 @!p1 $0x1082;
	[sflag:s4] =	ssyncset.s32 $0xFFFFF086  }
0x25: {  	[simem:s6], [sflag:s4] =	dma.local [hbm:s3], $0xF7A  }
0x26: {  	[smem:$0x3F9F] =	sst s1;
	(tag) =	ssettag s2;
	_ =	strace s9  }
0x27: {  	s1 =	sld [smem:$0x3FAF]  }
0x28: {  	s2 =	sld [smem:$0x3FB0]  }
0x29: {  	s4 =	sld [smem:$0x3FB2]  }
0x2a: {  	p0 =	seq.s32 s5, $0x0;
	s5 =	sld [smem:$0x3FB3]  }
0x2b: {  	s6 =	sld [smem:$0x3FB4]  }
0x2c: {  	s7 =	sld [smem:$0x3FB5]  }
0x2d: {  	s3 =	simm.s32 $0x108;
	s8 =	sld [smem:$0x3FB6]  }
0x2e: {  	s3 =	simm.s32 @!p0 $0x1082;
	s9 =	sld [smem:$0x3FB7]  }
0x2f: {  	lr =	sadd.s32 s0, s3;
	s0 =	sld [smem:$0x3FAE]  }
0x30: {  	s3 =	sld [smem:$0x3FB1]  }
0x31: {  	[smem:$0x3FBA] =	sst s10  }
0x32: {  	s10 =	sld [smem:$0x3FB8];
	_ =	sdelay $0x3  }
0x33: {  	p0 =	seq.s32 s10, $0x1;
	s10 =	sld [smem:$0x3FBA];
	_ =	sdelay $0x3  }
0x34: {  	[smem:$0x3FBA] =	sst s10  }
0x35: {  	s10 =	sld [smem:$0x3FB9];
	_ =	sdelay $0x3  }
0x36: {  	p1 =	seq.s32 s10, $0x1;
	s10 =	sld [smem:$0x3FBA];
	_ =	sdelay $0x3  }
0x37: {  	[smem:$0x3FBA] =	sst s10  }
0x38: {  	s10 =	sld [smem:$0x3FBB]  }
0x39: {  	_ = 	snop;
	(pc) =	sbr.ind lr, $3  }
0x3a: {  	_ = 	snop  }
0x3b: {  	_ = 	snop  }
0x3c: {  	p2 =	seq.s32 s10, $0x1;
	s10 =	sld [smem:$0x3FBA]  }
0x3d: {  	_ =	shalt  }
0x3e: {  	_ =	shalt  }
0x3f: {  	_ =	shalt  }
0x40: {  	_ =	shalt  }
0x41: {  	_ =	shalt  }
0x42: {  	_ =	shalt  }
0x43: {  	_ =	shalt  }
0x44: {  	_ =	shalt  }
0x45: {  	_ =	shalt  }
0x46: {  	_ =	shalt  }
0x47: {  	_ =	shalt  }
0x48: {  	_ =	shalt  }
0x49: {  	_ =	shalt  }
0x4a: {  	_ =	shalt  }
0x4b: {  	_ =	shalt  }
0x4c: {  	_ =	shalt  }
0x4d: {  	_ =	shalt  }
0x4e: {  	_ =	shalt  }
0x4f: {  	_ =	shalt  }
0x50: {  	_ =	shalt  }
0x51: {  	_ =	shalt  }
0x52: {  	_ =	shalt  }
0x53: {  	_ =	shalt  }
0x54: {  	_ =	shalt  }
0x55: {  	_ =	shalt  }
0x56: {  	_ =	shalt  }
0x57: {  	_ =	shalt  }
0x58: {  	_ =	shalt  }
0x59: {  	_ =	shalt  }
0x5a: {  	_ =	shalt  }
0x5b: {  	_ =	shalt  }
0x5c: {  	_ =	shalt  }
0x5d: {  	_ =	shalt  }
0x5e: {  	_ =	shalt  }
0x5f: {  	_ =	shalt  }
0x60: {  	_ =	shalt  }
0x61: {  	_ =	shalt  }
0x62: {  	_ =	shalt  }
0x63: {  	_ =	shalt  }
0x64: {  	_ =	shalt  }
0x65: {  	_ =	shalt  }
0x66: {  	_ =	shalt  }
0x67: {  	_ =	shalt  }
0x68: {  	_ =	shalt  }
0x69: {  	_ =	shalt  }
0x6a: {  	_ =	shalt  }
0x6b: {  	_ =	shalt  }
0x6c: {  	_ =	shalt  }
0x6d: {  	_ =	shalt  }
0x6e: {  	_ =	shalt  }
0x6f: {  	_ =	shalt  }
0x70: {  	_ =	shalt  }
0x71: {  	_ =	shalt  }
0x72: {  	_ =	shalt  }
0x73: {  	_ =	shalt  }
0x74: {  	_ =	shalt  }
0x75: {  	_ =	shalt  }
0x76: {  	_ =	shalt  }
0x77: {  	_ =	shalt  }
0x78: {  	_ =	shalt  }
0x79: {  	_ =	shalt  }
0x7a: {  	_ =	shalt  }
0x7b: {  	_ =	shalt  }
0x7c: {  	_ =	shalt  }
0x7d: {  	_ =	shalt  }
0x7e: {  	_ =	shalt  }
0x7f: {  	_ =	shalt  }
0x80: {  	_ =	shalt  }
0x81: {  	_ =	shalt  }
0x82: {  	_ =	shalt  }
0x83: {  	_ =	shalt  }
0x84: {  	_ =	shalt  }
0x85: {  	_ =	shalt  }
0x86: {  	_ =	shalt  }
0x87: {  	_ =	shalt  }
.Lfunc_end0:
.L_simem_size_0:
called_computation_lowered:
.L_overlay_start_0:
0x88: {  	s2 =	sld [smem:$0x3FD9]  }
0x89: {  	s3 =	sld [smem:$0x3FFE];
	_ =	sdelay $0x1  }
0x8a: {  	s1 =	srdreg.scid  }
0x8b: {  	s0 =	sand.u32 $0x1, s1  }
0x8c: {  	s17 =	sshll.u32 s0, $0xA;
	s2 =	sadd.s32 s3, s2  }
0x8d: {  	s2 =	sadd.s32 s2, s17  }
0x8e: {  	[smem:$0x3FC6] =	sst s2  }
0x8f: {  	_ = 	snop  }
0x90: {  	s2 =	sld [smem:$0x3FC9]  }
0x91: {  	s18 =	sld [smem:$0x3FC8];
	(tm) =	ssettm $0x1  }
0x92: {  	s4 =	sld [smem:$0x3FFB];
	_ =	sdelay $0x3  }
0x93: {  	_ =	strace s4  }
0x94: {  	s4 =	sld [smem:$0x3FFC];
	_ =	sdelay $0x3  }
0x95: {  	_ =	strace s4  }
0x96: {  	s4 =	sld [smem:$0x3FFD];
	_ =	sdelay $0x3  }
0x97: {  	_ =	strace s4  }
0x98: {  	_ =	strace $0x8FFFFFFF  }
0x99: {  	s19 =	sld [smem:$0x3FDB];
	_ =	sdelay $0x1  }
0x9a: {  	s5 =	simm.s32 $_scs_section_size  }
0x9b: {  	s6 =	simm.s32 $_size__tile_overlayer_lowered;
	s7 =	simm.s32 $_tile_overlayer_lowered  }
0x9c: {  	s22 =	simm.s32 $0x1BFF;
	s21 =	sshll.u32 s7, $0x1;
	s4 =	sadd.s32 s5, s19  }
0x9d: {  	s8 =	simm.s32 $0x0;
	s20 =	sshll.u32 s6, $0x1;
	s6 =	sadd.s32 s21, s4  }
0x9e: {  	[timem:s8], [sflag:s22] =	dma.local [hbm:s6], s20  }
0x9f: {  	_ =	swait.ge [sflag:s22], s20  }
0xa0: {  	s5 =	ssub.s32 $0x0, s20;
	[sflag:s22] =	ssyncset.done $0x0  }
0xa1: {  	[sflag:s22] =	ssyncadd.s32 s5;
	_ =	sdelay $0x1  }
0xa2: {  	s23 =	simm.s32 $0x1B8B  }
0xa3: {  	_ =	swait.ge [sflag:s23], $0x1  }
0xa4: {  	[sflag:s23] =	ssyncset.done $0x0  }
0xa5: {  	s25 =	simm.s32 $0x1B8E;
	s24 =	sld [smem:$0x3FFE];
	[sflag:s23] =	ssyncadd.s32 $0xFFFFFFFF  }
0xa6: {  	s26 =	simm.s32 $execute0_lowered;
	[smem:$0x3FD2] =	sst s25  }
0xa7: {  	s6 =	sshll.u32 s26, $0x1;
	_ =	strace $0x80000046;
	[dreg:$0x1] =	wrdreg $0xFFFFFFFF  }
0xa8: {  	s28 =	simm.s32 $_size_execute0_lowered;
	s4 =	sadd.s32 s4, s6;
	[dreg:$0x0] =	wrdreg $0x0  }
0xa9: {  	s6 =	sshll.u32 s28, $0x1;
	[dreg:$0x2] =	wrdreg s4  }
0xaa: {  	[dreg:$0x3] =	wrdreg s6  }
0xab: {  	[dreg:$0x4] =	wrdreg $0xC0  }
0xac: {  	_ =	task [dreg:s8], $0x5FFFF  }
0xad: {  	[dreg:$0x1] =	wrdreg $0xFFFFFFFF  }
0xae: {  	[dreg:$0x0] =	wrdreg $0x60  }
0xaf: {  	[dreg:$0x2] =	wrdreg s2  }
0xb0: {  	[dreg:$0x3] =	wrdreg s18  }
0xb1: {  	[dreg:$0x4] =	wrdreg s24  }
0xb2: {  	[dreg:$0x5] =	wrdreg $0x9  }
0xb3: {  	_ =	task.clear_ibuf [dreg:s8], $0x6FFFF;
	_ =	strace $0x90000046  }
0xb4: {  	s29 =	simm.s32 $0x9;
	_ =	strace $0x80000048  }
0xb5: {  	_ =	swait.ge [sflag:s29], $0x1  }
0xb6: {  	[sflag:s29] =	ssyncadd.s32 $0xFFFFFFFF  }
0xb7: {  	_ =	strace $0x90000048  }
0xb8: {  	_ =	sfence  }
0xb9: {  	s30 =	sld [smem:$0x0];
	_ =	sdelay $0x2  }
0xba: {  	s31 =	sshll.u32 s1, $0xD;
	s1 =	sshrl.u32 s1, $0x2  }
0xbb: {  	s3 =	sand.u32 $0x4000, s31;
	s1 =	sadd.s32 s1, s30  }
0xbc: {  	s0 =	sor.u32 s3, s0;
	s1 =	sshll.u32 s1, $0x11  }
0xbd: {  	s0 =	sor.u32 s1, s0  }
0xbe: {  	s0 =	sadd.s32 $0x8F2B, s0  }
0xbf: {  	[sflag:s0] =	ssyncadd.remote.s32 $0x1  }
0xc0: {  	_ =	sfence.sel $0xFFFF  }
0xc1: {  	[dreg:$0x0] =	wrdreg $0xFFFFFFFF;
	(pc) =	sbr.abs _section_cstart, $3  }
0xc2: {  	[dreg:$0x1] =	wrdreg $0xFFFFFFFF  }
0xc3: {  	_ =	task.clear_ibuf [dreg:s8], $0x2FFFF;
	_ =	strace $0x9FFFFFFF  }
0xc4: {  	(tm) =	ssettm $0x7FFFFFFF  }
0xc5: {  	_ =	shalt  }
tec
execute0_lowered:
.L_overlay_start_1:
0x0: {  	(tag) =	ssettag $0x1  }
0x1: {  	s1 =	rddreg [dreg:$0x0]  }
0x2: {  	s0 =	srdreg.scid;
	s2 =	rddreg [dreg:$0x1]  }
0x3: {  	s6 =	stileid.u32;
	s4 =	rddreg [dreg:$0x2];
	s0 =	sand.u32 $0x1, s0  }
0x4: {  	s5 =	simm.s32 $0x1;
	s18 =	simm.s32 $0x200;
	s3 =	sor.u32 s0, s6  }
0x5: {  	s7 =	sadd.s32 $0x1200, s4;
	p0 =	seq.s32 s0, $0x1;
	p1 =	seq.s32 s3, $0x0  }
0x6: {  	s4 =	sadd.s32 $0x1E00, s4;
	s22 =	ssub.s32 $0x2, s0;
	p0 =	por !p1, !p0  }
0x7: {  	s23 =	sshll.u32 s0, $0xB;
	s24 =	sshll.u32 s0, $0x4;
	p0 =	por !p0, !p0  }
0x8: {  	s28 =	sshll.u32 s0, $0x9;
	s0 =	sshllo.u32 s0, $0x9;
	s5 =	simm.s32 @!p0 $0x0  }
0x9: {  	s3 =	simm.s32 $0x0;
	s8 =	sshrl.u32 s22, $0x1;
	s5 =	ssub.s32 s6, s5  }
0xa: {  	s2 =	sadd.s32 s2, s24;
	[smem:$0x7FF] =	sst s3;
	s9 =	sshll.u32 s5, $0x7  }
0xb: {  	_ =	strace $0x80000047;
	[dreg:$0x4] =	wrdreg s7;
	s7 =	sadd.s32 s23, s9  }
0xc: {  	[dreg:$0x6] =	wrdreg s2;
	s6 =	ssub.s32 s22, s8;
	s7 =	sshrl.u32 s7, $0x3  }
0xd: {  	[dreg:$0x8] =	wrdreg s28;
	s30 =	smax.u32 s6, $0x1;
	s25 =	smul.u32 $0xC00, s7  }
0xe: {  	s11 =	sadd.s32 $0x100, s1;
	[dreg:$0xb] =	wrdreg s30;
	s7 =	smul.u32 $0x180, s7  }
.Ltmp0:
0xf: {  	s26 =	sor.u32 $0x40, s9;
	[dreg:$0x5] =	wrdreg s9;
	(pc) =	sbr.rel .LBB2_1-.Ltmp0, $4  }
0x10: {  	s31 =	sxor.u32 $0xFFFFFFBF, s9;
	[dreg:$0x7] =	wrdreg s26;
	s2 =	sadd.s32 $0x6000, s25  }
0x11: {  	[dreg:$0xc] =	wrdreg s31;
	s29 =	sadd.s32 s4, s7;
	s2 =	sshrl.u32 s2, $0x3  }
0x12: {  	v2 =	vimm.s32 $0x0;
	v3 =	vimm.s32 $0x1;
	v4 =	vlaneseq.u32;
	s5 =	sshll.u32 s5, $0xA;
	[dreg:$0x9] =	wrdreg s29;
	s2 =	sadd.s32 s4, s2  }
0x13: {  	v5 =	vimm.f32 $0.0e+00;
	v0 =	vmov s0;
	v1 =	vmov s28;
	s10 =	sshra.s32 s5, $0x2;
	s25 =	simm.s32 $0x0;
	[dreg:$0xa] =	wrdreg s2  }
.LBB2_14:
0x14: {  	s0 =	simm.s32 @!p0 $0x7A00  }
0x15: {  	s0 =	simm.s32 @p0 $0xDA00  }
.LBB2_18:
0x16: {  	s2 =	rddreg [dreg:$0xa];
	s29 =	simm.s32 $0x3  }
0x17: {  	[hbm4b:s2+s3] =	stream.linear.scatter [tilespmem:s0], [sflag:$0x4], $0x6000, $0x38;
	[tilespmem:$0x13A00] =	vst v63  }
0x18: {  	_ =	swait.ge [sflag:s29], $0x6000  }
0x19: {  	[sflag:s29] =	ssyncset.done $0x0  }
0x1a: {  	s30 =	simm.s32 $0x4;
	[sflag:s29] =	ssyncadd.s32 $0xFFFFA000  }
0x1b: {  	_ =	swait.ge [sflag:s30], $0x6000  }
0x1c: {  	s25 =	sadd.s32 $0x1, s25;
	s31 =	rddreg [dreg:$0xb]  }
0x1d: {  	p0 =	sne.s32 s25, s31  }
.Ltmp1:
0x1e: {  	_ = 	snop;
	(pc) =	sbr.rel @!p0 .LBB2_19-.Ltmp1, $3  }
0x1f: {  	_ =	sdelay $0x1  }
0x20: {  	[sflag:s30] =	ssyncset.done $0x0  }
0x21: {  	[sflag:s30] =	ssyncadd.s32 $0xFFFFA000  }
.LBB2_1:
0x22: {  	s0 =	rddreg [dreg:$0x6];
	s2 =	simm.s32 $0x80;
	s4 =	simm.s32 $0x400  }
0x23: {  	[tilespmem:s3], [sflag:$0x1] =	stream.strided.gather [hbm4b:s0+s2], $0x200, s4, s2, $0x38;
	[tilespmem:$0x13A00] =	vst v63  }
0x24: {  	[tilespmem:$0x200] =	vst v2  }
0x25: {  	[tilespmem:$0x210] =	vst v2  }
0x26: {  	[tilespmem:$0x220] =	vst v2  }
0x27: {  	[tilespmem:$0x230] =	vst v2  }
0x28: {  	[tilespmem:$0x240] =	vst v2  }
0x29: {  	[tilespmem:$0x250] =	vst v2  }
0x2a: {  	[tilespmem:$0x260] =	vst v2  }
0x2b: {  	[tilespmem:$0x270] =	vst v2  }
0x2c: {  	[tilespmem:$0x280] =	vst v2  }
0x2d: {  	[tilespmem:$0x290] =	vst v2  }
0x2e: {  	[tilespmem:$0x2A0] =	vst v2  }
0x2f: {  	[tilespmem:$0x2B0] =	vst v2  }
0x30: {  	[tilespmem:$0x2C0] =	vst v2  }
0x31: {  	[tilespmem:$0x2D0] =	vst v2  }
0x32: {  	[tilespmem:$0x2E0] =	vst v2  }
0x33: {  	[tilespmem:$0x2F0] =	vst v2  }
0x34: {  	[tilespmem:$0x300] =	vst v2  }
0x35: {  	[tilespmem:$0x310] =	vst v2  }
0x36: {  	[tilespmem:$0x320] =	vst v2  }
0x37: {  	[tilespmem:$0x330] =	vst v2  }
0x38: {  	[tilespmem:$0x340] =	vst v2  }
0x39: {  	[tilespmem:$0x350] =	vst v2  }
0x3a: {  	[tilespmem:$0x360] =	vst v2  }
0x3b: {  	[tilespmem:$0x370] =	vst v2  }
0x3c: {  	[tilespmem:$0x380] =	vst v2  }
0x3d: {  	[tilespmem:$0x390] =	vst v2  }
0x3e: {  	[tilespmem:$0x3A0] =	vst v2  }
0x3f: {  	[tilespmem:$0x3B0] =	vst v2  }
0x40: {  	[tilespmem:$0x3C0] =	vst v2  }
0x41: {  	[tilespmem:$0x3D0] =	vst v2  }
0x42: {  	[tilespmem:$0x3E0] =	vst v2  }
0x43: {  	[tilespmem:$0x3F0] =	vst v2  }
0x44: {  	[tilespmem:$0x400] =	vst v2  }
0x45: {  	[tilespmem:$0x410] =	vst v2  }
0x46: {  	[tilespmem:$0x420] =	vst v2  }
0x47: {  	[tilespmem:$0x430] =	vst v2  }
0x48: {  	[tilespmem:$0x440] =	vst v2  }
0x49: {  	[tilespmem:$0x450] =	vst v2  }
0x4a: {  	[tilespmem:$0x460] =	vst v2  }
0x4b: {  	[tilespmem:$0x470] =	vst v2  }
0x4c: {  	[tilespmem:$0x480] =	vst v2  }
0x4d: {  	[tilespmem:$0x490] =	vst v2  }
0x4e: {  	[tilespmem:$0x4A0] =	vst v2  }
0x4f: {  	[tilespmem:$0x4B0] =	vst v2  }
0x50: {  	[tilespmem:$0x4C0] =	vst v2  }
0x51: {  	[tilespmem:$0x4D0] =	vst v2  }
0x52: {  	[tilespmem:$0x4E0] =	vst v2  }
0x53: {  	[tilespmem:$0x4F0] =	vst v2  }
0x54: {  	[tilespmem:$0x500] =	vst v2  }
0x55: {  	[tilespmem:$0x510] =	vst v2  }
0x56: {  	[tilespmem:$0x520] =	vst v2  }
0x57: {  	[tilespmem:$0x530] =	vst v2  }
0x58: {  	[tilespmem:$0x540] =	vst v2  }
0x59: {  	[tilespmem:$0x550] =	vst v2  }
0x5a: {  	[tilespmem:$0x560] =	vst v2  }
0x5b: {  	[tilespmem:$0x570] =	vst v2  }
0x5c: {  	[tilespmem:$0x580] =	vst v2  }
0x5d: {  	[tilespmem:$0x590] =	vst v2  }
0x5e: {  	[tilespmem:$0x5A0] =	vst v2  }
0x5f: {  	[tilespmem:$0x5B0] =	vst v2  }
0x60: {  	[tilespmem:$0x5C0] =	vst v2  }
0x61: {  	[tilespmem:$0x5D0] =	vst v2  }
0x62: {  	[tilespmem:$0x5E0] =	vst v2  }
0x63: {  	[tilespmem:$0x5F0] =	vst v2  }
0x64: {  	[tilespmem:$0x600] =	vst v2  }
0x65: {  	[tilespmem:$0x610] =	vst v2  }
0x66: {  	[tilespmem:$0x620] =	vst v2  }
0x67: {  	[tilespmem:$0x630] =	vst v2  }
0x68: {  	[tilespmem:$0x640] =	vst v2  }
0x69: {  	[tilespmem:$0x650] =	vst v2  }
0x6a: {  	[tilespmem:$0x660] =	vst v2  }
0x6b: {  	[tilespmem:$0x670] =	vst v2  }
0x6c: {  	[tilespmem:$0x680] =	vst v2  }
0x6d: {  	[tilespmem:$0x690] =	vst v2  }
0x6e: {  	[tilespmem:$0x6A0] =	vst v2  }
0x6f: {  	[tilespmem:$0x6B0] =	vst v2  }
0x70: {  	[tilespmem:$0x6C0] =	vst v2  }
0x71: {  	[tilespmem:$0x6D0] =	vst v2  }
0x72: {  	[tilespmem:$0x6E0] =	vst v2  }
0x73: {  	[tilespmem:$0x6F0] =	vst v2  }
0x74: {  	[tilespmem:$0x700] =	vst v2  }
0x75: {  	[tilespmem:$0x710] =	vst v2  }
0x76: {  	[tilespmem:$0x720] =	vst v2  }
0x77: {  	[tilespmem:$0x730] =	vst v2  }
0x78: {  	[tilespmem:$0x740] =	vst v2  }
0x79: {  	[tilespmem:$0x750] =	vst v2  }
0x7a: {  	[tilespmem:$0x760] =	vst v2  }
0x7b: {  	[tilespmem:$0x770] =	vst v2  }
0x7c: {  	[tilespmem:$0x780] =	vst v2  }
0x7d: {  	[tilespmem:$0x790] =	vst v2  }
0x7e: {  	[tilespmem:$0x7A0] =	vst v2  }
0x7f: {  	[tilespmem:$0x7B0] =	vst v2  }
0x80: {  	[tilespmem:$0x7C0] =	vst v2  }
0x81: {  	[tilespmem:$0x7D0] =	vst v2  }
0x82: {  	[tilespmem:$0x7E0] =	vst v2  }
0x83: {  	[tilespmem:$0x7F0] =	vst v2  }
0x84: {  	[tilespmem:$0x800] =	vst v2  }
0x85: {  	[tilespmem:$0x810] =	vst v2  }
0x86: {  	[tilespmem:$0x820] =	vst v2  }
0x87: {  	[tilespmem:$0x830] =	vst v2  }
0x88: {  	[tilespmem:$0x840] =	vst v2  }
0x89: {  	[tilespmem:$0x850] =	vst v2  }
0x8a: {  	[tilespmem:$0x860] =	vst v2  }
0x8b: {  	[tilespmem:$0x870] =	vst v2  }
0x8c: {  	[tilespmem:$0x880] =	vst v2  }
0x8d: {  	[tilespmem:$0x890] =	vst v2  }
0x8e: {  	[tilespmem:$0x8A0] =	vst v2  }
0x8f: {  	[tilespmem:$0x8B0] =	vst v2  }
0x90: {  	[tilespmem:$0x8C0] =	vst v2  }
0x91: {  	[tilespmem:$0x8D0] =	vst v2  }
0x92: {  	[tilespmem:$0x8E0] =	vst v2  }
0x93: {  	[tilespmem:$0x8F0] =	vst v2  }
0x94: {  	[tilespmem:$0x900] =	vst v2  }
0x95: {  	[tilespmem:$0x910] =	vst v2  }
0x96: {  	[tilespmem:$0x920] =	vst v2  }
0x97: {  	[tilespmem:$0x930] =	vst v2  }
0x98: {  	[tilespmem:$0x940] =	vst v2  }
0x99: {  	[tilespmem:$0x950] =	vst v2  }
0x9a: {  	[tilespmem:$0x960] =	vst v2  }
0x9b: {  	[tilespmem:$0x970] =	vst v2  }
0x9c: {  	[tilespmem:$0x980] =	vst v2  }
0x9d: {  	[tilespmem:$0x990] =	vst v2  }
0x9e: {  	[tilespmem:$0x9A0] =	vst v2  }
0x9f: {  	[tilespmem:$0x9B0] =	vst v2  }
0xa0: {  	[tilespmem:$0x9C0] =	vst v2  }
0xa1: {  	[tilespmem:$0x9D0] =	vst v2  }
0xa2: {  	[tilespmem:$0x9E0] =	vst v2  }
0xa3: {  	s22 =	simm.s32 $0x1;
	[tilespmem:$0x9F0] =	vst v2  }
0xa4: {  	_ =	swait.ge [sflag:s22], $0x200  }
0xa5: {  	[sflag:s22] =	ssyncset.done $0x0  }
0xa6: {  	[sflag:s22] =	ssyncadd.s32 $0xFFFFFE00  }
0xa7: {  	v6 =	vld [tilespmem:$0x0];
	_ =	sdelay $0x4  }
0xa8: {  	vm0 =	vgt.s32 v6, $0x1  }
0xa9: {  	v6 =	vnsel vm0, $0x1, v6  }
0xaa: {  	(xrf0) =	vadd.scan.msk.s32 $0xffff, v6;
	_ =	sdelay $0x5  }
0xab: {  	v6, _, _ =	vpop (xrf0)  }
0xac: {  	vm6 =	vlt.s32 v6, $0x800;
	_ =	sdelay $0x5  }
0xad: {  	[tilespmem:v6+s18+$0x0] =	vst.idx.msk vm6, v3  }
0xae: {  	v7 =	vld [tilespmem:$0x10];
	_ =	sdelay $0x4  }
0xaf: {  	vm7 =	vgt.s32 v7, $0x1  }
0xb0: {  	v7 =	vnsel vm7, $0x1, v7  }
0xb1: {  	(xrf0) =	vadd.scan.msk.s32 $0xffff, v7;
	_ =	sdelay $0x4  }
0xb2: {  	v7 =	vbroadcast v6, $0xF  }
0xb3: {  	v8, _, _ =	vpop (xrf0)  }
0xb4: {  	v7 =	vadd.s32 v7, v8  }
0xb5: {  	vm8 =	vlt.s32 v7, $0x800;
	_ =	sdelay $0x2  }
0xb6: {  	(v2sf) =	vpush v6, $0xF  }
0xb7: {  	(v2sf) =	vpush v8, $0xF;
	_ =	sdelay $0x1  }
0xb8: {  	[tilespmem:v7+s18+$0x0] =	vst.idx.msk vm8, v3  }
0xb9: {  	v6 =	vld [tilespmem:$0x20];
	_ =	sdelay $0x4  }
0xba: {  	vm9 =	vgt.s32 v6, $0x1  }
0xbb: {  	v6 =	vnsel vm9, $0x1, v6  }
0xbc: {  	(xrf0) =	vadd.scan.msk.s32 $0xffff, v6;
	_ =	sdelay $0x3  }
0xbd: {  	s23 =	spop (v2sf)  }
0xbe: {  	s24 =	spop (v2sf)  }
0xbf: {  	s0 =	sadd.s32 s23, s24;
	v6, _, _ =	vpop (xrf0)  }
0xc0: {  	v7 =	vadd.s32 s0, v6  }
0xc1: {  	vm10 =	vlt.s32 v7, $0x800;
	_ =	sdelay $0x3  }
0xc2: {  	(v2sf) =	vpush v6, $0xF;
	_ =	sdelay $0x1  }
0xc3: {  	[tilespmem:v7+s18+$0x0] =	vst.idx.msk vm10, v3  }
0xc4: {  	v6 =	vld [tilespmem:$0x30];
	_ =	sdelay $0x4  }
0xc5: {  	vm11 =	vgt.s32 v6, $0x1  }
0xc6: {  	v6 =	vnsel vm11, $0x1, v6  }
0xc7: {  	(xrf0) =	vadd.scan.msk.s32 $0xffff, v6;
	_ =	sdelay $0x4  }
0xc8: {  	s26 =	spop (v2sf)  }
0xc9: {  	s0 =	sadd.s32 s0, s26;
	v6, _, _ =	vpop (xrf0)  }
0xca: {  	v7 =	vadd.s32 s0, v6  }
0xcb: {  	vm12 =	vlt.s32 v7, $0x800;
	_ =	sdelay $0x3  }
0xcc: {  	(v2sf) =	vpush v6, $0xF;
	_ =	sdelay $0x1  }
0xcd: {  	[tilespmem:v7+s18+$0x0] =	vst.idx.msk vm12, v3  }
0xce: {  	v6 =	vld [tilespmem:$0x40];
	_ =	sdelay $0x4  }
0xcf: {  	vm13 =	vgt.s32 v6, $0x1  }
0xd0: {  	v6 =	vnsel vm13, $0x1, v6  }
0xd1: {  	(xrf0) =	vadd.scan.msk.s32 $0xffff, v6;
	_ =	sdelay $0x4  }
0xd2: {  	s4 =	spop (v2sf)  }
0xd3: {  	s0 =	sadd.s32 s0, s4;
	v6, _, _ =	vpop (xrf0)  }
0xd4: {  	v7 =	vadd.s32 s0, v6  }
0xd5: {  	vm14 =	vlt.s32 v7, $0x800;
	_ =	sdelay $0x3  }
0xd6: {  	(v2sf) =	vpush v6, $0xF;
	_ =	sdelay $0x1  }
0xd7: {  	[tilespmem:v7+s18+$0x0] =	vst.idx.msk vm14, v3  }
0xd8: {  	v6 =	vld [tilespmem:$0x50];
	_ =	sdelay $0x4  }
0xd9: {  	vm15 =	vgt.s32 v6, $0x1  }
0xda: {  	v6 =	vnsel vm15, $0x1, v6  }
0xdb: {  	(xrf0) =	vadd.scan.msk.s32 $0xffff, v6;
	_ =	sdelay $0x4  }
0xdc: {  	s5 =	spop (v2sf)  }
0xdd: {  	s0 =	sadd.s32 s0, s5;
	v6, _, _ =	vpop (xrf0)  }
0xde: {  	v7 =	vadd.s32 s0, v6  }
0xdf: {  	vm4 =	vlt.s32 v7, $0x800;
	_ =	sdelay $0x3  }
0xe0: {  	(v2sf) =	vpush v6, $0xF;
	_ =	sdelay $0x1  }
0xe1: {  	[tilespmem:v7+s18+$0x0] =	vst.idx.msk vm4, v3  }
0xe2: {  	v6 =	vld [tilespmem:$0x60];
	_ =	sdelay $0x4  }
0xe3: {  	vm5 =	vgt.s32 v6, $0x1  }
0xe4: {  	v6 =	vnsel vm5, $0x1, v6  }
0xe5: {  	(xrf0) =	vadd.scan.msk.s32 $0xffff, v6;
	_ =	sdelay $0x4  }
0xe6: {  	s6 =	spop (v2sf)  }
0xe7: {  	s0 =	sadd.s32 s0, s6;
	v6, _, _ =	vpop (xrf0)  }
0xe8: {  	v7 =	vadd.s32 s0, v6  }
0xe9: {  	vm6 =	vlt.s32 v7, $0x800;
	_ =	sdelay $0x3  }
0xea: {  	(v2sf) =	vpush v6, $0xF;
	_ =	sdelay $0x1  }
0xeb: {  	[tilespmem:v7+s18+$0x0] =	vst.idx.msk vm6, v3  }
0xec: {  	v6 =	vld [tilespmem:$0x70];
	_ =	sdelay $0x4  }
0xed: {  	vm7 =	vgt.s32 v6, $0x1  }
0xee: {  	v6 =	vnsel vm7, $0x1, v6  }
0xef: {  	(xrf0) =	vadd.scan.msk.s32 $0xffff, v6;
	_ =	sdelay $0x4  }
0xf0: {  	s7 =	spop (v2sf)  }
0xf1: {  	s0 =	sadd.s32 s0, s7;
	v6, _, _ =	vpop (xrf0)  }
0xf2: {  	v7 =	vadd.s32 s0, v6  }
0xf3: {  	vm8 =	vlt.s32 v7, $0x800;
	_ =	sdelay $0x3  }
0xf4: {  	(v2sf) =	vpush v6, $0xF;
	_ =	sdelay $0x1  }
0xf5: {  	[tilespmem:v7+s18+$0x0] =	vst.idx.msk vm8, v3  }
0xf6: {  	v6 =	vld [tilespmem:$0x80];
	_ =	sdelay $0x4  }
0xf7: {  	vm9 =	vgt.s32 v6, $0x1  }
0xf8: {  	v6 =	vnsel vm9, $0x1, v6  }
0xf9: {  	(xrf0) =	vadd.scan.msk.s32 $0xffff, v6;
	_ =	sdelay $0x4  }
0xfa: {  	s8 =	spop (v2sf)  }
0xfb: {  	s0 =	sadd.s32 s0, s8;
	v6, _, _ =	vpop (xrf0)  }
0xfc: {  	v7 =	vadd.s32 s0, v6  }
0xfd: {  	vm10 =	vlt.s32 v7, $0x800;
	_ =	sdelay $0x3  }
0xfe: {  	(v2sf) =	vpush v6, $0xF;
	_ =	sdelay $0x1  }
0xff: {  	[tilespmem:v7+s18+$0x0] =	vst.idx.msk vm10, v3  }
0x100: {  	v6 =	vld [tilespmem:$0x90];
	_ =	sdelay $0x4  }
0x101: {  	vm11 =	vgt.s32 v6, $0x1  }
0x102: {  	v6 =	vnsel vm11, $0x1, v6  }
0x103: {  	(xrf0) =	vadd.scan.msk.s32 $0xffff, v6;
	_ =	sdelay $0x4  }
0x104: {  	s9 =	spop (v2sf)  }
0x105: {  	s0 =	sadd.s32 s0, s9;
	v6, _, _ =	vpop (xrf0)  }
0x106: {  	v7 =	vadd.s32 s0, v6  }
0x107: {  	vm12 =	vlt.s32 v7, $0x800;
	_ =	sdelay $0x3  }
0x108: {  	(v2sf) =	vpush v6, $0xF;
	_ =	sdelay $0x1  }
0x109: {  	[tilespmem:v7+s18+$0x0] =	vst.idx.msk vm12, v3  }
0x10a: {  	v6 =	vld [tilespmem:$0xA0];
	_ =	sdelay $0x4  }
0x10b: {  	vm13 =	vgt.s32 v6, $0x1  }
0x10c: {  	v6 =	vnsel vm13, $0x1, v6  }
0x10d: {  	(xrf0) =	vadd.scan.msk.s32 $0xffff, v6;
	_ =	sdelay $0x4  }
0x10e: {  	s12 =	spop (v2sf)  }
0x10f: {  	s0 =	sadd.s32 s0, s12;
	v6, _, _ =	vpop (xrf0)  }
0x110: {  	v7 =	vadd.s32 s0, v6  }
0x111: {  	vm14 =	vlt.s32 v7, $0x800;
	_ =	sdelay $0x3  }
0x112: {  	(v2sf) =	vpush v6, $0xF;
	_ =	sdelay $0x1  }
0x113: {  	[tilespmem:v7+s18+$0x0] =	vst.idx.msk vm14, v3  }
0x114: {  	v6 =	vld [tilespmem:$0xB0];
	_ =	sdelay $0x4  }
0x115: {  	vm15 =	vgt.s32 v6, $0x1  }
0x116: {  	v6 =	vnsel vm15, $0x1, v6  }
0x117: {  	(xrf0) =	vadd.scan.msk.s32 $0xffff, v6;
	_ =	sdelay $0x4  }
0x118: {  	s13 =	spop (v2sf)  }
0x119: {  	s0 =	sadd.s32 s0, s13;
	v6, _, _ =	vpop (xrf0)  }
0x11a: {  	v7 =	vadd.s32 s0, v6  }
0x11b: {  	vm4 =	vlt.s32 v7, $0x800;
	_ =	sdelay $0x3  }
0x11c: {  	(v2sf) =	vpush v6, $0xF;
	_ =	sdelay $0x1  }
0x11d: {  	[tilespmem:v7+s18+$0x0] =	vst.idx.msk vm4, v3  }
0x11e: {  	v6 =	vld [tilespmem:$0xC0];
	_ =	sdelay $0x4  }
0x11f: {  	vm5 =	vgt.s32 v6, $0x1  }
0x120: {  	v6 =	vnsel vm5, $0x1, v6  }
0x121: {  	(xrf0) =	vadd.scan.msk.s32 $0xffff, v6;
	_ =	sdelay $0x4  }
0x122: {  	s14 =	spop (v2sf)  }
0x123: {  	s0 =	sadd.s32 s0, s14;
	v6, _, _ =	vpop (xrf0)  }
0x124: {  	v7 =	vadd.s32 s0, v6  }
0x125: {  	vm6 =	vlt.s32 v7, $0x800;
	_ =	sdelay $0x3  }
0x126: {  	(v2sf) =	vpush v6, $0xF;
	_ =	sdelay $0x1  }
0x127: {  	[tilespmem:v7+s18+$0x0] =	vst.idx.msk vm6, v3  }
0x128: {  	v6 =	vld [tilespmem:$0xD0];
	_ =	sdelay $0x4  }
0x129: {  	vm7 =	vgt.s32 v6, $0x1  }
0x12a: {  	v6 =	vnsel vm7, $0x1, v6  }
0x12b: {  	(xrf0) =	vadd.scan.msk.s32 $0xffff, v6;
	_ =	sdelay $0x4  }
0x12c: {  	s15 =	spop (v2sf)  }
0x12d: {  	s0 =	sadd.s32 s0, s15;
	v6, _, _ =	vpop (xrf0)  }
0x12e: {  	v7 =	vadd.s32 s0, v6  }
0x12f: {  	vm8 =	vlt.s32 v7, $0x800;
	_ =	sdelay $0x3  }
0x130: {  	(v2sf) =	vpush v6, $0xF;
	_ =	sdelay $0x1  }
0x131: {  	[tilespmem:v7+s18+$0x0] =	vst.idx.msk vm8, v3  }
0x132: {  	v6 =	vld [tilespmem:$0xE0];
	_ =	sdelay $0x4  }
0x133: {  	vm9 =	vgt.s32 v6, $0x1  }
0x134: {  	v6 =	vnsel vm9, $0x1, v6  }
0x135: {  	(xrf0) =	vadd.scan.msk.s32 $0xffff, v6;
	_ =	sdelay $0x4  }
0x136: {  	s16 =	spop (v2sf)  }
0x137: {  	s0 =	sadd.s32 s0, s16;
	v6, _, _ =	vpop (xrf0)  }
0x138: {  	v7 =	vadd.s32 s0, v6  }
0x139: {  	vm10 =	vlt.s32 v7, $0x800;
	_ =	sdelay $0x3  }
0x13a: {  	(v2sf) =	vpush v6, $0xF;
	_ =	sdelay $0x1  }
0x13b: {  	[tilespmem:v7+s18+$0x0] =	vst.idx.msk vm10, v3  }
0x13c: {  	v6 =	vld [tilespmem:$0xF0];
	_ =	sdelay $0x4  }
0x13d: {  	vm11 =	vgt.s32 v6, $0x1  }
0x13e: {  	v6 =	vnsel vm11, $0x1, v6  }
0x13f: {  	(xrf0) =	vadd.scan.msk.s32 $0xffff, v6;
	_ =	sdelay $0x4  }
0x140: {  	[dreg:$0x10] =	wrdreg s4;
	s4 =	spop (v2sf)  }
0x141: {  	s0 =	sadd.s32 s0, s4;
	v6, _, _ =	vpop (xrf0)  }
0x142: {  	v7 =	vadd.s32 s0, v6  }
0x143: {  	vm12 =	vlt.s32 v7, $0x800;
	_ =	sdelay $0x3  }
0x144: {  	(v2sf) =	vpush v6, $0xF;
	_ =	sdelay $0x1  }
0x145: {  	[tilespmem:v7+s18+$0x0] =	vst.idx.msk vm12, v3  }
0x146: {  	v6 =	vld [tilespmem:$0x100];
	_ =	sdelay $0x4  }
0x147: {  	vm13 =	vgt.s32 v6, $0x1  }
0x148: {  	v6 =	vnsel vm13, $0x1, v6  }
0x149: {  	(xrf0) =	vadd.scan.msk.s32 $0xffff, v6;
	_ =	sdelay $0x4  }
0x14a: {  	[dreg:$0x13] =	wrdreg s7;
	s7 =	spop (v2sf)  }
0x14b: {  	s0 =	sadd.s32 s0, s7;
	v6, _, _ =	vpop (xrf0)  }
0x14c: {  	v7 =	vadd.s32 s0, v6  }
0x14d: {  	vm14 =	vlt.s32 v7, $0x800;
	_ =	sdelay $0x3  }
0x14e: {  	(v2sf) =	vpush v6, $0xF;
	_ =	sdelay $0x1  }
0x14f: {  	[tilespmem:v7+s18+$0x0] =	vst.idx.msk vm14, v3  }
0x150: {  	v6 =	vld [tilespmem:$0x110];
	_ =	sdelay $0x4  }
0x151: {  	vm15 =	vgt.s32 v6, $0x1  }
0x152: {  	v6 =	vnsel vm15, $0x1, v6  }
0x153: {  	(xrf0) =	vadd.scan.msk.s32 $0xffff, v6;
	_ =	sdelay $0x4  }
0x154: {  	[dreg:$0x14] =	wrdreg s8;
	s8 =	spop (v2sf)  }
0x155: {  	s0 =	sadd.s32 s0, s8;
	v6, _, _ =	vpop (xrf0)  }
0x156: {  	v7 =	vadd.s32 s0, v6  }
0x157: {  	vm4 =	vlt.s32 v7, $0x800;
	_ =	sdelay $0x3  }
0x158: {  	(v2sf) =	vpush v6, $0xF;
	_ =	sdelay $0x1  }
0x159: {  	[tilespmem:v7+s18+$0x0] =	vst.idx.msk vm4, v3  }
0x15a: {  	v6 =	vld [tilespmem:$0x120];
	_ =	sdelay $0x4  }
0x15b: {  	vm5 =	vgt.s32 v6, $0x1  }
0x15c: {  	v6 =	vnsel vm5, $0x1, v6  }
0x15d: {  	(xrf0) =	vadd.scan.msk.s32 $0xffff, v6;
	_ =	sdelay $0x4  }
0x15e: {  	[dreg:$0x16] =	wrdreg s12;
	s12 =	spop (v2sf)  }
0x15f: {  	s0 =	sadd.s32 s0, s12;
	v6, _, _ =	vpop (xrf0)  }
0x160: {  	v7 =	vadd.s32 s0, v6  }
0x161: {  	vm6 =	vlt.s32 v7, $0x800;
	_ =	sdelay $0x3  }
0x162: {  	(v2sf) =	vpush v6, $0xF;
	_ =	sdelay $0x1  }
0x163: {  	[tilespmem:v7+s18+$0x0] =	vst.idx.msk vm6, v3  }
0x164: {  	v6 =	vld [tilespmem:$0x130];
	_ =	sdelay $0x4  }
0x165: {  	vm7 =	vgt.s32 v6, $0x1  }
0x166: {  	v6 =	vnsel vm7, $0x1, v6  }
0x167: {  	(xrf0) =	vadd.scan.msk.s32 $0xffff, v6;
	_ =	sdelay $0x4  }
0x168: {  	[dreg:$0x17] =	wrdreg s13;
	s13 =	spop (v2sf)  }
0x169: {  	s0 =	sadd.s32 s0, s13;
	v6, _, _ =	vpop (xrf0)  }
0x16a: {  	v7 =	vadd.s32 s0, v6  }
0x16b: {  	vm8 =	vlt.s32 v7, $0x800;
	_ =	sdelay $0x3  }
0x16c: {  	(v2sf) =	vpush v6, $0xF;
	_ =	sdelay $0x1  }
0x16d: {  	[tilespmem:v7+s18+$0x0] =	vst.idx.msk vm8, v3  }
0x16e: {  	v6 =	vld [tilespmem:$0x140];
	_ =	sdelay $0x4  }
0x16f: {  	vm9 =	vgt.s32 v6, $0x1  }
0x170: {  	v6 =	vnsel vm9, $0x1, v6  }
0x171: {  	(xrf0) =	vadd.scan.msk.s32 $0xffff, v6;
	_ =	sdelay $0x4  }
0x172: {  	[dreg:$0x18] =	wrdreg s14;
	s14 =	spop (v2sf)  }
0x173: {  	s0 =	sadd.s32 s0, s14;
	v6, _, _ =	vpop (xrf0)  }
0x174: {  	v7 =	vadd.s32 s0, v6  }
0x175: {  	vm10 =	vlt.s32 v7, $0x800;
	_ =	sdelay $0x3  }
0x176: {  	(v2sf) =	vpush v6, $0xF;
	_ =	sdelay $0x1  }
0x177: {  	[tilespmem:v7+s18+$0x0] =	vst.idx.msk vm10, v3  }
0x178: {  	v6 =	vld [tilespmem:$0x150];
	_ =	sdelay $0x4  }
0x179: {  	vm11 =	vgt.s32 v6, $0x1  }
0x17a: {  	v6 =	vnsel vm11, $0x1, v6  }
0x17b: {  	(xrf0) =	vadd.scan.msk.s32 $0xffff, v6;
	_ =	sdelay $0x4  }
0x17c: {  	[dreg:$0x15] =	wrdreg s9;
	s9 =	spop (v2sf)  }
0x17d: {  	s0 =	sadd.s32 s0, s9;
	v6, _, _ =	vpop (xrf0)  }
0x17e: {  	v7 =	vadd.s32 s0, v6  }
0x17f: {  	vm12 =	vlt.s32 v7, $0x800;
	_ =	sdelay $0x3  }
0x180: {  	(v2sf) =	vpush v6, $0xF;
	_ =	sdelay $0x1  }
0x181: {  	[tilespmem:v7+s18+$0x0] =	vst.idx.msk vm12, v3  }
0x182: {  	v6 =	vld [tilespmem:$0x160];
	_ =	sdelay $0x4  }
0x183: {  	vm13 =	vgt.s32 v6, $0x1  }
0x184: {  	v6 =	vnsel vm13, $0x1, v6  }
0x185: {  	(xrf0) =	vadd.scan.msk.s32 $0xffff, v6;
	_ =	sdelay $0x4  }
0x186: {  	[dreg:$0x11] =	wrdreg s5;
	s5 =	spop (v2sf)  }
0x187: {  	s0 =	sadd.s32 s0, s5;
	v6, _, _ =	vpop (xrf0)  }
0x188: {  	v7 =	vadd.s32 s0, v6  }
0x189: {  	vm14 =	vlt.s32 v7, $0x800;
	_ =	sdelay $0x3  }
0x18a: {  	(v2sf) =	vpush v6, $0xF;
	_ =	sdelay $0x1  }
0x18b: {  	[tilespmem:v7+s18+$0x0] =	vst.idx.msk vm14, v3  }
0x18c: {  	v6 =	vld [tilespmem:$0x170];
	_ =	sdelay $0x4  }
0x18d: {  	vm15 =	vgt.s32 v6, $0x1  }
0x18e: {  	v6 =	vnsel vm15, $0x1, v6  }
0x18f: {  	(xrf0) =	vadd.scan.msk.s32 $0xffff, v6;
	_ =	sdelay $0x4  }
0x190: {  	[dreg:$0x12] =	wrdreg s6;
	s6 =	spop (v2sf)  }
0x191: {  	s0 =	sadd.s32 s0, s6;
	v6, _, _ =	vpop (xrf0)  }
0x192: {  	v7 =	vadd.s32 s0, v6  }
0x193: {  	vm4 =	vlt.s32 v7, $0x800;
	_ =	sdelay $0x3  }
0x194: {  	(v2sf) =	vpush v6, $0xF;
	_ =	sdelay $0x1  }
0x195: {  	[tilespmem:v7+s18+$0x0] =	vst.idx.msk vm4, v3  }
0x196: {  	v6 =	vld [tilespmem:$0x180];
	_ =	sdelay $0x4  }
0x197: {  	vm5 =	vgt.s32 v6, $0x1  }
0x198: {  	v6 =	vnsel vm5, $0x1, v6  }
0x199: {  	(xrf0) =	vadd.scan.msk.s32 $0xffff, v6;
	_ =	sdelay $0x4  }
0x19a: {  	[dreg:$0xd] =	wrdreg s23;
	s23 =	spop (v2sf)  }
0x19b: {  	s0 =	sadd.s32 s0, s23;
	v6, _, _ =	vpop (xrf0)  }
0x19c: {  	v7 =	vadd.s32 s0, v6  }
0x19d: {  	vm6 =	vlt.s32 v7, $0x800;
	_ =	sdelay $0x3  }
0x19e: {  	(v2sf) =	vpush v6, $0xF;
	_ =	sdelay $0x1  }
0x19f: {  	[tilespmem:v7+s18+$0x0] =	vst.idx.msk vm6, v3  }
0x1a0: {  	v6 =	vld [tilespmem:$0x190];
	_ =	sdelay $0x4  }
0x1a1: {  	vm7 =	vgt.s32 v6, $0x1  }
0x1a2: {  	v6 =	vnsel vm7, $0x1, v6  }
0x1a3: {  	(xrf0) =	vadd.scan.msk.s32 $0xffff, v6;
	_ =	sdelay $0x4  }
0x1a4: {  	[dreg:$0xe] =	wrdreg s24;
	s24 =	spop (v2sf)  }
0x1a5: {  	s0 =	sadd.s32 s0, s24;
	v6, _, _ =	vpop (xrf0)  }
0x1a6: {  	v7 =	vadd.s32 s0, v6  }
0x1a7: {  	vm8 =	vlt.s32 v7, $0x800;
	_ =	sdelay $0x3  }
0x1a8: {  	(v2sf) =	vpush v6, $0xF;
	_ =	sdelay $0x1  }
0x1a9: {  	[tilespmem:v7+s18+$0x0] =	vst.idx.msk vm8, v3  }
0x1aa: {  	v6 =	vld [tilespmem:$0x1A0];
	_ =	sdelay $0x4  }
0x1ab: {  	vm9 =	vgt.s32 v6, $0x1  }
0x1ac: {  	v6 =	vnsel vm9, $0x1, v6  }
0x1ad: {  	(xrf0) =	vadd.scan.msk.s32 $0xffff, v6;
	_ =	sdelay $0x4  }
0x1ae: {  	[dreg:$0xf] =	wrdreg s26;
	s26 =	spop (v2sf)  }
0x1af: {  	s0 =	sadd.s32 s0, s26;
	v6, _, _ =	vpop (xrf0)  }
0x1b0: {  	v7 =	vadd.s32 s0, v6  }
0x1b1: {  	vm10 =	vlt.s32 v7, $0x800;
	_ =	sdelay $0x3  }
0x1b2: {  	(v2sf) =	vpush v6, $0xF;
	_ =	sdelay $0x1  }
0x1b3: {  	[tilespmem:v7+s18+$0x0] =	vst.idx.msk vm10, v3  }
0x1b4: {  	v6 =	vld [tilespmem:$0x1B0];
	_ =	sdelay $0x4  }
0x1b5: {  	vm11 =	vgt.s32 v6, $0x1  }
0x1b6: {  	v6 =	vnsel vm11, $0x1, v6  }
0x1b7: {  	(xrf0) =	vadd.scan.msk.s32 $0xffff, v6;
	_ =	sdelay $0x4  }
0x1b8: {  	s28 =	spop (v2sf)  }
0x1b9: {  	s0 =	sadd.s32 s0, s28;
	v6, _, _ =	vpop (xrf0)  }
0x1ba: {  	v7 =	vadd.s32 s0, v6  }
0x1bb: {  	vm12 =	vlt.s32 v7, $0x800;
	_ =	sdelay $0x3  }
0x1bc: {  	(v2sf) =	vpush v6, $0xF;
	_ =	sdelay $0x1  }
0x1bd: {  	[tilespmem:v7+s18+$0x0] =	vst.idx.msk vm12, v3  }
0x1be: {  	v6 =	vld [tilespmem:$0x1C0];
	_ =	sdelay $0x4  }
0x1bf: {  	vm13 =	vgt.s32 v6, $0x1  }
0x1c0: {  	v6 =	vnsel vm13, $0x1, v6  }
0x1c1: {  	(xrf0) =	vadd.scan.msk.s32 $0xffff, v6;
	_ =	sdelay $0x4  }
0x1c2: {  	s29 =	spop (v2sf)  }
0x1c3: {  	s0 =	sadd.s32 s0, s29;
	v6, _, _ =	vpop (xrf0)  }
0x1c4: {  	v7 =	vadd.s32 s0, v6  }
0x1c5: {  	vm14 =	vlt.s32 v7, $0x800;
	_ =	sdelay $0x3  }
0x1c6: {  	(v2sf) =	vpush v6, $0xF;
	_ =	sdelay $0x1  }
0x1c7: {  	[tilespmem:v7+s18+$0x0] =	vst.idx.msk vm14, v3  }
0x1c8: {  	v6 =	vld [tilespmem:$0x1D0];
	_ =	sdelay $0x4  }
0x1c9: {  	vm15 =	vgt.s32 v6, $0x1  }
0x1ca: {  	v6 =	vnsel vm15, $0x1, v6  }
0x1cb: {  	(xrf0) =	vadd.scan.msk.s32 $0xffff, v6;
	_ =	sdelay $0x4  }
0x1cc: {  	s30 =	spop (v2sf)  }
0x1cd: {  	s0 =	sadd.s32 s0, s30;
	v6, _, _ =	vpop (xrf0)  }
0x1ce: {  	v7 =	vadd.s32 s0, v6  }
0x1cf: {  	vm4 =	vlt.s32 v7, $0x800;
	_ =	sdelay $0x3  }
0x1d0: {  	(v2sf) =	vpush v6, $0xF;
	_ =	sdelay $0x1  }
0x1d1: {  	[tilespmem:v7+s18+$0x0] =	vst.idx.msk vm4, v3  }
0x1d2: {  	v6 =	vld [tilespmem:$0x1E0];
	_ =	sdelay $0x4  }
0x1d3: {  	vm5 =	vgt.s32 v6, $0x1  }
0x1d4: {  	v6 =	vnsel vm5, $0x1, v6  }
0x1d5: {  	(xrf0) =	vadd.scan.msk.s32 $0xffff, v6;
	_ =	sdelay $0x4  }
0x1d6: {  	s31 =	spop (v2sf)  }
0x1d7: {  	s0 =	sadd.s32 s0, s31;
	v6, _, _ =	vpop (xrf0)  }
0x1d8: {  	v7 =	vadd.s32 s0, v6  }
0x1d9: {  	vm6 =	vlt.s32 v7, $0x800;
	_ =	sdelay $0x5  }
0x1da: {  	[tilespmem:v7+s18+$0x0] =	vst.idx.msk vm6, v3  }
0x1db: {  	v7 =	vld [tilespmem:$0x1F0];
	_ =	sdelay $0x4  }
0x1dc: {  	vm7 =	vgt.s32 v7, $0x1  }
0x1dd: {  	v7 =	vnsel vm7, $0x1, v7  }
0x1de: {  	(xrf0) =	vadd.scan.msk.s32 $0xffff, v7;
	_ =	sdelay $0x1  }
0x1df: {  	(v2sf) =	vpush v6, $0xF;
	_ =	sdelay $0x3  }
0x1e0: {  	v6, _, _ =	vpop (xrf0)  }
0x1e1: {  	(v2sf) =	vpush v6, $0xF;
	_ =	sdelay $0x9  }
0x1e2: {  	s2 =	spop (v2sf)  }
0x1e3: {  	s0 =	sadd.s32 s0, s2  }
0x1e4: {  	v6 =	vadd.s32 s0, v6  }
0x1e5: {  	vm8 =	vlt.s32 v6, $0x800;
	_ =	sdelay $0x1  }
0x1e6: {  	s19 =	spop (v2sf)  }
0x1e7: {  	s17 =	rddreg [dreg:$0x7];
	s20 =	sadd.s32 s0, s19  }
0x1e8: {  	[dreg:$0x19] =	wrdreg s15;
	s0 =	ssub.s32 s20, s17  }
0x1e9: {  	s15 =	rddreg [dreg:$0x4];
	p0 =	sgt.s32 s0, $0x0  }
0x1ea: {  	[dreg:$0x1a] =	wrdreg s16;
	[tilespmem:v6+s18+$0x0] =	vst.idx.msk vm8, v3;
	s16 =	simm.s32 @!p0 $0x0;
	s17 =	simm.s32 @!p0 $0xDA00  }
0x1eb: {  	[tilespmem:s17], [sflag:$0x5] =	stream.linear.gather @!p0 [hbm4b:s15+s16], $0x6000, $0x38;
	[tilespmem:$0x13A00] =	vst v63  }
0x1ec: {  	s16 =	simm.s32 @!p0 $0x5  }
0x1ed: {  	_ =	swait.ge @!p0 [sflag:s16], $0x6000  }
0x1ee: {  	[sflag:s16] =	ssyncset.done @!p0 $0x0  }
0x1ef: {  	[sflag:s16] =	ssyncadd.s32 @!p0 $0xFFFFA000  }
0x1f0: {  	v6 =	vld [tilespmem:$0x200]  }
0x1f1: {  	v7 =	vld [tilespmem:$0x210]  }
0x1f2: {  	v60 =	vld [tilespmem:$0x220]  }
0x1f3: {  	v9 =	vld [tilespmem:$0x230]  }
0x1f4: {  	v10 =	vld [tilespmem:$0x240]  }
0x1f5: {  	(xrf0) =	vadd.scan.msk.s32 $0xffff, v6;
	v6 =	vld [tilespmem:$0x250]  }
0x1f6: {  	(xrf0) =	vadd.scan.msk.s32 $0xffff, v7  }
0x1f7: {  	v7 =	vld [tilespmem:$0x260];
	(xrf0) =	vadd.scan.msk.s32 $0xffff, v60  }
0x1f8: {  	v61 =	vld [tilespmem:$0x270];
	(xrf0) =	vadd.scan.msk.s32 $0xffff, v9  }
0x1f9: {  	v62 =	vld [tilespmem:$0x280];
	(xrf0) =	vadd.scan.msk.s32 $0xffff, v10  }
0x1fa: {  	(xrf0) =	vadd.scan.msk.s32 $0xffff, v6;
	v6 =	vld [tilespmem:$0x290]  }
0x1fb: {  	v63, _, _ =	vpop (xrf0)  }
0x1fc: {  	v11 =	vld [tilespmem:$0x2A0];
	(v2sf) =	vpush v63, $0xF;
	v12, _, _ =	vpop (xrf0);
	(xrf0) =	vadd.scan.msk.s32 $0xffff, v7  }
0x1fd: {  	v27 =	vld [tilespmem:$0x2B0];
	(v2sf) =	vpush v12, $0xF;
	v7, _, _ =	vpop (xrf0);
	(xrf0) =	vadd.scan.msk.s32 $0xffff, v61  }
0x1fe: {  	v28 =	vld [tilespmem:$0x2C0];
	(v2sf) =	vpush v7, $0xF;
	v13, _, _ =	vpop (xrf0);
	(xrf0) =	vadd.scan.msk.s32 $0xffff, v62  }
0x1ff: {  	(v2sf) =	vpush v13, $0xF;
	v14, _, _ =	vpop (xrf0);
	(xrf0) =	vadd.scan.msk.s32 $0xffff, v6;
	v6 =	vld [tilespmem:$0x2D0];
	_ =	sdelay $0x1  }
0x200: {  	v29 =	vld [tilespmem:$0x2E0];
	(v2sf) =	vpush v14, $0xF;
	v15, _, _ =	vpop (xrf0);
	(xrf0) =	vadd.scan.msk.s32 $0xffff, v11  }
0x201: {  	v30 =	vld [tilespmem:$0x2F0];
	(v2sf) =	vpush v15, $0xF;
	(xrf0) =	vadd.scan.msk.s32 $0xffff, v27;
	v16, _, _ =	vpop (xrf0)  }
0x202: {  	(xrf0) =	vadd.scan.msk.s32 $0xffff, v28;
	(v2sf) =	vpush v16, $0xF;
	v17, _, _ =	vpop (xrf0)  }
0x203: {  	(v2sf) =	vpush v17, $0xF;
	v31, _, _ =	vpop (xrf0);
	(xrf0) =	vadd.scan.msk.s32 $0xffff, v6;
	v6 =	vld [tilespmem:$0x300]  }
0x204: {  	(v2sf) =	vpush v31, $0xF;
	v18, _, _ =	vpop (xrf0)  }
0x205: {  	v19 =	vld [tilespmem:$0x310];
	(xrf0) =	vadd.scan.msk.s32 $0xffff, v29;
	(v2sf) =	vpush v18, $0xF  }
0x206: {  	v32 =	vld [tilespmem:$0x320];
	v20, _, _ =	vpop (xrf0);
	(xrf0) =	vadd.scan.msk.s32 $0xffff, v30  }
0x207: {  	v21 =	vld [tilespmem:$0x330];
	v33, _, _ =	vpop (xrf0)  }
0x208: {  	(v2sf) =	vpush v20, $0xF;
	v22, _, _ =	vpop (xrf0);
	(xrf0) =	vadd.scan.msk.s32 $0xffff, v6  }
0x209: {  	v34 =	vld [tilespmem:$0x340];
	(v2sf) =	vpush v33, $0xF  }
0x20a: {  	s22 =	rddreg [dreg:$0x8];
	v35 =	vld [tilespmem:$0x350];
	v10 =	vadd.s32 v1, v63;
	(v2sf) =	vpush v22, $0xF;
	v6, _, _ =	vpop (xrf0);
	(xrf0) =	vadd.scan.msk.s32 $0xffff, v19;
	s21 =	spop (v2sf)  }
0x20b: {  	v36 =	vld [tilespmem:$0x360];
	vm9 =	vlt.s32 v10, v0;
	(v2sf) =	vpush v6, $0xF;
	v23, _, _ =	vpop (xrf0);
	(xrf0) =	vadd.scan.msk.s32 $0xffff, v32;
	s16 =	sadd.s32 s22, s21;
	s15 =	spop (v2sf)  }
0x20c: {  	v10 =	vsel vm9, v10, v0;
	(v2sf) =	vpush v23, $0xF;
	v24, _, _ =	vpop (xrf0);
	(xrf0) =	vadd.scan.msk.s32 $0xffff, v21;
	s17 =	sadd.s32 s15, s16;
	s21 =	spop (v2sf);
	v12 =	vadd.s32 s16, v12  }
0x20d: {  	v37 =	vld [tilespmem:$0x370];
	[tilespmem:$0xA00] =	vst v10;
	(v2sf) =	vpush v24, $0xF;
	s21 =	sadd.s32 s21, s17;
	s22 =	spop (v2sf);
	vm10 =	vlt.s32 v12, v0  }
0x20e: {  	v7 =	vadd.s32 s17, v7;
	v13 =	vadd.s32 s21, v13;
	s21 =	sadd.s32 s22, s21;
	v25, _, _ =	vpop (xrf0);
	(xrf0) =	vadd.scan.msk.s32 $0xffff, v34;
	v39 =	vsel vm10, v12, v0  }
0x20f: {  	s22 =	spop (v2sf);
	vm11 =	vlt.s32 v7, v0;
	v14 =	vadd.s32 s21, v14;
	(v2sf) =	vpush v25, $0xF;
	(xrf0) =	vadd.scan.msk.s32 $0xffff, v35  }
0x210: {  	v38 =	vld [tilespmem:$0x380];
	s16 =	sadd.s32 s22, s21;
	v26, _, _ =	vpop (xrf0);
	s15 =	spop (v2sf);
	[tilespmem:$0xA10] =	vst v39;
	v7 =	vsel vm11, v7, v0;
	vm12 =	vlt.s32 v13, v0;
	(xrf0) =	vadd.scan.msk.s32 $0xffff, v36  }
0x211: {  	v15 =	vadd.s32 s16, v15;
	s16 =	sadd.s32 s15, s16;
	(v2sf) =	vpush v26, $0xF;
	v27, _, _ =	vpop (xrf0);
	[tilespmem:$0xA20] =	vst v7;
	v13 =	vsel vm12, v13, v0;
	s21 =	spop (v2sf)  }
0x212: {  	v61 =	vld [tilespmem:$0x390];
	vm13 =	vlt.s32 v14, v0;
	v16 =	vadd.s32 s16, v16;
	(v2sf) =	vpush v27, $0xF;
	v40, _, _ =	vpop (xrf0);
	(xrf0) =	vadd.scan.msk.s32 $0xffff, v37;
	s16 =	sadd.s32 s21, s16;
	s22 =	spop (v2sf)  }
0x213: {  	[tilespmem:$0xA30] =	vst v13;
	v30 =	vsel vm13, v14, v0;
	vm14 =	vlt.s32 v15, v0;
	(v2sf) =	vpush v40, $0xF;
	s17 =	sadd.s32 s22, s16;
	s15 =	spop (v2sf)  }
0x214: {  	v63 =	vld [tilespmem:$0x3A0];
	[tilespmem:$0xA80] =	vst v30;
	v42 =	vsel vm14, v15, v0;
	vm15 =	vlt.s32 v16, v0;
	v62 =	vadd.s32 s16, v17;
	s21 =	sadd.s32 s15, s17;
	v7, _, _ =	vpop (xrf0);
	s22 =	spop (v2sf)  }
0x215: {  	v45 =	vsel vm15, v16, v0;
	v9 =	vadd.s32 s17, v31;
	(xrf0) =	vadd.scan.msk.s32 $0xffff, v38;
	s17 =	sadd.s32 s22, s21;
	(v2sf) =	vpush v7, $0xF;
	v31, _, _ =	vpop (xrf0)  }
0x216: {  	v41 =	vld [tilespmem:$0x3B0];
	[tilespmem:$0xA90] =	vst v42;
	vm4 =	vlt.s32 v62, v0;
	v29 =	vadd.s32 s17, v20;
	(v2sf) =	vpush v31, $0xF;
	v20, _, _ =	vpop (xrf0)  }
0x217: {  	v43 =	vld [tilespmem:$0x3C0];
	[tilespmem:$0xAA0] =	vst v45;
	s15 =	spop (v2sf);
	v10 =	vsel vm4, v62, v0;
	(xrf0) =	vadd.scan.msk.s32 $0xffff, v61;
	(v2sf) =	vpush v20, $0xF  }
0x218: {  	v47 =	vld [tilespmem:$0x3D0];
	v28 =	vadd.s32 s21, v18;
	vm5 =	vlt.s32 v9, v0;
	s21 =	sadd.s32 s15, s17;
	[tilespmem:$0xAB0] =	vst v10  }
0x219: {  	v48 =	vld [tilespmem:$0x3E0];
	s22 =	spop (v2sf);
	v9 =	vsel vm5, v9, v0;
	vm6 =	vlt.s32 v28, v0;
	v11 =	vadd.s32 s21, v33;
	v46, _, _ =	vpop (xrf0);
	(xrf0) =	vadd.scan.msk.s32 $0xffff, v63  }
0x21a: {  	v51 =	vld [tilespmem:$0x3F0];
	s16 =	sadd.s32 s22, s21;
	s15 =	spop (v2sf);
	[tilespmem:$0xB00] =	vst v9;
	v8 =	vsel vm6, v28, v0;
	vm7 =	vlt.s32 v29, v0;
	(v2sf) =	vpush v46, $0xF  }
0x21b: {  	v54 =	vld [tilespmem:$0x400];
	v44 =	vadd.s32 s16, v22;
	s16 =	sadd.s32 s15, s16;
	[tilespmem:$0xB10] =	vst v8;
	v57 =	vsel vm7, v29, v0;
	v50, _, _ =	vpop (xrf0);
	(xrf0) =	vadd.scan.msk.s32 $0xffff, v41  }
0x21c: {  	v56 =	vld [tilespmem:$0x410];
	vm8 =	vlt.s32 v11, v0;
	s21 =	spop (v2sf);
	v6 =	vadd.s32 s16, v6;
	[tilespmem:$0xB20] =	vst v57;
	(xrf0) =	vadd.scan.msk.s32 $0xffff, v43  }
0x21d: {  	v59 =	vld [tilespmem:$0x420];
	v60 =	vsel vm8, v11, v0;
	vm9 =	vlt.s32 v44, v0;
	s22 =	spop (v2sf);
	(v2sf) =	vpush v50, $0xF;
	v53, _, _ =	vpop (xrf0);
	(xrf0) =	vadd.scan.msk.s32 $0xffff, v47  }
0x21e: {  	v61 =	vld [tilespmem:$0x430];
	s16 =	sadd.s32 s21, s16;
	[tilespmem:$0xB30] =	vst v60;
	vm10 =	vlt.s32 v6, v0;
	(v2sf) =	vpush v53, $0xF;
	(xrf0) =	vadd.scan.msk.s32 $0xffff, v48  }
0x21f: {  	v33 =	vld [tilespmem:$0x440];
	v21 =	vsel vm9, v44, v0;
	v49 =	vadd.s32 s16, v23;
	s16 =	sadd.s32 s22, s16;
	s15 =	spop (v2sf);
	v6 =	vsel vm10, v6, v0;
	v58, _, _ =	vpop (xrf0);
	(xrf0) =	vadd.scan.msk.s32 $0xffff, v51  }
0x220: {  	v34 =	vld [tilespmem:$0x450];
	v52 =	vadd.s32 s16, v24;
	s16 =	sadd.s32 s15, s16;
	vm11 =	vlt.s32 v49, v0;
	s21 =	spop (v2sf);
	(v2sf) =	vpush v58, $0xF;
	(xrf0) =	vadd.scan.msk.s32 $0xffff, v54  }
0x221: {  	[tilespmem:$0xB90] =	vst v6;
	v55 =	vadd.s32 s16, v25;
	v6 =	vsel vm11, v49, v0;
	s16 =	sadd.s32 s21, s16;
	s22 =	spop (v2sf);
	v32, _, _ =	vpop (xrf0);
	(xrf0) =	vadd.scan.msk.s32 $0xffff, v56  }
0x222: {  	v36 =	vld [tilespmem:$0x460];
	vm12 =	vlt.s32 v52, v0;
	[tilespmem:$0xBA0] =	vst v6;
	s17 =	sadd.s32 s22, s16;
	s15 =	spop (v2sf);
	(v2sf) =	vpush v32, $0xF;
	v35, _, _ =	vpop (xrf0);
	(xrf0) =	vadd.scan.msk.s32 $0xffff, v59  }
0x223: {  	v38 =	vld [tilespmem:$0x470];
	v6 =	vsel vm12, v52, v0;
	v62 =	vadd.s32 s16, v26;
	s16 =	sadd.s32 s15, s17;
	s21 =	spop (v2sf);
	(v2sf) =	vpush v35, $0xF;
	v37, _, _ =	vpop (xrf0);
	(xrf0) =	vadd.scan.msk.s32 $0xffff, v61  }
0x224: {  	[tilespmem:$0xB80] =	vst v21;
	v12 =	vadd.s32 s16, v40;
	s16 =	sadd.s32 s21, s16;
	v40 =	vld [tilespmem:$0x480];
	v39, _, _ =	vpop (xrf0);
	(xrf0) =	vadd.scan.msk.s32 $0xffff, v33;
	s22 =	spop (v2sf);
	(v2sf) =	vpush v37, $0xF  }
0x225: {  	v41 =	vld [tilespmem:$0x490];
	vm13 =	vlt.s32 v55, v0;
	v7 =	vadd.s32 s16, v7;
	v28, _, _ =	vpop (xrf0);
	(xrf0) =	vadd.scan.msk.s32 $0xffff, v34;
	s16 =	sadd.s32 s22, s16;
	(v2sf) =	vpush v39, $0xF;
	s15 =	spop (v2sf)  }
0x226: {  	v43 =	vld [tilespmem:$0x4A0];
	[tilespmem:$0xBB0] =	vst v6;
	v45 =	vsel vm13, v55, v0;
	v6, _, _ =	vpop (xrf0);
	v14 =	vadd.s32 s16, v31;
	s16 =	sadd.s32 s15, s16;
	(v2sf) =	vpush v28, $0xF;
	s21 =	spop (v2sf)  }
0x227: {  	v63 =	vadd.s32 s17, v27;
	(xrf0) =	vadd.scan.msk.s32 $0xffff, v36;
	v44, _, _ =	vpop (xrf0);
	v42 =	vadd.s32 s16, v20;
	s16 =	sadd.s32 s21, s16;
	(v2sf) =	vpush v6, $0xF  }
0x228: {  	vm1 =	vlt.s32 v62, v0;
	(xrf0) =	vadd.scan.msk.s32 $0xffff, v38;
	v16 =	vadd.s32 s16, v46;
	(v2sf) =	vpush v44, $0xF;
	v46, _, _ =	vpop (xrf0)  }
0x229: {  	v19 =	vsel vm1, v62, v0;
	vm14 =	vlt.s32 v63, v0;
	s22 =	spop (v2sf);
	(xrf0) =	vadd.scan.msk.s32 $0xffff, v40;
	(v2sf) =	vpush v46, $0xF;
	v48, _, _ =	vpop (xrf0)  }
0x22a: {  	v8 =	vsel vm14, v63, v0;
	vm15 =	vlt.s32 v12, v0;
	s16 =	sadd.s32 s22, s16;
	(xrf0) =	vadd.scan.msk.s32 $0xffff, v41;
	(v2sf) =	vpush v48, $0xF;
	v49, _, _ =	vpop (xrf0)  }
0x22b: {  	v51 =	vld [tilespmem:$0x4B0];
	vm4 =	vlt.s32 v7, v0;
	v12 =	vsel vm15, v12, v0;
	v47 =	vadd.s32 s16, v50;
	v50, _, _ =	vpop (xrf0);
	(xrf0) =	vadd.scan.msk.s32 $0xffff, v43  }
0x22c: {  	[tilespmem:$0xC00] =	vst v45;
	v7 =	vsel vm4, v7, v0;
	vm5 =	vlt.s32 v14, v0;
	s15 =	spop (v2sf);
	(v2sf) =	vpush v49, $0xF  }
0x22d: {  	[tilespmem:$0xC10] =	vst v19;
	v55 =	vsel vm5, v14, v0;
	vm6 =	vlt.s32 v42, v0;
	s21 =	spop (v2sf);
	(v2sf) =	vpush v50, $0xF;
	v52, _, _ =	vpop (xrf0)  }
0x22e: {  	[tilespmem:$0xC20] =	vst v8;
	vm7 =	vlt.s32 v16, v0;
	v57 =	vsel vm6, v42, v0;
	s16 =	sadd.s32 s15, s16;
	(v2sf) =	vpush v52, $0xF;
	v54, _, _ =	vpop (xrf0)  }
0x22f: {  	[tilespmem:$0xC30] =	vst v12;
	vm8 =	vlt.s32 v47, v0;
	v9 =	vadd.s32 s16, v53;
	s22 =	spop (v2sf);
	(v2sf) =	vpush v54, $0xF;
	v56, _, _ =	vpop (xrf0)  }
0x230: {  	v11 =	vsel vm8, v47, v0;
	s16 =	sadd.s32 s21, s16;
	vm9 =	vlt.s32 v9, v0;
	(xrf0) =	vadd.scan.msk.s32 $0xffff, v51;
	(v2sf) =	vpush v56, $0xF;
	v59, _, _ =	vpop (xrf0)  }
0x231: {  	[tilespmem:$0xC80] =	vst v7;
	v53 =	vadd.s32 s16, v58;
	s16 =	sadd.s32 s22, s16;
	v58 =	vsel vm7, v16, v0;
	s15 =	spop (v2sf);
	(v2sf) =	vpush v59, $0xF;
	v61, _, _ =	vpop (xrf0)  }
0x232: {  	[tilespmem:$0xC90] =	vst v55;
	v9 =	vsel vm9, v9, v0;
	v7 =	vadd.s32 s16, v32;
	s16 =	sadd.s32 s15, s16;
	s21 =	spop (v2sf);
	(v2sf) =	vpush v61, $0xF  }
0x233: {  	[tilespmem:$0xCA0] =	vst v57;
	vm10 =	vlt.s32 v53, v0;
	vm11 =	vlt.s32 v7, v0;
	v60 =	vadd.s32 s16, v35;
	s16 =	sadd.s32 s21, s16;
	s22 =	spop (v2sf)  }
0x234: {  	[tilespmem:$0xD00] =	vst v11;
	v7 =	vsel vm11, v7, v0;
	v62 =	vadd.s32 s16, v37;
	vm12 =	vlt.s32 v60, v0;
	s16 =	sadd.s32 s22, s16;
	s15 =	spop (v2sf)  }
0x235: {  	[tilespmem:$0xD30] =	vst v7;
	v7 =	vsel vm12, v60, v0;
	vm13 =	vlt.s32 v62, v0;
	v63 =	vadd.s32 s16, v39;
	s16 =	sadd.s32 s15, s16;
	s21 =	spop (v2sf)  }
0x236: {  	v8 =	vsel vm10, v53, v0;
	v22, _, _ =	vpop (xrf0);
	[tilespmem:$0xD80] =	vst v7;
	v7 =	vsel vm13, v62, v0;
	v21 =	vadd.s32 s16, v28;
	s16 =	sadd.s32 s21, s16;
	s22 =	spop (v2sf)  }
0x237: {  	[tilespmem:$0xCB0] =	vst v58;
	vm14 =	vlt.s32 v63, v0;
	(v2sf) =	vpush v22, $0xF;
	v28 =	vld [tilespmem:$0x4C0];
	v6 =	vadd.s32 s16, v6;
	s16 =	sadd.s32 s22, s16;
	s15 =	spop (v2sf)  }
0x238: {  	[tilespmem:$0xD90] =	vst v7;
	v7 =	vsel vm14, v63, v0;
	vm15 =	vlt.s32 v21, v0;
	v25 =	vadd.s32 s16, v44;
	s16 =	sadd.s32 s15, s16;
	s21 =	spop (v2sf)  }
0x239: {  	[tilespmem:$0xDA0] =	vst v7;
	v7 =	vsel vm15, v21, v0;
	vm4 =	vlt.s32 v6, v0;
	v26 =	vadd.s32 s16, v46;
	s16 =	sadd.s32 s21, s16;
	s22 =	spop (v2sf)  }
0x23a: {  	[tilespmem:$0xDB0] =	vst v7;
	v6 =	vsel vm4, v6, v0;
	vm5 =	vlt.s32 v25, v0;
	v27 =	vadd.s32 s16, v48;
	s16 =	sadd.s32 s22, s16  }
0x23b: {  	s15 =	spop (v2sf);
	[tilespmem:$0xE00] =	vst v6;
	v6 =	vsel vm5, v25, v0;
	vm6 =	vlt.s32 v26, v0;
	v7 =	vadd.s32 s16, v49  }
0x23c: {  	s16 =	sadd.s32 s15, s16;
	s21 =	spop (v2sf);
	[tilespmem:$0xE10] =	vst v6;
	v6 =	vsel vm6, v26, v0;
	vm7 =	vlt.s32 v27, v0;
	(xrf0) =	vadd.scan.msk.s32 $0xffff, v28  }
0x23d: {  	v10 =	vadd.s32 s16, v50;
	s16 =	sadd.s32 s21, s16;
	s22 =	spop (v2sf);
	[tilespmem:$0xE20] =	vst v6;
	v6 =	vsel vm7, v27, v0;
	vm8 =	vlt.s32 v7, v0  }
0x23e: {  	v29 =	vadd.s32 s16, v52;
	s16 =	sadd.s32 s22, s16;
	s15 =	spop (v2sf);
	[tilespmem:$0xE30] =	vst v6;
	v6 =	vsel vm8, v7, v0;
	vm9 =	vlt.s32 v10, v0  }
0x23f: {  	v30 =	vadd.s32 s16, v54;
	s16 =	sadd.s32 s15, s16;
	s21 =	spop (v2sf);
	[tilespmem:$0xE80] =	vst v6;
	v6 =	vsel vm9, v10, v0;
	vm10 =	vlt.s32 v29, v0  }
0x240: {  	v7 =	vadd.s32 s16, v56;
	s16 =	sadd.s32 s21, s16;
	[tilespmem:$0xE90] =	vst v6;
	v6 =	vsel vm10, v29, v0;
	vm11 =	vlt.s32 v30, v0;
	s22 =	spop (v2sf)  }
0x241: {  	v31 =	vadd.s32 s16, v59;
	s16 =	sadd.s32 s22, s16;
	[tilespmem:$0xEA0] =	vst v6;
	v6 =	vsel vm11, v30, v0;
	vm12 =	vlt.s32 v7, v0;
	s15 =	spop (v2sf)  }
0x242: {  	v32 =	vadd.s32 s16, v61;
	[tilespmem:$0xEB0] =	vst v6;
	v6 =	vsel vm12, v7, v0;
	vm13 =	vlt.s32 v31, v0;
	s16 =	sadd.s32 s15, s16  }
0x243: {  	[tilespmem:$0xF00] =	vst v6;
	v6 =	vsel vm13, v31, v0;
	vm14 =	vlt.s32 v32, v0;
	v7 =	vadd.s32 s16, v22  }
0x244: {  	[tilespmem:$0xF10] =	vst v6;
	v6 =	vsel vm14, v32, v0;
	vm15 =	vlt.s32 v7, v0  }
0x245: {  	[tilespmem:$0xF20] =	vst v6;
	v6 =	vsel vm15, v7, v0  }
0x246: {  	[tilespmem:$0xD10] =	vst v9  }
0x247: {  	[tilespmem:$0xD20] =	vst v8  }
0x248: {  	s17 =	spop (v2sf);
	[tilespmem:$0xF30] =	vst v6;
	v6, _, _ =	vpop (xrf0)  }
0x249: {  	v7 =	vld [tilespmem:$0x4D0]  }
0x24a: {  	v33 =	vld [tilespmem:$0x4E0]  }
0x24b: {  	v34 =	vld [tilespmem:$0x4F0];
	_ =	sdelay $0x1  }
0x24c: {  	v35 =	vld [tilespmem:$0x500]  }
0x24d: {  	(xrf0) =	vadd.scan.msk.s32 $0xffff, v7  }
0x24e: {  	v7 =	vld [tilespmem:$0x510];
	(xrf0) =	vadd.scan.msk.s32 $0xffff, v33  }
0x24f: {  	v36 =	vld [tilespmem:$0x520];
	(xrf0) =	vadd.scan.msk.s32 $0xffff, v34;
	_ =	sdelay $0x1  }
0x250: {  	v37 =	vld [tilespmem:$0x530];
	(v2sf) =	vpush v6, $0xF;
	(xrf0) =	vadd.scan.msk.s32 $0xffff, v35  }
0x251: {  	v38 =	vld [tilespmem:$0x540]  }
0x252: {  	(xrf0) =	vadd.scan.msk.s32 $0xffff, v7;
	v39, _, _ =	vpop (xrf0)  }
0x253: {  	v7 =	vld [tilespmem:$0x550];
	(xrf0) =	vadd.scan.msk.s32 $0xffff, v36;
	(v2sf) =	vpush v39, $0xF;
	v41, _, _ =	vpop (xrf0)  }
0x254: {  	v40 =	vld [tilespmem:$0x560];
	(v2sf) =	vpush v41, $0xF;
	v43, _, _ =	vpop (xrf0)  }
0x255: {  	(xrf0) =	vadd.scan.msk.s32 $0xffff, v37;
	(v2sf) =	vpush v43, $0xF  }
0x256: {  	v42 =	vld [tilespmem:$0x570];
	(xrf0) =	vadd.scan.msk.s32 $0xffff, v38;
	v44, _, _ =	vpop (xrf0)  }
0x257: {  	v45 =	vld [tilespmem:$0x580];
	(v2sf) =	vpush v44, $0xF  }
0x258: {  	(xrf0) =	vadd.scan.msk.s32 $0xffff, v7;
	v7 =	vld [tilespmem:$0x590];
	v46, _, _ =	vpop (xrf0)  }
0x259: {  	v47 =	vld [tilespmem:$0x5A0];
	(xrf0) =	vadd.scan.msk.s32 $0xffff, v40;
	(v2sf) =	vpush v46, $0xF;
	v48, _, _ =	vpop (xrf0)  }
0x25a: {  	v50 =	vld [tilespmem:$0x5B0];
	(v2sf) =	vpush v48, $0xF  }
0x25b: {  	v52 =	vld [tilespmem:$0x5C0];
	(xrf0) =	vadd.scan.msk.s32 $0xffff, v42;
	v49, _, _ =	vpop (xrf0)  }
0x25c: {  	v55 =	vld [tilespmem:$0x5D0];
	(xrf0) =	vadd.scan.msk.s32 $0xffff, v45;
	(v2sf) =	vpush v49, $0xF;
	v51, _, _ =	vpop (xrf0)  }
0x25d: {  	v56 =	vld [tilespmem:$0x5E0];
	(xrf0) =	vadd.scan.msk.s32 $0xffff, v7;
	(v2sf) =	vpush v51, $0xF  }
0x25e: {  	v7, _, _ =	vpop (xrf0);
	(xrf0) =	vadd.scan.msk.s32 $0xffff, v47  }
0x25f: {  	s16 =	sadd.s32 s17, s16;
	s21 =	spop (v2sf);
	(v2sf) =	vpush v7, $0xF;
	v53, _, _ =	vpop (xrf0);
	(xrf0) =	vadd.scan.msk.s32 $0xffff, v50  }
0x260: {  	v59 =	vld [tilespmem:$0x5F0];
	v6 =	vadd.s32 s16, v6;
	s17 =	sadd.s32 s21, s16;
	(v2sf) =	vpush v53, $0xF;
	(xrf0) =	vadd.scan.msk.s32 $0xffff, v52  }
0x261: {  	v61 =	vld [tilespmem:$0x600];
	vm4 =	vlt.s32 v6, v0;
	v11 =	vadd.s32 s17, v39;
	v54, _, _ =	vpop (xrf0);
	(xrf0) =	vadd.scan.msk.s32 $0xffff, v55  }
0x262: {  	v62 =	vld [tilespmem:$0x610];
	v6 =	vsel vm4, v6, v0;
	vm5 =	vlt.s32 v11, v0;
	(v2sf) =	vpush v54, $0xF;
	v57, _, _ =	vpop (xrf0);
	(xrf0) =	vadd.scan.msk.s32 $0xffff, v56;
	s22 =	spop (v2sf)  }
0x263: {  	v29 =	vld [tilespmem:$0x620];
	[tilespmem:$0xF80] =	vst v6;
	v6 =	vsel vm5, v11, v0;
	(v2sf) =	vpush v57, $0xF;
	v58, _, _ =	vpop (xrf0);
	s21 =	sadd.s32 s22, s17;
	s15 =	spop (v2sf)  }
0x264: {  	v31 =	vld [tilespmem:$0x630];
	[tilespmem:$0xF90] =	vst v6;
	(v2sf) =	vpush v58, $0xF;
	v60, _, _ =	vpop (xrf0);
	s22 =	sadd.s32 s15, s21;
	s15 =	spop (v2sf)  }
0x265: {  	(v2sf) =	vpush v60, $0xF;
	v63, _, _ =	vpop (xrf0);
	(xrf0) =	vadd.scan.msk.s32 $0xffff, v59;
	v13 =	vadd.s32 s21, v41;
	v14 =	vadd.s32 s22, v43;
	s16 =	sadd.s32 s15, s22  }
0x266: {  	v32 =	vld [tilespmem:$0x640];
	v30, _, _ =	vpop (xrf0);
	(xrf0) =	vadd.scan.msk.s32 $0xffff, v61;
	s15 =	spop (v2sf);
	(v2sf) =	vpush v63, $0xF;
	vm6 =	vlt.s32 v13, v0;
	v9 =	vadd.s32 s16, v44  }
0x267: {  	v34 =	vld [tilespmem:$0x650];
	v33, _, _ =	vpop (xrf0);
	(xrf0) =	vadd.scan.msk.s32 $0xffff, v62;
	s16 =	sadd.s32 s15, s16;
	(v2sf) =	vpush v30, $0xF;
	v13 =	vsel vm6, v13, v0;
	vm7 =	vlt.s32 v14, v0  }
0x268: {  	v37 =	vld [tilespmem:$0x660];
	v35, _, _ =	vpop (xrf0);
	(xrf0) =	vadd.scan.msk.s32 $0xffff, v29;
	v15 =	vadd.s32 s16, v46;
	s21 =	spop (v2sf);
	(v2sf) =	vpush v33, $0xF;
	[tilespmem:$0xFA0] =	vst v13  }
0x269: {  	v39 =	vld [tilespmem:$0x670];
	v36 =	vsel vm7, v14, v0;
	vm8 =	vlt.s32 v9, v0;
	(xrf0) =	vadd.scan.msk.s32 $0xffff, v31;
	s16 =	sadd.s32 s21, s16;
	s22 =	spop (v2sf);
	(v2sf) =	vpush v35, $0xF  }
0x26a: {  	v40 =	vld [tilespmem:$0x680];
	[tilespmem:$0xFB0] =	vst v36;
	v9 =	vsel vm8, v9, v0;
	vm9 =	vlt.s32 v15, v0;
	v6 =	vadd.s32 s16, v48;
	s16 =	sadd.s32 s22, s16  }
0x26b: {  	s15 =	spop (v2sf);
	v38, _, _ =	vpop (xrf0);
	(xrf0) =	vadd.scan.msk.s32 $0xffff, v32;
	[tilespmem:$0x1000] =	vst v9;
	v41 =	vsel vm9, v15, v0;
	v16 =	vadd.s32 s16, v49  }
0x26c: {  	s16 =	sadd.s32 s15, s16;
	s21 =	spop (v2sf);
	(v2sf) =	vpush v38, $0xF;
	v42, _, _ =	vpop (xrf0);
	(xrf0) =	vadd.scan.msk.s32 $0xffff, v34;
	[tilespmem:$0x1010] =	vst v41;
	vm10 =	vlt.s32 v6, v0  }
0x26d: {  	v43 =	vld [tilespmem:$0x690];
	v17 =	vadd.s32 s16, v51;
	s16 =	sadd.s32 s21, s16;
	v44, _, _ =	vpop (xrf0);
	(xrf0) =	vadd.scan.msk.s32 $0xffff, v37;
	v6 =	vsel vm10, v6, v0;
	vm11 =	vlt.s32 v16, v0  }
0x26e: {  	v45 =	vld [tilespmem:$0x6A0];
	s22 =	spop (v2sf);
	v7 =	vadd.s32 s16, v7;
	(v2sf) =	vpush v42, $0xF;
	v46, _, _ =	vpop (xrf0);
	(xrf0) =	vadd.scan.msk.s32 $0xffff, v39;
	[tilespmem:$0x1020] =	vst v6  }
0x26f: {  	v47 =	vld [tilespmem:$0x6B0];
	v6 =	vsel vm11, v16, v0;
	vm12 =	vlt.s32 v17, v0;
	s17 =	sadd.s32 s22, s16;
	s15 =	spop (v2sf);
	(v2sf) =	vpush v44, $0xF;
	v48, _, _ =	vpop (xrf0);
	(xrf0) =	vadd.scan.msk.s32 $0xffff, v40  }
0x270: {  	v17 =	vsel vm12, v17, v0;
	vm13 =	vlt.s32 v7, v0;
	[tilespmem:$0x1030] =	vst v6;
	s22 =	sadd.s32 s15, s17;
	v19 =	vadd.s32 s17, v53  }
0x271: {  	s15 =	spop (v2sf);
	(v2sf) =	vpush v46, $0xF;
	[tilespmem:$0x1080] =	vst v17;
	v7 =	vsel vm13, v7, v0;
	v8 =	vadd.s32 s22, v54  }
0x272: {  	v51 =	vld [tilespmem:$0x6C0];
	s16 =	sadd.s32 s15, s22;
	s22 =	spop (v2sf);
	(v2sf) =	vpush v48, $0xF;
	v50, _, _ =	vpop (xrf0);
	(xrf0) =	vadd.scan.msk.s32 $0xffff, v43;
	vm14 =	vlt.s32 v19, v0;
	[tilespmem:$0x1090] =	vst v7  }
0x273: {  	v53 =	vld [tilespmem:$0x6D0];
	v21 =	vadd.s32 s16, v57;
	s16 =	sadd.s32 s22, s16;
	(v2sf) =	vpush v50, $0xF;
	v52, _, _ =	vpop (xrf0);
	(xrf0) =	vadd.scan.msk.s32 $0xffff, v45;
	v54 =	vsel vm14, v19, v0  }
0x274: {  	v56 =	vld [tilespmem:$0x6E0];
	vm15 =	vlt.s32 v8, v0;
	s15 =	spop (v2sf);
	v22 =	vadd.s32 s16, v58;
	(v2sf) =	vpush v52, $0xF;
	v55, _, _ =	vpop (xrf0);
	(xrf0) =	vadd.scan.msk.s32 $0xffff, v47  }
0x275: {  	[tilespmem:$0x10A0] =	vst v54;
	v8 =	vsel vm15, v8, v0;
	vm4 =	vlt.s32 v21, v0;
	s16 =	sadd.s32 s15, s16;
	(v2sf) =	vpush v55, $0xF  }
0x276: {  	v59 =	vld [tilespmem:$0x6F0];
	s21 =	spop (v2sf);
	v57, _, _ =	vpop (xrf0);
	[tilespmem:$0x10B0] =	vst v8;
	v62 =	vsel vm4, v21, v0;
	vm5 =	vlt.s32 v22, v0;
	v49 =	vadd.s32 s16, v60  }
0x277: {  	s16 =	sadd.s32 s21, s16;
	v58, _, _ =	vpop (xrf0);
	(xrf0) =	vadd.scan.msk.s32 $0xffff, v51;
	[tilespmem:$0x1100] =	vst v62;
	s22 =	spop (v2sf);
	(v2sf) =	vpush v57, $0xF;
	vm6 =	vlt.s32 v49, v0  }
0x278: {  	v61 =	vld [tilespmem:$0x700];
	v6 =	vadd.s32 s16, v63;
	s16 =	sadd.s32 s22, s16;
	s15 =	spop (v2sf);
	(v2sf) =	vpush v58, $0xF;
	v60, _, _ =	vpop (xrf0);
	(xrf0) =	vadd.scan.msk.s32 $0xffff, v53;
	v11 =	vsel vm6, v49, v0  }
0x279: {  	vm7 =	vlt.s32 v6, v0;
	v7 =	vadd.s32 s16, v30;
	s16 =	sadd.s32 s15, s16;
	(v2sf) =	vpush v60, $0xF;
	(xrf0) =	vadd.scan.msk.s32 $0xffff, v56  }
0x27a: {  	v32 =	vld [tilespmem:$0x710];
	s21 =	spop (v2sf);
	v63, _, _ =	vpop (xrf0);
	[tilespmem:$0x1120] =	vst v11;
	v6 =	vsel vm7, v6, v0;
	v12 =	vadd.s32 s16, v33;
	v33 =	vsel vm5, v22, v0  }
0x27b: {  	v34 =	vld [tilespmem:$0x720];
	s16 =	sadd.s32 s21, s16;
	(v2sf) =	vpush v63, $0xF;
	(xrf0) =	vadd.scan.msk.s32 $0xffff, v59;
	[tilespmem:$0x1130] =	vst v6;
	vm8 =	vlt.s32 v7, v0  }
0x27c: {  	v37 =	vld [tilespmem:$0x730];
	s22 =	spop (v2sf);
	v36, _, _ =	vpop (xrf0);
	v20 =	vadd.s32 s16, v35;
	[tilespmem:$0x1110] =	vst v33;
	v7 =	vsel vm8, v7, v0;
	vm9 =	vlt.s32 v12, v0  }
0x27d: {  	v40 =	vld [tilespmem:$0x740];
	s17 =	sadd.s32 s22, s16;
	(v2sf) =	vpush v36, $0xF;
	(xrf0) =	vadd.scan.msk.s32 $0xffff, v61;
	s15 =	spop (v2sf);
	v39, _, _ =	vpop (xrf0);
	[tilespmem:$0x1180] =	vst v7;
	v7 =	vsel vm9, v12, v0  }
0x27e: {  	v35 =	vadd.s32 s17, v38;
	vm10 =	vlt.s32 v20, v0;
	s16 =	sadd.s32 s15, s17;
	(v2sf) =	vpush v39, $0xF;
	[tilespmem:$0x1190] =	vst v7  }
0x27f: {  	v41 =	vld [tilespmem:$0x750];
	v7 =	vsel vm10, v20, v0;
	vm11 =	vlt.s32 v35, v0;
	v38 =	vadd.s32 s16, v42;
	s21 =	spop (v2sf);
	v6, _, _ =	vpop (xrf0);
	(xrf0) =	vadd.scan.msk.s32 $0xffff, v32  }
0x280: {  	[tilespmem:$0x11A0] =	vst v7;
	v7 =	vsel vm11, v35, v0;
	s16 =	sadd.s32 s21, s16;
	s22 =	spop (v2sf);
	(v2sf) =	vpush v6, $0xF;
	(xrf0) =	vadd.scan.msk.s32 $0xffff, v34  }
0x281: {  	v43, _, _ =	vpop (xrf0);
	[tilespmem:$0x11B0] =	vst v7;
	vm12 =	vlt.s32 v38, v0;
	s17 =	sadd.s32 s22, s16;
	s15 =	spop (v2sf);
	v9 =	vadd.s32 s16, v44;
	(xrf0) =	vadd.scan.msk.s32 $0xffff, v37  }
0x282: {  	v44 =	vld [tilespmem:$0x760];
	(v2sf) =	vpush v43, $0xF;
	v11 =	vsel vm12, v38, v0;
	v42 =	vadd.s32 s17, v46;
	s21 =	sadd.s32 s15, s17;
	s22 =	spop (v2sf);
	v46, _, _ =	vpop (xrf0);
	(xrf0) =	vadd.scan.msk.s32 $0xffff, v40  }
0x283: {  	v45 =	vld [tilespmem:$0x770];
	vm13 =	vlt.s32 v9, v0;
	[tilespmem:$0x1200] =	vst v11;
	v16 =	vadd.s32 s21, v48;
	s16 =	sadd.s32 s22, s21;
	s15 =	spop (v2sf);
	(v2sf) =	vpush v46, $0xF  }
0x284: {  	v47 =	vld [tilespmem:$0x780];
	v48, _, _ =	vpop (xrf0);
	(xrf0) =	vadd.scan.msk.s32 $0xffff, v41;
	v9 =	vsel vm13, v9, v0;
	vm14 =	vlt.s32 v42, v0;
	v23 =	vadd.s32 s16, v50  }
0x285: {  	s16 =	sadd.s32 s15, s16;
	s21 =	spop (v2sf);
	(v2sf) =	vpush v48, $0xF;
	[tilespmem:$0x1210] =	vst v9;
	v26 =	vsel vm14, v42, v0;
	vm15 =	vlt.s32 v16, v0  }
0x286: {  	v49 =	vld [tilespmem:$0x790];
	v25 =	vadd.s32 s16, v52;
	s16 =	sadd.s32 s21, s16;
	v7, _, _ =	vpop (xrf0);
	s22 =	spop (v2sf);
	[tilespmem:$0x1220] =	vst v26;
	v16 =	vsel vm15, v16, v0;
	vm4 =	vlt.s32 v23, v0  }
0x287: {  	v19 =	vadd.s32 s16, v55;
	(v2sf) =	vpush v7, $0xF;
	v50, _, _ =	vpop (xrf0);
	(xrf0) =	vadd.scan.msk.s32 $0xffff, v44;
	s16 =	sadd.s32 s22, s16;
	[tilespmem:$0x1230] =	vst v16  }
0x288: {  	vm5 =	vlt.s32 v25, v0;
	(v2sf) =	vpush v50, $0xF;
	(xrf0) =	vadd.scan.msk.s32 $0xffff, v45;
	s15 =	spop (v2sf);
	v18 =	vadd.s32 s16, v57;
	v52, _, _ =	vpop (xrf0)  }
0x289: {  	v51 =	vld [tilespmem:$0x7A0];
	v25 =	vsel vm5, v25, v0;
	vm6 =	vlt.s32 v19, v0;
	s16 =	sadd.s32 s15, s16;
	(xrf0) =	vadd.scan.msk.s32 $0xffff, v47;
	(v2sf) =	vpush v52, $0xF  }
0x28a: {  	v53 =	vld [tilespmem:$0x7B0];
	s21 =	spop (v2sf);
	v54, _, _ =	vpop (xrf0);
	[tilespmem:$0x1290] =	vst v25;
	v19 =	vsel vm6, v19, v0;
	vm7 =	vlt.s32 v18, v0;
	v17 =	vadd.s32 s16, v58  }
0x28b: {  	s16 =	sadd.s32 s21, s16;
	s22 =	spop (v2sf);
	(v2sf) =	vpush v54, $0xF;
	(xrf0) =	vadd.scan.msk.s32 $0xffff, v49;
	v58 =	vsel vm4, v23, v0;
	[tilespmem:$0x12A0] =	vst v19  }
0x28c: {  	v55 =	vld [tilespmem:$0x7C0];
	v56, _, _ =	vpop (xrf0);
	v18 =	vsel vm7, v18, v0;
	s17 =	sadd.s32 s22, s16;
	s15 =	spop (v2sf);
	v24 =	vadd.s32 s16, v60;
	[tilespmem:$0x1280] =	vst v58;
	vm8 =	vlt.s32 v17, v0  }
0x28d: {  	v57 =	vld [tilespmem:$0x7D0];
	(v2sf) =	vpush v56, $0xF;
	[tilespmem:$0x12B0] =	vst v18;
	v21 =	vadd.s32 s17, v63;
	s21 =	sadd.s32 s15, s17;
	v17 =	vsel vm8, v17, v0  }
0x28e: {  	s22 =	spop (v2sf);
	vm9 =	vlt.s32 v24, v0;
	v13 =	vadd.s32 s21, v36;
	v27, _, _ =	vpop (xrf0);
	(xrf0) =	vadd.scan.msk.s32 $0xffff, v51;
	[tilespmem:$0x1300] =	vst v17  }
0x28f: {  	s16 =	sadd.s32 s22, s21;
	v37 =	vsel vm9, v24, v0;
	vm10 =	vlt.s32 v21, v0;
	(v2sf) =	vpush v27, $0xF;
	v59, _, _ =	vpop (xrf0);
	(xrf0) =	vadd.scan.msk.s32 $0xffff, v53  }
0x290: {  	v60 =	vld [tilespmem:$0x7E0];
	v15 =	vadd.s32 s16, v39;
	s15 =	spop (v2sf);
	[tilespmem:$0x1310] =	vst v37;
	v21 =	vsel vm10, v21, v0;
	vm11 =	vlt.s32 v13, v0  }
0x291: {  	v62 =	vld [tilespmem:$0x7F0];
	(v2sf) =	vpush v59, $0xF;
	v61, _, _ =	vpop (xrf0);
	s16 =	sadd.s32 s15, s16;
	(xrf0) =	vadd.scan.msk.s32 $0xffff, v55;
	[tilespmem:$0x1320] =	vst v21;
	v13 =	vsel vm11, v13, v0  }
0x292: {  	v29 =	vld [tilespmem:$0x800];
	vm12 =	vlt.s32 v15, v0;
	(v2sf) =	vpush v61, $0xF;
	s21 =	spop (v2sf);
	v6 =	vadd.s32 s16, v6;
	v63, _, _ =	vpop (xrf0);
	(xrf0) =	vadd.scan.msk.s32 $0xffff, v57  }
0x293: {  	[tilespmem:$0x1330] =	vst v13;
	v44 =	vsel vm12, v15, v0;
	s16 =	sadd.s32 s21, s16;
	(v2sf) =	vpush v63, $0xF;
	s22 =	spop (v2sf);
	vm13 =	vlt.s32 v6, v0  }
0x294: {  	v32 =	vld [tilespmem:$0x810];
	[tilespmem:$0x1380] =	vst v44;
	v12 =	vadd.s32 s16, v43;
	s16 =	sadd.s32 s22, s16;
	v6 =	vsel vm13, v6, v0  }
0x295: {  	v33, _, _ =	vpop (xrf0);
	(xrf0) =	vadd.scan.msk.s32 $0xffff, v60;
	v34 =	vadd.s32 s16, v46;
	s15 =	spop (v2sf);
	[tilespmem:$0x1390] =	vst v6;
	vm14 =	vlt.s32 v12, v0  }
0x296: {  	v36 =	vld [tilespmem:$0x820];
	(v2sf) =	vpush v33, $0xF;
	v35, _, _ =	vpop (xrf0);
	s16 =	sadd.s32 s15, s16;
	(xrf0) =	vadd.scan.msk.s32 $0xffff, v62;
	s21 =	spop (v2sf);
	v12 =	vsel vm14, v12, v0;
	vm15 =	vlt.s32 v34, v0  }
0x297: {  	v39 =	vld [tilespmem:$0x830];
	(v2sf) =	vpush v35, $0xF;
	v8 =	vadd.s32 s16, v48;
	s16 =	sadd.s32 s21, s16;
	v38, _, _ =	vpop (xrf0);
	(xrf0) =	vadd.scan.msk.s32 $0xffff, v29;
	v51 =	vsel vm15, v34, v0  }
0x298: {  	v42 =	vld [tilespmem:$0x840];
	[tilespmem:$0x13A0] =	vst v12;
	s22 =	spop (v2sf);
	(v2sf) =	vpush v38, $0xF;
	v7 =	vadd.s32 s16, v7;
	vm4 =	vlt.s32 v8, v0  }
0x299: {  	(xrf0) =	vadd.scan.msk.s32 $0xffff, v32;
	v41, _, _ =	vpop (xrf0);
	[tilespmem:$0x13B0] =	vst v51;
	s17 =	sadd.s32 s22, s16;
	s15 =	spop (v2sf);
	v8 =	vsel vm4, v8, v0;
	vm5 =	vlt.s32 v7, v0  }
0x29a: {  	v45 =	vld [tilespmem:$0x850];
	(v2sf) =	vpush v41, $0xF;
	v40 =	vadd.s32 s17, v50;
	s22 =	sadd.s32 s15, s17;
	s15 =	spop (v2sf);
	[tilespmem:$0x1400] =	vst v8;
	v7 =	vsel vm5, v7, v0  }
0x29b: {  	v11 =	vadd.s32 s22, v52;
	v43, _, _ =	vpop (xrf0);
	(xrf0) =	vadd.scan.msk.s32 $0xffff, v36;
	s16 =	sadd.s32 s15, s22;
	s21 =	spop (v2sf);
	[tilespmem:$0x1410] =	vst v7;
	vm6 =	vlt.s32 v40, v0  }
0x29c: {  	v47 =	vld [tilespmem:$0x860];
	(v2sf) =	vpush v43, $0xF;
	v9 =	vadd.s32 s16, v54;
	s16 =	sadd.s32 s21, s16;
	v46, _, _ =	vpop (xrf0);
	(xrf0) =	vadd.scan.msk.s32 $0xffff, v39;
	v10 =	vsel vm6, v40, v0  }
0x29d: {  	v50 =	vld [tilespmem:$0x870];
	vm7 =	vlt.s32 v11, v0;
	v6 =	vadd.s32 s16, v56;
	(v2sf) =	vpush v46, $0xF;
	v48, _, _ =	vpop (xrf0);
	(xrf0) =	vadd.scan.msk.s32 $0xffff, v42  }
0x29e: {  	s22 =	spop (v2sf);
	[tilespmem:$0x1420] =	vst v10;
	v58 =	vsel vm7, v11, v0;
	vm8 =	vlt.s32 v9, v0;
	(v2sf) =	vpush v48, $0xF  }
0x29f: {  	v52 =	vld [tilespmem:$0x880];
	s16 =	sadd.s32 s22, s16;
	v49, _, _ =	vpop (xrf0);
	(xrf0) =	vadd.scan.msk.s32 $0xffff, v45;
	[tilespmem:$0x1430] =	vst v58;
	v9 =	vsel vm8, v9, v0;
	vm9 =	vlt.s32 v6, v0;
	s15 =	spop (v2sf)  }
0x2a0: {  	v27 =	vadd.s32 s16, v27;
	(v2sf) =	vpush v49, $0xF;
	[tilespmem:$0x1480] =	vst v9;
	v6 =	vsel vm9, v6, v0;
	s16 =	sadd.s32 s15, s16;
	s21 =	spop (v2sf)  }
0x2a1: {  	v54 =	vld [tilespmem:$0x890];
	vm10 =	vlt.s32 v27, v0;
	[tilespmem:$0x1490] =	vst v6;
	v23 =	vadd.s32 s16, v59;
	s16 =	sadd.s32 s21, s16;
	v53, _, _ =	vpop (xrf0);
	s22 =	spop (v2sf);
	(xrf0) =	vadd.scan.msk.s32 $0xffff, v47  }
0x2a2: {  	v7 =	vld [tilespmem:$0x8A0];
	v6 =	vsel vm10, v27, v0;
	s17 =	sadd.s32 s22, s16;
	(v2sf) =	vpush v53, $0xF;
	v16 =	vadd.s32 s16, v61;
	v56, _, _ =	vpop (xrf0);
	s15 =	spop (v2sf);
	(xrf0) =	vadd.scan.msk.s32 $0xffff, v50  }
0x2a3: {  	v59 =	vld [tilespmem:$0x8B0];
	[tilespmem:$0x14A0] =	vst v6;
	vm11 =	vlt.s32 v23, v0;
	v55 =	vadd.s32 s17, v63;
	s16 =	sadd.s32 s15, s17;
	(v2sf) =	vpush v56, $0xF  }
0x2a4: {  	v29 =	vld [tilespmem:$0x8C0];
	v57, _, _ =	vpop (xrf0);
	(xrf0) =	vadd.scan.msk.s32 $0xffff, v52;
	v6 =	vsel vm11, v23, v0;
	vm12 =	vlt.s32 v16, v0;
	v19 =	vadd.s32 s16, v33  }
0x2a5: {  	v31 =	vld [tilespmem:$0x8D0];
	(v2sf) =	vpush v57, $0xF;
	v61, _, _ =	vpop (xrf0);
	[tilespmem:$0x14B0] =	vst v6;
	v16 =	vsel vm12, v16, v0;
	vm13 =	vlt.s32 v55, v0;
	s21 =	spop (v2sf)  }
0x2a6: {  	(xrf0) =	vadd.scan.msk.s32 $0xffff, v54;
	(v2sf) =	vpush v61, $0xF;
	[tilespmem:$0x1500] =	vst v16;
	v8 =	vsel vm13, v55, v0;
	s16 =	sadd.s32 s21, s16;
	s22 =	spop (v2sf)  }
0x2a7: {  	v6 =	vld [tilespmem:$0x8E0];
	vm14 =	vlt.s32 v19, v0;
	[tilespmem:$0x1510] =	vst v8;
	v60 =	vadd.s32 s16, v35;
	s16 =	sadd.s32 s22, s16;
	v63, _, _ =	vpop (xrf0);
	s15 =	spop (v2sf);
	(xrf0) =	vadd.scan.msk.s32 $0xffff, v7  }
0x2a8: {  	v37 =	vsel vm14, v19, v0;
	v35 =	vld [tilespmem:$0x8F0];
	v62 =	vadd.s32 s16, v38;
	s16 =	sadd.s32 s15, s16;
	(v2sf) =	vpush v63, $0xF;
	v30, _, _ =	vpop (xrf0);
	(xrf0) =	vadd.scan.msk.s32 $0xffff, v59  }
0x2a9: {  	v39 =	vld [tilespmem:$0x900];
	[tilespmem:$0x1520] =	vst v37;
	s21 =	spop (v2sf);
	vm15 =	vlt.s32 v60, v0;
	v7 =	vadd.s32 s16, v41;
	(xrf0) =	vadd.scan.msk.s32 $0xffff, v29  }
0x2aa: {  	s16 =	sadd.s32 s21, s16;
	(v2sf) =	vpush v30, $0xF;
	v18 =	vsel vm15, v60, v0;
	vm4 =	vlt.s32 v62, v0;
	(xrf0) =	vadd.scan.msk.s32 $0xffff, v31  }
0x2ab: {  	v32, _, _ =	vpop (xrf0);
	v41 =	vld [tilespmem:$0x910];
	v33 =	vadd.s32 s16, v43;
	[tilespmem:$0x1530] =	vst v18;
	v9 =	vsel vm4, v62, v0;
	vm5 =	vlt.s32 v7, v0  }
0x2ac: {  	(v2sf) =	vpush v32, $0xF;
	v34, _, _ =	vpop (xrf0);
	s22 =	spop (v2sf);
	(xrf0) =	vadd.scan.msk.s32 $0xffff, v6;
	v6 =	vld [tilespmem:$0x920];
	[tilespmem:$0x1580] =	vst v9;
	v7 =	vsel vm5, v7, v0  }
0x2ad: {  	v43 =	vld [tilespmem:$0x930];
	(v2sf) =	vpush v34, $0xF;
	vm6 =	vlt.s32 v33, v0;
	s16 =	sadd.s32 s22, s16;
	s15 =	spop (v2sf);
	(xrf0) =	vadd.scan.msk.s32 $0xffff, v35;
	[tilespmem:$0x1590] =	vst v7;
	v38, _, _ =	vpop (xrf0)  }
0x2ae: {  	v11 =	vsel vm6, v33, v0;
	v13 =	vadd.s32 s16, v46;
	s16 =	sadd.s32 s15, s16;
	s21 =	spop (v2sf);
	v46 =	vld [tilespmem:$0x940];
	(xrf0) =	vadd.scan.msk.s32 $0xffff, v39;
	(v2sf) =	vpush v38, $0xF;
	v42, _, _ =	vpop (xrf0)  }
0x2af: {  	v7 =	vld [tilespmem:$0x950];
	[tilespmem:$0x15A0] =	vst v11;
	v36 =	vadd.s32 s16, v48;
	s16 =	sadd.s32 s21, s16;
	s22 =	spop (v2sf);
	vm7 =	vlt.s32 v13, v0;
	(v2sf) =	vpush v42, $0xF;
	v45, _, _ =	vpop (xrf0)  }
0x2b0: {  	v40 =	vadd.s32 s16, v49;
	s16 =	sadd.s32 s22, s16;
	v49 =	vld [tilespmem:$0x960];
	v50 =	vsel vm7, v13, v0;
	(v2sf) =	vpush v45, $0xF;
	v48, _, _ =	vpop (xrf0);
	(xrf0) =	vadd.scan.msk.s32 $0xffff, v41  }
0x2b1: {  	vm8 =	vlt.s32 v36, v0;
	v12 =	vadd.s32 s16, v53;
	[tilespmem:$0x15B0] =	vst v50;
	(xrf0) =	vadd.scan.msk.s32 $0xffff, v6;
	v6 =	vld [tilespmem:$0x970]  }
0x2b2: {  	v52 =	vsel vm8, v36, v0;
	vm9 =	vlt.s32 v40, v0;
	s15 =	spop (v2sf);
	(v2sf) =	vpush v48, $0xF;
	v51, _, _ =	vpop (xrf0);
	(xrf0) =	vadd.scan.msk.s32 $0xffff, v43  }
0x2b3: {  	v53 =	vld [tilespmem:$0x980];
	[tilespmem:$0x1600] =	vst v52;
	v54 =	vsel vm9, v40, v0;
	vm10 =	vlt.s32 v12, v0;
	s16 =	sadd.s32 s15, s16;
	s21 =	spop (v2sf);
	(xrf0) =	vadd.scan.msk.s32 $0xffff, v46  }
0x2b4: {  	(v2sf) =	vpush v51, $0xF;
	v55, _, _ =	vpop (xrf0);
	[tilespmem:$0x1610] =	vst v54;
	v44 =	vadd.s32 s16, v56;
	s16 =	sadd.s32 s21, s16;
	s22 =	spop (v2sf);
	(xrf0) =	vadd.scan.msk.s32 $0xffff, v7;
	v7 =	vld [tilespmem:$0x990]  }
0x2b5: {  	v58 =	vld [tilespmem:$0x9A0];
	v12 =	vsel vm10, v12, v0;
	v47 =	vadd.s32 s16, v57;
	s16 =	sadd.s32 s22, s16;
	s15 =	spop (v2sf);
	v57, _, _ =	vpop (xrf0);
	vm11 =	vlt.s32 v44, v0;
	(xrf0) =	vadd.scan.msk.s32 $0xffff, v49  }
0x2b6: {  	(v2sf) =	vpush v55, $0xF;
	v10 =	vadd.s32 s16, v61;
	s16 =	sadd.s32 s15, s16;
	v9 =	vsel vm11, v44, v0;
	v59, _, _ =	vpop (xrf0);
	(xrf0) =	vadd.scan.msk.s32 $0xffff, v6;
	v6 =	vld [tilespmem:$0x9B0]  }
0x2b7: {  	v62 =	vld [tilespmem:$0x9C0];
	[tilespmem:$0x1620] =	vst v12;
	vm12 =	vlt.s32 v47, v0;
	v14 =	vadd.s32 s16, v63;
	s21 =	spop (v2sf);
	(v2sf) =	vpush v57, $0xF  }
0x2b8: {  	[tilespmem:$0x1630] =	vst v9;
	v21 =	vsel vm12, v47, v0;
	v61, _, _ =	vpop (xrf0);
	(xrf0) =	vadd.scan.msk.s32 $0xffff, v53;
	(v2sf) =	vpush v59, $0xF  }
0x2b9: {  	v29 =	vld [tilespmem:$0x9D0];
	vm13 =	vlt.s32 v10, v0;
	[tilespmem:$0x1680] =	vst v21;
	s16 =	sadd.s32 s21, s16;
	s22 =	spop (v2sf);
	v63, _, _ =	vpop (xrf0);
	(v2sf) =	vpush v61, $0xF;
	(xrf0) =	vadd.scan.msk.s32 $0xffff, v7  }
0x2ba: {  	vm14 =	vlt.s32 v14, v0;
	v56 =	vadd.s32 s16, v30;
	v30, _, _ =	vpop (xrf0);
	v7 =	vld [tilespmem:$0x9E0];
	(v2sf) =	vpush v63, $0xF;
	(xrf0) =	vadd.scan.msk.s32 $0xffff, v58  }
0x2bb: {  	v10 =	vsel vm13, v10, v0;
	v14 =	vsel vm14, v14, v0;
	s16 =	sadd.s32 s22, s16;
	s15 =	spop (v2sf);
	v31, _, _ =	vpop (xrf0);
	(v2sf) =	vpush v30, $0xF;
	(xrf0) =	vadd.scan.msk.s32 $0xffff, v6  }
0x2bc: {  	v60 =	vadd.s32 s16, v32;
	s16 =	sadd.s32 s15, s16;
	s21 =	spop (v2sf);
	vm15 =	vlt.s32 v56, v0;
	v6, _, _ =	vpop (xrf0);
	(v2sf) =	vpush v31, $0xF;
	(xrf0) =	vadd.scan.msk.s32 $0xffff, v62  }
0x2bd: {  	[tilespmem:$0x1690] =	vst v10;
	v25 =	vadd.s32 s16, v34;
	s16 =	sadd.s32 s21, s16;
	vm4 =	vlt.s32 v60, v0;
	v33, _, _ =	vpop (xrf0);
	s22 =	spop (v2sf);
	(v2sf) =	vpush v6, $0xF  }
0x2be: {  	v36 =	vsel vm15, v56, v0;
	v19 =	vadd.s32 s16, v38;
	(xrf0) =	vadd.scan.msk.s32 $0xffff, v29;
	v35, _, _ =	vpop (xrf0);
	s15 =	spop (v2sf);
	(v2sf) =	vpush v33, $0xF  }
0x2bf: {  	v37 =	vsel vm4, v60, v0;
	vm5 =	vlt.s32 v25, v0;
	(xrf0) =	vadd.scan.msk.s32 $0xffff, v7;
	s21 =	spop (v2sf);
	v7, _, _ =	vpop (xrf0);
	(v2sf) =	vpush v35, $0xF  }
0x2c0: {  	[tilespmem:$0x16A0] =	vst v14;
	v41 =	vsel vm5, v25, v0;
	vm6 =	vlt.s32 v19, v0;
	s16 =	sadd.s32 s22, s16;
	v38, _, _ =	vpop (xrf0);
	(v2sf) =	vpush v7, $0xF  }
0x2c1: {  	[tilespmem:$0x16B0] =	vst v36;
	v19 =	vsel vm6, v19, v0;
	v32 =	vadd.s32 s16, v42;
	s16 =	sadd.s32 s15, s16;
	s22 =	spop (v2sf);
	v40, _, _ =	vpop (xrf0);
	(v2sf) =	vpush v38, $0xF  }
0x2c2: {  	[tilespmem:$0x1700] =	vst v37;
	v34 =	vadd.s32 s16, v45;
	s16 =	sadd.s32 s21, s16;
	vm7 =	vlt.s32 v32, v0;
	v42, _, _ =	vpop (xrf0);
	(v2sf) =	vpush v40, $0xF  }
0x2c3: {  	[tilespmem:$0x1710] =	vst v41;
	v39 =	vadd.s32 s16, v48;
	s16 =	sadd.s32 s22, s16;
	s15 =	spop (v2sf);
	vm8 =	vlt.s32 v34, v0;
	(v2sf) =	vpush v42, $0xF  }
0x2c4: {  	[tilespmem:$0x1720] =	vst v19;
	v44 =	vsel vm7, v32, v0;
	v11 =	vadd.s32 s16, v51;
	s16 =	sadd.s32 s15, s16;
	v46 =	vsel vm8, v34, v0;
	v43, _, _ =	vpop (xrf0)  }
0x2c5: {  	s21 =	spop (v2sf);
	[tilespmem:$0x1730] =	vst v44;
	vm9 =	vlt.s32 v39, v0;
	v16 =	vadd.s32 s16, v55;
	(v2sf) =	vpush v43, $0xF;
	v45, _, _ =	vpop (xrf0)  }
0x2c6: {  	s16 =	sadd.s32 s21, s16;
	[tilespmem:$0x1780] =	vst v46;
	v48 =	vsel vm9, v39, v0;
	vm10 =	vlt.s32 v11, v0;
	v55 =	vld [tilespmem:$0x9F0];
	(v2sf) =	vpush v45, $0xF;
	s22 =	spop (v2sf)  }
0x2c7: {  	v47 =	vadd.s32 s16, v57;
	[tilespmem:$0x1790] =	vst v48;
	v49 =	vsel vm10, v11, v0;
	vm11 =	vlt.s32 v16, v0;
	s16 =	sadd.s32 s22, s16;
	s15 =	spop (v2sf)  }
0x2c8: {  	[tilespmem:$0x17A0] =	vst v49;
	v51 =	vsel vm11, v16, v0;
	vm12 =	vlt.s32 v47, v0;
	v13 =	vadd.s32 s16, v59;
	s16 =	sadd.s32 s15, s16;
	s21 =	spop (v2sf)  }
0x2c9: {  	[tilespmem:$0x17B0] =	vst v51;
	v53 =	vsel vm12, v47, v0;
	v50 =	vadd.s32 s16, v61;
	s16 =	sadd.s32 s21, s16;
	s22 =	spop (v2sf)  }
0x2ca: {  	[tilespmem:$0x1800] =	vst v53;
	vm13 =	vlt.s32 v13, v0;
	v52 =	vadd.s32 s16, v63;
	s16 =	sadd.s32 s22, s16;
	s15 =	spop (v2sf)  }
0x2cb: {  	(xrf0) =	vadd.scan.msk.s32 $0xffff, v55;
	v54 =	vsel vm13, v13, v0;
	vm14 =	vlt.s32 v50, v0;
	v9 =	vadd.s32 s16, v30;
	s16 =	sadd.s32 s15, s16;
	s21 =	spop (v2sf)  }
0x2cc: {  	[tilespmem:$0x1810] =	vst v54;
	v56 =	vsel vm14, v50, v0;
	vm15 =	vlt.s32 v52, v0;
	v8 =	vadd.s32 s16, v31;
	s16 =	sadd.s32 s21, s16;
	s22 =	spop (v2sf)  }
0x2cd: {  	[tilespmem:$0x1820] =	vst v56;
	v57 =	vsel vm15, v52, v0;
	vm4 =	vlt.s32 v9, v0;
	v6 =	vadd.s32 s16, v6;
	s16 =	sadd.s32 s22, s16;
	s15 =	spop (v2sf)  }
0x2ce: {  	[tilespmem:$0x1830] =	vst v57;
	v9 =	vsel vm4, v9, v0;
	vm5 =	vlt.s32 v8, v0;
	v58 =	vadd.s32 s16, v33;
	s16 =	sadd.s32 s15, s16;
	s21 =	spop (v2sf)  }
0x2cf: {  	[tilespmem:$0x1880] =	vst v9;
	v8 =	vsel vm5, v8, v0;
	vm6 =	vlt.s32 v6, v0;
	v59 =	vadd.s32 s16, v35;
	s16 =	sadd.s32 s21, s16;
	s22 =	spop (v2sf)  }
0x2d0: {  	[tilespmem:$0x1890] =	vst v8;
	v6 =	vsel vm6, v6, v0;
	vm7 =	vlt.s32 v58, v0;
	v7 =	vadd.s32 s16, v7;
	s16 =	sadd.s32 s22, s16;
	s15 =	spop (v2sf)  }
0x2d1: {  	[tilespmem:$0x18A0] =	vst v6;
	v6 =	vsel vm7, v58, v0;
	vm8 =	vlt.s32 v59, v0;
	v60 =	vadd.s32 s16, v38;
	s16 =	sadd.s32 s15, s16;
	s21 =	spop (v2sf)  }
0x2d2: {  	[tilespmem:$0x18B0] =	vst v6;
	v6 =	vsel vm8, v59, v0;
	vm9 =	vlt.s32 v7, v0;
	v61 =	vadd.s32 s16, v40;
	s16 =	sadd.s32 s21, s16;
	s22 =	spop (v2sf)  }
0x2d3: {  	[tilespmem:$0x1900] =	vst v6;
	v6 =	vsel vm9, v7, v0;
	vm10 =	vlt.s32 v60, v0;
	v7 =	vadd.s32 s16, v42;
	s16 =	sadd.s32 s22, s16;
	s22 =	rddreg [dreg:$0x5]  }
0x2d4: {  	[tilespmem:$0x1910] =	vst v6;
	v6 =	vsel vm10, v60, v0;
	vm11 =	vlt.s32 v61, v0;
	s15 =	spop (v2sf);
	s20 =	ssub.s32 s20, s22  }
0x2d5: {  	v62 =	vadd.s32 s16, v43;
	s16 =	sadd.s32 s15, s16;
	[tilespmem:$0x1920] =	vst v6;
	v6 =	vsel vm11, v61, v0;
	vm12 =	vlt.s32 v7, v0;
	s21 =	spop (v2sf);
	p1 =	slt.s32 s20, $0x1  }
.Ltmp2:
0x2d6: {  	v63 =	vadd.s32 s16, v45;
	s16 =	sadd.s32 s21, s16;
	[tilespmem:$0x1930] =	vst v6;
	v6 =	vsel vm12, v7, v0;
	vm13 =	vlt.s32 v62, v0;
	v7, _, _ =	vpop (xrf0);
	(pc) =	sbr.rel @p1 .LBB2_3-.Ltmp2, $4  }
0x2d7: {  	[tilespmem:$0x1980] =	vst v6;
	v6 =	vsel vm13, v62, v0;
	vm14 =	vlt.s32 v63, v0;
	v7 =	vadd.s32 s16, v7  }
0x2d8: {  	[tilespmem:$0x1990] =	vst v6;
	v6 =	vsel vm14, v63, v0;
	vm15 =	vlt.s32 v7, v0  }
0x2d9: {  	[tilespmem:$0x19A0] =	vst v6;
	v6 =	vsel vm15, v7, v0  }
0x2da: {  	[tilespmem:$0x19B0] =	vst v6  }
0x2db: {  	v6 =	vld [tilespmem:s10+$0xA00];
	_ =	sdelay $0x4  }
0x2dc: {  	v7 =	vshrl.u32 v6, $0x3  }
0x2dd: {  	v7 =	vmul.u32 $0x18, v7  }
0x2de: {  	v6 =	vand.u32 $0x7, v6  }
0x2df: {  	v8 =	vshrl.u32 v4, $0x3;
	v6 =	vor.u32 v6, v7;
	v7 =	vand.u32 $0x7, v4  }
0x2e0: {  	v8 =	vmul.u32 $0x8, v8;
	v9 =	vperm.xlane v6, v7;
	_ =	sdelay $0x1  }
0x2e1: {  	v9 =	vadd.s32 v8, v9  }
0x2e2: {  	v10 =	vor.u32 $0x8, v4  }
0x2e3: {  	v6 =	vperm.xlane v6, v10;
	_ =	sdelay $0x1  }
0x2e4: {  	vm0 =	vmmov $0xffff;
	s15 =	simm.s32 $0x1A00;
	v6 =	vadd.s32 v8, v6  }
0x2e5: {  	[tilespmem:s15], [sflag:$0x1] =	stream.indirect_vreg.gather [hbm4b:s1+s3], $0x80, v9, vm0, $0xb8;
	[tilespmem:$0x13A00] =	vst v63  }
0x2e6: {  	vm1 =	vmmov $0xff;
	s17 =	simm.s32 $0x2200  }
0x2e7: {  	[tilespmem:s17], [sflag:$0x1] =	stream.indirect_vreg.gather [hbm4b:s11+s3], $0x80, v9, vm1, $0xb8;
	[tilespmem:$0x13A00] =	vst v63  }
0x2e8: {  	s21 =	simm.s32 $0x2600  }
0x2e9: {  	[tilespmem:s21], [sflag:$0x1] =	stream.indirect_vreg.gather [hbm4b:s1+s3], $0x80, v6, vm0, $0xb8;
	[tilespmem:$0x13A00] =	vst v63  }
0x2ea: {  	s22 =	simm.s32 $0x2E00  }
0x2eb: {  	[tilespmem:s22], [sflag:$0x1] =	stream.indirect_vreg.gather [hbm4b:s11+s3], $0x80, v6, vm1, $0xb8;
	[tilespmem:$0x13A00] =	vst v63  }
0x2ec: {  	v6 =	vld [tilespmem:s10+$0xA10];
	_ =	sdelay $0x4  }
0x2ed: {  	v61 =	vshrl.u32 v6, $0x3  }
0x2ee: {  	v9 =	vmul.u32 $0x18, v61  }
0x2ef: {  	v6 =	vand.u32 $0x7, v6  }
0x2f0: {  	v6 =	vor.u32 v6, v9  }
0x2f1: {  	v9 =	vperm.xlane v6, v7;
	_ =	sdelay $0x1  }
0x2f2: {  	v9 =	vadd.s32 v8, v9;
	_ =	sdelay $0x1  }
0x2f3: {  	v6 =	vperm.xlane v6, v10;
	_ =	sdelay $0x1  }
0x2f4: {  	s16 =	simm.s32 $0x3200;
	v6 =	vadd.s32 v8, v6  }
0x2f5: {  	[tilespmem:s16], [sflag:$0x1] =	stream.indirect_vreg.gather [hbm4b:s1+s3], $0x80, v9, vm0, $0xb8;
	[tilespmem:$0x13A00] =	vst v63  }
0x2f6: {  	s17 =	simm.s32 $0x3A00  }
0x2f7: {  	[tilespmem:s17], [sflag:$0x1] =	stream.indirect_vreg.gather [hbm4b:s11+s3], $0x80, v9, vm1, $0xb8;
	[tilespmem:$0x13A00] =	vst v63  }
0x2f8: {  	s21 =	simm.s32 $0x3E00  }
0x2f9: {  	[tilespmem:s21], [sflag:$0x1] =	stream.indirect_vreg.gather [hbm4b:s1+s3], $0x80, v6, vm0, $0xb8;
	[tilespmem:$0x13A00] =	vst v63  }
0x2fa: {  	s22 =	simm.s32 $0x4600  }
0x2fb: {  	[tilespmem:s22], [sflag:$0x1] =	stream.indirect_vreg.gather [hbm4b:s11+s3], $0x80, v6, vm1, $0xb8;
	[tilespmem:$0x13A00] =	vst v63  }
0x2fc: {  	v6 =	vld [tilespmem:s10+$0xA20];
	_ =	sdelay $0x4  }
0x2fd: {  	v62 =	vshrl.u32 v6, $0x3  }
0x2fe: {  	v9 =	vmul.u32 $0x18, v62  }
0x2ff: {  	v6 =	vand.u32 $0x7, v6  }
0x300: {  	v6 =	vor.u32 v6, v9  }
0x301: {  	v9 =	vperm.xlane v6, v7;
	_ =	sdelay $0x1  }
0x302: {  	v9 =	vadd.s32 v8, v9;
	_ =	sdelay $0x1  }
0x303: {  	v6 =	vperm.xlane v6, v10;
	_ =	sdelay $0x1  }
0x304: {  	s16 =	simm.s32 $0x4A00;
	v6 =	vadd.s32 v8, v6  }
0x305: {  	[tilespmem:s16], [sflag:$0x1] =	stream.indirect_vreg.gather [hbm4b:s1+s3], $0x80, v9, vm0, $0xb8;
	[tilespmem:$0x13A00] =	vst v63  }
0x306: {  	s17 =	simm.s32 $0x5200  }
0x307: {  	[tilespmem:s17], [sflag:$0x1] =	stream.indirect_vreg.gather [hbm4b:s11+s3], $0x80, v9, vm1, $0xb8;
	[tilespmem:$0x13A00] =	vst v63  }
0x308: {  	s21 =	simm.s32 $0x5600  }
0x309: {  	[tilespmem:s21], [sflag:$0x1] =	stream.indirect_vreg.gather [hbm4b:s1+s3], $0x80, v6, vm0, $0xb8;
	[tilespmem:$0x13A00] =	vst v63  }
0x30a: {  	s22 =	simm.s32 $0x5E00  }
0x30b: {  	[tilespmem:s22], [sflag:$0x1] =	stream.indirect_vreg.gather [hbm4b:s11+s3], $0x80, v6, vm1, $0xb8;
	[tilespmem:$0x13A00] =	vst v63  }
0x30c: {  	v6 =	vld [tilespmem:s10+$0xA30];
	_ =	sdelay $0x4  }
0x30d: {  	v63 =	vshrl.u32 v6, $0x3  }
0x30e: {  	v9 =	vmul.u32 $0x18, v63  }
0x30f: {  	v6 =	vand.u32 $0x7, v6  }
0x310: {  	v6 =	vor.u32 v6, v9  }
0x311: {  	v7 =	vperm.xlane v6, v7;
	_ =	sdelay $0x1  }
0x312: {  	v7 =	vadd.s32 v8, v7;
	_ =	sdelay $0x1  }
0x313: {  	v6 =	vperm.xlane v6, v10;
	_ =	sdelay $0x1  }
0x314: {  	s16 =	simm.s32 $0x6200;
	v6 =	vadd.s32 v8, v6  }
0x315: {  	[tilespmem:s16], [sflag:$0x1] =	stream.indirect_vreg.gather [hbm4b:s1+s3], $0x80, v7, vm0, $0xb8;
	[tilespmem:$0x13A00] =	vst v63  }
0x316: {  	s17 =	simm.s32 $0x6A00  }
0x317: {  	[tilespmem:s17], [sflag:$0x1] =	stream.indirect_vreg.gather [hbm4b:s11+s3], $0x80, v7, vm1, $0xb8;
	[tilespmem:$0x13A00] =	vst v63  }
0x318: {  	s21 =	simm.s32 $0x6E00  }
0x319: {  	[tilespmem:s21], [sflag:$0x1] =	stream.indirect_vreg.gather [hbm4b:s1+s3], $0x80, v6, vm0, $0xb8;
	[tilespmem:$0x13A00] =	vst v63  }
0x31a: {  	s22 =	simm.s32 $0x7600  }
0x31b: {  	[tilespmem:s22], [sflag:$0x1] =	stream.indirect_vreg.gather [hbm4b:s11+s3], $0x80, v6, vm1, $0xb8;
	[tilespmem:$0x13A00] =	vst v63  }
.LBB2_3:
0x31c: {  	p0 =	slt.s32 s0, $0x1  }
.Ltmp3:
0x31d: {  	_ = 	snop;
	(pc) =	sbr.rel @p0 .LBB2_5-.Ltmp3, $1  }
0x31e: {  	_ =	sdelay $0x3  }
0x31f: {  	v6 =	vld [tilespmem:s10+$0xA80];
	_ =	sdelay $0x4  }
0x320: {  	v7 =	vshrl.u32 v6, $0x3  }
0x321: {  	v7 =	vmul.u32 $0x18, v7  }
0x322: {  	v6 =	vand.u32 $0x7, v6  }
0x323: {  	v8 =	vshrl.u32 v4, $0x3;
	v6 =	vor.u32 v6, v7;
	v7 =	vand.u32 $0x7, v4  }
0x324: {  	v8 =	vmul.u32 $0x8, v8;
	v9 =	vperm.xlane v6, v7;
	_ =	sdelay $0x1  }
0x325: {  	v9 =	vadd.s32 v8, v9  }
0x326: {  	v10 =	vor.u32 $0x8, v4  }
0x327: {  	v6 =	vperm.xlane v6, v10;
	_ =	sdelay $0x1  }
0x328: {  	vm0 =	vmmov $0xffff;
	s15 =	simm.s32 $0x7A00;
	v6 =	vadd.s32 v8, v6  }
0x329: {  	[tilespmem:s15], [sflag:$0x2] =	stream.indirect_vreg.gather [hbm4b:s1+s3], $0x80, v9, vm0, $0xb8;
	[tilespmem:$0x13A00] =	vst v63  }
0x32a: {  	vm1 =	vmmov $0xff;
	s17 =	simm.s32 $0x8200  }
0x32b: {  	[tilespmem:s17], [sflag:$0x2] =	stream.indirect_vreg.gather [hbm4b:s11+s3], $0x80, v9, vm1, $0xb8;
	[tilespmem:$0x13A00] =	vst v63  }
0x32c: {  	s21 =	simm.s32 $0x8600  }
0x32d: {  	[tilespmem:s21], [sflag:$0x2] =	stream.indirect_vreg.gather [hbm4b:s1+s3], $0x80, v6, vm0, $0xb8;
	[tilespmem:$0x13A00] =	vst v63  }
0x32e: {  	s22 =	simm.s32 $0x8E00  }
0x32f: {  	[tilespmem:s22], [sflag:$0x2] =	stream.indirect_vreg.gather [hbm4b:s11+s3], $0x80, v6, vm1, $0xb8;
	[tilespmem:$0x13A00] =	vst v63  }
0x330: {  	v6 =	vld [tilespmem:s10+$0xA90];
	_ =	sdelay $0x4  }
0x331: {  	v61 =	vshrl.u32 v6, $0x3  }
0x332: {  	v9 =	vmul.u32 $0x18, v61  }
0x333: {  	v6 =	vand.u32 $0x7, v6  }
0x334: {  	v6 =	vor.u32 v6, v9  }
0x335: {  	v9 =	vperm.xlane v6, v7;
	_ =	sdelay $0x1  }
0x336: {  	v9 =	vadd.s32 v8, v9;
	_ =	sdelay $0x1  }
0x337: {  	v6 =	vperm.xlane v6, v10;
	_ =	sdelay $0x1  }
0x338: {  	s16 =	simm.s32 $0x9200;
	v6 =	vadd.s32 v8, v6  }
0x339: {  	[tilespmem:s16], [sflag:$0x2] =	stream.indirect_vreg.gather [hbm4b:s1+s3], $0x80, v9, vm0, $0xb8;
	[tilespmem:$0x13A00] =	vst v63  }
0x33a: {  	s17 =	simm.s32 $0x9A00  }
0x33b: {  	[tilespmem:s17], [sflag:$0x2] =	stream.indirect_vreg.gather [hbm4b:s11+s3], $0x80, v9, vm1, $0xb8;
	[tilespmem:$0x13A00] =	vst v63  }
0x33c: {  	s21 =	simm.s32 $0x9E00  }
0x33d: {  	[tilespmem:s21], [sflag:$0x2] =	stream.indirect_vreg.gather [hbm4b:s1+s3], $0x80, v6, vm0, $0xb8;
	[tilespmem:$0x13A00] =	vst v63  }
0x33e: {  	s22 =	simm.s32 $0xA600  }
0x33f: {  	[tilespmem:s22], [sflag:$0x2] =	stream.indirect_vreg.gather [hbm4b:s11+s3], $0x80, v6, vm1, $0xb8;
	[tilespmem:$0x13A00] =	vst v63  }
0x340: {  	v6 =	vld [tilespmem:s10+$0xAA0];
	_ =	sdelay $0x4  }
0x341: {  	v62 =	vshrl.u32 v6, $0x3  }
0x342: {  	v9 =	vmul.u32 $0x18, v62  }
0x343: {  	v6 =	vand.u32 $0x7, v6  }
0x344: {  	v6 =	vor.u32 v6, v9  }
0x345: {  	v9 =	vperm.xlane v6, v7;
	_ =	sdelay $0x1  }
0x346: {  	v9 =	vadd.s32 v8, v9;
	_ =	sdelay $0x1  }
0x347: {  	v6 =	vperm.xlane v6, v10;
	_ =	sdelay $0x1  }
0x348: {  	s16 =	simm.s32 $0xAA00;
	v6 =	vadd.s32 v8, v6  }
0x349: {  	[tilespmem:s16], [sflag:$0x2] =	stream.indirect_vreg.gather [hbm4b:s1+s3], $0x80, v9, vm0, $0xb8;
	[tilespmem:$0x13A00] =	vst v63  }
0x34a: {  	s17 =	simm.s32 $0xB200  }
0x34b: {  	[tilespmem:s17], [sflag:$0x2] =	stream.indirect_vreg.gather [hbm4b:s11+s3], $0x80, v9, vm1, $0xb8;
	[tilespmem:$0x13A00] =	vst v63  }
0x34c: {  	s21 =	simm.s32 $0xB600  }
0x34d: {  	[tilespmem:s21], [sflag:$0x2] =	stream.indirect_vreg.gather [hbm4b:s1+s3], $0x80, v6, vm0, $0xb8;
	[tilespmem:$0x13A00] =	vst v63  }
0x34e: {  	s22 =	simm.s32 $0xBE00  }
0x34f: {  	[tilespmem:s22], [sflag:$0x2] =	stream.indirect_vreg.gather [hbm4b:s11+s3], $0x80, v6, vm1, $0xb8;
	[tilespmem:$0x13A00] =	vst v63  }
0x350: {  	v6 =	vld [tilespmem:s10+$0xAB0];
	_ =	sdelay $0x4  }
0x351: {  	v63 =	vshrl.u32 v6, $0x3  }
0x352: {  	v9 =	vmul.u32 $0x18, v63  }
0x353: {  	v6 =	vand.u32 $0x7, v6  }
0x354: {  	v6 =	vor.u32 v6, v9  }
0x355: {  	v7 =	vperm.xlane v6, v7;
	_ =	sdelay $0x1  }
0x356: {  	v7 =	vadd.s32 v8, v7;
	_ =	sdelay $0x1  }
0x357: {  	v6 =	vperm.xlane v6, v10;
	_ =	sdelay $0x1  }
0x358: {  	s16 =	simm.s32 $0xC200;
	v6 =	vadd.s32 v8, v6  }
0x359: {  	[tilespmem:s16], [sflag:$0x2] =	stream.indirect_vreg.gather [hbm4b:s1+s3], $0x80, v7, vm0, $0xb8;
	[tilespmem:$0x13A00] =	vst v63  }
0x35a: {  	s17 =	simm.s32 $0xCA00  }
0x35b: {  	[tilespmem:s17], [sflag:$0x2] =	stream.indirect_vreg.gather [hbm4b:s11+s3], $0x80, v7, vm1, $0xb8;
	[tilespmem:$0x13A00] =	vst v63  }
0x35c: {  	s21 =	simm.s32 $0xCE00  }
0x35d: {  	[tilespmem:s21], [sflag:$0x2] =	stream.indirect_vreg.gather [hbm4b:s1+s3], $0x80, v6, vm0, $0xb8;
	[tilespmem:$0x13A00] =	vst v63  }
0x35e: {  	s22 =	simm.s32 $0xD600  }
0x35f: {  	[tilespmem:s22], [sflag:$0x2] =	stream.indirect_vreg.gather [hbm4b:s11+s3], $0x80, v6, vm1, $0xb8;
	[tilespmem:$0x13A00] =	vst v63  }
.LBB2_5:
0x360: {  	p2 =	sgt.u32 @!p1 s20, $0x3F  }
0x361: {  	p2 =	por p1, p2  }
.Ltmp4:
0x362: {  	_ = 	snop;
	(pc) =	sbr.rel @p2 .LBB2_6-.Ltmp4, $4  }
0x363: {  	s16 =	simm.s32 @!p1 $0x1  }
0x364: {  	_ =	swait.ge @!p1 [sflag:s16], $0x6000  }
0x365: {  	[sflag:s16] =	ssyncset.done @!p1 $0x0  }
0x366: {  	[sflag:s16] =	ssyncadd.s32 @!p1 $0xFFFFA000  }
0x367: {  	p2 =	sne.s32 s20, $0x3F  }
.Ltmp5:
0x368: {  	_ = 	snop;
	(pc) =	sbr.rel @!p2 .LBB2_8-.Ltmp5, $3  }
0x369: {  	_ =	sdelay $0x1  }
0x36a: {  	s22 =	sshll.u32 s20, $0x7  }
0x36b: {  	s17 =	sshrl.u32 s20, $0x3;
	s16 =	sadd.s32 $0x1, s20;
	p1 =	por $0x0, $0x0  }
0x36c: {  	s17 =	smul.u32 $0x3000, s17;
	_ =	sdelay $0x1  }
0x36d: {  	s20 =	sand.u32 $0x380, s22;
	s17 =	sshra.s32 s17, $0x2  }
0x36e: {  	s20 =	sor.u32 s20, s17  }
0x36f: {  	[tilespmem:s20+$0x2270] =	vst v5  }
0x370: {  	[tilespmem:s20+$0x1A00] =	vst v5  }
0x371: {  	[tilespmem:s20+$0x1A10] =	vst v5  }
0x372: {  	[tilespmem:s20+$0x1A20] =	vst v5  }
0x373: {  	[tilespmem:s20+$0x1A30] =	vst v5  }
0x374: {  	[tilespmem:s20+$0x1A40] =	vst v5  }
0x375: {  	[tilespmem:s20+$0x1A50] =	vst v5  }
0x376: {  	[tilespmem:s20+$0x1A60] =	vst v5  }
0x377: {  	[tilespmem:s20+$0x1A70] =	vst v5  }
0x378: {  	[tilespmem:s20+$0x1E00] =	vst v5  }
0x379: {  	[tilespmem:s20+$0x1E10] =	vst v5  }
0x37a: {  	[tilespmem:s20+$0x1E20] =	vst v5  }
0x37b: {  	[tilespmem:s20+$0x1E30] =	vst v5  }
0x37c: {  	[tilespmem:s20+$0x1E40] =	vst v5  }
0x37d: {  	p2 =	sne.s32 s16, $0x3F;
	[tilespmem:s20+$0x1E50] =	vst v5  }
.Ltmp6:
0x37e: {  	[tilespmem:s20+$0x1E60] =	vst v5;
	(pc) =	sbr.rel @!p2 .LBB2_10-.Ltmp6, $4  }
0x37f: {  	[tilespmem:s20+$0x1E70] =	vst v5  }
0x380: {  	[tilespmem:s20+$0x2200] =	vst v5  }
0x381: {  	p1 =	por $0x1, $0x1;
	[tilespmem:s20+$0x2210] =	vst v5  }
0x382: {  	s21 =	smov.u32 s22;
	s17 =	sshrl.u32 s16, $0x3;
	s16 =	sadd.s32 $0x1, s16;
	[tilespmem:s20+$0x2220] =	vst v5  }
.LBB2_11:
0x383: {  	p2 =	sne.s32 s16, $0x3F;
	s17 =	smul.u32 $0x3000, s17;
	[tilespmem:s20+$0x2230] =	vst v5  }
0x384: {  	s21 =	sadd.s32 $0x80, s21;
	[tilespmem:s20+$0x2240] =	vst v5  }
0x385: {  	s15 =	sand.u32 $0x380, s21;
	s17 =	sshra.s32 s17, $0x2;
	[tilespmem:s20+$0x2250] =	vst v5  }
0x386: {  	[tilespmem:s20+$0x2260] =	vst v5;
	s20 =	sor.u32 s15, s17  }
0x387: {  	[tilespmem:s20+$0x2270] =	vst v5  }
0x388: {  	[tilespmem:s20+$0x1A00] =	vst v5  }
0x389: {  	[tilespmem:s20+$0x1A10] =	vst v5  }
0x38a: {  	[tilespmem:s20+$0x1A20] =	vst v5  }
0x38b: {  	[tilespmem:s20+$0x1A30] =	vst v5  }
0x38c: {  	[tilespmem:s20+$0x1A40] =	vst v5  }
0x38d: {  	[tilespmem:s20+$0x1A50] =	vst v5  }
0x38e: {  	[tilespmem:s20+$0x1A60] =	vst v5  }
0x38f: {  	[tilespmem:s20+$0x1A70] =	vst v5  }
0x390: {  	[tilespmem:s20+$0x1E00] =	vst v5  }
0x391: {  	[tilespmem:s20+$0x1E10] =	vst v5  }
0x392: {  	[tilespmem:s20+$0x1E20] =	vst v5  }
0x393: {  	[tilespmem:s20+$0x1E30] =	vst v5  }
0x394: {  	[tilespmem:s20+$0x1E40] =	vst v5  }
0x395: {  	[tilespmem:s20+$0x1E50] =	vst v5  }
.Ltmp7:
0x396: {  	[tilespmem:s20+$0x1E60] =	vst v5;
	(pc) =	sbr.rel @p2 .LBB2_11-.Ltmp7, $4  }
0x397: {  	[tilespmem:s20+$0x1E70] =	vst v5  }
0x398: {  	[tilespmem:s20+$0x2200] =	vst v5  }
0x399: {  	[tilespmem:s20+$0x2210] =	vst v5  }
0x39a: {  	s17 =	sshrl.u32 s16, $0x3;
	s16 =	sadd.s32 $0x1, s16;
	[tilespmem:s20+$0x2220] =	vst v5  }
.LBB2_12:
0x39b: {  	s15 =	smul.u32 $0x3000, s17;
	[tilespmem:s20+$0x2230] =	vst @p1 v5;
	s16 =	sadd.s32 @p1 $0x80, s21  }
0x39c: {  	[tilespmem:s20+$0x2240] =	vst @p1 v5;
	s22 =	smov.u32 @p1 s16  }
0x39d: {  	[tilespmem:s20+$0x2250] =	vst @p1 v5;
	s16 =	sand.u32 $0x380, s22;
	s15 =	sshra.s32 s15, $0x2  }
0x39e: {  	[tilespmem:s20+$0x2260] =	vst @p1 v5;
	s15 =	sor.u32 s16, s15  }
0x39f: {  	[tilespmem:s15+$0x2270] =	vst v5  }
0x3a0: {  	[tilespmem:s15+$0x1A00] =	vst v5  }
0x3a1: {  	[tilespmem:s15+$0x1A10] =	vst v5  }
0x3a2: {  	[tilespmem:s15+$0x1A20] =	vst v5  }
0x3a3: {  	[tilespmem:s15+$0x1A30] =	vst v5  }
0x3a4: {  	[tilespmem:s15+$0x1A40] =	vst v5  }
0x3a5: {  	[tilespmem:s15+$0x1A50] =	vst v5  }
0x3a6: {  	[tilespmem:s15+$0x1A60] =	vst v5  }
0x3a7: {  	[tilespmem:s15+$0x1A70] =	vst v5  }
0x3a8: {  	[tilespmem:s15+$0x1E00] =	vst v5  }
0x3a9: {  	[tilespmem:s15+$0x1E10] =	vst v5  }
0x3aa: {  	[tilespmem:s15+$0x1E20] =	vst v5  }
0x3ab: {  	[tilespmem:s15+$0x1E30] =	vst v5  }
0x3ac: {  	[tilespmem:s15+$0x1E40] =	vst v5  }
0x3ad: {  	[tilespmem:s15+$0x1E50] =	vst v5  }
0x3ae: {  	[tilespmem:s15+$0x1E60] =	vst v5  }
0x3af: {  	[tilespmem:s15+$0x1E70] =	vst v5  }
0x3b0: {  	[tilespmem:s15+$0x2200] =	vst v5  }
0x3b1: {  	[tilespmem:s15+$0x2210] =	vst v5  }
.Ltmp8:
0x3b2: {  	[tilespmem:s15+$0x2220] =	vst v5;
	(pc) =	sbr.rel .LBB2_13-.Ltmp8, $4  }
0x3b3: {  	[tilespmem:s15+$0x2230] =	vst v5  }
0x3b4: {  	[tilespmem:s15+$0x2240] =	vst v5  }
0x3b5: {  	[tilespmem:s15+$0x2250] =	vst v5  }
0x3b6: {  	s16 =	simm.s32 $0x1A00;
	[tilespmem:s15+$0x2260] =	vst v5  }
.LBB2_6:
0x3b7: {  	s16 =	simm.s32 @!p1 $0x1A00  }
0x3b8: {  	s16 =	simm.s32 @p1 $0xDA00  }
.LBB2_13:
0x3b9: {  	s15 =	rddreg [dreg:$0x9];
	p1 =	sgt.u32 @!p0 s0, $0x3F  }
0x3ba: {  	[hbm4b:s15+s3] =	stream.linear.scatter [tilespmem:s16], [sflag:$0x3], $0x6000, $0x38;
	[tilespmem:$0x13A00] =	vst v63  }
0x3bb: {  	p1 =	por p0, p1  }
.Ltmp9:
0x3bc: {  	_ = 	snop;
	(pc) =	sbr.rel @p1 .LBB2_14-.Ltmp9, $4  }
0x3bd: {  	s15 =	simm.s32 @!p0 $0x2  }
0x3be: {  	_ =	swait.ge @!p0 [sflag:s15], $0x6000  }
0x3bf: {  	[sflag:s15] =	ssyncset.done @!p0 $0x0  }
0x3c0: {  	[sflag:s15] =	ssyncadd.s32 @!p0 $0xFFFFA000  }
0x3c1: {  	s15 =	rddreg [dreg:$0xc]  }
0x3c2: {  	s16 =	rddreg [dreg:$0xe]  }
0x3c3: {  	s22 =	rddreg [dreg:$0xd];
	s15 =	sadd.s32 s16, s15  }
0x3c4: {  	s17 =	rddreg [dreg:$0xf];
	s15 =	sadd.s32 s22, s15  }
0x3c5: {  	s20 =	rddreg [dreg:$0x10];
	s15 =	sadd.s32 s17, s15  }
0x3c6: {  	s21 =	rddreg [dreg:$0x11];
	s15 =	sadd.s32 s20, s15  }
0x3c7: {  	s22 =	rddreg [dreg:$0x12];
	s15 =	sadd.s32 s21, s15  }
0x3c8: {  	s17 =	rddreg [dreg:$0x13];
	s15 =	sadd.s32 s22, s15  }
0x3c9: {  	s20 =	rddreg [dreg:$0x14];
	s15 =	sadd.s32 s17, s15  }
0x3ca: {  	s21 =	rddreg [dreg:$0x15];
	s15 =	sadd.s32 s20, s15  }
0x3cb: {  	s22 =	rddreg [dreg:$0x16];
	s15 =	sadd.s32 s21, s15  }
0x3cc: {  	s17 =	rddreg [dreg:$0x17];
	s15 =	sadd.s32 s22, s15  }
0x3cd: {  	s20 =	rddreg [dreg:$0x18];
	s15 =	sadd.s32 s17, s15  }
0x3ce: {  	s21 =	rddreg [dreg:$0x19];
	s15 =	sadd.s32 s20, s15  }
0x3cf: {  	s22 =	rddreg [dreg:$0x1a];
	s15 =	sadd.s32 s21, s15  }
0x3d0: {  	s15 =	sadd.s32 s22, s15  }
0x3d1: {  	s4 =	sadd.s32 s4, s15  }
0x3d2: {  	s4 =	sadd.s32 s7, s4  }
0x3d3: {  	s4 =	sadd.s32 s8, s4  }
0x3d4: {  	s4 =	sadd.s32 s12, s4  }
0x3d5: {  	s4 =	sadd.s32 s13, s4  }
0x3d6: {  	s4 =	sadd.s32 s14, s4  }
0x3d7: {  	s4 =	sadd.s32 s9, s4  }
0x3d8: {  	s4 =	sadd.s32 s5, s4  }
0x3d9: {  	s4 =	sadd.s32 s6, s4  }
0x3da: {  	s4 =	sadd.s32 s23, s4  }
0x3db: {  	s4 =	sadd.s32 s24, s4  }
0x3dc: {  	s4 =	sadd.s32 s26, s4  }
0x3dd: {  	s4 =	sadd.s32 s28, s4  }
0x3de: {  	s4 =	sadd.s32 s29, s4  }
0x3df: {  	s4 =	sadd.s32 s30, s4  }
0x3e0: {  	s4 =	sadd.s32 s31, s4  }
0x3e1: {  	s2 =	sadd.s32 s2, s4  }
0x3e2: {  	s2 =	sadd.s32 s19, s2  }
0x3e3: {  	s2 =	sadd.s32 $0x1, s2  }
0x3e4: {  	s30 =	sshrl.u32 s2, $0x3  }
0x3e5: {  	s31 =	smul.u32 $0x3000, s30  }
0x3e6: {  	s4 =	sshll.u32 s0, $0x7  }
0x3e7: {  	s0 =	sand.u32 $0x380, s4;
	s5 =	sshra.s32 s31, $0x2  }
0x3e8: {  	s0 =	sor.u32 s0, s5  }
0x3e9: {  	[tilespmem:s0+$0x8270] =	vst v5  }
0x3ea: {  	[tilespmem:s0+$0x7A00] =	vst v5  }
0x3eb: {  	[tilespmem:s0+$0x7A10] =	vst v5  }
0x3ec: {  	[tilespmem:s0+$0x7A20] =	vst v5  }
0x3ed: {  	[tilespmem:s0+$0x7A30] =	vst v5  }
0x3ee: {  	[tilespmem:s0+$0x7A40] =	vst v5  }
0x3ef: {  	[tilespmem:s0+$0x7A50] =	vst v5  }
0x3f0: {  	[tilespmem:s0+$0x7A60] =	vst v5  }
0x3f1: {  	[tilespmem:s0+$0x7A70] =	vst v5  }
0x3f2: {  	[tilespmem:s0+$0x7E00] =	vst v5  }
0x3f3: {  	[tilespmem:s0+$0x7E10] =	vst v5  }
0x3f4: {  	[tilespmem:s0+$0x7E20] =	vst v5  }
0x3f5: {  	p0 =	slt.s32 s2, $0x3F;
	[tilespmem:s0+$0x7E30] =	vst v5  }
.Ltmp10:
0x3f6: {  	[tilespmem:s0+$0x7E40] =	vst v5;
	(pc) =	sbr.rel @!p0 .LBB2_17-.Ltmp10, $4  }
0x3f7: {  	[tilespmem:s0+$0x7E50] =	vst v5  }
0x3f8: {  	[tilespmem:s0+$0x7E60] =	vst v5  }
0x3f9: {  	[tilespmem:s0+$0x7E70] =	vst v5  }
0x3fa: {  	[tilespmem:s0+$0x8200] =	vst v5  }
.LBB2_16:
0x3fb: {  	s2 =	sadd.s32 $0x1, s2;
	[tilespmem:s0+$0x8210] =	vst v5  }
0x3fc: {  	s5 =	sshrl.u32 s2, $0x3;
	p0 =	slt.s32 s2, $0x3F;
	[tilespmem:s0+$0x8220] =	vst v5  }
0x3fd: {  	s5 =	smul.u32 $0x3000, s5;
	[tilespmem:s0+$0x8230] =	vst v5  }
0x3fe: {  	s4 =	sadd.s32 $0x80, s4;
	[tilespmem:s0+$0x8240] =	vst v5  }
0x3ff: {  	s6 =	sand.u32 $0x380, s4;
	s5 =	sshra.s32 s5, $0x2;
	[tilespmem:s0+$0x8250] =	vst v5  }
0x400: {  	[tilespmem:s0+$0x8260] =	vst v5;
	s0 =	sor.u32 s6, s5  }
0x401: {  	[tilespmem:s0+$0x8270] =	vst v5  }
0x402: {  	[tilespmem:s0+$0x7A00] =	vst v5  }
0x403: {  	[tilespmem:s0+$0x7A10] =	vst v5  }
0x404: {  	[tilespmem:s0+$0x7A20] =	vst v5  }
0x405: {  	[tilespmem:s0+$0x7A30] =	vst v5  }
0x406: {  	[tilespmem:s0+$0x7A40] =	vst v5  }
0x407: {  	[tilespmem:s0+$0x7A50] =	vst v5  }
0x408: {  	[tilespmem:s0+$0x7A60] =	vst v5  }
0x409: {  	[tilespmem:s0+$0x7A70] =	vst v5  }
0x40a: {  	[tilespmem:s0+$0x7E00] =	vst v5  }
0x40b: {  	[tilespmem:s0+$0x7E10] =	vst v5  }
0x40c: {  	[tilespmem:s0+$0x7E20] =	vst v5  }
0x40d: {  	[tilespmem:s0+$0x7E30] =	vst v5  }
.Ltmp11:
0x40e: {  	[tilespmem:s0+$0x7E40] =	vst v5;
	(pc) =	sbr.rel @p0 .LBB2_16-.Ltmp11, $4  }
0x40f: {  	[tilespmem:s0+$0x7E50] =	vst v5  }
0x410: {  	[tilespmem:s0+$0x7E60] =	vst v5  }
0x411: {  	[tilespmem:s0+$0x7E70] =	vst v5  }
0x412: {  	[tilespmem:s0+$0x8200] =	vst v5  }
.LBB2_17:
0x413: {  	[tilespmem:s0+$0x8210] =	vst v5  }
.Ltmp12:
0x414: {  	[tilespmem:s0+$0x8220] =	vst v5;
	(pc) =	sbr.rel .LBB2_18-.Ltmp12, $4  }
0x415: {  	[tilespmem:s0+$0x8230] =	vst v5  }
0x416: {  	[tilespmem:s0+$0x8240] =	vst v5  }
0x417: {  	[tilespmem:s0+$0x8250] =	vst v5  }
0x418: {  	[tilespmem:s0+$0x8260] =	vst v5;
	s0 =	simm.s32 $0x7A00  }
.LBB2_8:
.Ltmp13:
0x419: {  	(pc) =	sbr.rel .LBB2_12-.Ltmp13, $2  }
0x41a: {  	_ =	sdelay $0x2  }
0x41b: {  	s21 =	smov.u32 s22  }
.LBB2_10:
.Ltmp14:
0x41c: {  	(pc) =	sbr.rel .LBB2_12-.Ltmp14, $2  }
0x41d: {  	_ =	sdelay $0x2  }
0x41e: {  	s21 =	smov.u32 s22  }
.LBB2_19:
0x41f: {  	_ =	sfence.sel $0x180000  }
0x420: {  	[bflag:$0x0] =	sbarrier.arrive $0xFFFF  }
0x421: {  	_ =	strace $0x90000047  }
0x422: {  	s0 =	stileid.u32;
	[bflag:$0x2] =	sbarrier.arrive $0xFFFF  }
0x423: {  	p0 =	sne.s32 s0, $0x0;
	s0 =	rddreg [dreg:$0x3]  }
0x424: {  	s0 =	sadd.s32 @!p0 $0x100000, s0  }
0x425: {  	[sflag:s0] =	ssyncadd.tile.s32 @!p0 $0x1;
	_ =	shalt  }
.Lfunc_end2:
_tile_overlayer_lowered:
.L_overlay_start_2:
0x426: {  	(tag) =	ssettag $0x2  }
0x427: {  	s0 =	rddreg [dreg:$0x0];
	s2 =	stileid.u32  }
0x428: {  	s1 =	rddreg [dreg:$0x1];
	p0 =	sne.s32 s2, $0x0  }
0x429: {  	s3 =	rddreg [dreg:$0x2];
	[bflag:$0x3] =	sbarrier.arrive $0xFFFF;
	s2 =	simm.s32 @!p0 $0x1C05  }
0x42a: {  	[timem:s3], [sflag:s2] =	dma.local @!p0 [hbm:s0], s1  }
0x42b: {  	s0 =	simm.s32 @!p0 $0x5  }
0x42c: {  	_ =	swait.ge @!p0 [sflag:s0], s1  }
0x42d: {  	s1 =	ssub.s32 @!p0 $0x0, s1;
	[sflag:s0] =	ssyncset.done @!p0 $0x0  }
0x42e: {  	[sflag:s0] =	ssyncadd.s32 @!p0 s1  }
0x42f: {  	[bflag:$0x3] =	sbarrier.arrive $0xFFFF  }
0x430: {  	_ =	shalt  }

</sc_bundles>
